<compile_context>
chip_gen: v7x
topology: tpu7x:2x2x1
jax: 0.10.2.dev20260603
libtpu: 0.0.44.dev20260713+nightly
codegen_flags: <defaults>
</compile_context>

<pallas_src>
import functools

import jax
import jax.numpy as jnp
from jax import lax
from jax.experimental import pallas as pl
from jax.experimental.pallas import tpu as pltpu
from jax.experimental.pallas import tpu_sc as plsc

N, D_IN, D_OUT, E, R, B = 10000, 128, 128, 320000, 8, 4

NC, NS = 2, 16
NW = NC * NS
CHUNK = 128
EPW = -(-E // NW)
NCHUNK = -(-EPW // CHUNK)
EPAD = NW * NCHUNK * CHUNK

PASS_SPLITS = (0, 5000, N)
NPASS = len(PASS_SPLITS) - 1
ACC_ROWS = 5120
ZROWS_PER_TILE = ACC_ROWS // NS
OROWS_PER_TILE = 312
LIST_LEN = (NCHUNK + 1) * CHUNK
ZBUF_ROWS = 16
PACK = 8192


def _xw_body(att_ref, basis_ref, x_ref, o_ref):
    xb = x_ref[...]
    for r in range(R):
        w = att_ref[r, 0] * basis_ref[0]
        for b in range(1, B):
            w = w + att_ref[r, b] * basis_ref[b]
        o_ref[r] = jnp.dot(xb, w, preferred_element_type=jnp.float32)


def _final_body(p_ref, x_ref, root_ref, bias_ref, o_ref):
    o_ref[...] = (p_ref[0] + p_ref[1]
                  + jnp.dot(x_ref[...], root_ref[...],
                            preferred_element_type=jnp.float32)
                  + bias_ref[...])


def _sc_body(xw_hbm, srcb_hbm, etb_hbm, dstb_hbm, out_hbm,
             sbuf, ebuf, dbuf, plistA, dlist, rows, rows2,
             zbuf, acc, semA, semB, semSA, semSB):
    c = lax.axis_index("c")
    s = lax.axis_index("s")
    w = s * NC + c

    pltpu.sync_copy(srcb_hbm.at[w], sbuf)
    pltpu.sync_copy(etb_hbm.at[w], ebuf)
    pltpu.sync_copy(dstb_hbm.at[w], dbuf)

    zeros16 = jnp.zeros((16,), jnp.float32)

    def zb(i, carry):
        zbuf[i // 8, pl.ds((i % 8) * 16, 16)] = zeros16
        return carry

    lax.fori_loop(0, ZBUF_ROWS * 8, zb, 0)

    lane = lax.broadcasted_iota(jnp.int32, (16,), 0)
    J_TOTAL = NCHUNK * 2

    def make_cscan(p, plist):
        lo = PASS_SPLITS[p]
        hi = PASS_SPLITS[p + 1]

        def cscan(j, off):
            for u in range(4):
                i = 4 * j + u
                dv = dbuf[i // 8, pl.ds((i % 8) * 16, 16)]
                ev = ebuf[i // 8, pl.ds((i % 8) * 16, 16)]
                sv = sbuf[i // 8, pl.ds((i % 8) * 16, 16)]
                m = (dv >= lo) & (dv < hi)
                pk = (ev * N + sv) * PACK + (dv - lo)
                plsc.store_compressed(plist.at[pl.ds(off, 16)], pk, mask=m)
                off = off + plsc.all_reduce_population_count(m)[0]
            return off

        return cscan

    for p in range(NPASS):
        lo = PASS_SPLITS[p]
        hi = PASS_SPLITS[p + 1]
        pr = hi - lo
        plist = plistA
        trash = jnp.full((16,), pr, jnp.int32)

        n_cur = lax.fori_loop(0, J_TOTAL, make_cscan(p, plist), jnp.int32(0))
        nc = (n_cur + CHUNK - 1) // CHUNK

        k0 = n_cur // 16
        base = k0 * 16
        keep = (base + lane) < n_cur
        plist[pl.ds(base, 16)] = jnp.where(keep, plist[pl.ds(base, 16)], trash)

        def padv(k, carry):
            plist[pl.ds(k * 16, 16)] = trash
            return carry

        lax.fori_loop(k0 + 1, nc * 8, padv, 0)

        def unp(i, carry):
            v = plist[pl.ds(i * 16, 16)]
            dlist[i // 8, pl.ds((i % 8) * 16, 16)] = v % PACK
            plist[pl.ds(i * 16, 16)] = v // PACK
            return carry

        lax.fori_loop(0, nc * 8, unp, 0)

        zbase = s * ZROWS_PER_TILE
        for k in range(ZROWS_PER_TILE // ZBUF_ROWS):
            pltpu.sync_copy(zbuf,
                            acc.at[pl.ds(zbase + k * ZBUF_ROWS, ZBUF_ROWS)])

        plsc.subcore_barrier()

        @pl.when(nc > 0)
        def _prologue():
            pltpu.async_copy(xw_hbm.at[plist.at[pl.ds(0, CHUNK)]], rows, semA)

        def step(r, carry):
            @pl.when(r % 2 == 0)
            def _even():
                pltpu.make_async_copy(
                    xw_hbm.at[plist.at[pl.ds(r * CHUNK, CHUNK)]], rows,
                    semA).wait()

                @pl.when(r >= 1)
                def _wb():
                    pltpu.make_async_copy(
                        rows2, acc.at[dlist.at[r]], semSB).wait()

                @pl.when(r + 1 < nc)
                def _pre():
                    pltpu.async_copy(
                        xw_hbm.at[plist.at[pl.ds((r + 1) * CHUNK, CHUNK)]],
                        rows2, semB)

                pltpu.async_copy(rows, acc.at[dlist.at[r]], semSA, add=True)

            @pl.when(r % 2 == 1)
            def _odd():
                pltpu.make_async_copy(
                    xw_hbm.at[plist.at[pl.ds(r * CHUNK, CHUNK)]], rows2,
                    semB).wait()
                pltpu.make_async_copy(
                    rows, acc.at[dlist.at[r]], semSA).wait()

                @pl.when(r + 1 < nc)
                def _pre():
                    pltpu.async_copy(
                        xw_hbm.at[plist.at[pl.ds((r + 1) * CHUNK, CHUNK)]],
                        rows, semA)

                pltpu.async_copy(rows2, acc.at[dlist.at[r]], semSB, add=True)

            return carry

        lax.fori_loop(0, nc, step, 0)

        @pl.when((nc > 0) & (nc % 2 == 1))
        def _drain_even():
            pltpu.make_async_copy(rows, acc.at[dlist.at[0]], semSA).wait()

        @pl.when(nc % 2 == 0)
        def _drain_odd():
            @pl.when(nc > 0)
            def _dr():
                pltpu.make_async_copy(rows2, acc.at[dlist.at[0]],
                                      semSB).wait()

        plsc.subcore_barrier()

        ob = s * OROWS_PER_TILE
        pltpu.sync_copy(acc.at[pl.ds(ob, OROWS_PER_TILE)],
                        out_hbm.at[c, pl.ds(lo + ob, OROWS_PER_TILE)])

        if pr > NS * OROWS_PER_TILE:
            @pl.when(s == NS - 1)
            def _copy_tail():
                tb = NS * OROWS_PER_TILE
                pltpu.sync_copy(acc.at[pl.ds(tb, pr - tb)],
                                out_hbm.at[c, pl.ds(lo + tb, pr - tb)])

        if p + 1 < NPASS:
            plsc.subcore_barrier()


_sc_call = functools.partial(
    pl.kernel,
    out_type=jax.ShapeDtypeStruct((NC, N, D_OUT), jnp.float32),
    mesh=plsc.VectorSubcoreMesh(core_axis_name="c", subcore_axis_name="s"),
    compiler_params=pltpu.CompilerParams(needs_layout_passes=False),
    scratch_types=[
        pltpu.VMEM((NCHUNK, CHUNK), jnp.int32),
        pltpu.VMEM((NCHUNK, CHUNK), jnp.int32),
        pltpu.VMEM((NCHUNK, CHUNK), jnp.int32),
        pltpu.VMEM((LIST_LEN,), jnp.int32),
        pltpu.VMEM((NCHUNK + 1, CHUNK), jnp.int32),
        pltpu.VMEM((CHUNK, D_OUT), jnp.float32),
        pltpu.VMEM((CHUNK, D_OUT), jnp.float32),
        pltpu.VMEM((ZBUF_ROWS, D_OUT), jnp.float32),
        pltpu.VMEM_SHARED((ACC_ROWS, D_OUT), jnp.float32),
        pltpu.SemaphoreType.DMA,
        pltpu.SemaphoreType.DMA,
        pltpu.SemaphoreType.DMA,
        pltpu.SemaphoreType.DMA,
    ],
)


@jax.jit
def kernel(x, edge_index, edge_type, basis, att, root, bias):
    blk = 2000
    nb = N // blk

    xw = pl.pallas_call(
        _xw_body,
        grid=(nb,),
        in_specs=[
            pl.BlockSpec((R, B), lambda i: (0, 0)),
            pl.BlockSpec((B, D_IN, D_OUT), lambda i: (0, 0, 0)),
            pl.BlockSpec((blk, D_IN), lambda i: (i, 0)),
        ],
        out_specs=pl.BlockSpec((R, blk, D_OUT), lambda i: (0, i, 0)),
        out_shape=jax.ShapeDtypeStruct((R, N, D_OUT), jnp.float32),
    )(att, basis, x)
    xw_flat = xw.reshape(R * N, D_OUT)

    pad = EPAD - E
    src = jnp.pad(edge_index[0].astype(jnp.int32), (0, pad))
    dst = jnp.pad(edge_index[1].astype(jnp.int32), (0, pad),
                  constant_values=N)
    et = jnp.pad(edge_type.astype(jnp.int32), (0, pad))
    srcb = src.reshape(NW, NCHUNK, CHUNK)
    dstb = dst.reshape(NW, NCHUNK, CHUNK)
    etb = et.reshape(NW, NCHUNK, CHUNK)

    partials = _sc_call(_sc_body)(xw_flat, srcb, etb, dstb)

    out = pl.pallas_call(
        _final_body,
        grid=(nb,),
        in_specs=[
            pl.BlockSpec((NC, blk, D_OUT), lambda i: (0, i, 0)),
            pl.BlockSpec((blk, D_IN), lambda i: (i, 0)),
            pl.BlockSpec((D_IN, D_OUT), lambda i: (0, 0)),
            pl.BlockSpec((1, D_OUT), lambda i: (0, 0)),
        ],
        out_specs=pl.BlockSpec((blk, D_OUT), lambda i: (i, 0)),
        out_shape=jax.ShapeDtypeStruct((N, D_OUT), jnp.float32),
    )(partials, x, root, bias.reshape(1, D_OUT))
    return out

# --- scband reference (transcript-rebuilt; emitter-appended) ---
"""Pipeline reference for scband-rgcnencoder-decoder-17995912970665 (READ-ONLY COPY).

The authoritative reference and input builder live on the scoring server;
editing this copy changes nothing except your own understanding.
"""

import jax, jax.numpy as jnp
import numpy as np

N, D_IN, D_OUT, E, R, B = 10000, 128, 128, 320000, 8, 4

def setup_inputs(seed: int = 0) -> dict:
    key = jax.random.key(seed)
    k1, k2, k3, k4, k5, k6, k7 = jax.random.split(key, 7)
    x = jax.random.normal(k1, (N, D_IN), dtype=jnp.float32)
    edge_index = jax.random.randint(k2, (2, E), 0, N)
    edge_type = jax.random.randint(k3, (E,), 0, R)
    # PyG inits.uniform(size, tensor): bound = 1/sqrt(size), size = num_bases * in_channels
    size = B * D_IN
    bound = 1.0 / np.sqrt(size)
    basis = jax.random.uniform(k4, (B, D_IN, D_OUT), minval=-bound, maxval=bound, dtype=jnp.float32)
    att = jax.random.uniform(k5, (R, B), minval=-bound, maxval=bound, dtype=jnp.float32)
    root = jax.random.uniform(k6, (D_IN, D_OUT), minval=-bound, maxval=bound, dtype=jnp.float32)
    bias = jax.random.uniform(k7, (D_OUT,), minval=-bound, maxval=bound, dtype=jnp.float32)
    return {"x": x, "edge_index": edge_index, "edge_type": edge_type,
            "basis": basis, "att": att, "root": root, "bias": bias}

def reference(x, edge_index, edge_type, basis, att, root, bias):
    # RGCNConv forward with basis decomposition (num_bases > 0), aggr='add'.
    # w[r] = sum_b att[r, b] * basis[b]  -> [R, D_IN, D_OUT]
    num_bases = basis.shape[0]
    w = jnp.matmul(att, basis.reshape(num_bases, -1)).reshape(att.shape[0], D_IN, D_OUT)
    # message: msg_e = x[src_e] @ w[edge_type_e]
    # computed as grouped per-relation transform (mathematically identical to per-edge bmm)
    xw = jnp.einsum('nd,rdo->rno', x, w)  # [R, N, D_OUT]
    src = edge_index[0]
    dst = edge_index[1]
    msgs = xw[edge_type, src]  # gather [E, D_OUT]
    # aggregate: scatter-add messages at destination nodes
    aggr = jnp.zeros((x.shape[0], D_OUT), dtype=x.dtype).at[dst].add(msgs)
    # update: self-loop transform + bias
    out = aggr + jnp.matmul(x, root) + bias
    return out

if __name__ == "__main__":
    import jax
    _d = setup_inputs()
    print(jax.jit(kernel)(*tuple(_d.values())))

</pallas_src>

<mosaic_0001>
#map = affine_map<(d0, d1) -> (0, 0)>
#map1 = affine_map<(d0, d1) -> (0, 0, 0)>
module attributes {stable_mosaic.version = 14 : i64} {
  func.func @_sc_body(%arg0: i32, %arg1: i32, %arg2: memref<80000x128xf32, #tpu.memory_space<hbm>>, %arg3: memref<32x79x128xi32, #tpu.memory_space<hbm>>, %arg4: memref<32x79x128xi32, #tpu.memory_space<hbm>>, %arg5: memref<32x79x128xi32, #tpu.memory_space<hbm>>, %arg6: memref<2x10000x128xf32, #tpu.memory_space<hbm>>, %arg7: memref<79x128xi32, #tpu.memory_space<vmem>>, %arg8: memref<79x128xi32, #tpu.memory_space<vmem>>, %arg9: memref<79x128xi32, #tpu.memory_space<vmem>>, %arg10: memref<10240xi32, #tpu.memory_space<vmem>>, %arg11: memref<80x128xi32, #tpu.memory_space<vmem>>, %arg12: memref<128x128xf32, #tpu.memory_space<vmem>>, %arg13: memref<128x128xf32, #tpu.memory_space<vmem>>, %arg14: memref<16x128xf32, #tpu.memory_space<vmem>>, %arg15: memref<5120x128xf32, #tpu.memory_space<vmem_shared>>, %arg16: memref<!tpu.dma_semaphore, #tpu.memory_space<semaphore_mem>>, %arg17: memref<!tpu.dma_semaphore, #tpu.memory_space<semaphore_mem>>, %arg18: memref<!tpu.dma_semaphore, #tpu.memory_space<semaphore_mem>>, %arg19: memref<!tpu.dma_semaphore, #tpu.memory_space<semaphore_mem>>) attributes {dimension_semantics = [#tpu.dimension_semantics<core_parallel>, #tpu.dimension_semantics<subcore_parallel>], iteration_bounds = array<i64: 2, 16>, scalar_prefetch = 0 : i64, scratch_operands = 13 : i64, tpu.core_type = #tpu.core_type<sc_vector_subcore>, window_params = [{transform_indices = #map}, {transform_indices = #map1}, {transform_indices = #map1}, {transform_indices = #map1}, {transform_indices = #map1}]} {
    %mul3A = arith.constant 2 : i32
    %mul3A_0 = arith.muli %arg1, %mul3A : i32
    %add3A = arith.addi %mul3A_0, %arg0 : i32
    "tpu.region"() ({
      %run_scoped3A = tpu.sem_alloc : memref<!tpu.dma_semaphore, #tpu.memory_space<semaphore_mem>>
      %dma_start3A = arith.constant 0 : i32
      %dma_start3A_411 = arith.constant 0 : i32
      %dma_start3A_412 = tpu.memref_slice %arg3[%add3A, %dma_start3A, %dma_start3A_411] : memref<32x79x128xi32, #tpu.memory_space<hbm>> -> memref<1x79x128xi32, #tpu.memory_space<hbm>>
      %dma_start3A_413 = tpu.memref_squeeze %dma_start3A_412 : memref<1x79x128xi32, #tpu.memory_space<hbm>> -> memref<79x128xi32, #tpu.memory_space<hbm>>
      %dma_start3A_414 = arith.constant 0 : i32
      %dma_start3A_415 = arith.constant 0 : i32
      %dma_start3A_416 = tpu.memref_slice %arg3[%add3A, %dma_start3A_414, %dma_start3A_415] : memref<32x79x128xi32, #tpu.memory_space<hbm>> -> memref<1x79x128xi32, #tpu.memory_space<hbm>>
      %dma_start3A_417 = tpu.memref_squeeze %dma_start3A_416 : memref<1x79x128xi32, #tpu.memory_space<hbm>> -> memref<79x128xi32, #tpu.memory_space<hbm>>
      tpu.enqueue_dma source(%dma_start3A_417 : memref<79x128xi32, #tpu.memory_space<hbm>>) target(%arg7 : memref<79x128xi32, #tpu.memory_space<vmem>>) target_semaphore(%run_scoped3A : memref<!tpu.dma_semaphore, #tpu.memory_space<semaphore_mem>>)
      %dma_wait3A = arith.constant 0 : i32
      %dma_wait3A_418 = arith.constant 0 : i32
      %dma_wait3A_419 = tpu.memref_slice %arg3[%add3A, %dma_wait3A, %dma_wait3A_418] : memref<32x79x128xi32, #tpu.memory_space<hbm>> -> memref<1x79x128xi32, #tpu.memory_space<hbm>>
      %dma_wait3A_420 = tpu.memref_squeeze %dma_wait3A_419 : memref<1x79x128xi32, #tpu.memory_space<hbm>> -> memref<79x128xi32, #tpu.memory_space<hbm>>
      %dma_wait3A_421 = arith.constant 0 : i32
      %dma_wait3A_422 = arith.constant 0 : i32
      %dma_wait3A_423 = tpu.memref_slice %arg3[%add3A, %dma_wait3A_421, %dma_wait3A_422] : memref<32x79x128xi32, #tpu.memory_space<hbm>> -> memref<1x79x128xi32, #tpu.memory_space<hbm>>
      %dma_wait3A_424 = tpu.memref_squeeze %dma_wait3A_423 : memref<1x79x128xi32, #tpu.memory_space<hbm>> -> memref<79x128xi32, #tpu.memory_space<hbm>>
      tpu.wait_dma2 semaphore(%run_scoped3A : memref<!tpu.dma_semaphore, #tpu.memory_space<semaphore_mem>>) src(%dma_wait3A_424 : memref<79x128xi32, #tpu.memory_space<hbm>>) dst(%arg7 : memref<79x128xi32, #tpu.memory_space<vmem>>)
      tpu.yield
    }) : () -> ()
    "tpu.region"() ({
      %run_scoped3A = tpu.sem_alloc : memref<!tpu.dma_semaphore, #tpu.memory_space<semaphore_mem>>
      %dma_start3A = arith.constant 0 : i32
      %dma_start3A_411 = arith.constant 0 : i32
      %dma_start3A_412 = tpu.memref_slice %arg4[%add3A, %dma_start3A, %dma_start3A_411] : memref<32x79x128xi32, #tpu.memory_space<hbm>> -> memref<1x79x128xi32, #tpu.memory_space<hbm>>
      %dma_start3A_413 = tpu.memref_squeeze %dma_start3A_412 : memref<1x79x128xi32, #tpu.memory_space<hbm>> -> memref<79x128xi32, #tpu.memory_space<hbm>>
      %dma_start3A_414 = arith.constant 0 : i32
      %dma_start3A_415 = arith.constant 0 : i32
      %dma_start3A_416 = tpu.memref_slice %arg4[%add3A, %dma_start3A_414, %dma_start3A_415] : memref<32x79x128xi32, #tpu.memory_space<hbm>> -> memref<1x79x128xi32, #tpu.memory_space<hbm>>
      %dma_start3A_417 = tpu.memref_squeeze %dma_start3A_416 : memref<1x79x128xi32, #tpu.memory_space<hbm>> -> memref<79x128xi32, #tpu.memory_space<hbm>>
      tpu.enqueue_dma source(%dma_start3A_417 : memref<79x128xi32, #tpu.memory_space<hbm>>) target(%arg8 : memref<79x128xi32, #tpu.memory_space<vmem>>) target_semaphore(%run_scoped3A : memref<!tpu.dma_semaphore, #tpu.memory_space<semaphore_mem>>)
      %dma_wait3A = arith.constant 0 : i32
      %dma_wait3A_418 = arith.constant 0 : i32
      %dma_wait3A_419 = tpu.memref_slice %arg4[%add3A, %dma_wait3A, %dma_wait3A_418] : memref<32x79x128xi32, #tpu.memory_space<hbm>> -> memref<1x79x128xi32, #tpu.memory_space<hbm>>
      %dma_wait3A_420 = tpu.memref_squeeze %dma_wait3A_419 : memref<1x79x128xi32, #tpu.memory_space<hbm>> -> memref<79x128xi32, #tpu.memory_space<hbm>>
      %dma_wait3A_421 = arith.constant 0 : i32
      %dma_wait3A_422 = arith.constant 0 : i32
      %dma_wait3A_423 = tpu.memref_slice %arg4[%add3A, %dma_wait3A_421, %dma_wait3A_422] : memref<32x79x128xi32, #tpu.memory_space<hbm>> -> memref<1x79x128xi32, #tpu.memory_space<hbm>>
      %dma_wait3A_424 = tpu.memref_squeeze %dma_wait3A_423 : memref<1x79x128xi32, #tpu.memory_space<hbm>> -> memref<79x128xi32, #tpu.memory_space<hbm>>
      tpu.wait_dma2 semaphore(%run_scoped3A : memref<!tpu.dma_semaphore, #tpu.memory_space<semaphore_mem>>) src(%dma_wait3A_424 : memref<79x128xi32, #tpu.memory_space<hbm>>) dst(%arg8 : memref<79x128xi32, #tpu.memory_space<vmem>>)
      tpu.yield
    }) : () -> ()
    "tpu.region"() ({
      %run_scoped3A = tpu.sem_alloc : memref<!tpu.dma_semaphore, #tpu.memory_space<semaphore_mem>>
      %dma_start3A = arith.constant 0 : i32
      %dma_start3A_411 = arith.constant 0 : i32
      %dma_start3A_412 = tpu.memref_slice %arg5[%add3A, %dma_start3A, %dma_start3A_411] : memref<32x79x128xi32, #tpu.memory_space<hbm>> -> memref<1x79x128xi32, #tpu.memory_space<hbm>>
      %dma_start3A_413 = tpu.memref_squeeze %dma_start3A_412 : memref<1x79x128xi32, #tpu.memory_space<hbm>> -> memref<79x128xi32, #tpu.memory_space<hbm>>
      %dma_start3A_414 = arith.constant 0 : i32
      %dma_start3A_415 = arith.constant 0 : i32
      %dma_start3A_416 = tpu.memref_slice %arg5[%add3A, %dma_start3A_414, %dma_start3A_415] : memref<32x79x128xi32, #tpu.memory_space<hbm>> -> memref<1x79x128xi32, #tpu.memory_space<hbm>>
      %dma_start3A_417 = tpu.memref_squeeze %dma_start3A_416 : memref<1x79x128xi32, #tpu.memory_space<hbm>> -> memref<79x128xi32, #tpu.memory_space<hbm>>
      tpu.enqueue_dma source(%dma_start3A_417 : memref<79x128xi32, #tpu.memory_space<hbm>>) target(%arg9 : memref<79x128xi32, #tpu.memory_space<vmem>>) target_semaphore(%run_scoped3A : memref<!tpu.dma_semaphore, #tpu.memory_space<semaphore_mem>>)
      %dma_wait3A = arith.constant 0 : i32
      %dma_wait3A_418 = arith.constant 0 : i32
      %dma_wait3A_419 = tpu.memref_slice %arg5[%add3A, %dma_wait3A, %dma_wait3A_418] : memref<32x79x128xi32, #tpu.memory_space<hbm>> -> memref<1x79x128xi32, #tpu.memory_space<hbm>>
      %dma_wait3A_420 = tpu.memref_squeeze %dma_wait3A_419 : memref<1x79x128xi32, #tpu.memory_space<hbm>> -> memref<79x128xi32, #tpu.memory_space<hbm>>
      %dma_wait3A_421 = arith.constant 0 : i32
      %dma_wait3A_422 = arith.constant 0 : i32
      %dma_wait3A_423 = tpu.memref_slice %arg5[%add3A, %dma_wait3A_421, %dma_wait3A_422] : memref<32x79x128xi32, #tpu.memory_space<hbm>> -> memref<1x79x128xi32, #tpu.memory_space<hbm>>
      %dma_wait3A_424 = tpu.memref_squeeze %dma_wait3A_423 : memref<1x79x128xi32, #tpu.memory_space<hbm>> -> memref<79x128xi32, #tpu.memory_space<hbm>>
      tpu.wait_dma2 semaphore(%run_scoped3A : memref<!tpu.dma_semaphore, #tpu.memory_space<semaphore_mem>>) src(%dma_wait3A_424 : memref<79x128xi32, #tpu.memory_space<hbm>>) dst(%arg9 : memref<79x128xi32, #tpu.memory_space<vmem>>)
      tpu.yield
    }) : () -> ()
    %broadcast_in_dim3A = arith.constant 0.000000e+00 : f32
    %broadcast_in_dim3A_1 = vector.broadcast %broadcast_in_dim3A : f32 to vector<16xf32>
    %scan3A = arith.constant 0 : i32
    %scan3A_2 = arith.constant 0 : i32
    %scan3A_3 = arith.constant 128 : i32
    %scan3A_4 = arith.addi %scan3A_2, %scan3A_3 : i32
    %scan3A_5 = arith.constant 1 : i32
    scf.for %scan3A_411 = %scan3A_2 to %scan3A_4 step %scan3A_5  : i32 {
      %jit3A_412 = arith.constant 8 : i32
      %div3A_413 = arith.divsi %scan3A_411, %jit3A_412 : i32
      %sign3A_414 = arith.constant 0 : i32
      %sign3A_415 = arith.cmpi sgt, %scan3A_411, %sign3A_414 : i32
      %sign3A_416 = arith.extui %sign3A_415 : i1 to i32
      %sign3A_417 = arith.constant 0 : i32
      %sign3A_418 = arith.cmpi slt, %scan3A_411, %sign3A_417 : i32
      %sign3A_419 = arith.extui %sign3A_418 : i1 to i32
      %sign3A_420 = arith.subi %sign3A_416, %sign3A_419 : i32
      %sign3A_421 = arith.constant 0 : i32
      %sign3A_422 = arith.cmpi sgt, %jit3A_412, %sign3A_421 : i32
      %sign3A_423 = arith.extui %sign3A_422 : i1 to i32
      %sign3A_424 = arith.constant 0 : i32
      %sign3A_425 = arith.cmpi slt, %jit3A_412, %sign3A_424 : i32
      %sign3A_426 = arith.extui %sign3A_425 : i1 to i32
      %sign3A_427 = arith.subi %sign3A_423, %sign3A_426 : i32
      %ne3A_428 = arith.cmpi ne, %sign3A_420, %sign3A_427 : i32
      %rem3A_429 = arith.remsi %scan3A_411, %jit3A_412 : i32
      %ne3A_430 = arith.constant 0 : i32
      %ne3A_431 = arith.cmpi ne, %rem3A_429, %ne3A_430 : i32
      %and3A_432 = arith.andi %ne3A_428, %ne3A_431 : i1
      %sub3A_433 = arith.constant 1 : i32
      %sub3A_434 = arith.subi %div3A_413, %sub3A_433 : i32
      %select_n3A_435 = arith.select %and3A_432, %sub3A_434, %div3A_413 : i32
      %jit3A_436 = arith.constant 8 : i32
      %eq3A_437 = arith.constant 0 : i32
      %eq3A_438 = arith.cmpi eq, %jit3A_436, %eq3A_437 : i32
      %jit3A_439 = arith.constant 1 : i32
      %select_n3A_440 = arith.select %eq3A_438, %jit3A_439, %jit3A_436 : i32
      %rem3A_441 = arith.remsi %scan3A_411, %select_n3A_440 : i32
      %ne3A_442 = arith.constant 0 : i32
      %ne3A_443 = arith.cmpi ne, %rem3A_441, %ne3A_442 : i32
      %lt3A_444 = arith.constant 0 : i32
      %lt3A_445 = arith.cmpi slt, %rem3A_441, %lt3A_444 : i32
      %lt3A_446 = arith.constant 0 : i32
      %lt3A_447 = arith.cmpi slt, %select_n3A_440, %lt3A_446 : i32
      %ne3A_448 = arith.xori %lt3A_445, %lt3A_447 : i1
      %and3A_449 = arith.andi %ne3A_448, %ne3A_443 : i1
      %add3A_450 = arith.addi %rem3A_441, %select_n3A_440 : i32
      %select_n3A_451 = arith.select %and3A_449, %add3A_450, %rem3A_441 : i32
      %mul3A_452 = arith.constant 16 : i32
      %mul3A_453 = arith.muli %select_n3A_451, %mul3A_452 : i32
      %swap3A_454 = arith.index_cast %select_n3A_435 : i32 to index
      %swap3A_455 = arith.index_cast %mul3A_453 : i32 to index
      %swap3A_456 = tpu.vector_load %arg14[%swap3A_454, %swap3A_455] {strides = array<i32>} : memref<16x128xf32, #tpu.memory_space<vmem>>, vector<16xf32>,
      tpu.vector_store %arg14[%swap3A_454, %swap3A_455], %broadcast_in_dim3A_1 {strides = array<i32>} : memref<16x128xf32, #tpu.memory_space<vmem>>, vector<16xf32>,
    }
    %scan3A_6 = arith.constant 128 : i32
    %iota3A = tpu.iota {dimensions = array<i32: 0>} : vector<16xi32>
    %broadcast_in_dim3A_7 = arith.constant 5000 : i32
    %broadcast_in_dim3A_8 = vector.broadcast %broadcast_in_dim3A_7 : i32 to vector<16xi32>
    %scan3A_9 = arith.constant 0 : i32
    %scan3A_10 = arith.constant 0 : i32
    %scan3A_11 = arith.constant 158 : i32
    %scan3A_12 = arith.addi %scan3A_10, %scan3A_11 : i32
    %scan3A_13 = arith.constant 1 : i32
    %scan3A_14 = scf.for %scan3A_411 = %scan3A_10 to %scan3A_12 step %scan3A_13 iter_args(%scan3A_412 = %scan3A_9) -> (i32)  : i32 {
      %mul3A_413 = arith.constant 4 : i32
      %mul3A_414 = arith.muli %mul3A_413, %scan3A_411 : i32
      %add3A_415 = arith.constant 0 : i32
      %add3A_416 = arith.addi %mul3A_414, %add3A_415 : i32
      %jit3A_417 = arith.constant 8 : i32
      %div3A_418 = arith.divsi %add3A_416, %jit3A_417 : i32
      %sign3A_419 = arith.constant 0 : i32
      %sign3A_420 = arith.cmpi sgt, %add3A_416, %sign3A_419 : i32
      %sign3A_421 = arith.extui %sign3A_420 : i1 to i32
      %sign3A_422 = arith.constant 0 : i32
      %sign3A_423 = arith.cmpi slt, %add3A_416, %sign3A_422 : i32
      %sign3A_424 = arith.extui %sign3A_423 : i1 to i32
      %sign3A_425 = arith.subi %sign3A_421, %sign3A_424 : i32
      %sign3A_426 = arith.constant 0 : i32
      %sign3A_427 = arith.cmpi sgt, %jit3A_417, %sign3A_426 : i32
      %sign3A_428 = arith.extui %sign3A_427 : i1 to i32
      %sign3A_429 = arith.constant 0 : i32
      %sign3A_430 = arith.cmpi slt, %jit3A_417, %sign3A_429 : i32
      %sign3A_431 = arith.extui %sign3A_430 : i1 to i32
      %sign3A_432 = arith.subi %sign3A_428, %sign3A_431 : i32
      %ne3A_433 = arith.cmpi ne, %sign3A_425, %sign3A_432 : i32
      %rem3A_434 = arith.remsi %add3A_416, %jit3A_417 : i32
      %ne3A_435 = arith.constant 0 : i32
      %ne3A_436 = arith.cmpi ne, %rem3A_434, %ne3A_435 : i32
      %and3A_437 = arith.andi %ne3A_433, %ne3A_436 : i1
      %sub3A_438 = arith.constant 1 : i32
      %sub3A_439 = arith.subi %div3A_418, %sub3A_438 : i32
      %select_n3A_440 = arith.select %and3A_437, %sub3A_439, %div3A_418 : i32
      %jit3A_441 = arith.constant 8 : i32
      %eq3A_442 = arith.constant 0 : i32
      %eq3A_443 = arith.cmpi eq, %jit3A_441, %eq3A_442 : i32
      %jit3A_444 = arith.constant 1 : i32
      %select_n3A_445 = arith.select %eq3A_443, %jit3A_444, %jit3A_441 : i32
      %rem3A_446 = arith.remsi %add3A_416, %select_n3A_445 : i32
      %ne3A_447 = arith.constant 0 : i32
      %ne3A_448 = arith.cmpi ne, %rem3A_446, %ne3A_447 : i32
      %lt3A_449 = arith.constant 0 : i32
      %lt3A_450 = arith.cmpi slt, %rem3A_446, %lt3A_449 : i32
      %lt3A_451 = arith.constant 0 : i32
      %lt3A_452 = arith.cmpi slt, %select_n3A_445, %lt3A_451 : i32
      %ne3A_453 = arith.xori %lt3A_450, %lt3A_452 : i1
      %and3A_454 = arith.andi %ne3A_453, %ne3A_448 : i1
      %add3A_455 = arith.addi %rem3A_446, %select_n3A_445 : i32
      %select_n3A_456 = arith.select %and3A_454, %add3A_455, %rem3A_446 : i32
      %mul3A_457 = arith.constant 16 : i32
      %mul3A_458 = arith.muli %select_n3A_456, %mul3A_457 : i32
      %get3A_459 = arith.index_cast %select_n3A_440 : i32 to index
      %get3A_460 = arith.index_cast %mul3A_458 : i32 to index
      %get3A_461 = tpu.vector_load %arg9[%get3A_459, %get3A_460] {strides = array<i32>} : memref<79x128xi32, #tpu.memory_space<vmem>>, vector<16xi32>,
      %jit3A_462 = arith.constant 8 : i32
      %div3A_463 = arith.divsi %add3A_416, %jit3A_462 : i32
      %sign3A_464 = arith.constant 0 : i32
      %sign3A_465 = arith.cmpi sgt, %add3A_416, %sign3A_464 : i32
      %sign3A_466 = arith.extui %sign3A_465 : i1 to i32
      %sign3A_467 = arith.constant 0 : i32
      %sign3A_468 = arith.cmpi slt, %add3A_416, %sign3A_467 : i32
      %sign3A_469 = arith.extui %sign3A_468 : i1 to i32
      %sign3A_470 = arith.subi %sign3A_466, %sign3A_469 : i32
      %sign3A_471 = arith.constant 0 : i32
      %sign3A_472 = arith.cmpi sgt, %jit3A_462, %sign3A_471 : i32
      %sign3A_473 = arith.extui %sign3A_472 : i1 to i32
      %sign3A_474 = arith.constant 0 : i32
      %sign3A_475 = arith.cmpi slt, %jit3A_462, %sign3A_474 : i32
      %sign3A_476 = arith.extui %sign3A_475 : i1 to i32
      %sign3A_477 = arith.subi %sign3A_473, %sign3A_476 : i32
      %ne3A_478 = arith.cmpi ne, %sign3A_470, %sign3A_477 : i32
      %rem3A_479 = arith.remsi %add3A_416, %jit3A_462 : i32
      %ne3A_480 = arith.constant 0 : i32
      %ne3A_481 = arith.cmpi ne, %rem3A_479, %ne3A_480 : i32
      %and3A_482 = arith.andi %ne3A_478, %ne3A_481 : i1
      %sub3A_483 = arith.constant 1 : i32
      %sub3A_484 = arith.subi %div3A_463, %sub3A_483 : i32
      %select_n3A_485 = arith.select %and3A_482, %sub3A_484, %div3A_463 : i32
      %jit3A_486 = arith.constant 8 : i32
      %eq3A_487 = arith.constant 0 : i32
      %eq3A_488 = arith.cmpi eq, %jit3A_486, %eq3A_487 : i32
      %jit3A_489 = arith.constant 1 : i32
      %select_n3A_490 = arith.select %eq3A_488, %jit3A_489, %jit3A_486 : i32
      %rem3A_491 = arith.remsi %add3A_416, %select_n3A_490 : i32
      %ne3A_492 = arith.constant 0 : i32
      %ne3A_493 = arith.cmpi ne, %rem3A_491, %ne3A_492 : i32
      %lt3A_494 = arith.constant 0 : i32
      %lt3A_495 = arith.cmpi slt, %rem3A_491, %lt3A_494 : i32
      %lt3A_496 = arith.constant 0 : i32
      %lt3A_497 = arith.cmpi slt, %select_n3A_490, %lt3A_496 : i32
      %ne3A_498 = arith.xori %lt3A_495, %lt3A_497 : i1
      %and3A_499 = arith.andi %ne3A_498, %ne3A_493 : i1
      %add3A_500 = arith.addi %rem3A_491, %select_n3A_490 : i32
      %select_n3A_501 = arith.select %and3A_499, %add3A_500, %rem3A_491 : i32
      %mul3A_502 = arith.constant 16 : i32
      %mul3A_503 = arith.muli %select_n3A_501, %mul3A_502 : i32
      %get3A_504 = arith.index_cast %select_n3A_485 : i32 to index
      %get3A_505 = arith.index_cast %mul3A_503 : i32 to index
      %get3A_506 = tpu.vector_load %arg8[%get3A_504, %get3A_505] {strides = array<i32>} : memref<79x128xi32, #tpu.memory_space<vmem>>, vector<16xi32>,
      %jit3A_507 = arith.constant 8 : i32
      %div3A_508 = arith.divsi %add3A_416, %jit3A_507 : i32
      %sign3A_509 = arith.constant 0 : i32
      %sign3A_510 = arith.cmpi sgt, %add3A_416, %sign3A_509 : i32
      %sign3A_511 = arith.extui %sign3A_510 : i1 to i32
      %sign3A_512 = arith.constant 0 : i32
      %sign3A_513 = arith.cmpi slt, %add3A_416, %sign3A_512 : i32
      %sign3A_514 = arith.extui %sign3A_513 : i1 to i32
      %sign3A_515 = arith.subi %sign3A_511, %sign3A_514 : i32
      %sign3A_516 = arith.constant 0 : i32
      %sign3A_517 = arith.cmpi sgt, %jit3A_507, %sign3A_516 : i32
      %sign3A_518 = arith.extui %sign3A_517 : i1 to i32
      %sign3A_519 = arith.constant 0 : i32
      %sign3A_520 = arith.cmpi slt, %jit3A_507, %sign3A_519 : i32
      %sign3A_521 = arith.extui %sign3A_520 : i1 to i32
      %sign3A_522 = arith.subi %sign3A_518, %sign3A_521 : i32
      %ne3A_523 = arith.cmpi ne, %sign3A_515, %sign3A_522 : i32
      %rem3A_524 = arith.remsi %add3A_416, %jit3A_507 : i32
      %ne3A_525 = arith.constant 0 : i32
      %ne3A_526 = arith.cmpi ne, %rem3A_524, %ne3A_525 : i32
      %and3A_527 = arith.andi %ne3A_523, %ne3A_526 : i1
      %sub3A_528 = arith.constant 1 : i32
      %sub3A_529 = arith.subi %div3A_508, %sub3A_528 : i32
      %select_n3A_530 = arith.select %and3A_527, %sub3A_529, %div3A_508 : i32
      %jit3A_531 = arith.constant 8 : i32
      %eq3A_532 = arith.constant 0 : i32
      %eq3A_533 = arith.cmpi eq, %jit3A_531, %eq3A_532 : i32
      %jit3A_534 = arith.constant 1 : i32
      %select_n3A_535 = arith.select %eq3A_533, %jit3A_534, %jit3A_531 : i32
      %rem3A_536 = arith.remsi %add3A_416, %select_n3A_535 : i32
      %ne3A_537 = arith.constant 0 : i32
      %ne3A_538 = arith.cmpi ne, %rem3A_536, %ne3A_537 : i32
      %lt3A_539 = arith.constant 0 : i32
      %lt3A_540 = arith.cmpi slt, %rem3A_536, %lt3A_539 : i32
      %lt3A_541 = arith.constant 0 : i32
      %lt3A_542 = arith.cmpi slt, %select_n3A_535, %lt3A_541 : i32
      %ne3A_543 = arith.xori %lt3A_540, %lt3A_542 : i1
      %and3A_544 = arith.andi %ne3A_543, %ne3A_538 : i1
      %add3A_545 = arith.addi %rem3A_536, %select_n3A_535 : i32
      %select_n3A_546 = arith.select %and3A_544, %add3A_545, %rem3A_536 : i32
      %mul3A_547 = arith.constant 16 : i32
      %mul3A_548 = arith.muli %select_n3A_546, %mul3A_547 : i32
      %get3A_549 = arith.index_cast %select_n3A_530 : i32 to index
      %get3A_550 = arith.index_cast %mul3A_548 : i32 to index
      %get3A_551 = tpu.vector_load %arg7[%get3A_549, %get3A_550] {strides = array<i32>} : memref<79x128xi32, #tpu.memory_space<vmem>>, vector<16xi32>,
      %ge3A = arith.constant 0 : i32
      %ge3A_552 = vector.broadcast %ge3A : i32 to vector<16xi32>
      %ge3A_553 = arith.cmpi sge, %get3A_461, %ge3A_552 : vector<16xi32>
      %lt3A_554 = arith.constant 5000 : i32
      %lt3A_555 = vector.broadcast %lt3A_554 : i32 to vector<16xi32>
      %lt3A_556 = arith.cmpi slt, %get3A_461, %lt3A_555 : vector<16xi32>
      %and3A_557 = arith.andi %ge3A_553, %lt3A_556 : vector<16xi1>
      %mul3A_558 = arith.constant 10000 : i32
      %mul3A_559 = vector.broadcast %mul3A_558 : i32 to vector<16xi32>
      %mul3A_560 = arith.muli %get3A_506, %mul3A_559 : vector<16xi32>
      %add3A_561 = arith.addi %mul3A_560, %get3A_551 : vector<16xi32>
      %mul3A_562 = arith.constant 8192 : i32
      %mul3A_563 = vector.broadcast %mul3A_562 : i32 to vector<16xi32>
      %mul3A_564 = arith.muli %add3A_561, %mul3A_563 : vector<16xi32>
      %sub3A_565 = arith.constant 0 : i32
      %sub3A_566 = vector.broadcast %sub3A_565 : i32 to vector<16xi32>
      %sub3A_567 = arith.subi %get3A_461, %sub3A_566 : vector<16xi32>
      %add3A_568 = arith.addi %mul3A_564, %sub3A_567 : vector<16xi32>
      %swap3A_569 = arith.index_cast %scan3A_412 : i32 to index
      %swap3A_570 = tpu.vector_load %arg10[%swap3A_569] masked %and3A_557 {strides = array<i32>} : memref<10240xi32, #tpu.memory_space<vmem>>, vector<16xi32>, vector<16xi1>
      tpu.vector_store %arg10[%swap3A_569], %add3A_568 masked %and3A_557 {strides = array<i32>} : memref<10240xi32, #tpu.memory_space<vmem>>, vector<16xi32>, vector<16xi1>
      %all_reduce_population_count3A = tpu.all_reduce %and3A_557 {dim = 0 : i64, kind = #tpu.reduction_kind<sum>} : vector<16xi1> -> vector<16xi32>
      %slice3A = vector.extract_strided_slice %all_reduce_population_count3A {offsets = [0], sizes = [1], strides = [1]} : vector<16xi32> to vector<1xi32>
      %squeeze3A = vector.extract %slice3A[0] : i32 from vector<1xi32>
      %add3A_571 = arith.addi %scan3A_412, %squeeze3A : i32
      %mul3A_572 = arith.constant 4 : i32
      %mul3A_573 = arith.muli %mul3A_572, %scan3A_411 : i32
      %add3A_574 = arith.constant 1 : i32
      %add3A_575 = arith.addi %mul3A_573, %add3A_574 : i32
      %jit3A_576 = arith.constant 8 : i32
      %div3A_577 = arith.divsi %add3A_575, %jit3A_576 : i32
      %sign3A_578 = arith.constant 0 : i32
      %sign3A_579 = arith.cmpi sgt, %add3A_575, %sign3A_578 : i32
      %sign3A_580 = arith.extui %sign3A_579 : i1 to i32
      %sign3A_581 = arith.constant 0 : i32
      %sign3A_582 = arith.cmpi slt, %add3A_575, %sign3A_581 : i32
      %sign3A_583 = arith.extui %sign3A_582 : i1 to i32
      %sign3A_584 = arith.subi %sign3A_580, %sign3A_583 : i32
      %sign3A_585 = arith.constant 0 : i32
      %sign3A_586 = arith.cmpi sgt, %jit3A_576, %sign3A_585 : i32
      %sign3A_587 = arith.extui %sign3A_586 : i1 to i32
      %sign3A_588 = arith.constant 0 : i32
      %sign3A_589 = arith.cmpi slt, %jit3A_576, %sign3A_588 : i32
      %sign3A_590 = arith.extui %sign3A_589 : i1 to i32
      %sign3A_591 = arith.subi %sign3A_587, %sign3A_590 : i32
      %ne3A_592 = arith.cmpi ne, %sign3A_584, %sign3A_591 : i32
      %rem3A_593 = arith.remsi %add3A_575, %jit3A_576 : i32
      %ne3A_594 = arith.constant 0 : i32
      %ne3A_595 = arith.cmpi ne, %rem3A_593, %ne3A_594 : i32
      %and3A_596 = arith.andi %ne3A_592, %ne3A_595 : i1
      %sub3A_597 = arith.constant 1 : i32
      %sub3A_598 = arith.subi %div3A_577, %sub3A_597 : i32
      %select_n3A_599 = arith.select %and3A_596, %sub3A_598, %div3A_577 : i32
      %jit3A_600 = arith.constant 8 : i32
      %eq3A_601 = arith.constant 0 : i32
      %eq3A_602 = arith.cmpi eq, %jit3A_600, %eq3A_601 : i32
      %jit3A_603 = arith.constant 1 : i32
      %select_n3A_604 = arith.select %eq3A_602, %jit3A_603, %jit3A_600 : i32
      %rem3A_605 = arith.remsi %add3A_575, %select_n3A_604 : i32
      %ne3A_606 = arith.constant 0 : i32
      %ne3A_607 = arith.cmpi ne, %rem3A_605, %ne3A_606 : i32
      %lt3A_608 = arith.constant 0 : i32
      %lt3A_609 = arith.cmpi slt, %rem3A_605, %lt3A_608 : i32
      %lt3A_610 = arith.constant 0 : i32
      %lt3A_611 = arith.cmpi slt, %select_n3A_604, %lt3A_610 : i32
      %ne3A_612 = arith.xori %lt3A_609, %lt3A_611 : i1
      %and3A_613 = arith.andi %ne3A_612, %ne3A_607 : i1
      %add3A_614 = arith.addi %rem3A_605, %select_n3A_604 : i32
      %select_n3A_615 = arith.select %and3A_613, %add3A_614, %rem3A_605 : i32
      %mul3A_616 = arith.constant 16 : i32
      %mul3A_617 = arith.muli %select_n3A_615, %mul3A_616 : i32
      %get3A_618 = arith.index_cast %select_n3A_599 : i32 to index
      %get3A_619 = arith.index_cast %mul3A_617 : i32 to index
      %get3A_620 = tpu.vector_load %arg9[%get3A_618, %get3A_619] {strides = array<i32>} : memref<79x128xi32, #tpu.memory_space<vmem>>, vector<16xi32>,
      %jit3A_621 = arith.constant 8 : i32
      %div3A_622 = arith.divsi %add3A_575, %jit3A_621 : i32
      %sign3A_623 = arith.constant 0 : i32
      %sign3A_624 = arith.cmpi sgt, %add3A_575, %sign3A_623 : i32
      %sign3A_625 = arith.extui %sign3A_624 : i1 to i32
      %sign3A_626 = arith.constant 0 : i32
      %sign3A_627 = arith.cmpi slt, %add3A_575, %sign3A_626 : i32
      %sign3A_628 = arith.extui %sign3A_627 : i1 to i32
      %sign3A_629 = arith.subi %sign3A_625, %sign3A_628 : i32
      %sign3A_630 = arith.constant 0 : i32
      %sign3A_631 = arith.cmpi sgt, %jit3A_621, %sign3A_630 : i32
      %sign3A_632 = arith.extui %sign3A_631 : i1 to i32
      %sign3A_633 = arith.constant 0 : i32
      %sign3A_634 = arith.cmpi slt, %jit3A_621, %sign3A_633 : i32
      %sign3A_635 = arith.extui %sign3A_634 : i1 to i32
      %sign3A_636 = arith.subi %sign3A_632, %sign3A_635 : i32
      %ne3A_637 = arith.cmpi ne, %sign3A_629, %sign3A_636 : i32
      %rem3A_638 = arith.remsi %add3A_575, %jit3A_621 : i32
      %ne3A_639 = arith.constant 0 : i32
      %ne3A_640 = arith.cmpi ne, %rem3A_638, %ne3A_639 : i32
      %and3A_641 = arith.andi %ne3A_637, %ne3A_640 : i1
      %sub3A_642 = arith.constant 1 : i32
      %sub3A_643 = arith.subi %div3A_622, %sub3A_642 : i32
      %select_n3A_644 = arith.select %and3A_641, %sub3A_643, %div3A_622 : i32
      %jit3A_645 = arith.constant 8 : i32
      %eq3A_646 = arith.constant 0 : i32
      %eq3A_647 = arith.cmpi eq, %jit3A_645, %eq3A_646 : i32
      %jit3A_648 = arith.constant 1 : i32
      %select_n3A_649 = arith.select %eq3A_647, %jit3A_648, %jit3A_645 : i32
      %rem3A_650 = arith.remsi %add3A_575, %select_n3A_649 : i32
      %ne3A_651 = arith.constant 0 : i32
      %ne3A_652 = arith.cmpi ne, %rem3A_650, %ne3A_651 : i32
      %lt3A_653 = arith.constant 0 : i32
      %lt3A_654 = arith.cmpi slt, %rem3A_650, %lt3A_653 : i32
      %lt3A_655 = arith.constant 0 : i32
      %lt3A_656 = arith.cmpi slt, %select_n3A_649, %lt3A_655 : i32
      %ne3A_657 = arith.xori %lt3A_654, %lt3A_656 : i1
      %and3A_658 = arith.andi %ne3A_657, %ne3A_652 : i1
      %add3A_659 = arith.addi %rem3A_650, %select_n3A_649 : i32
      %select_n3A_660 = arith.select %and3A_658, %add3A_659, %rem3A_650 : i32
      %mul3A_661 = arith.constant 16 : i32
      %mul3A_662 = arith.muli %select_n3A_660, %mul3A_661 : i32
      %get3A_663 = arith.index_cast %select_n3A_644 : i32 to index
      %get3A_664 = arith.index_cast %mul3A_662 : i32 to index
      %get3A_665 = tpu.vector_load %arg8[%get3A_663, %get3A_664] {strides = array<i32>} : memref<79x128xi32, #tpu.memory_space<vmem>>, vector<16xi32>,
      %jit3A_666 = arith.constant 8 : i32
      %div3A_667 = arith.divsi %add3A_575, %jit3A_666 : i32
      %sign3A_668 = arith.constant 0 : i32
      %sign3A_669 = arith.cmpi sgt, %add3A_575, %sign3A_668 : i32
      %sign3A_670 = arith.extui %sign3A_669 : i1 to i32
      %sign3A_671 = arith.constant 0 : i32
      %sign3A_672 = arith.cmpi slt, %add3A_575, %sign3A_671 : i32
      %sign3A_673 = arith.extui %sign3A_672 : i1 to i32
      %sign3A_674 = arith.subi %sign3A_670, %sign3A_673 : i32
      %sign3A_675 = arith.constant 0 : i32
      %sign3A_676 = arith.cmpi sgt, %jit3A_666, %sign3A_675 : i32
      %sign3A_677 = arith.extui %sign3A_676 : i1 to i32
      %sign3A_678 = arith.constant 0 : i32
      %sign3A_679 = arith.cmpi slt, %jit3A_666, %sign3A_678 : i32
      %sign3A_680 = arith.extui %sign3A_679 : i1 to i32
      %sign3A_681 = arith.subi %sign3A_677, %sign3A_680 : i32
      %ne3A_682 = arith.cmpi ne, %sign3A_674, %sign3A_681 : i32
      %rem3A_683 = arith.remsi %add3A_575, %jit3A_666 : i32
      %ne3A_684 = arith.constant 0 : i32
      %ne3A_685 = arith.cmpi ne, %rem3A_683, %ne3A_684 : i32
      %and3A_686 = arith.andi %ne3A_682, %ne3A_685 : i1
      %sub3A_687 = arith.constant 1 : i32
      %sub3A_688 = arith.subi %div3A_667, %sub3A_687 : i32
      %select_n3A_689 = arith.select %and3A_686, %sub3A_688, %div3A_667 : i32
      %jit3A_690 = arith.constant 8 : i32
      %eq3A_691 = arith.constant 0 : i32
      %eq3A_692 = arith.cmpi eq, %jit3A_690, %eq3A_691 : i32
      %jit3A_693 = arith.constant 1 : i32
      %select_n3A_694 = arith.select %eq3A_692, %jit3A_693, %jit3A_690 : i32
      %rem3A_695 = arith.remsi %add3A_575, %select_n3A_694 : i32
      %ne3A_696 = arith.constant 0 : i32
      %ne3A_697 = arith.cmpi ne, %rem3A_695, %ne3A_696 : i32
      %lt3A_698 = arith.constant 0 : i32
      %lt3A_699 = arith.cmpi slt, %rem3A_695, %lt3A_698 : i32
      %lt3A_700 = arith.constant 0 : i32
      %lt3A_701 = arith.cmpi slt, %select_n3A_694, %lt3A_700 : i32
      %ne3A_702 = arith.xori %lt3A_699, %lt3A_701 : i1
      %and3A_703 = arith.andi %ne3A_702, %ne3A_697 : i1
      %add3A_704 = arith.addi %rem3A_695, %select_n3A_694 : i32
      %select_n3A_705 = arith.select %and3A_703, %add3A_704, %rem3A_695 : i32
      %mul3A_706 = arith.constant 16 : i32
      %mul3A_707 = arith.muli %select_n3A_705, %mul3A_706 : i32
      %get3A_708 = arith.index_cast %select_n3A_689 : i32 to index
      %get3A_709 = arith.index_cast %mul3A_707 : i32 to index
      %get3A_710 = tpu.vector_load %arg7[%get3A_708, %get3A_709] {strides = array<i32>} : memref<79x128xi32, #tpu.memory_space<vmem>>, vector<16xi32>,
      %ge3A_711 = arith.constant 0 : i32
      %ge3A_712 = vector.broadcast %ge3A_711 : i32 to vector<16xi32>
      %ge3A_713 = arith.cmpi sge, %get3A_620, %ge3A_712 : vector<16xi32>
      %lt3A_714 = arith.constant 5000 : i32
      %lt3A_715 = vector.broadcast %lt3A_714 : i32 to vector<16xi32>
      %lt3A_716 = arith.cmpi slt, %get3A_620, %lt3A_715 : vector<16xi32>
      %and3A_717 = arith.andi %ge3A_713, %lt3A_716 : vector<16xi1>
      %mul3A_718 = arith.constant 10000 : i32
      %mul3A_719 = vector.broadcast %mul3A_718 : i32 to vector<16xi32>
      %mul3A_720 = arith.muli %get3A_665, %mul3A_719 : vector<16xi32>
      %add3A_721 = arith.addi %mul3A_720, %get3A_710 : vector<16xi32>
      %mul3A_722 = arith.constant 8192 : i32
      %mul3A_723 = vector.broadcast %mul3A_722 : i32 to vector<16xi32>
      %mul3A_724 = arith.muli %add3A_721, %mul3A_723 : vector<16xi32>
      %sub3A_725 = arith.constant 0 : i32
      %sub3A_726 = vector.broadcast %sub3A_725 : i32 to vector<16xi32>
      %sub3A_727 = arith.subi %get3A_620, %sub3A_726 : vector<16xi32>
      %add3A_728 = arith.addi %mul3A_724, %sub3A_727 : vector<16xi32>
      %swap3A_729 = arith.index_cast %add3A_571 : i32 to index
      %swap3A_730 = tpu.vector_load %arg10[%swap3A_729] masked %and3A_717 {strides = array<i32>} : memref<10240xi32, #tpu.memory_space<vmem>>, vector<16xi32>, vector<16xi1>
      tpu.vector_store %arg10[%swap3A_729], %add3A_728 masked %and3A_717 {strides = array<i32>} : memref<10240xi32, #tpu.memory_space<vmem>>, vector<16xi32>, vector<16xi1>
      %all_reduce_population_count3A_731 = tpu.all_reduce %and3A_717 {dim = 0 : i64, kind = #tpu.reduction_kind<sum>} : vector<16xi1> -> vector<16xi32>
      %slice3A_732 = vector.extract_strided_slice %all_reduce_population_count3A_731 {offsets = [0], sizes = [1], strides = [1]} : vector<16xi32> to vector<1xi32>
      %squeeze3A_733 = vector.extract %slice3A_732[0] : i32 from vector<1xi32>
      %add3A_734 = arith.addi %add3A_571, %squeeze3A_733 : i32
      %mul3A_735 = arith.constant 4 : i32
      %mul3A_736 = arith.muli %mul3A_735, %scan3A_411 : i32
      %add3A_737 = arith.constant 2 : i32
      %add3A_738 = arith.addi %mul3A_736, %add3A_737 : i32
      %jit3A_739 = arith.constant 8 : i32
      %div3A_740 = arith.divsi %add3A_738, %jit3A_739 : i32
      %sign3A_741 = arith.constant 0 : i32
      %sign3A_742 = arith.cmpi sgt, %add3A_738, %sign3A_741 : i32
      %sign3A_743 = arith.extui %sign3A_742 : i1 to i32
      %sign3A_744 = arith.constant 0 : i32
      %sign3A_745 = arith.cmpi slt, %add3A_738, %sign3A_744 : i32
      %sign3A_746 = arith.extui %sign3A_745 : i1 to i32
      %sign3A_747 = arith.subi %sign3A_743, %sign3A_746 : i32
      %sign3A_748 = arith.constant 0 : i32
      %sign3A_749 = arith.cmpi sgt, %jit3A_739, %sign3A_748 : i32
      %sign3A_750 = arith.extui %sign3A_749 : i1 to i32
      %sign3A_751 = arith.constant 0 : i32
      %sign3A_752 = arith.cmpi slt, %jit3A_739, %sign3A_751 : i32
      %sign3A_753 = arith.extui %sign3A_752 : i1 to i32
      %sign3A_754 = arith.subi %sign3A_750, %sign3A_753 : i32
      %ne3A_755 = arith.cmpi ne, %sign3A_747, %sign3A_754 : i32
      %rem3A_756 = arith.remsi %add3A_738, %jit3A_739 : i32
      %ne3A_757 = arith.constant 0 : i32
      %ne3A_758 = arith.cmpi ne, %rem3A_756, %ne3A_757 : i32
      %and3A_759 = arith.andi %ne3A_755, %ne3A_758 : i1
      %sub3A_760 = arith.constant 1 : i32
      %sub3A_761 = arith.subi %div3A_740, %sub3A_760 : i32
      %select_n3A_762 = arith.select %and3A_759, %sub3A_761, %div3A_740 : i32
      %jit3A_763 = arith.constant 8 : i32
      %eq3A_764 = arith.constant 0 : i32
      %eq3A_765 = arith.cmpi eq, %jit3A_763, %eq3A_764 : i32
      %jit3A_766 = arith.constant 1 : i32
      %select_n3A_767 = arith.select %eq3A_765, %jit3A_766, %jit3A_763 : i32
      %rem3A_768 = arith.remsi %add3A_738, %select_n3A_767 : i32
      %ne3A_769 = arith.constant 0 : i32
      %ne3A_770 = arith.cmpi ne, %rem3A_768, %ne3A_769 : i32
      %lt3A_771 = arith.constant 0 : i32
      %lt3A_772 = arith.cmpi slt, %rem3A_768, %lt3A_771 : i32
      %lt3A_773 = arith.constant 0 : i32
      %lt3A_774 = arith.cmpi slt, %select_n3A_767, %lt3A_773 : i32
      %ne3A_775 = arith.xori %lt3A_772, %lt3A_774 : i1
      %and3A_776 = arith.andi %ne3A_775, %ne3A_770 : i1
      %add3A_777 = arith.addi %rem3A_768, %select_n3A_767 : i32
      %select_n3A_778 = arith.select %and3A_776, %add3A_777, %rem3A_768 : i32
      %mul3A_779 = arith.constant 16 : i32
      %mul3A_780 = arith.muli %select_n3A_778, %mul3A_779 : i32
      %get3A_781 = arith.index_cast %select_n3A_762 : i32 to index
      %get3A_782 = arith.index_cast %mul3A_780 : i32 to index
      %get3A_783 = tpu.vector_load %arg9[%get3A_781, %get3A_782] {strides = array<i32>} : memref<79x128xi32, #tpu.memory_space<vmem>>, vector<16xi32>,
      %jit3A_784 = arith.constant 8 : i32
      %div3A_785 = arith.divsi %add3A_738, %jit3A_784 : i32
      %sign3A_786 = arith.constant 0 : i32
      %sign3A_787 = arith.cmpi sgt, %add3A_738, %sign3A_786 : i32
      %sign3A_788 = arith.extui %sign3A_787 : i1 to i32
      %sign3A_789 = arith.constant 0 : i32
      %sign3A_790 = arith.cmpi slt, %add3A_738, %sign3A_789 : i32
      %sign3A_791 = arith.extui %sign3A_790 : i1 to i32
      %sign3A_792 = arith.subi %sign3A_788, %sign3A_791 : i32
      %sign3A_793 = arith.constant 0 : i32
      %sign3A_794 = arith.cmpi sgt, %jit3A_784, %sign3A_793 : i32
      %sign3A_795 = arith.extui %sign3A_794 : i1 to i32
      %sign3A_796 = arith.constant 0 : i32
      %sign3A_797 = arith.cmpi slt, %jit3A_784, %sign3A_796 : i32
      %sign3A_798 = arith.extui %sign3A_797 : i1 to i32
      %sign3A_799 = arith.subi %sign3A_795, %sign3A_798 : i32
      %ne3A_800 = arith.cmpi ne, %sign3A_792, %sign3A_799 : i32
      %rem3A_801 = arith.remsi %add3A_738, %jit3A_784 : i32
      %ne3A_802 = arith.constant 0 : i32
      %ne3A_803 = arith.cmpi ne, %rem3A_801, %ne3A_802 : i32
      %and3A_804 = arith.andi %ne3A_800, %ne3A_803 : i1
      %sub3A_805 = arith.constant 1 : i32
      %sub3A_806 = arith.subi %div3A_785, %sub3A_805 : i32
      %select_n3A_807 = arith.select %and3A_804, %sub3A_806, %div3A_785 : i32
      %jit3A_808 = arith.constant 8 : i32
      %eq3A_809 = arith.constant 0 : i32
      %eq3A_810 = arith.cmpi eq, %jit3A_808, %eq3A_809 : i32
      %jit3A_811 = arith.constant 1 : i32
      %select_n3A_812 = arith.select %eq3A_810, %jit3A_811, %jit3A_808 : i32
      %rem3A_813 = arith.remsi %add3A_738, %select_n3A_812 : i32
      %ne3A_814 = arith.constant 0 : i32
      %ne3A_815 = arith.cmpi ne, %rem3A_813, %ne3A_814 : i32
      %lt3A_816 = arith.constant 0 : i32
      %lt3A_817 = arith.cmpi slt, %rem3A_813, %lt3A_816 : i32
      %lt3A_818 = arith.constant 0 : i32
      %lt3A_819 = arith.cmpi slt, %select_n3A_812, %lt3A_818 : i32
      %ne3A_820 = arith.xori %lt3A_817, %lt3A_819 : i1
      %and3A_821 = arith.andi %ne3A_820, %ne3A_815 : i1
      %add3A_822 = arith.addi %rem3A_813, %select_n3A_812 : i32
      %select_n3A_823 = arith.select %and3A_821, %add3A_822, %rem3A_813 : i32
      %mul3A_824 = arith.constant 16 : i32
      %mul3A_825 = arith.muli %select_n3A_823, %mul3A_824 : i32
      %get3A_826 = arith.index_cast %select_n3A_807 : i32 to index
      %get3A_827 = arith.index_cast %mul3A_825 : i32 to index
      %get3A_828 = tpu.vector_load %arg8[%get3A_826, %get3A_827] {strides = array<i32>} : memref<79x128xi32, #tpu.memory_space<vmem>>, vector<16xi32>,
      %jit3A_829 = arith.constant 8 : i32
      %div3A_830 = arith.divsi %add3A_738, %jit3A_829 : i32
      %sign3A_831 = arith.constant 0 : i32
      %sign3A_832 = arith.cmpi sgt, %add3A_738, %sign3A_831 : i32
      %sign3A_833 = arith.extui %sign3A_832 : i1 to i32
      %sign3A_834 = arith.constant 0 : i32
      %sign3A_835 = arith.cmpi slt, %add3A_738, %sign3A_834 : i32
      %sign3A_836 = arith.extui %sign3A_835 : i1 to i32
      %sign3A_837 = arith.subi %sign3A_833, %sign3A_836 : i32
      %sign3A_838 = arith.constant 0 : i32
      %sign3A_839 = arith.cmpi sgt, %jit3A_829, %sign3A_838 : i32
      %sign3A_840 = arith.extui %sign3A_839 : i1 to i32
      %sign3A_841 = arith.constant 0 : i32
      %sign3A_842 = arith.cmpi slt, %jit3A_829, %sign3A_841 : i32
      %sign3A_843 = arith.extui %sign3A_842 : i1 to i32
      %sign3A_844 = arith.subi %sign3A_840, %sign3A_843 : i32
      %ne3A_845 = arith.cmpi ne, %sign3A_837, %sign3A_844 : i32
      %rem3A_846 = arith.remsi %add3A_738, %jit3A_829 : i32
      %ne3A_847 = arith.constant 0 : i32
      %ne3A_848 = arith.cmpi ne, %rem3A_846, %ne3A_847 : i32
      %and3A_849 = arith.andi %ne3A_845, %ne3A_848 : i1
      %sub3A_850 = arith.constant 1 : i32
      %sub3A_851 = arith.subi %div3A_830, %sub3A_850 : i32
      %select_n3A_852 = arith.select %and3A_849, %sub3A_851, %div3A_830 : i32
      %jit3A_853 = arith.constant 8 : i32
      %eq3A_854 = arith.constant 0 : i32
      %eq3A_855 = arith.cmpi eq, %jit3A_853, %eq3A_854 : i32
      %jit3A_856 = arith.constant 1 : i32
      %select_n3A_857 = arith.select %eq3A_855, %jit3A_856, %jit3A_853 : i32
      %rem3A_858 = arith.remsi %add3A_738, %select_n3A_857 : i32
      %ne3A_859 = arith.constant 0 : i32
      %ne3A_860 = arith.cmpi ne, %rem3A_858, %ne3A_859 : i32
      %lt3A_861 = arith.constant 0 : i32
      %lt3A_862 = arith.cmpi slt, %rem3A_858, %lt3A_861 : i32
      %lt3A_863 = arith.constant 0 : i32
      %lt3A_864 = arith.cmpi slt, %select_n3A_857, %lt3A_863 : i32
      %ne3A_865 = arith.xori %lt3A_862, %lt3A_864 : i1
      %and3A_866 = arith.andi %ne3A_865, %ne3A_860 : i1
      %add3A_867 = arith.addi %rem3A_858, %select_n3A_857 : i32
      %select_n3A_868 = arith.select %and3A_866, %add3A_867, %rem3A_858 : i32
      %mul3A_869 = arith.constant 16 : i32
      %mul3A_870 = arith.muli %select_n3A_868, %mul3A_869 : i32
      %get3A_871 = arith.index_cast %select_n3A_852 : i32 to index
      %get3A_872 = arith.index_cast %mul3A_870 : i32 to index
      %get3A_873 = tpu.vector_load %arg7[%get3A_871, %get3A_872] {strides = array<i32>} : memref<79x128xi32, #tpu.memory_space<vmem>>, vector<16xi32>,
      %ge3A_874 = arith.constant 0 : i32
      %ge3A_875 = vector.broadcast %ge3A_874 : i32 to vector<16xi32>
      %ge3A_876 = arith.cmpi sge, %get3A_783, %ge3A_875 : vector<16xi32>
      %lt3A_877 = arith.constant 5000 : i32
      %lt3A_878 = vector.broadcast %lt3A_877 : i32 to vector<16xi32>
      %lt3A_879 = arith.cmpi slt, %get3A_783, %lt3A_878 : vector<16xi32>
      %and3A_880 = arith.andi %ge3A_876, %lt3A_879 : vector<16xi1>
      %mul3A_881 = arith.constant 10000 : i32
      %mul3A_882 = vector.broadcast %mul3A_881 : i32 to vector<16xi32>
      %mul3A_883 = arith.muli %get3A_828, %mul3A_882 : vector<16xi32>
      %add3A_884 = arith.addi %mul3A_883, %get3A_873 : vector<16xi32>
      %mul3A_885 = arith.constant 8192 : i32
      %mul3A_886 = vector.broadcast %mul3A_885 : i32 to vector<16xi32>
      %mul3A_887 = arith.muli %add3A_884, %mul3A_886 : vector<16xi32>
      %sub3A_888 = arith.constant 0 : i32
      %sub3A_889 = vector.broadcast %sub3A_888 : i32 to vector<16xi32>
      %sub3A_890 = arith.subi %get3A_783, %sub3A_889 : vector<16xi32>
      %add3A_891 = arith.addi %mul3A_887, %sub3A_890 : vector<16xi32>
      %swap3A_892 = arith.index_cast %add3A_734 : i32 to index
      %swap3A_893 = tpu.vector_load %arg10[%swap3A_892] masked %and3A_880 {strides = array<i32>} : memref<10240xi32, #tpu.memory_space<vmem>>, vector<16xi32>, vector<16xi1>
      tpu.vector_store %arg10[%swap3A_892], %add3A_891 masked %and3A_880 {strides = array<i32>} : memref<10240xi32, #tpu.memory_space<vmem>>, vector<16xi32>, vector<16xi1>
      %all_reduce_population_count3A_894 = tpu.all_reduce %and3A_880 {dim = 0 : i64, kind = #tpu.reduction_kind<sum>} : vector<16xi1> -> vector<16xi32>
      %slice3A_895 = vector.extract_strided_slice %all_reduce_population_count3A_894 {offsets = [0], sizes = [1], strides = [1]} : vector<16xi32> to vector<1xi32>
      %squeeze3A_896 = vector.extract %slice3A_895[0] : i32 from vector<1xi32>
      %add3A_897 = arith.addi %add3A_734, %squeeze3A_896 : i32
      %mul3A_898 = arith.constant 4 : i32
      %mul3A_899 = arith.muli %mul3A_898, %scan3A_411 : i32
      %add3A_900 = arith.constant 3 : i32
      %add3A_901 = arith.addi %mul3A_899, %add3A_900 : i32
      %jit3A_902 = arith.constant 8 : i32
      %div3A_903 = arith.divsi %add3A_901, %jit3A_902 : i32
      %sign3A_904 = arith.constant 0 : i32
      %sign3A_905 = arith.cmpi sgt, %add3A_901, %sign3A_904 : i32
      %sign3A_906 = arith.extui %sign3A_905 : i1 to i32
      %sign3A_907 = arith.constant 0 : i32
      %sign3A_908 = arith.cmpi slt, %add3A_901, %sign3A_907 : i32
      %sign3A_909 = arith.extui %sign3A_908 : i1 to i32
      %sign3A_910 = arith.subi %sign3A_906, %sign3A_909 : i32
      %sign3A_911 = arith.constant 0 : i32
      %sign3A_912 = arith.cmpi sgt, %jit3A_902, %sign3A_911 : i32
      %sign3A_913 = arith.extui %sign3A_912 : i1 to i32
      %sign3A_914 = arith.constant 0 : i32
      %sign3A_915 = arith.cmpi slt, %jit3A_902, %sign3A_914 : i32
      %sign3A_916 = arith.extui %sign3A_915 : i1 to i32
      %sign3A_917 = arith.subi %sign3A_913, %sign3A_916 : i32
      %ne3A_918 = arith.cmpi ne, %sign3A_910, %sign3A_917 : i32
      %rem3A_919 = arith.remsi %add3A_901, %jit3A_902 : i32
      %ne3A_920 = arith.constant 0 : i32
      %ne3A_921 = arith.cmpi ne, %rem3A_919, %ne3A_920 : i32
      %and3A_922 = arith.andi %ne3A_918, %ne3A_921 : i1
      %sub3A_923 = arith.constant 1 : i32
      %sub3A_924 = arith.subi %div3A_903, %sub3A_923 : i32
      %select_n3A_925 = arith.select %and3A_922, %sub3A_924, %div3A_903 : i32
      %jit3A_926 = arith.constant 8 : i32
      %eq3A_927 = arith.constant 0 : i32
      %eq3A_928 = arith.cmpi eq, %jit3A_926, %eq3A_927 : i32
      %jit3A_929 = arith.constant 1 : i32
      %select_n3A_930 = arith.select %eq3A_928, %jit3A_929, %jit3A_926 : i32
      %rem3A_931 = arith.remsi %add3A_901, %select_n3A_930 : i32
      %ne3A_932 = arith.constant 0 : i32
      %ne3A_933 = arith.cmpi ne, %rem3A_931, %ne3A_932 : i32
      %lt3A_934 = arith.constant 0 : i32
      %lt3A_935 = arith.cmpi slt, %rem3A_931, %lt3A_934 : i32
      %lt3A_936 = arith.constant 0 : i32
      %lt3A_937 = arith.cmpi slt, %select_n3A_930, %lt3A_936 : i32
      %ne3A_938 = arith.xori %lt3A_935, %lt3A_937 : i1
      %and3A_939 = arith.andi %ne3A_938, %ne3A_933 : i1
      %add3A_940 = arith.addi %rem3A_931, %select_n3A_930 : i32
      %select_n3A_941 = arith.select %and3A_939, %add3A_940, %rem3A_931 : i32
      %mul3A_942 = arith.constant 16 : i32
      %mul3A_943 = arith.muli %select_n3A_941, %mul3A_942 : i32
      %get3A_944 = arith.index_cast %select_n3A_925 : i32 to index
      %get3A_945 = arith.index_cast %mul3A_943 : i32 to index
      %get3A_946 = tpu.vector_load %arg9[%get3A_944, %get3A_945] {strides = array<i32>} : memref<79x128xi32, #tpu.memory_space<vmem>>, vector<16xi32>,
      %jit3A_947 = arith.constant 8 : i32
      %div3A_948 = arith.divsi %add3A_901, %jit3A_947 : i32
      %sign3A_949 = arith.constant 0 : i32
      %sign3A_950 = arith.cmpi sgt, %add3A_901, %sign3A_949 : i32
      %sign3A_951 = arith.extui %sign3A_950 : i1 to i32
      %sign3A_952 = arith.constant 0 : i32
      %sign3A_953 = arith.cmpi slt, %add3A_901, %sign3A_952 : i32
      %sign3A_954 = arith.extui %sign3A_953 : i1 to i32
      %sign3A_955 = arith.subi %sign3A_951, %sign3A_954 : i32
      %sign3A_956 = arith.constant 0 : i32
      %sign3A_957 = arith.cmpi sgt, %jit3A_947, %sign3A_956 : i32
      %sign3A_958 = arith.extui %sign3A_957 : i1 to i32
      %sign3A_959 = arith.constant 0 : i32
      %sign3A_960 = arith.cmpi slt, %jit3A_947, %sign3A_959 : i32
      %sign3A_961 = arith.extui %sign3A_960 : i1 to i32
      %sign3A_962 = arith.subi %sign3A_958, %sign3A_961 : i32
      %ne3A_963 = arith.cmpi ne, %sign3A_955, %sign3A_962 : i32
      %rem3A_964 = arith.remsi %add3A_901, %jit3A_947 : i32
      %ne3A_965 = arith.constant 0 : i32
      %ne3A_966 = arith.cmpi ne, %rem3A_964, %ne3A_965 : i32
      %and3A_967 = arith.andi %ne3A_963, %ne3A_966 : i1
      %sub3A_968 = arith.constant 1 : i32
      %sub3A_969 = arith.subi %div3A_948, %sub3A_968 : i32
      %select_n3A_970 = arith.select %and3A_967, %sub3A_969, %div3A_948 : i32
      %jit3A_971 = arith.constant 8 : i32
      %eq3A_972 = arith.constant 0 : i32
      %eq3A_973 = arith.cmpi eq, %jit3A_971, %eq3A_972 : i32
      %jit3A_974 = arith.constant 1 : i32
      %select_n3A_975 = arith.select %eq3A_973, %jit3A_974, %jit3A_971 : i32
      %rem3A_976 = arith.remsi %add3A_901, %select_n3A_975 : i32
      %ne3A_977 = arith.constant 0 : i32
      %ne3A_978 = arith.cmpi ne, %rem3A_976, %ne3A_977 : i32
      %lt3A_979 = arith.constant 0 : i32
      %lt3A_980 = arith.cmpi slt, %rem3A_976, %lt3A_979 : i32
      %lt3A_981 = arith.constant 0 : i32
      %lt3A_982 = arith.cmpi slt, %select_n3A_975, %lt3A_981 : i32
      %ne3A_983 = arith.xori %lt3A_980, %lt3A_982 : i1
      %and3A_984 = arith.andi %ne3A_983, %ne3A_978 : i1
      %add3A_985 = arith.addi %rem3A_976, %select_n3A_975 : i32
      %select_n3A_986 = arith.select %and3A_984, %add3A_985, %rem3A_976 : i32
      %mul3A_987 = arith.constant 16 : i32
      %mul3A_988 = arith.muli %select_n3A_986, %mul3A_987 : i32
      %get3A_989 = arith.index_cast %select_n3A_970 : i32 to index
      %get3A_990 = arith.index_cast %mul3A_988 : i32 to index
      %get3A_991 = tpu.vector_load %arg8[%get3A_989, %get3A_990] {strides = array<i32>} : memref<79x128xi32, #tpu.memory_space<vmem>>, vector<16xi32>,
      %jit3A_992 = arith.constant 8 : i32
      %div3A_993 = arith.divsi %add3A_901, %jit3A_992 : i32
      %sign3A_994 = arith.constant 0 : i32
      %sign3A_995 = arith.cmpi sgt, %add3A_901, %sign3A_994 : i32
      %sign3A_996 = arith.extui %sign3A_995 : i1 to i32
      %sign3A_997 = arith.constant 0 : i32
      %sign3A_998 = arith.cmpi slt, %add3A_901, %sign3A_997 : i32
      %sign3A_999 = arith.extui %sign3A_998 : i1 to i32
      %sign3A_1000 = arith.subi %sign3A_996, %sign3A_999 : i32
      %sign3A_1001 = arith.constant 0 : i32
      %sign3A_1002 = arith.cmpi sgt, %jit3A_992, %sign3A_1001 : i32
      %sign3A_1003 = arith.extui %sign3A_1002 : i1 to i32
      %sign3A_1004 = arith.constant 0 : i32
      %sign3A_1005 = arith.cmpi slt, %jit3A_992, %sign3A_1004 : i32
      %sign3A_1006 = arith.extui %sign3A_1005 : i1 to i32
      %sign3A_1007 = arith.subi %sign3A_1003, %sign3A_1006 : i32
      %ne3A_1008 = arith.cmpi ne, %sign3A_1000, %sign3A_1007 : i32
      %rem3A_1009 = arith.remsi %add3A_901, %jit3A_992 : i32
      %ne3A_1010 = arith.constant 0 : i32
      %ne3A_1011 = arith.cmpi ne, %rem3A_1009, %ne3A_1010 : i32
      %and3A_1012 = arith.andi %ne3A_1008, %ne3A_1011 : i1
      %sub3A_1013 = arith.constant 1 : i32
      %sub3A_1014 = arith.subi %div3A_993, %sub3A_1013 : i32
      %select_n3A_1015 = arith.select %and3A_1012, %sub3A_1014, %div3A_993 : i32
      %jit3A_1016 = arith.constant 8 : i32
      %eq3A_1017 = arith.constant 0 : i32
      %eq3A_1018 = arith.cmpi eq, %jit3A_1016, %eq3A_1017 : i32
      %jit3A_1019 = arith.constant 1 : i32
      %select_n3A_1020 = arith.select %eq3A_1018, %jit3A_1019, %jit3A_1016 : i32
      %rem3A_1021 = arith.remsi %add3A_901, %select_n3A_1020 : i32
      %ne3A_1022 = arith.constant 0 : i32
      %ne3A_1023 = arith.cmpi ne, %rem3A_1021, %ne3A_1022 : i32
      %lt3A_1024 = arith.constant 0 : i32
      %lt3A_1025 = arith.cmpi slt, %rem3A_1021, %lt3A_1024 : i32
      %lt3A_1026 = arith.constant 0 : i32
      %lt3A_1027 = arith.cmpi slt, %select_n3A_1020, %lt3A_1026 : i32
      %ne3A_1028 = arith.xori %lt3A_1025, %lt3A_1027 : i1
      %and3A_1029 = arith.andi %ne3A_1028, %ne3A_1023 : i1
      %add3A_1030 = arith.addi %rem3A_1021, %select_n3A_1020 : i32
      %select_n3A_1031 = arith.select %and3A_1029, %add3A_1030, %rem3A_1021 : i32
      %mul3A_1032 = arith.constant 16 : i32
      %mul3A_1033 = arith.muli %select_n3A_1031, %mul3A_1032 : i32
      %get3A_1034 = arith.index_cast %select_n3A_1015 : i32 to index
      %get3A_1035 = arith.index_cast %mul3A_1033 : i32 to index
      %get3A_1036 = tpu.vector_load %arg7[%get3A_1034, %get3A_1035] {strides = array<i32>} : memref<79x128xi32, #tpu.memory_space<vmem>>, vector<16xi32>,
      %ge3A_1037 = arith.constant 0 : i32
      %ge3A_1038 = vector.broadcast %ge3A_1037 : i32 to vector<16xi32>
      %ge3A_1039 = arith.cmpi sge, %get3A_946, %ge3A_1038 : vector<16xi32>
      %lt3A_1040 = arith.constant 5000 : i32
      %lt3A_1041 = vector.broadcast %lt3A_1040 : i32 to vector<16xi32>
      %lt3A_1042 = arith.cmpi slt, %get3A_946, %lt3A_1041 : vector<16xi32>
      %and3A_1043 = arith.andi %ge3A_1039, %lt3A_1042 : vector<16xi1>
      %mul3A_1044 = arith.constant 10000 : i32
      %mul3A_1045 = vector.broadcast %mul3A_1044 : i32 to vector<16xi32>
      %mul3A_1046 = arith.muli %get3A_991, %mul3A_1045 : vector<16xi32>
      %add3A_1047 = arith.addi %mul3A_1046, %get3A_1036 : vector<16xi32>
      %mul3A_1048 = arith.constant 8192 : i32
      %mul3A_1049 = vector.broadcast %mul3A_1048 : i32 to vector<16xi32>
      %mul3A_1050 = arith.muli %add3A_1047, %mul3A_1049 : vector<16xi32>
      %sub3A_1051 = arith.constant 0 : i32
      %sub3A_1052 = vector.broadcast %sub3A_1051 : i32 to vector<16xi32>
      %sub3A_1053 = arith.subi %get3A_946, %sub3A_1052 : vector<16xi32>
      %add3A_1054 = arith.addi %mul3A_1050, %sub3A_1053 : vector<16xi32>
      %swap3A_1055 = arith.index_cast %add3A_897 : i32 to index
      %swap3A_1056 = tpu.vector_load %arg10[%swap3A_1055] masked %and3A_1043 {strides = array<i32>} : memref<10240xi32, #tpu.memory_space<vmem>>, vector<16xi32>, vector<16xi1>
      tpu.vector_store %arg10[%swap3A_1055], %add3A_1054 masked %and3A_1043 {strides = array<i32>} : memref<10240xi32, #tpu.memory_space<vmem>>, vector<16xi32>, vector<16xi1>
      %all_reduce_population_count3A_1057 = tpu.all_reduce %and3A_1043 {dim = 0 : i64, kind = #tpu.reduction_kind<sum>} : vector<16xi1> -> vector<16xi32>
      %slice3A_1058 = vector.extract_strided_slice %all_reduce_population_count3A_1057 {offsets = [0], sizes = [1], strides = [1]} : vector<16xi32> to vector<1xi32>
      %squeeze3A_1059 = vector.extract %slice3A_1058[0] : i32 from vector<1xi32>
      %add3A_1060 = arith.addi %add3A_897, %squeeze3A_1059 : i32
      scf.yield %add3A_1060 : i32
    }
    %scan3A_15 = arith.constant 158 : i32
    %add3A_16 = arith.constant 128 : i32
    %add3A_17 = arith.addi %scan3A_14, %add3A_16 : i32
    %sub3A = arith.constant 1 : i32
    %sub3A_18 = arith.subi %add3A_17, %sub3A : i32
    %jit3A = arith.constant 128 : i32
    %div3A = arith.divsi %sub3A_18, %jit3A : i32
    %sign3A = arith.constant 0 : i32
    %sign3A_19 = arith.cmpi sgt, %sub3A_18, %sign3A : i32
    %sign3A_20 = arith.extui %sign3A_19 : i1 to i32
    %sign3A_21 = arith.constant 0 : i32
    %sign3A_22 = arith.cmpi slt, %sub3A_18, %sign3A_21 : i32
    %sign3A_23 = arith.extui %sign3A_22 : i1 to i32
    %sign3A_24 = arith.subi %sign3A_20, %sign3A_23 : i32
    %sign3A_25 = arith.constant 0 : i32
    %sign3A_26 = arith.cmpi sgt, %jit3A, %sign3A_25 : i32
    %sign3A_27 = arith.extui %sign3A_26 : i1 to i32
    %sign3A_28 = arith.constant 0 : i32
    %sign3A_29 = arith.cmpi slt, %jit3A, %sign3A_28 : i32
    %sign3A_30 = arith.extui %sign3A_29 : i1 to i32
    %sign3A_31 = arith.subi %sign3A_27, %sign3A_30 : i32
    %ne3A = arith.cmpi ne, %sign3A_24, %sign3A_31 : i32
    %rem3A = arith.remsi %sub3A_18, %jit3A : i32
    %ne3A_32 = arith.constant 0 : i32
    %ne3A_33 = arith.cmpi ne, %rem3A, %ne3A_32 : i32
    %and3A = arith.andi %ne3A, %ne3A_33 : i1
    %sub3A_34 = arith.constant 1 : i32
    %sub3A_35 = arith.subi %div3A, %sub3A_34 : i32
    %select_n3A = arith.select %and3A, %sub3A_35, %div3A : i32
    %jit3A_36 = arith.constant 16 : i32
    %div3A_37 = arith.divsi %scan3A_14, %jit3A_36 : i32
    %sign3A_38 = arith.constant 0 : i32
    %sign3A_39 = arith.cmpi sgt, %scan3A_14, %sign3A_38 : i32
    %sign3A_40 = arith.extui %sign3A_39 : i1 to i32
    %sign3A_41 = arith.constant 0 : i32
    %sign3A_42 = arith.cmpi slt, %scan3A_14, %sign3A_41 : i32
    %sign3A_43 = arith.extui %sign3A_42 : i1 to i32
    %sign3A_44 = arith.subi %sign3A_40, %sign3A_43 : i32
    %sign3A_45 = arith.constant 0 : i32
    %sign3A_46 = arith.cmpi sgt, %jit3A_36, %sign3A_45 : i32
    %sign3A_47 = arith.extui %sign3A_46 : i1 to i32
    %sign3A_48 = arith.constant 0 : i32
    %sign3A_49 = arith.cmpi slt, %jit3A_36, %sign3A_48 : i32
    %sign3A_50 = arith.extui %sign3A_49 : i1 to i32
    %sign3A_51 = arith.subi %sign3A_47, %sign3A_50 : i32
    %ne3A_52 = arith.cmpi ne, %sign3A_44, %sign3A_51 : i32
    %rem3A_53 = arith.remsi %scan3A_14, %jit3A_36 : i32
    %ne3A_54 = arith.constant 0 : i32
    %ne3A_55 = arith.cmpi ne, %rem3A_53, %ne3A_54 : i32
    %and3A_56 = arith.andi %ne3A_52, %ne3A_55 : i1
    %sub3A_57 = arith.constant 1 : i32
    %sub3A_58 = arith.subi %div3A_37, %sub3A_57 : i32
    %select_n3A_59 = arith.select %and3A_56, %sub3A_58, %div3A_37 : i32
    %mul3A_60 = arith.constant 16 : i32
    %mul3A_61 = arith.muli %select_n3A_59, %mul3A_60 : i32
    %add3A_62 = vector.broadcast %mul3A_61 : i32 to vector<16xi32>
    %add3A_63 = arith.addi %add3A_62, %iota3A : vector<16xi32>
    %lt3A = vector.broadcast %scan3A_14 : i32 to vector<16xi32>
    %lt3A_64 = arith.cmpi slt, %add3A_63, %lt3A : vector<16xi32>
    %get3A = arith.index_cast %mul3A_61 : i32 to index
    %get3A_65 = tpu.vector_load %arg10[%get3A] {strides = array<i32>} : memref<10240xi32, #tpu.memory_space<vmem>>, vector<16xi32>,
    %select_n3A_66 = arith.select %lt3A_64, %get3A_65, %broadcast_in_dim3A_8 : vector<16xi1>, vector<16xi32>
    %swap3A = arith.index_cast %mul3A_61 : i32 to index
    %swap3A_67 = tpu.vector_load %arg10[%swap3A] {strides = array<i32>} : memref<10240xi32, #tpu.memory_space<vmem>>, vector<16xi32>,
    tpu.vector_store %arg10[%swap3A], %select_n3A_66 {strides = array<i32>} : memref<10240xi32, #tpu.memory_space<vmem>>, vector<16xi32>,
    %add3A_68 = arith.constant 1 : i32
    %add3A_69 = arith.addi %select_n3A_59, %add3A_68 : i32
    %mul3A_70 = arith.constant 8 : i32
    %mul3A_71 = arith.muli %select_n3A, %mul3A_70 : i32
    %while3A = arith.constant 0 : i32
    %while3A_72 = arith.subi %mul3A_71, %add3A_69 : i32
    %while3A_73 = arith.addi %add3A_69, %while3A_72 : i32
    %while3A_74 = arith.constant 1 : i32
    %while3A_75 = arith.divsi %while3A_72, %while3A_74 : i32
    %while3A_76 = arith.muli %while3A_75, %while3A_74 : i32
    %while3A_77 = arith.addi %add3A_69, %while3A_76 : i32
    %while3A_78 = arith.constant 1 : i32
    scf.for %while3A_411 = %add3A_69 to %while3A_77 step %while3A_78  : i32 {
      %mul3A_412 = arith.constant 16 : i32
      %mul3A_413 = arith.muli %while3A_411, %mul3A_412 : i32
      %swap3A_414 = arith.index_cast %mul3A_413 : i32 to index
      %swap3A_415 = tpu.vector_load %arg10[%swap3A_414] {strides = array<i32>} : memref<10240xi32, #tpu.memory_space<vmem>>, vector<16xi32>,
      tpu.vector_store %arg10[%swap3A_414], %broadcast_in_dim3A_8 {strides = array<i32>} : memref<10240xi32, #tpu.memory_space<vmem>>, vector<16xi32>,
    }
    %while3A_79 = arith.constant 1 : i32
    scf.for %while3A_411 = %while3A_77 to %while3A_73 step %while3A_79  : i32 {
      %mul3A_412 = arith.constant 16 : i32
      %mul3A_413 = arith.muli %while3A_411, %mul3A_412 : i32
      %swap3A_414 = arith.index_cast %mul3A_413 : i32 to index
      %swap3A_415 = tpu.vector_load %arg10[%swap3A_414] {strides = array<i32>} : memref<10240xi32, #tpu.memory_space<vmem>>, vector<16xi32>,
      tpu.vector_store %arg10[%swap3A_414], %broadcast_in_dim3A_8 {strides = array<i32>} : memref<10240xi32, #tpu.memory_space<vmem>>, vector<16xi32>,
    }
    %mul3A_80 = arith.constant 8 : i32
    %mul3A_81 = arith.muli %select_n3A, %mul3A_80 : i32
    %while3A_82 = arith.constant 0 : i32
    %while3A_83 = arith.constant 0 : i32
    %while3A_84 = arith.subi %mul3A_81, %while3A_83 : i32
    %while3A_85 = arith.addi %while3A_83, %while3A_84 : i32
    %while3A_86 = arith.constant 1 : i32
    %while3A_87 = arith.divsi %while3A_84, %while3A_86 : i32
    %while3A_88 = arith.muli %while3A_87, %while3A_86 : i32
    %while3A_89 = arith.addi %while3A_83, %while3A_88 : i32
    %while3A_90 = arith.constant 1 : i32
    scf.for %while3A_411 = %while3A_83 to %while3A_89 step %while3A_90  : i32 {
      %mul3A_412 = arith.constant 16 : i32
      %mul3A_413 = arith.muli %while3A_411, %mul3A_412 : i32
      %get3A_414 = arith.index_cast %mul3A_413 : i32 to index
      %get3A_415 = tpu.vector_load %arg10[%get3A_414] {strides = array<i32>} : memref<10240xi32, #tpu.memory_space<vmem>>, vector<16xi32>,
      %jit3A_416 = arith.constant 8192 : i32
      %eq3A_417 = arith.constant 0 : i32
      %eq3A_418 = arith.cmpi eq, %jit3A_416, %eq3A_417 : i32
      %jit3A_419 = arith.constant 1 : i32
      %select_n3A_420 = arith.select %eq3A_418, %jit3A_419, %jit3A_416 : i32
      %rem3A_421 = vector.broadcast %select_n3A_420 : i32 to vector<16xi32>
      %rem3A_422 = arith.remsi %get3A_415, %rem3A_421 : vector<16xi32>
      %ne3A_423 = arith.constant 0 : i32
      %ne3A_424 = vector.broadcast %ne3A_423 : i32 to vector<16xi32>
      %ne3A_425 = arith.cmpi ne, %rem3A_422, %ne3A_424 : vector<16xi32>
      %lt3A_426 = arith.constant 0 : i32
      %lt3A_427 = vector.broadcast %lt3A_426 : i32 to vector<16xi32>
      %lt3A_428 = arith.cmpi slt, %rem3A_422, %lt3A_427 : vector<16xi32>
      %lt3A_429 = arith.constant 0 : i32
      %lt3A_430 = arith.cmpi slt, %select_n3A_420, %lt3A_429 : i32
      %ne3A_431 = vector.broadcast %lt3A_430 : i1 to vector<16xi1>
      %ne3A_432 = vector.broadcast %ne3A_431 : vector<16xi1> to vector<16xi1>
      %ne3A_433 = arith.xori %lt3A_428, %ne3A_432 : vector<16xi1>
      %and3A_434 = arith.andi %ne3A_433, %ne3A_425 : vector<16xi1>
      %add3A_435 = vector.broadcast %select_n3A_420 : i32 to vector<16xi32>
      %add3A_436 = arith.addi %rem3A_422, %add3A_435 : vector<16xi32>
      %select_n3A_437 = arith.select %and3A_434, %add3A_436, %rem3A_422 : vector<16xi1>, vector<16xi32>
      %jit3A_438 = arith.constant 8 : i32
      %div3A_439 = arith.divsi %while3A_411, %jit3A_438 : i32
      %sign3A_440 = arith.constant 0 : i32
      %sign3A_441 = arith.cmpi sgt, %while3A_411, %sign3A_440 : i32
      %sign3A_442 = arith.extui %sign3A_441 : i1 to i32
      %sign3A_443 = arith.constant 0 : i32
      %sign3A_444 = arith.cmpi slt, %while3A_411, %sign3A_443 : i32
      %sign3A_445 = arith.extui %sign3A_444 : i1 to i32
      %sign3A_446 = arith.subi %sign3A_442, %sign3A_445 : i32
      %sign3A_447 = arith.constant 0 : i32
      %sign3A_448 = arith.cmpi sgt, %jit3A_438, %sign3A_447 : i32
      %sign3A_449 = arith.extui %sign3A_448 : i1 to i32
      %sign3A_450 = arith.constant 0 : i32
      %sign3A_451 = arith.cmpi slt, %jit3A_438, %sign3A_450 : i32
      %sign3A_452 = arith.extui %sign3A_451 : i1 to i32
      %sign3A_453 = arith.subi %sign3A_449, %sign3A_452 : i32
      %ne3A_454 = arith.cmpi ne, %sign3A_446, %sign3A_453 : i32
      %rem3A_455 = arith.remsi %while3A_411, %jit3A_438 : i32
      %ne3A_456 = arith.constant 0 : i32
      %ne3A_457 = arith.cmpi ne, %rem3A_455, %ne3A_456 : i32
      %and3A_458 = arith.andi %ne3A_454, %ne3A_457 : i1
      %sub3A_459 = arith.constant 1 : i32
      %sub3A_460 = arith.subi %div3A_439, %sub3A_459 : i32
      %select_n3A_461 = arith.select %and3A_458, %sub3A_460, %div3A_439 : i32
      %jit3A_462 = arith.constant 8 : i32
      %eq3A_463 = arith.constant 0 : i32
      %eq3A_464 = arith.cmpi eq, %jit3A_462, %eq3A_463 : i32
      %jit3A_465 = arith.constant 1 : i32
      %select_n3A_466 = arith.select %eq3A_464, %jit3A_465, %jit3A_462 : i32
      %rem3A_467 = arith.remsi %while3A_411, %select_n3A_466 : i32
      %ne3A_468 = arith.constant 0 : i32
      %ne3A_469 = arith.cmpi ne, %rem3A_467, %ne3A_468 : i32
      %lt3A_470 = arith.constant 0 : i32
      %lt3A_471 = arith.cmpi slt, %rem3A_467, %lt3A_470 : i32
      %lt3A_472 = arith.constant 0 : i32
      %lt3A_473 = arith.cmpi slt, %select_n3A_466, %lt3A_472 : i32
      %ne3A_474 = arith.xori %lt3A_471, %lt3A_473 : i1
      %and3A_475 = arith.andi %ne3A_474, %ne3A_469 : i1
      %add3A_476 = arith.addi %rem3A_467, %select_n3A_466 : i32
      %select_n3A_477 = arith.select %and3A_475, %add3A_476, %rem3A_467 : i32
      %mul3A_478 = arith.constant 16 : i32
      %mul3A_479 = arith.muli %select_n3A_477, %mul3A_478 : i32
      %swap3A_480 = arith.index_cast %select_n3A_461 : i32 to index
      %swap3A_481 = arith.index_cast %mul3A_479 : i32 to index
      %swap3A_482 = tpu.vector_load %arg11[%swap3A_480, %swap3A_481] {strides = array<i32>} : memref<80x128xi32, #tpu.memory_space<vmem>>, vector<16xi32>,
      tpu.vector_store %arg11[%swap3A_480, %swap3A_481], %select_n3A_437 {strides = array<i32>} : memref<80x128xi32, #tpu.memory_space<vmem>>, vector<16xi32>,
      %jit3A_483 = arith.constant 8192 : i32
      %div3A_484 = vector.broadcast %jit3A_483 : i32 to vector<16xi32>
      %div3A_485 = arith.divsi %get3A_415, %div3A_484 : vector<16xi32>
      %sign3A_486 = arith.constant 0 : i32
      %sign3A_487 = vector.broadcast %sign3A_486 : i32 to vector<16xi32>
      %sign3A_488 = arith.cmpi sgt, %get3A_415, %sign3A_487 : vector<16xi32>
      %sign3A_489 = arith.extui %sign3A_488 : vector<16xi1> to vector<16xi32>
      %sign3A_490 = arith.constant 0 : i32
      %sign3A_491 = vector.broadcast %sign3A_490 : i32 to vector<16xi32>
      %sign3A_492 = arith.cmpi slt, %get3A_415, %sign3A_491 : vector<16xi32>
      %sign3A_493 = arith.extui %sign3A_492 : vector<16xi1> to vector<16xi32>
      %sign3A_494 = arith.subi %sign3A_489, %sign3A_493 : vector<16xi32>
      %sign3A_495 = arith.constant 0 : i32
      %sign3A_496 = arith.cmpi sgt, %jit3A_483, %sign3A_495 : i32
      %sign3A_497 = arith.extui %sign3A_496 : i1 to i32
      %sign3A_498 = arith.constant 0 : i32
      %sign3A_499 = arith.cmpi slt, %jit3A_483, %sign3A_498 : i32
      %sign3A_500 = arith.extui %sign3A_499 : i1 to i32
      %sign3A_501 = arith.subi %sign3A_497, %sign3A_500 : i32
      %ne3A_502 = vector.broadcast %sign3A_501 : i32 to vector<16xi32>
      %ne3A_503 = arith.cmpi ne, %sign3A_494, %ne3A_502 : vector<16xi32>
      %rem3A_504 = vector.broadcast %jit3A_483 : i32 to vector<16xi32>
      %rem3A_505 = arith.remsi %get3A_415, %rem3A_504 : vector<16xi32>
      %ne3A_506 = arith.constant 0 : i32
      %ne3A_507 = vector.broadcast %ne3A_506 : i32 to vector<16xi32>
      %ne3A_508 = arith.cmpi ne, %rem3A_505, %ne3A_507 : vector<16xi32>
      %and3A_509 = arith.andi %ne3A_503, %ne3A_508 : vector<16xi1>
      %sub3A_510 = arith.constant 1 : i32
      %sub3A_511 = vector.broadcast %sub3A_510 : i32 to vector<16xi32>
      %sub3A_512 = arith.subi %div3A_485, %sub3A_511 : vector<16xi32>
      %select_n3A_513 = arith.select %and3A_509, %sub3A_512, %div3A_485 : vector<16xi1>, vector<16xi32>
      %mul3A_514 = arith.constant 16 : i32
      %mul3A_515 = arith.muli %while3A_411, %mul3A_514 : i32
      %swap3A_516 = arith.index_cast %mul3A_515 : i32 to index
      %swap3A_517 = tpu.vector_load %arg10[%swap3A_516] {strides = array<i32>} : memref<10240xi32, #tpu.memory_space<vmem>>, vector<16xi32>,
      tpu.vector_store %arg10[%swap3A_516], %select_n3A_513 {strides = array<i32>} : memref<10240xi32, #tpu.memory_space<vmem>>, vector<16xi32>,
    }
    %while3A_91 = arith.constant 1 : i32
    scf.for %while3A_411 = %while3A_89 to %while3A_85 step %while3A_91  : i32 {
      %mul3A_412 = arith.constant 16 : i32
      %mul3A_413 = arith.muli %while3A_411, %mul3A_412 : i32
      %get3A_414 = arith.index_cast %mul3A_413 : i32 to index
      %get3A_415 = tpu.vector_load %arg10[%get3A_414] {strides = array<i32>} : memref<10240xi32, #tpu.memory_space<vmem>>, vector<16xi32>,
      %jit3A_416 = arith.constant 8192 : i32
      %eq3A_417 = arith.constant 0 : i32
      %eq3A_418 = arith.cmpi eq, %jit3A_416, %eq3A_417 : i32
      %jit3A_419 = arith.constant 1 : i32
      %select_n3A_420 = arith.select %eq3A_418, %jit3A_419, %jit3A_416 : i32
      %rem3A_421 = vector.broadcast %select_n3A_420 : i32 to vector<16xi32>
      %rem3A_422 = arith.remsi %get3A_415, %rem3A_421 : vector<16xi32>
      %ne3A_423 = arith.constant 0 : i32
      %ne3A_424 = vector.broadcast %ne3A_423 : i32 to vector<16xi32>
      %ne3A_425 = arith.cmpi ne, %rem3A_422, %ne3A_424 : vector<16xi32>
      %lt3A_426 = arith.constant 0 : i32
      %lt3A_427 = vector.broadcast %lt3A_426 : i32 to vector<16xi32>
      %lt3A_428 = arith.cmpi slt, %rem3A_422, %lt3A_427 : vector<16xi32>
      %lt3A_429 = arith.constant 0 : i32
      %lt3A_430 = arith.cmpi slt, %select_n3A_420, %lt3A_429 : i32
      %ne3A_431 = vector.broadcast %lt3A_430 : i1 to vector<16xi1>
      %ne3A_432 = vector.broadcast %ne3A_431 : vector<16xi1> to vector<16xi1>
      %ne3A_433 = arith.xori %lt3A_428, %ne3A_432 : vector<16xi1>
      %and3A_434 = arith.andi %ne3A_433, %ne3A_425 : vector<16xi1>
      %add3A_435 = vector.broadcast %select_n3A_420 : i32 to vector<16xi32>
      %add3A_436 = arith.addi %rem3A_422, %add3A_435 : vector<16xi32>
      %select_n3A_437 = arith.select %and3A_434, %add3A_436, %rem3A_422 : vector<16xi1>, vector<16xi32>
      %jit3A_438 = arith.constant 8 : i32
      %div3A_439 = arith.divsi %while3A_411, %jit3A_438 : i32
      %sign3A_440 = arith.constant 0 : i32
      %sign3A_441 = arith.cmpi sgt, %while3A_411, %sign3A_440 : i32
      %sign3A_442 = arith.extui %sign3A_441 : i1 to i32
      %sign3A_443 = arith.constant 0 : i32
      %sign3A_444 = arith.cmpi slt, %while3A_411, %sign3A_443 : i32
      %sign3A_445 = arith.extui %sign3A_444 : i1 to i32
      %sign3A_446 = arith.subi %sign3A_442, %sign3A_445 : i32
      %sign3A_447 = arith.constant 0 : i32
      %sign3A_448 = arith.cmpi sgt, %jit3A_438, %sign3A_447 : i32
      %sign3A_449 = arith.extui %sign3A_448 : i1 to i32
      %sign3A_450 = arith.constant 0 : i32
      %sign3A_451 = arith.cmpi slt, %jit3A_438, %sign3A_450 : i32
      %sign3A_452 = arith.extui %sign3A_451 : i1 to i32
      %sign3A_453 = arith.subi %sign3A_449, %sign3A_452 : i32
      %ne3A_454 = arith.cmpi ne, %sign3A_446, %sign3A_453 : i32
      %rem3A_455 = arith.remsi %while3A_411, %jit3A_438 : i32
      %ne3A_456 = arith.constant 0 : i32
      %ne3A_457 = arith.cmpi ne, %rem3A_455, %ne3A_456 : i32
      %and3A_458 = arith.andi %ne3A_454, %ne3A_457 : i1
      %sub3A_459 = arith.constant 1 : i32
      %sub3A_460 = arith.subi %div3A_439, %sub3A_459 : i32
      %select_n3A_461 = arith.select %and3A_458, %sub3A_460, %div3A_439 : i32
      %jit3A_462 = arith.constant 8 : i32
      %eq3A_463 = arith.constant 0 : i32
      %eq3A_464 = arith.cmpi eq, %jit3A_462, %eq3A_463 : i32
      %jit3A_465 = arith.constant 1 : i32
      %select_n3A_466 = arith.select %eq3A_464, %jit3A_465, %jit3A_462 : i32
      %rem3A_467 = arith.remsi %while3A_411, %select_n3A_466 : i32
      %ne3A_468 = arith.constant 0 : i32
      %ne3A_469 = arith.cmpi ne, %rem3A_467, %ne3A_468 : i32
      %lt3A_470 = arith.constant 0 : i32
      %lt3A_471 = arith.cmpi slt, %rem3A_467, %lt3A_470 : i32
      %lt3A_472 = arith.constant 0 : i32
      %lt3A_473 = arith.cmpi slt, %select_n3A_466, %lt3A_472 : i32
      %ne3A_474 = arith.xori %lt3A_471, %lt3A_473 : i1
      %and3A_475 = arith.andi %ne3A_474, %ne3A_469 : i1
      %add3A_476 = arith.addi %rem3A_467, %select_n3A_466 : i32
      %select_n3A_477 = arith.select %and3A_475, %add3A_476, %rem3A_467 : i32
      %mul3A_478 = arith.constant 16 : i32
      %mul3A_479 = arith.muli %select_n3A_477, %mul3A_478 : i32
      %swap3A_480 = arith.index_cast %select_n3A_461 : i32 to index
      %swap3A_481 = arith.index_cast %mul3A_479 : i32 to index
      %swap3A_482 = tpu.vector_load %arg11[%swap3A_480, %swap3A_481] {strides = array<i32>} : memref<80x128xi32, #tpu.memory_space<vmem>>, vector<16xi32>,
      tpu.vector_store %arg11[%swap3A_480, %swap3A_481], %select_n3A_437 {strides = array<i32>} : memref<80x128xi32, #tpu.memory_space<vmem>>, vector<16xi32>,
      %jit3A_483 = arith.constant 8192 : i32
      %div3A_484 = vector.broadcast %jit3A_483 : i32 to vector<16xi32>
      %div3A_485 = arith.divsi %get3A_415, %div3A_484 : vector<16xi32>
      %sign3A_486 = arith.constant 0 : i32
      %sign3A_487 = vector.broadcast %sign3A_486 : i32 to vector<16xi32>
      %sign3A_488 = arith.cmpi sgt, %get3A_415, %sign3A_487 : vector<16xi32>
      %sign3A_489 = arith.extui %sign3A_488 : vector<16xi1> to vector<16xi32>
      %sign3A_490 = arith.constant 0 : i32
      %sign3A_491 = vector.broadcast %sign3A_490 : i32 to vector<16xi32>
      %sign3A_492 = arith.cmpi slt, %get3A_415, %sign3A_491 : vector<16xi32>
      %sign3A_493 = arith.extui %sign3A_492 : vector<16xi1> to vector<16xi32>
      %sign3A_494 = arith.subi %sign3A_489, %sign3A_493 : vector<16xi32>
      %sign3A_495 = arith.constant 0 : i32
      %sign3A_496 = arith.cmpi sgt, %jit3A_483, %sign3A_495 : i32
      %sign3A_497 = arith.extui %sign3A_496 : i1 to i32
      %sign3A_498 = arith.constant 0 : i32
      %sign3A_499 = arith.cmpi slt, %jit3A_483, %sign3A_498 : i32
      %sign3A_500 = arith.extui %sign3A_499 : i1 to i32
      %sign3A_501 = arith.subi %sign3A_497, %sign3A_500 : i32
      %ne3A_502 = vector.broadcast %sign3A_501 : i32 to vector<16xi32>
      %ne3A_503 = arith.cmpi ne, %sign3A_494, %ne3A_502 : vector<16xi32>
      %rem3A_504 = vector.broadcast %jit3A_483 : i32 to vector<16xi32>
      %rem3A_505 = arith.remsi %get3A_415, %rem3A_504 : vector<16xi32>
      %ne3A_506 = arith.constant 0 : i32
      %ne3A_507 = vector.broadcast %ne3A_506 : i32 to vector<16xi32>
      %ne3A_508 = arith.cmpi ne, %rem3A_505, %ne3A_507 : vector<16xi32>
      %and3A_509 = arith.andi %ne3A_503, %ne3A_508 : vector<16xi1>
      %sub3A_510 = arith.constant 1 : i32
      %sub3A_511 = vector.broadcast %sub3A_510 : i32 to vector<16xi32>
      %sub3A_512 = arith.subi %div3A_485, %sub3A_511 : vector<16xi32>
      %select_n3A_513 = arith.select %and3A_509, %sub3A_512, %div3A_485 : vector<16xi1>, vector<16xi32>
      %mul3A_514 = arith.constant 16 : i32
      %mul3A_515 = arith.muli %while3A_411, %mul3A_514 : i32
      %swap3A_516 = arith.index_cast %mul3A_515 : i32 to index
      %swap3A_517 = tpu.vector_load %arg10[%swap3A_516] {strides = array<i32>} : memref<10240xi32, #tpu.memory_space<vmem>>, vector<16xi32>,
      tpu.vector_store %arg10[%swap3A_516], %select_n3A_513 {strides = array<i32>} : memref<10240xi32, #tpu.memory_space<vmem>>, vector<16xi32>,
    }
    %mul3A_92 = arith.constant 320 : i32
    %mul3A_93 = arith.muli %arg1, %mul3A_92 : i32
    %add3A_94 = arith.constant 0 : i32
    %add3A_95 = arith.addi %mul3A_93, %add3A_94 : i32
    "tpu.region"() ({
      %run_scoped3A = tpu.sem_alloc : memref<!tpu.dma_semaphore, #tpu.memory_space<semaphore_mem>>
      %dma_start3A = arith.constant 0 : i32
      %dma_start3A_411 = tpu.memref_slice %arg15[%add3A_95, %dma_start3A] : memref<5120x128xf32, #tpu.memory_space<vmem_shared>> -> memref<16x128xf32, #tpu.memory_space<vmem_shared>>
      %dma_start3A_412 = arith.constant 0 : i32
      %dma_start3A_413 = tpu.memref_slice %arg15[%add3A_95, %dma_start3A_412] : memref<5120x128xf32, #tpu.memory_space<vmem_shared>> -> memref<16x128xf32, #tpu.memory_space<vmem_shared>>
      tpu.enqueue_dma source(%arg14 : memref<16x128xf32, #tpu.memory_space<vmem>>) target(%dma_start3A_413 : memref<16x128xf32, #tpu.memory_space<vmem_shared>>) target_semaphore(%run_scoped3A : memref<!tpu.dma_semaphore, #tpu.memory_space<semaphore_mem>>)
      %dma_wait3A = arith.constant 0 : i32
      %dma_wait3A_414 = tpu.memref_slice %arg15[%add3A_95, %dma_wait3A] : memref<5120x128xf32, #tpu.memory_space<vmem_shared>> -> memref<16x128xf32, #tpu.memory_space<vmem_shared>>
      %dma_wait3A_415 = arith.constant 0 : i32
      %dma_wait3A_416 = tpu.memref_slice %arg15[%add3A_95, %dma_wait3A_415] : memref<5120x128xf32, #tpu.memory_space<vmem_shared>> -> memref<16x128xf32, #tpu.memory_space<vmem_shared>>
      tpu.wait_dma2 semaphore(%run_scoped3A : memref<!tpu.dma_semaphore, #tpu.memory_space<semaphore_mem>>) src(%arg14 : memref<16x128xf32, #tpu.memory_space<vmem>>) dst(%dma_wait3A_416 : memref<16x128xf32, #tpu.memory_space<vmem_shared>>)
      tpu.yield
    }) : () -> ()
    %add3A_96 = arith.constant 16 : i32
    %add3A_97 = arith.addi %mul3A_93, %add3A_96 : i32
    "tpu.region"() ({
      %run_scoped3A = tpu.sem_alloc : memref<!tpu.dma_semaphore, #tpu.memory_space<semaphore_mem>>
      %dma_start3A = arith.constant 0 : i32
      %dma_start3A_411 = tpu.memref_slice %arg15[%add3A_97, %dma_start3A] : memref<5120x128xf32, #tpu.memory_space<vmem_shared>> -> memref<16x128xf32, #tpu.memory_space<vmem_shared>>
      %dma_start3A_412 = arith.constant 0 : i32
      %dma_start3A_413 = tpu.memref_slice %arg15[%add3A_97, %dma_start3A_412] : memref<5120x128xf32, #tpu.memory_space<vmem_shared>> -> memref<16x128xf32, #tpu.memory_space<vmem_shared>>
      tpu.enqueue_dma source(%arg14 : memref<16x128xf32, #tpu.memory_space<vmem>>) target(%dma_start3A_413 : memref<16x128xf32, #tpu.memory_space<vmem_shared>>) target_semaphore(%run_scoped3A : memref<!tpu.dma_semaphore, #tpu.memory_space<semaphore_mem>>)
      %dma_wait3A = arith.constant 0 : i32
      %dma_wait3A_414 = tpu.memref_slice %arg15[%add3A_97, %dma_wait3A] : memref<5120x128xf32, #tpu.memory_space<vmem_shared>> -> memref<16x128xf32, #tpu.memory_space<vmem_shared>>
      %dma_wait3A_415 = arith.constant 0 : i32
      %dma_wait3A_416 = tpu.memref_slice %arg15[%add3A_97, %dma_wait3A_415] : memref<5120x128xf32, #tpu.memory_space<vmem_shared>> -> memref<16x128xf32, #tpu.memory_space<vmem_shared>>
      tpu.wait_dma2 semaphore(%run_scoped3A : memref<!tpu.dma_semaphore, #tpu.memory_space<semaphore_mem>>) src(%arg14 : memref<16x128xf32, #tpu.memory_space<vmem>>) dst(%dma_wait3A_416 : memref<16x128xf32, #tpu.memory_space<vmem_shared>>)
      tpu.yield
    }) : () -> ()
    %add3A_98 = arith.constant 32 : i32
    %add3A_99 = arith.addi %mul3A_93, %add3A_98 : i32
    "tpu.region"() ({
      %run_scoped3A = tpu.sem_alloc : memref<!tpu.dma_semaphore, #tpu.memory_space<semaphore_mem>>
      %dma_start3A = arith.constant 0 : i32
      %dma_start3A_411 = tpu.memref_slice %arg15[%add3A_99, %dma_start3A] : memref<5120x128xf32, #tpu.memory_space<vmem_shared>> -> memref<16x128xf32, #tpu.memory_space<vmem_shared>>
      %dma_start3A_412 = arith.constant 0 : i32
      %dma_start3A_413 = tpu.memref_slice %arg15[%add3A_99, %dma_start3A_412] : memref<5120x128xf32, #tpu.memory_space<vmem_shared>> -> memref<16x128xf32, #tpu.memory_space<vmem_shared>>
      tpu.enqueue_dma source(%arg14 : memref<16x128xf32, #tpu.memory_space<vmem>>) target(%dma_start3A_413 : memref<16x128xf32, #tpu.memory_space<vmem_shared>>) target_semaphore(%run_scoped3A : memref<!tpu.dma_semaphore, #tpu.memory_space<semaphore_mem>>)
      %dma_wait3A = arith.constant 0 : i32
      %dma_wait3A_414 = tpu.memref_slice %arg15[%add3A_99, %dma_wait3A] : memref<5120x128xf32, #tpu.memory_space<vmem_shared>> -> memref<16x128xf32, #tpu.memory_space<vmem_shared>>
      %dma_wait3A_415 = arith.constant 0 : i32
      %dma_wait3A_416 = tpu.memref_slice %arg15[%add3A_99, %dma_wait3A_415] : memref<5120x128xf32, #tpu.memory_space<vmem_shared>> -> memref<16x128xf32, #tpu.memory_space<vmem_shared>>
      tpu.wait_dma2 semaphore(%run_scoped3A : memref<!tpu.dma_semaphore, #tpu.memory_space<semaphore_mem>>) src(%arg14 : memref<16x128xf32, #tpu.memory_space<vmem>>) dst(%dma_wait3A_416 : memref<16x128xf32, #tpu.memory_space<vmem_shared>>)
      tpu.yield
    }) : () -> ()
    %add3A_100 = arith.constant 48 : i32
    %add3A_101 = arith.addi %mul3A_93, %add3A_100 : i32
    "tpu.region"() ({
      %run_scoped3A = tpu.sem_alloc : memref<!tpu.dma_semaphore, #tpu.memory_space<semaphore_mem>>
      %dma_start3A = arith.constant 0 : i32
      %dma_start3A_411 = tpu.memref_slice %arg15[%add3A_101, %dma_start3A] : memref<5120x128xf32, #tpu.memory_space<vmem_shared>> -> memref<16x128xf32, #tpu.memory_space<vmem_shared>>
      %dma_start3A_412 = arith.constant 0 : i32
      %dma_start3A_413 = tpu.memref_slice %arg15[%add3A_101, %dma_start3A_412] : memref<5120x128xf32, #tpu.memory_space<vmem_shared>> -> memref<16x128xf32, #tpu.memory_space<vmem_shared>>
      tpu.enqueue_dma source(%arg14 : memref<16x128xf32, #tpu.memory_space<vmem>>) target(%dma_start3A_413 : memref<16x128xf32, #tpu.memory_space<vmem_shared>>) target_semaphore(%run_scoped3A : memref<!tpu.dma_semaphore, #tpu.memory_space<semaphore_mem>>)
      %dma_wait3A = arith.constant 0 : i32
      %dma_wait3A_414 = tpu.memref_slice %arg15[%add3A_101, %dma_wait3A] : memref<5120x128xf32, #tpu.memory_space<vmem_shared>> -> memref<16x128xf32, #tpu.memory_space<vmem_shared>>
      %dma_wait3A_415 = arith.constant 0 : i32
      %dma_wait3A_416 = tpu.memref_slice %arg15[%add3A_101, %dma_wait3A_415] : memref<5120x128xf32, #tpu.memory_space<vmem_shared>> -> memref<16x128xf32, #tpu.memory_space<vmem_shared>>
      tpu.wait_dma2 semaphore(%run_scoped3A : memref<!tpu.dma_semaphore, #tpu.memory_space<semaphore_mem>>) src(%arg14 : memref<16x128xf32, #tpu.memory_space<vmem>>) dst(%dma_wait3A_416 : memref<16x128xf32, #tpu.memory_space<vmem_shared>>)
      tpu.yield
    }) : () -> ()
    %add3A_102 = arith.constant 64 : i32
    %add3A_103 = arith.addi %mul3A_93, %add3A_102 : i32
    "tpu.region"() ({
      %run_scoped3A = tpu.sem_alloc : memref<!tpu.dma_semaphore, #tpu.memory_space<semaphore_mem>>
      %dma_start3A = arith.constant 0 : i32
      %dma_start3A_411 = tpu.memref_slice %arg15[%add3A_103, %dma_start3A] : memref<5120x128xf32, #tpu.memory_space<vmem_shared>> -> memref<16x128xf32, #tpu.memory_space<vmem_shared>>
      %dma_start3A_412 = arith.constant 0 : i32
      %dma_start3A_413 = tpu.memref_slice %arg15[%add3A_103, %dma_start3A_412] : memref<5120x128xf32, #tpu.memory_space<vmem_shared>> -> memref<16x128xf32, #tpu.memory_space<vmem_shared>>
      tpu.enqueue_dma source(%arg14 : memref<16x128xf32, #tpu.memory_space<vmem>>) target(%dma_start3A_413 : memref<16x128xf32, #tpu.memory_space<vmem_shared>>) target_semaphore(%run_scoped3A : memref<!tpu.dma_semaphore, #tpu.memory_space<semaphore_mem>>)
      %dma_wait3A = arith.constant 0 : i32
      %dma_wait3A_414 = tpu.memref_slice %arg15[%add3A_103, %dma_wait3A] : memref<5120x128xf32, #tpu.memory_space<vmem_shared>> -> memref<16x128xf32, #tpu.memory_space<vmem_shared>>
      %dma_wait3A_415 = arith.constant 0 : i32
      %dma_wait3A_416 = tpu.memref_slice %arg15[%add3A_103, %dma_wait3A_415] : memref<5120x128xf32, #tpu.memory_space<vmem_shared>> -> memref<16x128xf32, #tpu.memory_space<vmem_shared>>
      tpu.wait_dma2 semaphore(%run_scoped3A : memref<!tpu.dma_semaphore, #tpu.memory_space<semaphore_mem>>) src(%arg14 : memref<16x128xf32, #tpu.memory_space<vmem>>) dst(%dma_wait3A_416 : memref<16x128xf32, #tpu.memory_space<vmem_shared>>)
      tpu.yield
    }) : () -> ()
    %add3A_104 = arith.constant 80 : i32
    %add3A_105 = arith.addi %mul3A_93, %add3A_104 : i32
    "tpu.region"() ({
      %run_scoped3A = tpu.sem_alloc : memref<!tpu.dma_semaphore, #tpu.memory_space<semaphore_mem>>
      %dma_start3A = arith.constant 0 : i32
      %dma_start3A_411 = tpu.memref_slice %arg15[%add3A_105, %dma_start3A] : memref<5120x128xf32, #tpu.memory_space<vmem_shared>> -> memref<16x128xf32, #tpu.memory_space<vmem_shared>>
      %dma_start3A_412 = arith.constant 0 : i32
      %dma_start3A_413 = tpu.memref_slice %arg15[%add3A_105, %dma_start3A_412] : memref<5120x128xf32, #tpu.memory_space<vmem_shared>> -> memref<16x128xf32, #tpu.memory_space<vmem_shared>>
      tpu.enqueue_dma source(%arg14 : memref<16x128xf32, #tpu.memory_space<vmem>>) target(%dma_start3A_413 : memref<16x128xf32, #tpu.memory_space<vmem_shared>>) target_semaphore(%run_scoped3A : memref<!tpu.dma_semaphore, #tpu.memory_space<semaphore_mem>>)
      %dma_wait3A = arith.constant 0 : i32
      %dma_wait3A_414 = tpu.memref_slice %arg15[%add3A_105, %dma_wait3A] : memref<5120x128xf32, #tpu.memory_space<vmem_shared>> -> memref<16x128xf32, #tpu.memory_space<vmem_shared>>
      %dma_wait3A_415 = arith.constant 0 : i32
      %dma_wait3A_416 = tpu.memref_slice %arg15[%add3A_105, %dma_wait3A_415] : memref<5120x128xf32, #tpu.memory_space<vmem_shared>> -> memref<16x128xf32, #tpu.memory_space<vmem_shared>>
      tpu.wait_dma2 semaphore(%run_scoped3A : memref<!tpu.dma_semaphore, #tpu.memory_space<semaphore_mem>>) src(%arg14 : memref<16x128xf32, #tpu.memory_space<vmem>>) dst(%dma_wait3A_416 : memref<16x128xf32, #tpu.memory_space<vmem_shared>>)
      tpu.yield
    }) : () -> ()
    %add3A_106 = arith.constant 96 : i32
    %add3A_107 = arith.addi %mul3A_93, %add3A_106 : i32
    "tpu.region"() ({
      %run_scoped3A = tpu.sem_alloc : memref<!tpu.dma_semaphore, #tpu.memory_space<semaphore_mem>>
      %dma_start3A = arith.constant 0 : i32
      %dma_start3A_411 = tpu.memref_slice %arg15[%add3A_107, %dma_start3A] : memref<5120x128xf32, #tpu.memory_space<vmem_shared>> -> memref<16x128xf32, #tpu.memory_space<vmem_shared>>
      %dma_start3A_412 = arith.constant 0 : i32
      %dma_start3A_413 = tpu.memref_slice %arg15[%add3A_107, %dma_start3A_412] : memref<5120x128xf32, #tpu.memory_space<vmem_shared>> -> memref<16x128xf32, #tpu.memory_space<vmem_shared>>
      tpu.enqueue_dma source(%arg14 : memref<16x128xf32, #tpu.memory_space<vmem>>) target(%dma_start3A_413 : memref<16x128xf32, #tpu.memory_space<vmem_shared>>) target_semaphore(%run_scoped3A : memref<!tpu.dma_semaphore, #tpu.memory_space<semaphore_mem>>)
      %dma_wait3A = arith.constant 0 : i32
      %dma_wait3A_414 = tpu.memref_slice %arg15[%add3A_107, %dma_wait3A] : memref<5120x128xf32, #tpu.memory_space<vmem_shared>> -> memref<16x128xf32, #tpu.memory_space<vmem_shared>>
      %dma_wait3A_415 = arith.constant 0 : i32
      %dma_wait3A_416 = tpu.memref_slice %arg15[%add3A_107, %dma_wait3A_415] : memref<5120x128xf32, #tpu.memory_space<vmem_shared>> -> memref<16x128xf32, #tpu.memory_space<vmem_shared>>
      tpu.wait_dma2 semaphore(%run_scoped3A : memref<!tpu.dma_semaphore, #tpu.memory_space<semaphore_mem>>) src(%arg14 : memref<16x128xf32, #tpu.memory_space<vmem>>) dst(%dma_wait3A_416 : memref<16x128xf32, #tpu.memory_space<vmem_shared>>)
      tpu.yield
    }) : () -> ()
    %add3A_108 = arith.constant 112 : i32
    %add3A_109 = arith.addi %mul3A_93, %add3A_108 : i32
    "tpu.region"() ({
      %run_scoped3A = tpu.sem_alloc : memref<!tpu.dma_semaphore, #tpu.memory_space<semaphore_mem>>
      %dma_start3A = arith.constant 0 : i32
      %dma_start3A_411 = tpu.memref_slice %arg15[%add3A_109, %dma_start3A] : memref<5120x128xf32, #tpu.memory_space<vmem_shared>> -> memref<16x128xf32, #tpu.memory_space<vmem_shared>>
      %dma_start3A_412 = arith.constant 0 : i32
      %dma_start3A_413 = tpu.memref_slice %arg15[%add3A_109, %dma_start3A_412] : memref<5120x128xf32, #tpu.memory_space<vmem_shared>> -> memref<16x128xf32, #tpu.memory_space<vmem_shared>>
      tpu.enqueue_dma source(%arg14 : memref<16x128xf32, #tpu.memory_space<vmem>>) target(%dma_start3A_413 : memref<16x128xf32, #tpu.memory_space<vmem_shared>>) target_semaphore(%run_scoped3A : memref<!tpu.dma_semaphore, #tpu.memory_space<semaphore_mem>>)
      %dma_wait3A = arith.constant 0 : i32
      %dma_wait3A_414 = tpu.memref_slice %arg15[%add3A_109, %dma_wait3A] : memref<5120x128xf32, #tpu.memory_space<vmem_shared>> -> memref<16x128xf32, #tpu.memory_space<vmem_shared>>
      %dma_wait3A_415 = arith.constant 0 : i32
      %dma_wait3A_416 = tpu.memref_slice %arg15[%add3A_109, %dma_wait3A_415] : memref<5120x128xf32, #tpu.memory_space<vmem_shared>> -> memref<16x128xf32, #tpu.memory_space<vmem_shared>>
      tpu.wait_dma2 semaphore(%run_scoped3A : memref<!tpu.dma_semaphore, #tpu.memory_space<semaphore_mem>>) src(%arg14 : memref<16x128xf32, #tpu.memory_space<vmem>>) dst(%dma_wait3A_416 : memref<16x128xf32, #tpu.memory_space<vmem_shared>>)
      tpu.yield
    }) : () -> ()
    %add3A_110 = arith.constant 128 : i32
    %add3A_111 = arith.addi %mul3A_93, %add3A_110 : i32
    "tpu.region"() ({
      %run_scoped3A = tpu.sem_alloc : memref<!tpu.dma_semaphore, #tpu.memory_space<semaphore_mem>>
      %dma_start3A = arith.constant 0 : i32
      %dma_start3A_411 = tpu.memref_slice %arg15[%add3A_111, %dma_start3A] : memref<5120x128xf32, #tpu.memory_space<vmem_shared>> -> memref<16x128xf32, #tpu.memory_space<vmem_shared>>
      %dma_start3A_412 = arith.constant 0 : i32
      %dma_start3A_413 = tpu.memref_slice %arg15[%add3A_111, %dma_start3A_412] : memref<5120x128xf32, #tpu.memory_space<vmem_shared>> -> memref<16x128xf32, #tpu.memory_space<vmem_shared>>
      tpu.enqueue_dma source(%arg14 : memref<16x128xf32, #tpu.memory_space<vmem>>) target(%dma_start3A_413 : memref<16x128xf32, #tpu.memory_space<vmem_shared>>) target_semaphore(%run_scoped3A : memref<!tpu.dma_semaphore, #tpu.memory_space<semaphore_mem>>)
      %dma_wait3A = arith.constant 0 : i32
      %dma_wait3A_414 = tpu.memref_slice %arg15[%add3A_111, %dma_wait3A] : memref<5120x128xf32, #tpu.memory_space<vmem_shared>> -> memref<16x128xf32, #tpu.memory_space<vmem_shared>>
      %dma_wait3A_415 = arith.constant 0 : i32
      %dma_wait3A_416 = tpu.memref_slice %arg15[%add3A_111, %dma_wait3A_415] : memref<5120x128xf32, #tpu.memory_space<vmem_shared>> -> memref<16x128xf32, #tpu.memory_space<vmem_shared>>
      tpu.wait_dma2 semaphore(%run_scoped3A : memref<!tpu.dma_semaphore, #tpu.memory_space<semaphore_mem>>) src(%arg14 : memref<16x128xf32, #tpu.memory_space<vmem>>) dst(%dma_wait3A_416 : memref<16x128xf32, #tpu.memory_space<vmem_shared>>)
      tpu.yield
    }) : () -> ()
    %add3A_112 = arith.constant 144 : i32
    %add3A_113 = arith.addi %mul3A_93, %add3A_112 : i32
    "tpu.region"() ({
      %run_scoped3A = tpu.sem_alloc : memref<!tpu.dma_semaphore, #tpu.memory_space<semaphore_mem>>
      %dma_start3A = arith.constant 0 : i32
      %dma_start3A_411 = tpu.memref_slice %arg15[%add3A_113, %dma_start3A] : memref<5120x128xf32, #tpu.memory_space<vmem_shared>> -> memref<16x128xf32, #tpu.memory_space<vmem_shared>>
      %dma_start3A_412 = arith.constant 0 : i32
      %dma_start3A_413 = tpu.memref_slice %arg15[%add3A_113, %dma_start3A_412] : memref<5120x128xf32, #tpu.memory_space<vmem_shared>> -> memref<16x128xf32, #tpu.memory_space<vmem_shared>>
      tpu.enqueue_dma source(%arg14 : memref<16x128xf32, #tpu.memory_space<vmem>>) target(%dma_start3A_413 : memref<16x128xf32, #tpu.memory_space<vmem_shared>>) target_semaphore(%run_scoped3A : memref<!tpu.dma_semaphore, #tpu.memory_space<semaphore_mem>>)
      %dma_wait3A = arith.constant 0 : i32
      %dma_wait3A_414 = tpu.memref_slice %arg15[%add3A_113, %dma_wait3A] : memref<5120x128xf32, #tpu.memory_space<vmem_shared>> -> memref<16x128xf32, #tpu.memory_space<vmem_shared>>
      %dma_wait3A_415 = arith.constant 0 : i32
      %dma_wait3A_416 = tpu.memref_slice %arg15[%add3A_113, %dma_wait3A_415] : memref<5120x128xf32, #tpu.memory_space<vmem_shared>> -> memref<16x128xf32, #tpu.memory_space<vmem_shared>>
      tpu.wait_dma2 semaphore(%run_scoped3A : memref<!tpu.dma_semaphore, #tpu.memory_space<semaphore_mem>>) src(%arg14 : memref<16x128xf32, #tpu.memory_space<vmem>>) dst(%dma_wait3A_416 : memref<16x128xf32, #tpu.memory_space<vmem_shared>>)
      tpu.yield
    }) : () -> ()
    %add3A_114 = arith.constant 160 : i32
    %add3A_115 = arith.addi %mul3A_93, %add3A_114 : i32
    "tpu.region"() ({
      %run_scoped3A = tpu.sem_alloc : memref<!tpu.dma_semaphore, #tpu.memory_space<semaphore_mem>>
      %dma_start3A = arith.constant 0 : i32
      %dma_start3A_411 = tpu.memref_slice %arg15[%add3A_115, %dma_start3A] : memref<5120x128xf32, #tpu.memory_space<vmem_shared>> -> memref<16x128xf32, #tpu.memory_space<vmem_shared>>
      %dma_start3A_412 = arith.constant 0 : i32
      %dma_start3A_413 = tpu.memref_slice %arg15[%add3A_115, %dma_start3A_412] : memref<5120x128xf32, #tpu.memory_space<vmem_shared>> -> memref<16x128xf32, #tpu.memory_space<vmem_shared>>
      tpu.enqueue_dma source(%arg14 : memref<16x128xf32, #tpu.memory_space<vmem>>) target(%dma_start3A_413 : memref<16x128xf32, #tpu.memory_space<vmem_shared>>) target_semaphore(%run_scoped3A : memref<!tpu.dma_semaphore, #tpu.memory_space<semaphore_mem>>)
      %dma_wait3A = arith.constant 0 : i32
      %dma_wait3A_414 = tpu.memref_slice %arg15[%add3A_115, %dma_wait3A] : memref<5120x128xf32, #tpu.memory_space<vmem_shared>> -> memref<16x128xf32, #tpu.memory_space<vmem_shared>>
      %dma_wait3A_415 = arith.constant 0 : i32
      %dma_wait3A_416 = tpu.memref_slice %arg15[%add3A_115, %dma_wait3A_415] : memref<5120x128xf32, #tpu.memory_space<vmem_shared>> -> memref<16x128xf32, #tpu.memory_space<vmem_shared>>
      tpu.wait_dma2 semaphore(%run_scoped3A : memref<!tpu.dma_semaphore, #tpu.memory_space<semaphore_mem>>) src(%arg14 : memref<16x128xf32, #tpu.memory_space<vmem>>) dst(%dma_wait3A_416 : memref<16x128xf32, #tpu.memory_space<vmem_shared>>)
      tpu.yield
    }) : () -> ()
    %add3A_116 = arith.constant 176 : i32
    %add3A_117 = arith.addi %mul3A_93, %add3A_116 : i32
    "tpu.region"() ({
      %run_scoped3A = tpu.sem_alloc : memref<!tpu.dma_semaphore, #tpu.memory_space<semaphore_mem>>
      %dma_start3A = arith.constant 0 : i32
      %dma_start3A_411 = tpu.memref_slice %arg15[%add3A_117, %dma_start3A] : memref<5120x128xf32, #tpu.memory_space<vmem_shared>> -> memref<16x128xf32, #tpu.memory_space<vmem_shared>>
      %dma_start3A_412 = arith.constant 0 : i32
      %dma_start3A_413 = tpu.memref_slice %arg15[%add3A_117, %dma_start3A_412] : memref<5120x128xf32, #tpu.memory_space<vmem_shared>> -> memref<16x128xf32, #tpu.memory_space<vmem_shared>>
      tpu.enqueue_dma source(%arg14 : memref<16x128xf32, #tpu.memory_space<vmem>>) target(%dma_start3A_413 : memref<16x128xf32, #tpu.memory_space<vmem_shared>>) target_semaphore(%run_scoped3A : memref<!tpu.dma_semaphore, #tpu.memory_space<semaphore_mem>>)
      %dma_wait3A = arith.constant 0 : i32
      %dma_wait3A_414 = tpu.memref_slice %arg15[%add3A_117, %dma_wait3A] : memref<5120x128xf32, #tpu.memory_space<vmem_shared>> -> memref<16x128xf32, #tpu.memory_space<vmem_shared>>
      %dma_wait3A_415 = arith.constant 0 : i32
      %dma_wait3A_416 = tpu.memref_slice %arg15[%add3A_117, %dma_wait3A_415] : memref<5120x128xf32, #tpu.memory_space<vmem_shared>> -> memref<16x128xf32, #tpu.memory_space<vmem_shared>>
      tpu.wait_dma2 semaphore(%run_scoped3A : memref<!tpu.dma_semaphore, #tpu.memory_space<semaphore_mem>>) src(%arg14 : memref<16x128xf32, #tpu.memory_space<vmem>>) dst(%dma_wait3A_416 : memref<16x128xf32, #tpu.memory_space<vmem_shared>>)
      tpu.yield
    }) : () -> ()
    %add3A_118 = arith.constant 192 : i32
    %add3A_119 = arith.addi %mul3A_93, %add3A_118 : i32
    "tpu.region"() ({
      %run_scoped3A = tpu.sem_alloc : memref<!tpu.dma_semaphore, #tpu.memory_space<semaphore_mem>>
      %dma_start3A = arith.constant 0 : i32
      %dma_start3A_411 = tpu.memref_slice %arg15[%add3A_119, %dma_start3A] : memref<5120x128xf32, #tpu.memory_space<vmem_shared>> -> memref<16x128xf32, #tpu.memory_space<vmem_shared>>
      %dma_start3A_412 = arith.constant 0 : i32
      %dma_start3A_413 = tpu.memref_slice %arg15[%add3A_119, %dma_start3A_412] : memref<5120x128xf32, #tpu.memory_space<vmem_shared>> -> memref<16x128xf32, #tpu.memory_space<vmem_shared>>
      tpu.enqueue_dma source(%arg14 : memref<16x128xf32, #tpu.memory_space<vmem>>) target(%dma_start3A_413 : memref<16x128xf32, #tpu.memory_space<vmem_shared>>) target_semaphore(%run_scoped3A : memref<!tpu.dma_semaphore, #tpu.memory_space<semaphore_mem>>)
      %dma_wait3A = arith.constant 0 : i32
      %dma_wait3A_414 = tpu.memref_slice %arg15[%add3A_119, %dma_wait3A] : memref<5120x128xf32, #tpu.memory_space<vmem_shared>> -> memref<16x128xf32, #tpu.memory_space<vmem_shared>>
      %dma_wait3A_415 = arith.constant 0 : i32
      %dma_wait3A_416 = tpu.memref_slice %arg15[%add3A_119, %dma_wait3A_415] : memref<5120x128xf32, #tpu.memory_space<vmem_shared>> -> memref<16x128xf32, #tpu.memory_space<vmem_shared>>
      tpu.wait_dma2 semaphore(%run_scoped3A : memref<!tpu.dma_semaphore, #tpu.memory_space<semaphore_mem>>) src(%arg14 : memref<16x128xf32, #tpu.memory_space<vmem>>) dst(%dma_wait3A_416 : memref<16x128xf32, #tpu.memory_space<vmem_shared>>)
      tpu.yield
    }) : () -> ()
    %add3A_120 = arith.constant 208 : i32
    %add3A_121 = arith.addi %mul3A_93, %add3A_120 : i32
    "tpu.region"() ({
      %run_scoped3A = tpu.sem_alloc : memref<!tpu.dma_semaphore, #tpu.memory_space<semaphore_mem>>
      %dma_start3A = arith.constant 0 : i32
      %dma_start3A_411 = tpu.memref_slice %arg15[%add3A_121, %dma_start3A] : memref<5120x128xf32, #tpu.memory_space<vmem_shared>> -> memref<16x128xf32, #tpu.memory_space<vmem_shared>>
      %dma_start3A_412 = arith.constant 0 : i32
      %dma_start3A_413 = tpu.memref_slice %arg15[%add3A_121, %dma_start3A_412] : memref<5120x128xf32, #tpu.memory_space<vmem_shared>> -> memref<16x128xf32, #tpu.memory_space<vmem_shared>>
      tpu.enqueue_dma source(%arg14 : memref<16x128xf32, #tpu.memory_space<vmem>>) target(%dma_start3A_413 : memref<16x128xf32, #tpu.memory_space<vmem_shared>>) target_semaphore(%run_scoped3A : memref<!tpu.dma_semaphore, #tpu.memory_space<semaphore_mem>>)
      %dma_wait3A = arith.constant 0 : i32
      %dma_wait3A_414 = tpu.memref_slice %arg15[%add3A_121, %dma_wait3A] : memref<5120x128xf32, #tpu.memory_space<vmem_shared>> -> memref<16x128xf32, #tpu.memory_space<vmem_shared>>
      %dma_wait3A_415 = arith.constant 0 : i32
      %dma_wait3A_416 = tpu.memref_slice %arg15[%add3A_121, %dma_wait3A_415] : memref<5120x128xf32, #tpu.memory_space<vmem_shared>> -> memref<16x128xf32, #tpu.memory_space<vmem_shared>>
      tpu.wait_dma2 semaphore(%run_scoped3A : memref<!tpu.dma_semaphore, #tpu.memory_space<semaphore_mem>>) src(%arg14 : memref<16x128xf32, #tpu.memory_space<vmem>>) dst(%dma_wait3A_416 : memref<16x128xf32, #tpu.memory_space<vmem_shared>>)
      tpu.yield
    }) : () -> ()
    %add3A_122 = arith.constant 224 : i32
    %add3A_123 = arith.addi %mul3A_93, %add3A_122 : i32
    "tpu.region"() ({
      %run_scoped3A = tpu.sem_alloc : memref<!tpu.dma_semaphore, #tpu.memory_space<semaphore_mem>>
      %dma_start3A = arith.constant 0 : i32
      %dma_start3A_411 = tpu.memref_slice %arg15[%add3A_123, %dma_start3A] : memref<5120x128xf32, #tpu.memory_space<vmem_shared>> -> memref<16x128xf32, #tpu.memory_space<vmem_shared>>
      %dma_start3A_412 = arith.constant 0 : i32
      %dma_start3A_413 = tpu.memref_slice %arg15[%add3A_123, %dma_start3A_412] : memref<5120x128xf32, #tpu.memory_space<vmem_shared>> -> memref<16x128xf32, #tpu.memory_space<vmem_shared>>
      tpu.enqueue_dma source(%arg14 : memref<16x128xf32, #tpu.memory_space<vmem>>) target(%dma_start3A_413 : memref<16x128xf32, #tpu.memory_space<vmem_shared>>) target_semaphore(%run_scoped3A : memref<!tpu.dma_semaphore, #tpu.memory_space<semaphore_mem>>)
      %dma_wait3A = arith.constant 0 : i32
      %dma_wait3A_414 = tpu.memref_slice %arg15[%add3A_123, %dma_wait3A] : memref<5120x128xf32, #tpu.memory_space<vmem_shared>> -> memref<16x128xf32, #tpu.memory_space<vmem_shared>>
      %dma_wait3A_415 = arith.constant 0 : i32
      %dma_wait3A_416 = tpu.memref_slice %arg15[%add3A_123, %dma_wait3A_415] : memref<5120x128xf32, #tpu.memory_space<vmem_shared>> -> memref<16x128xf32, #tpu.memory_space<vmem_shared>>
      tpu.wait_dma2 semaphore(%run_scoped3A : memref<!tpu.dma_semaphore, #tpu.memory_space<semaphore_mem>>) src(%arg14 : memref<16x128xf32, #tpu.memory_space<vmem>>) dst(%dma_wait3A_416 : memref<16x128xf32, #tpu.memory_space<vmem_shared>>)
      tpu.yield
    }) : () -> ()
    %add3A_124 = arith.constant 240 : i32
    %add3A_125 = arith.addi %mul3A_93, %add3A_124 : i32
    "tpu.region"() ({
      %run_scoped3A = tpu.sem_alloc : memref<!tpu.dma_semaphore, #tpu.memory_space<semaphore_mem>>
      %dma_start3A = arith.constant 0 : i32
      %dma_start3A_411 = tpu.memref_slice %arg15[%add3A_125, %dma_start3A] : memref<5120x128xf32, #tpu.memory_space<vmem_shared>> -> memref<16x128xf32, #tpu.memory_space<vmem_shared>>
      %dma_start3A_412 = arith.constant 0 : i32
      %dma_start3A_413 = tpu.memref_slice %arg15[%add3A_125, %dma_start3A_412] : memref<5120x128xf32, #tpu.memory_space<vmem_shared>> -> memref<16x128xf32, #tpu.memory_space<vmem_shared>>
      tpu.enqueue_dma source(%arg14 : memref<16x128xf32, #tpu.memory_space<vmem>>) target(%dma_start3A_413 : memref<16x128xf32, #tpu.memory_space<vmem_shared>>) target_semaphore(%run_scoped3A : memref<!tpu.dma_semaphore, #tpu.memory_space<semaphore_mem>>)
      %dma_wait3A = arith.constant 0 : i32
      %dma_wait3A_414 = tpu.memref_slice %arg15[%add3A_125, %dma_wait3A] : memref<5120x128xf32, #tpu.memory_space<vmem_shared>> -> memref<16x128xf32, #tpu.memory_space<vmem_shared>>
      %dma_wait3A_415 = arith.constant 0 : i32
      %dma_wait3A_416 = tpu.memref_slice %arg15[%add3A_125, %dma_wait3A_415] : memref<5120x128xf32, #tpu.memory_space<vmem_shared>> -> memref<16x128xf32, #tpu.memory_space<vmem_shared>>
      tpu.wait_dma2 semaphore(%run_scoped3A : memref<!tpu.dma_semaphore, #tpu.memory_space<semaphore_mem>>) src(%arg14 : memref<16x128xf32, #tpu.memory_space<vmem>>) dst(%dma_wait3A_416 : memref<16x128xf32, #tpu.memory_space<vmem_shared>>)
      tpu.yield
    }) : () -> ()
    %add3A_126 = arith.constant 256 : i32
    %add3A_127 = arith.addi %mul3A_93, %add3A_126 : i32
    "tpu.region"() ({
      %run_scoped3A = tpu.sem_alloc : memref<!tpu.dma_semaphore, #tpu.memory_space<semaphore_mem>>
      %dma_start3A = arith.constant 0 : i32
      %dma_start3A_411 = tpu.memref_slice %arg15[%add3A_127, %dma_start3A] : memref<5120x128xf32, #tpu.memory_space<vmem_shared>> -> memref<16x128xf32, #tpu.memory_space<vmem_shared>>
      %dma_start3A_412 = arith.constant 0 : i32
      %dma_start3A_413 = tpu.memref_slice %arg15[%add3A_127, %dma_start3A_412] : memref<5120x128xf32, #tpu.memory_space<vmem_shared>> -> memref<16x128xf32, #tpu.memory_space<vmem_shared>>
      tpu.enqueue_dma source(%arg14 : memref<16x128xf32, #tpu.memory_space<vmem>>) target(%dma_start3A_413 : memref<16x128xf32, #tpu.memory_space<vmem_shared>>) target_semaphore(%run_scoped3A : memref<!tpu.dma_semaphore, #tpu.memory_space<semaphore_mem>>)
      %dma_wait3A = arith.constant 0 : i32
      %dma_wait3A_414 = tpu.memref_slice %arg15[%add3A_127, %dma_wait3A] : memref<5120x128xf32, #tpu.memory_space<vmem_shared>> -> memref<16x128xf32, #tpu.memory_space<vmem_shared>>
      %dma_wait3A_415 = arith.constant 0 : i32
      %dma_wait3A_416 = tpu.memref_slice %arg15[%add3A_127, %dma_wait3A_415] : memref<5120x128xf32, #tpu.memory_space<vmem_shared>> -> memref<16x128xf32, #tpu.memory_space<vmem_shared>>
      tpu.wait_dma2 semaphore(%run_scoped3A : memref<!tpu.dma_semaphore, #tpu.memory_space<semaphore_mem>>) src(%arg14 : memref<16x128xf32, #tpu.memory_space<vmem>>) dst(%dma_wait3A_416 : memref<16x128xf32, #tpu.memory_space<vmem_shared>>)
      tpu.yield
    }) : () -> ()
    %add3A_128 = arith.constant 272 : i32
    %add3A_129 = arith.addi %mul3A_93, %add3A_128 : i32
    "tpu.region"() ({
      %run_scoped3A = tpu.sem_alloc : memref<!tpu.dma_semaphore, #tpu.memory_space<semaphore_mem>>
      %dma_start3A = arith.constant 0 : i32
      %dma_start3A_411 = tpu.memref_slice %arg15[%add3A_129, %dma_start3A] : memref<5120x128xf32, #tpu.memory_space<vmem_shared>> -> memref<16x128xf32, #tpu.memory_space<vmem_shared>>
      %dma_start3A_412 = arith.constant 0 : i32
      %dma_start3A_413 = tpu.memref_slice %arg15[%add3A_129, %dma_start3A_412] : memref<5120x128xf32, #tpu.memory_space<vmem_shared>> -> memref<16x128xf32, #tpu.memory_space<vmem_shared>>
      tpu.enqueue_dma source(%arg14 : memref<16x128xf32, #tpu.memory_space<vmem>>) target(%dma_start3A_413 : memref<16x128xf32, #tpu.memory_space<vmem_shared>>) target_semaphore(%run_scoped3A : memref<!tpu.dma_semaphore, #tpu.memory_space<semaphore_mem>>)
      %dma_wait3A = arith.constant 0 : i32
      %dma_wait3A_414 = tpu.memref_slice %arg15[%add3A_129, %dma_wait3A] : memref<5120x128xf32, #tpu.memory_space<vmem_shared>> -> memref<16x128xf32, #tpu.memory_space<vmem_shared>>
      %dma_wait3A_415 = arith.constant 0 : i32
      %dma_wait3A_416 = tpu.memref_slice %arg15[%add3A_129, %dma_wait3A_415] : memref<5120x128xf32, #tpu.memory_space<vmem_shared>> -> memref<16x128xf32, #tpu.memory_space<vmem_shared>>
      tpu.wait_dma2 semaphore(%run_scoped3A : memref<!tpu.dma_semaphore, #tpu.memory_space<semaphore_mem>>) src(%arg14 : memref<16x128xf32, #tpu.memory_space<vmem>>) dst(%dma_wait3A_416 : memref<16x128xf32, #tpu.memory_space<vmem_shared>>)
      tpu.yield
    }) : () -> ()
    %add3A_130 = arith.constant 288 : i32
    %add3A_131 = arith.addi %mul3A_93, %add3A_130 : i32
    "tpu.region"() ({
      %run_scoped3A = tpu.sem_alloc : memref<!tpu.dma_semaphore, #tpu.memory_space<semaphore_mem>>
      %dma_start3A = arith.constant 0 : i32
      %dma_start3A_411 = tpu.memref_slice %arg15[%add3A_131, %dma_start3A] : memref<5120x128xf32, #tpu.memory_space<vmem_shared>> -> memref<16x128xf32, #tpu.memory_space<vmem_shared>>
      %dma_start3A_412 = arith.constant 0 : i32
      %dma_start3A_413 = tpu.memref_slice %arg15[%add3A_131, %dma_start3A_412] : memref<5120x128xf32, #tpu.memory_space<vmem_shared>> -> memref<16x128xf32, #tpu.memory_space<vmem_shared>>
      tpu.enqueue_dma source(%arg14 : memref<16x128xf32, #tpu.memory_space<vmem>>) target(%dma_start3A_413 : memref<16x128xf32, #tpu.memory_space<vmem_shared>>) target_semaphore(%run_scoped3A : memref<!tpu.dma_semaphore, #tpu.memory_space<semaphore_mem>>)
      %dma_wait3A = arith.constant 0 : i32
      %dma_wait3A_414 = tpu.memref_slice %arg15[%add3A_131, %dma_wait3A] : memref<5120x128xf32, #tpu.memory_space<vmem_shared>> -> memref<16x128xf32, #tpu.memory_space<vmem_shared>>
      %dma_wait3A_415 = arith.constant 0 : i32
      %dma_wait3A_416 = tpu.memref_slice %arg15[%add3A_131, %dma_wait3A_415] : memref<5120x128xf32, #tpu.memory_space<vmem_shared>> -> memref<16x128xf32, #tpu.memory_space<vmem_shared>>
      tpu.wait_dma2 semaphore(%run_scoped3A : memref<!tpu.dma_semaphore, #tpu.memory_space<semaphore_mem>>) src(%arg14 : memref<16x128xf32, #tpu.memory_space<vmem>>) dst(%dma_wait3A_416 : memref<16x128xf32, #tpu.memory_space<vmem_shared>>)
      tpu.yield
    }) : () -> ()
    %add3A_132 = arith.constant 304 : i32
    %add3A_133 = arith.addi %mul3A_93, %add3A_132 : i32
    "tpu.region"() ({
      %run_scoped3A = tpu.sem_alloc : memref<!tpu.dma_semaphore, #tpu.memory_space<semaphore_mem>>
      %dma_start3A = arith.constant 0 : i32
      %dma_start3A_411 = tpu.memref_slice %arg15[%add3A_133, %dma_start3A] : memref<5120x128xf32, #tpu.memory_space<vmem_shared>> -> memref<16x128xf32, #tpu.memory_space<vmem_shared>>
      %dma_start3A_412 = arith.constant 0 : i32
      %dma_start3A_413 = tpu.memref_slice %arg15[%add3A_133, %dma_start3A_412] : memref<5120x128xf32, #tpu.memory_space<vmem_shared>> -> memref<16x128xf32, #tpu.memory_space<vmem_shared>>
      tpu.enqueue_dma source(%arg14 : memref<16x128xf32, #tpu.memory_space<vmem>>) target(%dma_start3A_413 : memref<16x128xf32, #tpu.memory_space<vmem_shared>>) target_semaphore(%run_scoped3A : memref<!tpu.dma_semaphore, #tpu.memory_space<semaphore_mem>>)
      %dma_wait3A = arith.constant 0 : i32
      %dma_wait3A_414 = tpu.memref_slice %arg15[%add3A_133, %dma_wait3A] : memref<5120x128xf32, #tpu.memory_space<vmem_shared>> -> memref<16x128xf32, #tpu.memory_space<vmem_shared>>
      %dma_wait3A_415 = arith.constant 0 : i32
      %dma_wait3A_416 = tpu.memref_slice %arg15[%add3A_133, %dma_wait3A_415] : memref<5120x128xf32, #tpu.memory_space<vmem_shared>> -> memref<16x128xf32, #tpu.memory_space<vmem_shared>>
      tpu.wait_dma2 semaphore(%run_scoped3A : memref<!tpu.dma_semaphore, #tpu.memory_space<semaphore_mem>>) src(%arg14 : memref<16x128xf32, #tpu.memory_space<vmem>>) dst(%dma_wait3A_416 : memref<16x128xf32, #tpu.memory_space<vmem_shared>>)
      tpu.yield
    }) : () -> ()
    %barrier3A = arith.constant 0 : index
    tpu.barrier barrier_id(%barrier3A)
    %gt3A = arith.constant 0 : i32
    %gt3A_134 = arith.cmpi sgt, %select_n3A, %gt3A : i32
    %convert_element_type3A = arith.extui %gt3A_134 : i1 to i32
    %cond3A = arith.constant 0 : i32
    %cond3A_135 = arith.cmpi ne, %convert_element_type3A, %cond3A : i32
    scf.if %cond3A_135 {
      %dma_start3A = arith.constant 0 : i32
      %dma_start3A_411 = tpu.memref_slice %arg10[%dma_start3A] : memref<10240xi32, #tpu.memory_space<vmem>> -> memref<128xi32, #tpu.memory_space<vmem>>
      %dma_start3A_412 = arith.constant 0 : i32
      %dma_start3A_413 = arith.constant 0 : i32
      %dma_start3A_414 = tpu.memref_slice %arg2[%dma_start3A_412, %dma_start3A_413] : memref<80000x128xf32, #tpu.memory_space<hbm>> -> memref<80000x128xf32, #tpu.memory_space<hbm>>
      tpu.enqueue_indirect_dma source(%dma_start3A_414 : memref<80000x128xf32, #tpu.memory_space<hbm>>) target(%arg12 : memref<128x128xf32, #tpu.memory_space<vmem>>) offsets(%dma_start3A_411 : memref<128xi32, #tpu.memory_space<vmem>>) semaphore(%arg16 : memref<!tpu.dma_semaphore, #tpu.memory_space<semaphore_mem>>)
    } else {
    }
    %while3A_136 = arith.constant 0 : i32
    %while3A_137 = arith.constant 0 : i32
    %while3A_138 = arith.subi %select_n3A, %while3A_137 : i32
    %while3A_139 = arith.addi %while3A_137, %while3A_138 : i32
    %while3A_140 = arith.constant 1 : i32
    %while3A_141 = arith.divsi %while3A_138, %while3A_140 : i32
    %while3A_142 = arith.muli %while3A_141, %while3A_140 : i32
    %while3A_143 = arith.addi %while3A_137, %while3A_142 : i32
    %while3A_144 = arith.constant 1 : i32
    scf.for %while3A_411 = %while3A_137 to %while3A_143 step %while3A_144  : i32 {
      %jit3A_412 = arith.constant 2 : i32
      %eq3A_413 = arith.constant 0 : i32
      %eq3A_414 = arith.cmpi eq, %jit3A_412, %eq3A_413 : i32
      %jit3A_415 = arith.constant 1 : i32
      %select_n3A_416 = arith.select %eq3A_414, %jit3A_415, %jit3A_412 : i32
      %rem3A_417 = arith.remsi %while3A_411, %select_n3A_416 : i32
      %ne3A_418 = arith.constant 0 : i32
      %ne3A_419 = arith.cmpi ne, %rem3A_417, %ne3A_418 : i32
      %lt3A_420 = arith.constant 0 : i32
      %lt3A_421 = arith.cmpi slt, %rem3A_417, %lt3A_420 : i32
      %lt3A_422 = arith.constant 0 : i32
      %lt3A_423 = arith.cmpi slt, %select_n3A_416, %lt3A_422 : i32
      %ne3A_424 = arith.xori %lt3A_421, %lt3A_423 : i1
      %and3A_425 = arith.andi %ne3A_424, %ne3A_419 : i1
      %add3A_426 = arith.addi %rem3A_417, %select_n3A_416 : i32
      %select_n3A_427 = arith.select %and3A_425, %add3A_426, %rem3A_417 : i32
      %eq3A_428 = arith.constant 0 : i32
      %eq3A_429 = arith.cmpi eq, %select_n3A_427, %eq3A_428 : i32
      %convert_element_type3A_430 = arith.extui %eq3A_429 : i1 to i32
      %cond3A_431 = arith.constant 0 : i32
      %cond3A_432 = arith.cmpi ne, %convert_element_type3A_430, %cond3A_431 : i32
      scf.if %cond3A_432 {
        %mul3A_454 = arith.constant 128 : i32
        %mul3A_455 = arith.muli %while3A_411, %mul3A_454 : i32
        %dma_wait3A = tpu.memref_slice %arg10[%mul3A_455] : memref<10240xi32, #tpu.memory_space<vmem>> -> memref<128xi32, #tpu.memory_space<vmem>>
        %dma_wait3A_456 = arith.constant 0 : i32
        %dma_wait3A_457 = arith.constant 0 : i32
        %dma_wait3A_458 = tpu.memref_slice %arg2[%dma_wait3A_456, %dma_wait3A_457] : memref<80000x128xf32, #tpu.memory_space<hbm>> -> memref<80000x128xf32, #tpu.memory_space<hbm>>
        tpu.wait_indirect_dma semaphore(%arg16 : memref<!tpu.dma_semaphore, #tpu.memory_space<semaphore_mem>>) src(%dma_wait3A_458 : memref<80000x128xf32, #tpu.memory_space<hbm>>) dst(%arg12 : memref<128x128xf32, #tpu.memory_space<vmem>>)
        %ge3A = arith.constant 1 : i32
        %ge3A_459 = arith.cmpi sge, %while3A_411, %ge3A : i32
        %convert_element_type3A_460 = arith.extui %ge3A_459 : i1 to i32
        %cond3A_461 = arith.constant 0 : i32
        %cond3A_462 = arith.cmpi ne, %convert_element_type3A_460, %cond3A_461 : i32
        scf.if %cond3A_462 {
          %dma_wait3A_474 = arith.constant 0 : i32
          %dma_wait3A_475 = tpu.memref_slice %arg11[%while3A_411, %dma_wait3A_474] : memref<80x128xi32, #tpu.memory_space<vmem>> -> memref<1x128xi32, #tpu.memory_space<vmem>>
          %dma_wait3A_476 = tpu.memref_squeeze %dma_wait3A_475 : memref<1x128xi32, #tpu.memory_space<vmem>> -> memref<128xi32, #tpu.memory_space<vmem>>
          %dma_wait3A_477 = arith.constant 0 : i32
          %dma_wait3A_478 = arith.constant 0 : i32
          %dma_wait3A_479 = tpu.memref_slice %arg15[%dma_wait3A_477, %dma_wait3A_478] : memref<5120x128xf32, #tpu.memory_space<vmem_shared>> -> memref<5120x128xf32, #tpu.memory_space<vmem_shared>>
          tpu.wait_indirect_dma semaphore(%arg19 : memref<!tpu.dma_semaphore, #tpu.memory_space<semaphore_mem>>) src(%arg13 : memref<128x128xf32, #tpu.memory_space<vmem>>) dst(%dma_wait3A_479 : memref<5120x128xf32, #tpu.memory_space<vmem_shared>>)
        } else {
        }
        %add3A_463 = arith.constant 1 : i32
        %add3A_464 = arith.addi %while3A_411, %add3A_463 : i32
        %lt3A_465 = arith.cmpi slt, %add3A_464, %select_n3A : i32
        %convert_element_type3A_466 = arith.extui %lt3A_465 : i1 to i32
        %cond3A_467 = arith.constant 0 : i32
        %cond3A_468 = arith.cmpi ne, %convert_element_type3A_466, %cond3A_467 : i32
        scf.if %cond3A_468 {
          %add3A_474 = arith.constant 1 : i32
          %add3A_475 = arith.addi %while3A_411, %add3A_474 : i32
          %mul3A_476 = arith.constant 128 : i32
          %mul3A_477 = arith.muli %add3A_475, %mul3A_476 : i32
          %dma_start3A_478 = tpu.memref_slice %arg10[%mul3A_477] : memref<10240xi32, #tpu.memory_space<vmem>> -> memref<128xi32, #tpu.memory_space<vmem>>
          %dma_start3A_479 = arith.constant 0 : i32
          %dma_start3A_480 = arith.constant 0 : i32
          %dma_start3A_481 = tpu.memref_slice %arg2[%dma_start3A_479, %dma_start3A_480] : memref<80000x128xf32, #tpu.memory_space<hbm>> -> memref<80000x128xf32, #tpu.memory_space<hbm>>
          tpu.enqueue_indirect_dma source(%dma_start3A_481 : memref<80000x128xf32, #tpu.memory_space<hbm>>) target(%arg13 : memref<128x128xf32, #tpu.memory_space<vmem>>) offsets(%dma_start3A_478 : memref<128xi32, #tpu.memory_space<vmem>>) semaphore(%arg17 : memref<!tpu.dma_semaphore, #tpu.memory_space<semaphore_mem>>)
        } else {
        }
        %dma_start3A = arith.constant 0 : i32
        %dma_start3A_469 = tpu.memref_slice %arg11[%while3A_411, %dma_start3A] : memref<80x128xi32, #tpu.memory_space<vmem>> -> memref<1x128xi32, #tpu.memory_space<vmem>>
        %dma_start3A_470 = tpu.memref_squeeze %dma_start3A_469 : memref<1x128xi32, #tpu.memory_space<vmem>> -> memref<128xi32, #tpu.memory_space<vmem>>
        %dma_start3A_471 = arith.constant 0 : i32
        %dma_start3A_472 = arith.constant 0 : i32
        %dma_start3A_473 = tpu.memref_slice %arg15[%dma_start3A_471, %dma_start3A_472] : memref<5120x128xf32, #tpu.memory_space<vmem_shared>> -> memref<5120x128xf32, #tpu.memory_space<vmem_shared>>
        tpu.enqueue_indirect_dma source(%arg12 : memref<128x128xf32, #tpu.memory_space<vmem>>) target(%dma_start3A_473 : memref<5120x128xf32, #tpu.memory_space<vmem_shared>>) offsets(%dma_start3A_470 : memref<128xi32, #tpu.memory_space<vmem>>) semaphore(%arg18 : memref<!tpu.dma_semaphore, #tpu.memory_space<semaphore_mem>>) {add = true}
      } else {
      }
      %jit3A_433 = arith.constant 2 : i32
      %eq3A_434 = arith.constant 0 : i32
      %eq3A_435 = arith.cmpi eq, %jit3A_433, %eq3A_434 : i32
      %jit3A_436 = arith.constant 1 : i32
      %select_n3A_437 = arith.select %eq3A_435, %jit3A_436, %jit3A_433 : i32
      %rem3A_438 = arith.remsi %while3A_411, %select_n3A_437 : i32
      %ne3A_439 = arith.constant 0 : i32
      %ne3A_440 = arith.cmpi ne, %rem3A_438, %ne3A_439 : i32
      %lt3A_441 = arith.constant 0 : i32
      %lt3A_442 = arith.cmpi slt, %rem3A_438, %lt3A_441 : i32
      %lt3A_443 = arith.constant 0 : i32
      %lt3A_444 = arith.cmpi slt, %select_n3A_437, %lt3A_443 : i32
      %ne3A_445 = arith.xori %lt3A_442, %lt3A_444 : i1
      %and3A_446 = arith.andi %ne3A_445, %ne3A_440 : i1
      %add3A_447 = arith.addi %rem3A_438, %select_n3A_437 : i32
      %select_n3A_448 = arith.select %and3A_446, %add3A_447, %rem3A_438 : i32
      %eq3A_449 = arith.constant 1 : i32
      %eq3A_450 = arith.cmpi eq, %select_n3A_448, %eq3A_449 : i32
      %convert_element_type3A_451 = arith.extui %eq3A_450 : i1 to i32
      %cond3A_452 = arith.constant 0 : i32
      %cond3A_453 = arith.cmpi ne, %convert_element_type3A_451, %cond3A_452 : i32
      scf.if %cond3A_453 {
        %mul3A_454 = arith.constant 128 : i32
        %mul3A_455 = arith.muli %while3A_411, %mul3A_454 : i32
        %dma_wait3A = tpu.memref_slice %arg10[%mul3A_455] : memref<10240xi32, #tpu.memory_space<vmem>> -> memref<128xi32, #tpu.memory_space<vmem>>
        %dma_wait3A_456 = arith.constant 0 : i32
        %dma_wait3A_457 = arith.constant 0 : i32
        %dma_wait3A_458 = tpu.memref_slice %arg2[%dma_wait3A_456, %dma_wait3A_457] : memref<80000x128xf32, #tpu.memory_space<hbm>> -> memref<80000x128xf32, #tpu.memory_space<hbm>>
        tpu.wait_indirect_dma semaphore(%arg17 : memref<!tpu.dma_semaphore, #tpu.memory_space<semaphore_mem>>) src(%dma_wait3A_458 : memref<80000x128xf32, #tpu.memory_space<hbm>>) dst(%arg13 : memref<128x128xf32, #tpu.memory_space<vmem>>)
        %dma_wait3A_459 = arith.constant 0 : i32
        %dma_wait3A_460 = tpu.memref_slice %arg11[%while3A_411, %dma_wait3A_459] : memref<80x128xi32, #tpu.memory_space<vmem>> -> memref<1x128xi32, #tpu.memory_space<vmem>>
        %dma_wait3A_461 = tpu.memref_squeeze %dma_wait3A_460 : memref<1x128xi32, #tpu.memory_space<vmem>> -> memref<128xi32, #tpu.memory_space<vmem>>
        %dma_wait3A_462 = arith.constant 0 : i32
        %dma_wait3A_463 = arith.constant 0 : i32
        %dma_wait3A_464 = tpu.memref_slice %arg15[%dma_wait3A_462, %dma_wait3A_463] : memref<5120x128xf32, #tpu.memory_space<vmem_shared>> -> memref<5120x128xf32, #tpu.memory_space<vmem_shared>>
        tpu.wait_indirect_dma semaphore(%arg18 : memref<!tpu.dma_semaphore, #tpu.memory_space<semaphore_mem>>) src(%arg12 : memref<128x128xf32, #tpu.memory_space<vmem>>) dst(%dma_wait3A_464 : memref<5120x128xf32, #tpu.memory_space<vmem_shared>>)
        %add3A_465 = arith.constant 1 : i32
        %add3A_466 = arith.addi %while3A_411, %add3A_465 : i32
        %lt3A_467 = arith.cmpi slt, %add3A_466, %select_n3A : i32
        %convert_element_type3A_468 = arith.extui %lt3A_467 : i1 to i32
        %cond3A_469 = arith.constant 0 : i32
        %cond3A_470 = arith.cmpi ne, %convert_element_type3A_468, %cond3A_469 : i32
        scf.if %cond3A_470 {
          %add3A_476 = arith.constant 1 : i32
          %add3A_477 = arith.addi %while3A_411, %add3A_476 : i32
          %mul3A_478 = arith.constant 128 : i32
          %mul3A_479 = arith.muli %add3A_477, %mul3A_478 : i32
          %dma_start3A_480 = tpu.memref_slice %arg10[%mul3A_479] : memref<10240xi32, #tpu.memory_space<vmem>> -> memref<128xi32, #tpu.memory_space<vmem>>
          %dma_start3A_481 = arith.constant 0 : i32
          %dma_start3A_482 = arith.constant 0 : i32
          %dma_start3A_483 = tpu.memref_slice %arg2[%dma_start3A_481, %dma_start3A_482] : memref<80000x128xf32, #tpu.memory_space<hbm>> -> memref<80000x128xf32, #tpu.memory_space<hbm>>
          tpu.enqueue_indirect_dma source(%dma_start3A_483 : memref<80000x128xf32, #tpu.memory_space<hbm>>) target(%arg12 : memref<128x128xf32, #tpu.memory_space<vmem>>) offsets(%dma_start3A_480 : memref<128xi32, #tpu.memory_space<vmem>>) semaphore(%arg16 : memref<!tpu.dma_semaphore, #tpu.memory_space<semaphore_mem>>)
        } else {
        }
        %dma_start3A = arith.constant 0 : i32
        %dma_start3A_471 = tpu.memref_slice %arg11[%while3A_411, %dma_start3A] : memref<80x128xi32, #tpu.memory_space<vmem>> -> memref<1x128xi32, #tpu.memory_space<vmem>>
        %dma_start3A_472 = tpu.memref_squeeze %dma_start3A_471 : memref<1x128xi32, #tpu.memory_space<vmem>> -> memref<128xi32, #tpu.memory_space<vmem>>
        %dma_start3A_473 = arith.constant 0 : i32
        %dma_start3A_474 = arith.constant 0 : i32
        %dma_start3A_475 = tpu.memref_slice %arg15[%dma_start3A_473, %dma_start3A_474] : memref<5120x128xf32, #tpu.memory_space<vmem_shared>> -> memref<5120x128xf32, #tpu.memory_space<vmem_shared>>
        tpu.enqueue_indirect_dma source(%arg13 : memref<128x128xf32, #tpu.memory_space<vmem>>) target(%dma_start3A_475 : memref<5120x128xf32, #tpu.memory_space<vmem_shared>>) offsets(%dma_start3A_472 : memref<128xi32, #tpu.memory_space<vmem>>) semaphore(%arg19 : memref<!tpu.dma_semaphore, #tpu.memory_space<semaphore_mem>>) {add = true}
      } else {
      }
    }
    %while3A_145 = arith.constant 1 : i32
    scf.for %while3A_411 = %while3A_143 to %while3A_139 step %while3A_145  : i32 {
      %jit3A_412 = arith.constant 2 : i32
      %eq3A_413 = arith.constant 0 : i32
      %eq3A_414 = arith.cmpi eq, %jit3A_412, %eq3A_413 : i32
      %jit3A_415 = arith.constant 1 : i32
      %select_n3A_416 = arith.select %eq3A_414, %jit3A_415, %jit3A_412 : i32
      %rem3A_417 = arith.remsi %while3A_411, %select_n3A_416 : i32
      %ne3A_418 = arith.constant 0 : i32
      %ne3A_419 = arith.cmpi ne, %rem3A_417, %ne3A_418 : i32
      %lt3A_420 = arith.constant 0 : i32
      %lt3A_421 = arith.cmpi slt, %rem3A_417, %lt3A_420 : i32
      %lt3A_422 = arith.constant 0 : i32
      %lt3A_423 = arith.cmpi slt, %select_n3A_416, %lt3A_422 : i32
      %ne3A_424 = arith.xori %lt3A_421, %lt3A_423 : i1
      %and3A_425 = arith.andi %ne3A_424, %ne3A_419 : i1
      %add3A_426 = arith.addi %rem3A_417, %select_n3A_416 : i32
      %select_n3A_427 = arith.select %and3A_425, %add3A_426, %rem3A_417 : i32
      %eq3A_428 = arith.constant 0 : i32
      %eq3A_429 = arith.cmpi eq, %select_n3A_427, %eq3A_428 : i32
      %convert_element_type3A_430 = arith.extui %eq3A_429 : i1 to i32
      %cond3A_431 = arith.constant 0 : i32
      %cond3A_432 = arith.cmpi ne, %convert_element_type3A_430, %cond3A_431 : i32
      scf.if %cond3A_432 {
        %mul3A_454 = arith.constant 128 : i32
        %mul3A_455 = arith.muli %while3A_411, %mul3A_454 : i32
        %dma_wait3A = tpu.memref_slice %arg10[%mul3A_455] : memref<10240xi32, #tpu.memory_space<vmem>> -> memref<128xi32, #tpu.memory_space<vmem>>
        %dma_wait3A_456 = arith.constant 0 : i32
        %dma_wait3A_457 = arith.constant 0 : i32
        %dma_wait3A_458 = tpu.memref_slice %arg2[%dma_wait3A_456, %dma_wait3A_457] : memref<80000x128xf32, #tpu.memory_space<hbm>> -> memref<80000x128xf32, #tpu.memory_space<hbm>>
        tpu.wait_indirect_dma semaphore(%arg16 : memref<!tpu.dma_semaphore, #tpu.memory_space<semaphore_mem>>) src(%dma_wait3A_458 : memref<80000x128xf32, #tpu.memory_space<hbm>>) dst(%arg12 : memref<128x128xf32, #tpu.memory_space<vmem>>)
        %ge3A = arith.constant 1 : i32
        %ge3A_459 = arith.cmpi sge, %while3A_411, %ge3A : i32
        %convert_element_type3A_460 = arith.extui %ge3A_459 : i1 to i32
        %cond3A_461 = arith.constant 0 : i32
        %cond3A_462 = arith.cmpi ne, %convert_element_type3A_460, %cond3A_461 : i32
        scf.if %cond3A_462 {
          %dma_wait3A_474 = arith.constant 0 : i32
          %dma_wait3A_475 = tpu.memref_slice %arg11[%while3A_411, %dma_wait3A_474] : memref<80x128xi32, #tpu.memory_space<vmem>> -> memref<1x128xi32, #tpu.memory_space<vmem>>
          %dma_wait3A_476 = tpu.memref_squeeze %dma_wait3A_475 : memref<1x128xi32, #tpu.memory_space<vmem>> -> memref<128xi32, #tpu.memory_space<vmem>>
          %dma_wait3A_477 = arith.constant 0 : i32
          %dma_wait3A_478 = arith.constant 0 : i32
          %dma_wait3A_479 = tpu.memref_slice %arg15[%dma_wait3A_477, %dma_wait3A_478] : memref<5120x128xf32, #tpu.memory_space<vmem_shared>> -> memref<5120x128xf32, #tpu.memory_space<vmem_shared>>
          tpu.wait_indirect_dma semaphore(%arg19 : memref<!tpu.dma_semaphore, #tpu.memory_space<semaphore_mem>>) src(%arg13 : memref<128x128xf32, #tpu.memory_space<vmem>>) dst(%dma_wait3A_479 : memref<5120x128xf32, #tpu.memory_space<vmem_shared>>)
        } else {
        }
        %add3A_463 = arith.constant 1 : i32
        %add3A_464 = arith.addi %while3A_411, %add3A_463 : i32
        %lt3A_465 = arith.cmpi slt, %add3A_464, %select_n3A : i32
        %convert_element_type3A_466 = arith.extui %lt3A_465 : i1 to i32
        %cond3A_467 = arith.constant 0 : i32
        %cond3A_468 = arith.cmpi ne, %convert_element_type3A_466, %cond3A_467 : i32
        scf.if %cond3A_468 {
          %add3A_474 = arith.constant 1 : i32
          %add3A_475 = arith.addi %while3A_411, %add3A_474 : i32
          %mul3A_476 = arith.constant 128 : i32
          %mul3A_477 = arith.muli %add3A_475, %mul3A_476 : i32
          %dma_start3A_478 = tpu.memref_slice %arg10[%mul3A_477] : memref<10240xi32, #tpu.memory_space<vmem>> -> memref<128xi32, #tpu.memory_space<vmem>>
          %dma_start3A_479 = arith.constant 0 : i32
          %dma_start3A_480 = arith.constant 0 : i32
          %dma_start3A_481 = tpu.memref_slice %arg2[%dma_start3A_479, %dma_start3A_480] : memref<80000x128xf32, #tpu.memory_space<hbm>> -> memref<80000x128xf32, #tpu.memory_space<hbm>>
          tpu.enqueue_indirect_dma source(%dma_start3A_481 : memref<80000x128xf32, #tpu.memory_space<hbm>>) target(%arg13 : memref<128x128xf32, #tpu.memory_space<vmem>>) offsets(%dma_start3A_478 : memref<128xi32, #tpu.memory_space<vmem>>) semaphore(%arg17 : memref<!tpu.dma_semaphore, #tpu.memory_space<semaphore_mem>>)
        } else {
        }
        %dma_start3A = arith.constant 0 : i32
        %dma_start3A_469 = tpu.memref_slice %arg11[%while3A_411, %dma_start3A] : memref<80x128xi32, #tpu.memory_space<vmem>> -> memref<1x128xi32, #tpu.memory_space<vmem>>
        %dma_start3A_470 = tpu.memref_squeeze %dma_start3A_469 : memref<1x128xi32, #tpu.memory_space<vmem>> -> memref<128xi32, #tpu.memory_space<vmem>>
        %dma_start3A_471 = arith.constant 0 : i32
        %dma_start3A_472 = arith.constant 0 : i32
        %dma_start3A_473 = tpu.memref_slice %arg15[%dma_start3A_471, %dma_start3A_472] : memref<5120x128xf32, #tpu.memory_space<vmem_shared>> -> memref<5120x128xf32, #tpu.memory_space<vmem_shared>>
        tpu.enqueue_indirect_dma source(%arg12 : memref<128x128xf32, #tpu.memory_space<vmem>>) target(%dma_start3A_473 : memref<5120x128xf32, #tpu.memory_space<vmem_shared>>) offsets(%dma_start3A_470 : memref<128xi32, #tpu.memory_space<vmem>>) semaphore(%arg18 : memref<!tpu.dma_semaphore, #tpu.memory_space<semaphore_mem>>) {add = true}
      } else {
      }
      %jit3A_433 = arith.constant 2 : i32
      %eq3A_434 = arith.constant 0 : i32
      %eq3A_435 = arith.cmpi eq, %jit3A_433, %eq3A_434 : i32
      %jit3A_436 = arith.constant 1 : i32
      %select_n3A_437 = arith.select %eq3A_435, %jit3A_436, %jit3A_433 : i32
      %rem3A_438 = arith.remsi %while3A_411, %select_n3A_437 : i32
      %ne3A_439 = arith.constant 0 : i32
      %ne3A_440 = arith.cmpi ne, %rem3A_438, %ne3A_439 : i32
      %lt3A_441 = arith.constant 0 : i32
      %lt3A_442 = arith.cmpi slt, %rem3A_438, %lt3A_441 : i32
      %lt3A_443 = arith.constant 0 : i32
      %lt3A_444 = arith.cmpi slt, %select_n3A_437, %lt3A_443 : i32
      %ne3A_445 = arith.xori %lt3A_442, %lt3A_444 : i1
      %and3A_446 = arith.andi %ne3A_445, %ne3A_440 : i1
      %add3A_447 = arith.addi %rem3A_438, %select_n3A_437 : i32
      %select_n3A_448 = arith.select %and3A_446, %add3A_447, %rem3A_438 : i32
      %eq3A_449 = arith.constant 1 : i32
      %eq3A_450 = arith.cmpi eq, %select_n3A_448, %eq3A_449 : i32
      %convert_element_type3A_451 = arith.extui %eq3A_450 : i1 to i32
      %cond3A_452 = arith.constant 0 : i32
      %cond3A_453 = arith.cmpi ne, %convert_element_type3A_451, %cond3A_452 : i32
      scf.if %cond3A_453 {
        %mul3A_454 = arith.constant 128 : i32
        %mul3A_455 = arith.muli %while3A_411, %mul3A_454 : i32
        %dma_wait3A = tpu.memref_slice %arg10[%mul3A_455] : memref<10240xi32, #tpu.memory_space<vmem>> -> memref<128xi32, #tpu.memory_space<vmem>>
        %dma_wait3A_456 = arith.constant 0 : i32
        %dma_wait3A_457 = arith.constant 0 : i32
        %dma_wait3A_458 = tpu.memref_slice %arg2[%dma_wait3A_456, %dma_wait3A_457] : memref<80000x128xf32, #tpu.memory_space<hbm>> -> memref<80000x128xf32, #tpu.memory_space<hbm>>
        tpu.wait_indirect_dma semaphore(%arg17 : memref<!tpu.dma_semaphore, #tpu.memory_space<semaphore_mem>>) src(%dma_wait3A_458 : memref<80000x128xf32, #tpu.memory_space<hbm>>) dst(%arg13 : memref<128x128xf32, #tpu.memory_space<vmem>>)
        %dma_wait3A_459 = arith.constant 0 : i32
        %dma_wait3A_460 = tpu.memref_slice %arg11[%while3A_411, %dma_wait3A_459] : memref<80x128xi32, #tpu.memory_space<vmem>> -> memref<1x128xi32, #tpu.memory_space<vmem>>
        %dma_wait3A_461 = tpu.memref_squeeze %dma_wait3A_460 : memref<1x128xi32, #tpu.memory_space<vmem>> -> memref<128xi32, #tpu.memory_space<vmem>>
        %dma_wait3A_462 = arith.constant 0 : i32
        %dma_wait3A_463 = arith.constant 0 : i32
        %dma_wait3A_464 = tpu.memref_slice %arg15[%dma_wait3A_462, %dma_wait3A_463] : memref<5120x128xf32, #tpu.memory_space<vmem_shared>> -> memref<5120x128xf32, #tpu.memory_space<vmem_shared>>
        tpu.wait_indirect_dma semaphore(%arg18 : memref<!tpu.dma_semaphore, #tpu.memory_space<semaphore_mem>>) src(%arg12 : memref<128x128xf32, #tpu.memory_space<vmem>>) dst(%dma_wait3A_464 : memref<5120x128xf32, #tpu.memory_space<vmem_shared>>)
        %add3A_465 = arith.constant 1 : i32
        %add3A_466 = arith.addi %while3A_411, %add3A_465 : i32
        %lt3A_467 = arith.cmpi slt, %add3A_466, %select_n3A : i32
        %convert_element_type3A_468 = arith.extui %lt3A_467 : i1 to i32
        %cond3A_469 = arith.constant 0 : i32
        %cond3A_470 = arith.cmpi ne, %convert_element_type3A_468, %cond3A_469 : i32
        scf.if %cond3A_470 {
          %add3A_476 = arith.constant 1 : i32
          %add3A_477 = arith.addi %while3A_411, %add3A_476 : i32
          %mul3A_478 = arith.constant 128 : i32
          %mul3A_479 = arith.muli %add3A_477, %mul3A_478 : i32
          %dma_start3A_480 = tpu.memref_slice %arg10[%mul3A_479] : memref<10240xi32, #tpu.memory_space<vmem>> -> memref<128xi32, #tpu.memory_space<vmem>>
          %dma_start3A_481 = arith.constant 0 : i32
          %dma_start3A_482 = arith.constant 0 : i32
          %dma_start3A_483 = tpu.memref_slice %arg2[%dma_start3A_481, %dma_start3A_482] : memref<80000x128xf32, #tpu.memory_space<hbm>> -> memref<80000x128xf32, #tpu.memory_space<hbm>>
          tpu.enqueue_indirect_dma source(%dma_start3A_483 : memref<80000x128xf32, #tpu.memory_space<hbm>>) target(%arg12 : memref<128x128xf32, #tpu.memory_space<vmem>>) offsets(%dma_start3A_480 : memref<128xi32, #tpu.memory_space<vmem>>) semaphore(%arg16 : memref<!tpu.dma_semaphore, #tpu.memory_space<semaphore_mem>>)
        } else {
        }
        %dma_start3A = arith.constant 0 : i32
        %dma_start3A_471 = tpu.memref_slice %arg11[%while3A_411, %dma_start3A] : memref<80x128xi32, #tpu.memory_space<vmem>> -> memref<1x128xi32, #tpu.memory_space<vmem>>
        %dma_start3A_472 = tpu.memref_squeeze %dma_start3A_471 : memref<1x128xi32, #tpu.memory_space<vmem>> -> memref<128xi32, #tpu.memory_space<vmem>>
        %dma_start3A_473 = arith.constant 0 : i32
        %dma_start3A_474 = arith.constant 0 : i32
        %dma_start3A_475 = tpu.memref_slice %arg15[%dma_start3A_473, %dma_start3A_474] : memref<5120x128xf32, #tpu.memory_space<vmem_shared>> -> memref<5120x128xf32, #tpu.memory_space<vmem_shared>>
        tpu.enqueue_indirect_dma source(%arg13 : memref<128x128xf32, #tpu.memory_space<vmem>>) target(%dma_start3A_475 : memref<5120x128xf32, #tpu.memory_space<vmem_shared>>) offsets(%dma_start3A_472 : memref<128xi32, #tpu.memory_space<vmem>>) semaphore(%arg19 : memref<!tpu.dma_semaphore, #tpu.memory_space<semaphore_mem>>) {add = true}
      } else {
      }
    }
    %gt3A_146 = arith.constant 0 : i32
    %gt3A_147 = arith.cmpi sgt, %select_n3A, %gt3A_146 : i32
    %jit3A_148 = arith.constant 2 : i32
    %eq3A = arith.constant 0 : i32
    %eq3A_149 = arith.cmpi eq, %jit3A_148, %eq3A : i32
    %jit3A_150 = arith.constant 1 : i32
    %select_n3A_151 = arith.select %eq3A_149, %jit3A_150, %jit3A_148 : i32
    %rem3A_152 = arith.remsi %select_n3A, %select_n3A_151 : i32
    %ne3A_153 = arith.constant 0 : i32
    %ne3A_154 = arith.cmpi ne, %rem3A_152, %ne3A_153 : i32
    %lt3A_155 = arith.constant 0 : i32
    %lt3A_156 = arith.cmpi slt, %rem3A_152, %lt3A_155 : i32
    %lt3A_157 = arith.constant 0 : i32
    %lt3A_158 = arith.cmpi slt, %select_n3A_151, %lt3A_157 : i32
    %ne3A_159 = arith.xori %lt3A_156, %lt3A_158 : i1
    %and3A_160 = arith.andi %ne3A_159, %ne3A_154 : i1
    %add3A_161 = arith.addi %rem3A_152, %select_n3A_151 : i32
    %select_n3A_162 = arith.select %and3A_160, %add3A_161, %rem3A_152 : i32
    %eq3A_163 = arith.constant 1 : i32
    %eq3A_164 = arith.cmpi eq, %select_n3A_162, %eq3A_163 : i32
    %and3A_165 = arith.andi %gt3A_147, %eq3A_164 : i1
    %convert_element_type3A_166 = arith.extui %and3A_165 : i1 to i32
    %cond3A_167 = arith.constant 0 : i32
    %cond3A_168 = arith.cmpi ne, %convert_element_type3A_166, %cond3A_167 : i32
    scf.if %cond3A_168 {
      %dma_wait3A = arith.constant 0 : i32
      %dma_wait3A_411 = arith.constant 0 : i32
      %dma_wait3A_412 = tpu.memref_slice %arg11[%dma_wait3A, %dma_wait3A_411] : memref<80x128xi32, #tpu.memory_space<vmem>> -> memref<1x128xi32, #tpu.memory_space<vmem>>
      %dma_wait3A_413 = tpu.memref_squeeze %dma_wait3A_412 : memref<1x128xi32, #tpu.memory_space<vmem>> -> memref<128xi32, #tpu.memory_space<vmem>>
      %dma_wait3A_414 = arith.constant 0 : i32
      %dma_wait3A_415 = arith.constant 0 : i32
      %dma_wait3A_416 = tpu.memref_slice %arg15[%dma_wait3A_414, %dma_wait3A_415] : memref<5120x128xf32, #tpu.memory_space<vmem_shared>> -> memref<5120x128xf32, #tpu.memory_space<vmem_shared>>
      tpu.wait_indirect_dma semaphore(%arg18 : memref<!tpu.dma_semaphore, #tpu.memory_space<semaphore_mem>>) src(%arg12 : memref<128x128xf32, #tpu.memory_space<vmem>>) dst(%dma_wait3A_416 : memref<5120x128xf32, #tpu.memory_space<vmem_shared>>)
    } else {
    }
    %jit3A_169 = arith.constant 2 : i32
    %eq3A_170 = arith.constant 0 : i32
    %eq3A_171 = arith.cmpi eq, %jit3A_169, %eq3A_170 : i32
    %jit3A_172 = arith.constant 1 : i32
    %select_n3A_173 = arith.select %eq3A_171, %jit3A_172, %jit3A_169 : i32
    %rem3A_174 = arith.remsi %select_n3A, %select_n3A_173 : i32
    %ne3A_175 = arith.constant 0 : i32
    %ne3A_176 = arith.cmpi ne, %rem3A_174, %ne3A_175 : i32
    %lt3A_177 = arith.constant 0 : i32
    %lt3A_178 = arith.cmpi slt, %rem3A_174, %lt3A_177 : i32
    %lt3A_179 = arith.constant 0 : i32
    %lt3A_180 = arith.cmpi slt, %select_n3A_173, %lt3A_179 : i32
    %ne3A_181 = arith.xori %lt3A_178, %lt3A_180 : i1
    %and3A_182 = arith.andi %ne3A_181, %ne3A_176 : i1
    %add3A_183 = arith.addi %rem3A_174, %select_n3A_173 : i32
    %select_n3A_184 = arith.select %and3A_182, %add3A_183, %rem3A_174 : i32
    %eq3A_185 = arith.constant 0 : i32
    %eq3A_186 = arith.cmpi eq, %select_n3A_184, %eq3A_185 : i32
    %convert_element_type3A_187 = arith.extui %eq3A_186 : i1 to i32
    %cond3A_188 = arith.constant 0 : i32
    %cond3A_189 = arith.cmpi ne, %convert_element_type3A_187, %cond3A_188 : i32
    scf.if %cond3A_189 {
      %gt3A_411 = arith.constant 0 : i32
      %gt3A_412 = arith.cmpi sgt, %select_n3A, %gt3A_411 : i32
      %convert_element_type3A_413 = arith.extui %gt3A_412 : i1 to i32
      %cond3A_414 = arith.constant 0 : i32
      %cond3A_415 = arith.cmpi ne, %convert_element_type3A_413, %cond3A_414 : i32
      scf.if %cond3A_415 {
        %dma_wait3A = arith.constant 0 : i32
        %dma_wait3A_416 = arith.constant 0 : i32
        %dma_wait3A_417 = tpu.memref_slice %arg11[%dma_wait3A, %dma_wait3A_416] : memref<80x128xi32, #tpu.memory_space<vmem>> -> memref<1x128xi32, #tpu.memory_space<vmem>>
        %dma_wait3A_418 = tpu.memref_squeeze %dma_wait3A_417 : memref<1x128xi32, #tpu.memory_space<vmem>> -> memref<128xi32, #tpu.memory_space<vmem>>
        %dma_wait3A_419 = arith.constant 0 : i32
        %dma_wait3A_420 = arith.constant 0 : i32
        %dma_wait3A_421 = tpu.memref_slice %arg15[%dma_wait3A_419, %dma_wait3A_420] : memref<5120x128xf32, #tpu.memory_space<vmem_shared>> -> memref<5120x128xf32, #tpu.memory_space<vmem_shared>>
        tpu.wait_indirect_dma semaphore(%arg19 : memref<!tpu.dma_semaphore, #tpu.memory_space<semaphore_mem>>) src(%arg13 : memref<128x128xf32, #tpu.memory_space<vmem>>) dst(%dma_wait3A_421 : memref<5120x128xf32, #tpu.memory_space<vmem_shared>>)
      } else {
      }
    } else {
    }
    %barrier3A_190 = arith.constant 0 : index
    tpu.barrier barrier_id(%barrier3A_190)
    %mul3A_191 = arith.constant 312 : i32
    %mul3A_192 = arith.muli %arg1, %mul3A_191 : i32
    %add3A_193 = arith.constant 0 : i32
    %add3A_194 = arith.addi %add3A_193, %mul3A_192 : i32
    "tpu.region"() ({
      %run_scoped3A = tpu.sem_alloc : memref<!tpu.dma_semaphore, #tpu.memory_space<semaphore_mem>>
      %dma_start3A = arith.constant 0 : i32
      %dma_start3A_411 = tpu.memref_slice %arg6[%arg0, %add3A_194, %dma_start3A] : memref<2x10000x128xf32, #tpu.memory_space<hbm>> -> memref<1x312x128xf32, #tpu.memory_space<hbm>>
      %dma_start3A_412 = tpu.memref_squeeze %dma_start3A_411 : memref<1x312x128xf32, #tpu.memory_space<hbm>> -> memref<312x128xf32, #tpu.memory_space<hbm>>
      %dma_start3A_413 = arith.constant 0 : i32
      %dma_start3A_414 = tpu.memref_slice %arg15[%mul3A_192, %dma_start3A_413] : memref<5120x128xf32, #tpu.memory_space<vmem_shared>> -> memref<312x128xf32, #tpu.memory_space<vmem_shared>>
      tpu.enqueue_dma source(%dma_start3A_414 : memref<312x128xf32, #tpu.memory_space<vmem_shared>>) target(%dma_start3A_412 : memref<312x128xf32, #tpu.memory_space<hbm>>) target_semaphore(%run_scoped3A : memref<!tpu.dma_semaphore, #tpu.memory_space<semaphore_mem>>)
      %dma_wait3A = arith.constant 0 : i32
      %dma_wait3A_415 = tpu.memref_slice %arg6[%arg0, %add3A_194, %dma_wait3A] : memref<2x10000x128xf32, #tpu.memory_space<hbm>> -> memref<1x312x128xf32, #tpu.memory_space<hbm>>
      %dma_wait3A_416 = tpu.memref_squeeze %dma_wait3A_415 : memref<1x312x128xf32, #tpu.memory_space<hbm>> -> memref<312x128xf32, #tpu.memory_space<hbm>>
      %dma_wait3A_417 = arith.constant 0 : i32
      %dma_wait3A_418 = tpu.memref_slice %arg15[%mul3A_192, %dma_wait3A_417] : memref<5120x128xf32, #tpu.memory_space<vmem_shared>> -> memref<312x128xf32, #tpu.memory_space<vmem_shared>>
      tpu.wait_dma2 semaphore(%run_scoped3A : memref<!tpu.dma_semaphore, #tpu.memory_space<semaphore_mem>>) src(%dma_wait3A_418 : memref<312x128xf32, #tpu.memory_space<vmem_shared>>) dst(%dma_wait3A_416 : memref<312x128xf32, #tpu.memory_space<hbm>>)
      tpu.yield
    }) : () -> ()
    %eq3A_195 = arith.constant 15 : i32
    %eq3A_196 = arith.cmpi eq, %arg1, %eq3A_195 : i32
    %convert_element_type3A_197 = arith.extui %eq3A_196 : i1 to i32
    %cond3A_198 = arith.constant 0 : i32
    %cond3A_199 = arith.cmpi ne, %convert_element_type3A_197, %cond3A_198 : i32
    scf.if %cond3A_199 {
      "tpu.region"() ({
        %run_scoped3A = tpu.sem_alloc : memref<!tpu.dma_semaphore, #tpu.memory_space<semaphore_mem>>
        %dma_start3A = arith.constant 4992 : i32
        %dma_start3A_411 = arith.constant 0 : i32
        %dma_start3A_412 = tpu.memref_slice %arg6[%arg0, %dma_start3A, %dma_start3A_411] : memref<2x10000x128xf32, #tpu.memory_space<hbm>> -> memref<1x8x128xf32, #tpu.memory_space<hbm>>
        %dma_start3A_413 = tpu.memref_squeeze %dma_start3A_412 : memref<1x8x128xf32, #tpu.memory_space<hbm>> -> memref<8x128xf32, #tpu.memory_space<hbm>>
        %dma_start3A_414 = arith.constant 4992 : i32
        %dma_start3A_415 = arith.constant 0 : i32
        %dma_start3A_416 = tpu.memref_slice %arg15[%dma_start3A_414, %dma_start3A_415] : memref<5120x128xf32, #tpu.memory_space<vmem_shared>> -> memref<8x128xf32, #tpu.memory_space<vmem_shared>>
        tpu.enqueue_dma source(%dma_start3A_416 : memref<8x128xf32, #tpu.memory_space<vmem_shared>>) target(%dma_start3A_413 : memref<8x128xf32, #tpu.memory_space<hbm>>) target_semaphore(%run_scoped3A : memref<!tpu.dma_semaphore, #tpu.memory_space<semaphore_mem>>)
        %dma_wait3A = arith.constant 4992 : i32
        %dma_wait3A_417 = arith.constant 0 : i32
        %dma_wait3A_418 = tpu.memref_slice %arg6[%arg0, %dma_wait3A, %dma_wait3A_417] : memref<2x10000x128xf32, #tpu.memory_space<hbm>> -> memref<1x8x128xf32, #tpu.memory_space<hbm>>
        %dma_wait3A_419 = tpu.memref_squeeze %dma_wait3A_418 : memref<1x8x128xf32, #tpu.memory_space<hbm>> -> memref<8x128xf32, #tpu.memory_space<hbm>>
        %dma_wait3A_420 = arith.constant 4992 : i32
        %dma_wait3A_421 = arith.constant 0 : i32
        %dma_wait3A_422 = tpu.memref_slice %arg15[%dma_wait3A_420, %dma_wait3A_421] : memref<5120x128xf32, #tpu.memory_space<vmem_shared>> -> memref<8x128xf32, #tpu.memory_space<vmem_shared>>
        tpu.wait_dma2 semaphore(%run_scoped3A : memref<!tpu.dma_semaphore, #tpu.memory_space<semaphore_mem>>) src(%dma_wait3A_422 : memref<8x128xf32, #tpu.memory_space<vmem_shared>>) dst(%dma_wait3A_419 : memref<8x128xf32, #tpu.memory_space<hbm>>)
        tpu.yield
      }) : () -> ()
    } else {
    }
    %barrier3A_200 = arith.constant 0 : index
    tpu.barrier barrier_id(%barrier3A_200)
    %broadcast_in_dim3A_201 = arith.constant 5000 : i32
    %broadcast_in_dim3A_202 = vector.broadcast %broadcast_in_dim3A_201 : i32 to vector<16xi32>
    %scan3A_203 = arith.constant 0 : i32
    %scan3A_204 = arith.constant 0 : i32
    %scan3A_205 = arith.constant 158 : i32
    %scan3A_206 = arith.addi %scan3A_204, %scan3A_205 : i32
    %scan3A_207 = arith.constant 1 : i32
    %scan3A_208 = scf.for %scan3A_411 = %scan3A_204 to %scan3A_206 step %scan3A_207 iter_args(%scan3A_412 = %scan3A_203) -> (i32)  : i32 {
      %mul3A_413 = arith.constant 4 : i32
      %mul3A_414 = arith.muli %mul3A_413, %scan3A_411 : i32
      %add3A_415 = arith.constant 0 : i32
      %add3A_416 = arith.addi %mul3A_414, %add3A_415 : i32
      %jit3A_417 = arith.constant 8 : i32
      %div3A_418 = arith.divsi %add3A_416, %jit3A_417 : i32
      %sign3A_419 = arith.constant 0 : i32
      %sign3A_420 = arith.cmpi sgt, %add3A_416, %sign3A_419 : i32
      %sign3A_421 = arith.extui %sign3A_420 : i1 to i32
      %sign3A_422 = arith.constant 0 : i32
      %sign3A_423 = arith.cmpi slt, %add3A_416, %sign3A_422 : i32
      %sign3A_424 = arith.extui %sign3A_423 : i1 to i32
      %sign3A_425 = arith.subi %sign3A_421, %sign3A_424 : i32
      %sign3A_426 = arith.constant 0 : i32
      %sign3A_427 = arith.cmpi sgt, %jit3A_417, %sign3A_426 : i32
      %sign3A_428 = arith.extui %sign3A_427 : i1 to i32
      %sign3A_429 = arith.constant 0 : i32
      %sign3A_430 = arith.cmpi slt, %jit3A_417, %sign3A_429 : i32
      %sign3A_431 = arith.extui %sign3A_430 : i1 to i32
      %sign3A_432 = arith.subi %sign3A_428, %sign3A_431 : i32
      %ne3A_433 = arith.cmpi ne, %sign3A_425, %sign3A_432 : i32
      %rem3A_434 = arith.remsi %add3A_416, %jit3A_417 : i32
      %ne3A_435 = arith.constant 0 : i32
      %ne3A_436 = arith.cmpi ne, %rem3A_434, %ne3A_435 : i32
      %and3A_437 = arith.andi %ne3A_433, %ne3A_436 : i1
      %sub3A_438 = arith.constant 1 : i32
      %sub3A_439 = arith.subi %div3A_418, %sub3A_438 : i32
      %select_n3A_440 = arith.select %and3A_437, %sub3A_439, %div3A_418 : i32
      %jit3A_441 = arith.constant 8 : i32
      %eq3A_442 = arith.constant 0 : i32
      %eq3A_443 = arith.cmpi eq, %jit3A_441, %eq3A_442 : i32
      %jit3A_444 = arith.constant 1 : i32
      %select_n3A_445 = arith.select %eq3A_443, %jit3A_444, %jit3A_441 : i32
      %rem3A_446 = arith.remsi %add3A_416, %select_n3A_445 : i32
      %ne3A_447 = arith.constant 0 : i32
      %ne3A_448 = arith.cmpi ne, %rem3A_446, %ne3A_447 : i32
      %lt3A_449 = arith.constant 0 : i32
      %lt3A_450 = arith.cmpi slt, %rem3A_446, %lt3A_449 : i32
      %lt3A_451 = arith.constant 0 : i32
      %lt3A_452 = arith.cmpi slt, %select_n3A_445, %lt3A_451 : i32
      %ne3A_453 = arith.xori %lt3A_450, %lt3A_452 : i1
      %and3A_454 = arith.andi %ne3A_453, %ne3A_448 : i1
      %add3A_455 = arith.addi %rem3A_446, %select_n3A_445 : i32
      %select_n3A_456 = arith.select %and3A_454, %add3A_455, %rem3A_446 : i32
      %mul3A_457 = arith.constant 16 : i32
      %mul3A_458 = arith.muli %select_n3A_456, %mul3A_457 : i32
      %get3A_459 = arith.index_cast %select_n3A_440 : i32 to index
      %get3A_460 = arith.index_cast %mul3A_458 : i32 to index
      %get3A_461 = tpu.vector_load %arg9[%get3A_459, %get3A_460] {strides = array<i32>} : memref<79x128xi32, #tpu.memory_space<vmem>>, vector<16xi32>,
      %jit3A_462 = arith.constant 8 : i32
      %div3A_463 = arith.divsi %add3A_416, %jit3A_462 : i32
      %sign3A_464 = arith.constant 0 : i32
      %sign3A_465 = arith.cmpi sgt, %add3A_416, %sign3A_464 : i32
      %sign3A_466 = arith.extui %sign3A_465 : i1 to i32
      %sign3A_467 = arith.constant 0 : i32
      %sign3A_468 = arith.cmpi slt, %add3A_416, %sign3A_467 : i32
      %sign3A_469 = arith.extui %sign3A_468 : i1 to i32
      %sign3A_470 = arith.subi %sign3A_466, %sign3A_469 : i32
      %sign3A_471 = arith.constant 0 : i32
      %sign3A_472 = arith.cmpi sgt, %jit3A_462, %sign3A_471 : i32
      %sign3A_473 = arith.extui %sign3A_472 : i1 to i32
      %sign3A_474 = arith.constant 0 : i32
      %sign3A_475 = arith.cmpi slt, %jit3A_462, %sign3A_474 : i32
      %sign3A_476 = arith.extui %sign3A_475 : i1 to i32
      %sign3A_477 = arith.subi %sign3A_473, %sign3A_476 : i32
      %ne3A_478 = arith.cmpi ne, %sign3A_470, %sign3A_477 : i32
      %rem3A_479 = arith.remsi %add3A_416, %jit3A_462 : i32
      %ne3A_480 = arith.constant 0 : i32
      %ne3A_481 = arith.cmpi ne, %rem3A_479, %ne3A_480 : i32
      %and3A_482 = arith.andi %ne3A_478, %ne3A_481 : i1
      %sub3A_483 = arith.constant 1 : i32
      %sub3A_484 = arith.subi %div3A_463, %sub3A_483 : i32
      %select_n3A_485 = arith.select %and3A_482, %sub3A_484, %div3A_463 : i32
      %jit3A_486 = arith.constant 8 : i32
      %eq3A_487 = arith.constant 0 : i32
      %eq3A_488 = arith.cmpi eq, %jit3A_486, %eq3A_487 : i32
      %jit3A_489 = arith.constant 1 : i32
      %select_n3A_490 = arith.select %eq3A_488, %jit3A_489, %jit3A_486 : i32
      %rem3A_491 = arith.remsi %add3A_416, %select_n3A_490 : i32
      %ne3A_492 = arith.constant 0 : i32
      %ne3A_493 = arith.cmpi ne, %rem3A_491, %ne3A_492 : i32
      %lt3A_494 = arith.constant 0 : i32
      %lt3A_495 = arith.cmpi slt, %rem3A_491, %lt3A_494 : i32
      %lt3A_496 = arith.constant 0 : i32
      %lt3A_497 = arith.cmpi slt, %select_n3A_490, %lt3A_496 : i32
      %ne3A_498 = arith.xori %lt3A_495, %lt3A_497 : i1
      %and3A_499 = arith.andi %ne3A_498, %ne3A_493 : i1
      %add3A_500 = arith.addi %rem3A_491, %select_n3A_490 : i32
      %select_n3A_501 = arith.select %and3A_499, %add3A_500, %rem3A_491 : i32
      %mul3A_502 = arith.constant 16 : i32
      %mul3A_503 = arith.muli %select_n3A_501, %mul3A_502 : i32
      %get3A_504 = arith.index_cast %select_n3A_485 : i32 to index
      %get3A_505 = arith.index_cast %mul3A_503 : i32 to index
      %get3A_506 = tpu.vector_load %arg8[%get3A_504, %get3A_505] {strides = array<i32>} : memref<79x128xi32, #tpu.memory_space<vmem>>, vector<16xi32>,
      %jit3A_507 = arith.constant 8 : i32
      %div3A_508 = arith.divsi %add3A_416, %jit3A_507 : i32
      %sign3A_509 = arith.constant 0 : i32
      %sign3A_510 = arith.cmpi sgt, %add3A_416, %sign3A_509 : i32
      %sign3A_511 = arith.extui %sign3A_510 : i1 to i32
      %sign3A_512 = arith.constant 0 : i32
      %sign3A_513 = arith.cmpi slt, %add3A_416, %sign3A_512 : i32
      %sign3A_514 = arith.extui %sign3A_513 : i1 to i32
      %sign3A_515 = arith.subi %sign3A_511, %sign3A_514 : i32
      %sign3A_516 = arith.constant 0 : i32
      %sign3A_517 = arith.cmpi sgt, %jit3A_507, %sign3A_516 : i32
      %sign3A_518 = arith.extui %sign3A_517 : i1 to i32
      %sign3A_519 = arith.constant 0 : i32
      %sign3A_520 = arith.cmpi slt, %jit3A_507, %sign3A_519 : i32
      %sign3A_521 = arith.extui %sign3A_520 : i1 to i32
      %sign3A_522 = arith.subi %sign3A_518, %sign3A_521 : i32
      %ne3A_523 = arith.cmpi ne, %sign3A_515, %sign3A_522 : i32
      %rem3A_524 = arith.remsi %add3A_416, %jit3A_507 : i32
      %ne3A_525 = arith.constant 0 : i32
      %ne3A_526 = arith.cmpi ne, %rem3A_524, %ne3A_525 : i32
      %and3A_527 = arith.andi %ne3A_523, %ne3A_526 : i1
      %sub3A_528 = arith.constant 1 : i32
      %sub3A_529 = arith.subi %div3A_508, %sub3A_528 : i32
      %select_n3A_530 = arith.select %and3A_527, %sub3A_529, %div3A_508 : i32
      %jit3A_531 = arith.constant 8 : i32
      %eq3A_532 = arith.constant 0 : i32
      %eq3A_533 = arith.cmpi eq, %jit3A_531, %eq3A_532 : i32
      %jit3A_534 = arith.constant 1 : i32
      %select_n3A_535 = arith.select %eq3A_533, %jit3A_534, %jit3A_531 : i32
      %rem3A_536 = arith.remsi %add3A_416, %select_n3A_535 : i32
      %ne3A_537 = arith.constant 0 : i32
      %ne3A_538 = arith.cmpi ne, %rem3A_536, %ne3A_537 : i32
      %lt3A_539 = arith.constant 0 : i32
      %lt3A_540 = arith.cmpi slt, %rem3A_536, %lt3A_539 : i32
      %lt3A_541 = arith.constant 0 : i32
      %lt3A_542 = arith.cmpi slt, %select_n3A_535, %lt3A_541 : i32
      %ne3A_543 = arith.xori %lt3A_540, %lt3A_542 : i1
      %and3A_544 = arith.andi %ne3A_543, %ne3A_538 : i1
      %add3A_545 = arith.addi %rem3A_536, %select_n3A_535 : i32
      %select_n3A_546 = arith.select %and3A_544, %add3A_545, %rem3A_536 : i32
      %mul3A_547 = arith.constant 16 : i32
      %mul3A_548 = arith.muli %select_n3A_546, %mul3A_547 : i32
      %get3A_549 = arith.index_cast %select_n3A_530 : i32 to index
      %get3A_550 = arith.index_cast %mul3A_548 : i32 to index
      %get3A_551 = tpu.vector_load %arg7[%get3A_549, %get3A_550] {strides = array<i32>} : memref<79x128xi32, #tpu.memory_space<vmem>>, vector<16xi32>,
      %ge3A = arith.constant 5000 : i32
      %ge3A_552 = vector.broadcast %ge3A : i32 to vector<16xi32>
      %ge3A_553 = arith.cmpi sge, %get3A_461, %ge3A_552 : vector<16xi32>
      %lt3A_554 = arith.constant 10000 : i32
      %lt3A_555 = vector.broadcast %lt3A_554 : i32 to vector<16xi32>
      %lt3A_556 = arith.cmpi slt, %get3A_461, %lt3A_555 : vector<16xi32>
      %and3A_557 = arith.andi %ge3A_553, %lt3A_556 : vector<16xi1>
      %mul3A_558 = arith.constant 10000 : i32
      %mul3A_559 = vector.broadcast %mul3A_558 : i32 to vector<16xi32>
      %mul3A_560 = arith.muli %get3A_506, %mul3A_559 : vector<16xi32>
      %add3A_561 = arith.addi %mul3A_560, %get3A_551 : vector<16xi32>
      %mul3A_562 = arith.constant 8192 : i32
      %mul3A_563 = vector.broadcast %mul3A_562 : i32 to vector<16xi32>
      %mul3A_564 = arith.muli %add3A_561, %mul3A_563 : vector<16xi32>
      %sub3A_565 = arith.constant 5000 : i32
      %sub3A_566 = vector.broadcast %sub3A_565 : i32 to vector<16xi32>
      %sub3A_567 = arith.subi %get3A_461, %sub3A_566 : vector<16xi32>
      %add3A_568 = arith.addi %mul3A_564, %sub3A_567 : vector<16xi32>
      %swap3A_569 = arith.index_cast %scan3A_412 : i32 to index
      %swap3A_570 = tpu.vector_load %arg10[%swap3A_569] masked %and3A_557 {strides = array<i32>} : memref<10240xi32, #tpu.memory_space<vmem>>, vector<16xi32>, vector<16xi1>
      tpu.vector_store %arg10[%swap3A_569], %add3A_568 masked %and3A_557 {strides = array<i32>} : memref<10240xi32, #tpu.memory_space<vmem>>, vector<16xi32>, vector<16xi1>
      %all_reduce_population_count3A = tpu.all_reduce %and3A_557 {dim = 0 : i64, kind = #tpu.reduction_kind<sum>} : vector<16xi1> -> vector<16xi32>
      %slice3A = vector.extract_strided_slice %all_reduce_population_count3A {offsets = [0], sizes = [1], strides = [1]} : vector<16xi32> to vector<1xi32>
      %squeeze3A = vector.extract %slice3A[0] : i32 from vector<1xi32>
      %add3A_571 = arith.addi %scan3A_412, %squeeze3A : i32
      %mul3A_572 = arith.constant 4 : i32
      %mul3A_573 = arith.muli %mul3A_572, %scan3A_411 : i32
      %add3A_574 = arith.constant 1 : i32
      %add3A_575 = arith.addi %mul3A_573, %add3A_574 : i32
      %jit3A_576 = arith.constant 8 : i32
      %div3A_577 = arith.divsi %add3A_575, %jit3A_576 : i32
      %sign3A_578 = arith.constant 0 : i32
      %sign3A_579 = arith.cmpi sgt, %add3A_575, %sign3A_578 : i32
      %sign3A_580 = arith.extui %sign3A_579 : i1 to i32
      %sign3A_581 = arith.constant 0 : i32
      %sign3A_582 = arith.cmpi slt, %add3A_575, %sign3A_581 : i32
      %sign3A_583 = arith.extui %sign3A_582 : i1 to i32
      %sign3A_584 = arith.subi %sign3A_580, %sign3A_583 : i32
      %sign3A_585 = arith.constant 0 : i32
      %sign3A_586 = arith.cmpi sgt, %jit3A_576, %sign3A_585 : i32
      %sign3A_587 = arith.extui %sign3A_586 : i1 to i32
      %sign3A_588 = arith.constant 0 : i32
      %sign3A_589 = arith.cmpi slt, %jit3A_576, %sign3A_588 : i32
      %sign3A_590 = arith.extui %sign3A_589 : i1 to i32
      %sign3A_591 = arith.subi %sign3A_587, %sign3A_590 : i32
      %ne3A_592 = arith.cmpi ne, %sign3A_584, %sign3A_591 : i32
      %rem3A_593 = arith.remsi %add3A_575, %jit3A_576 : i32
      %ne3A_594 = arith.constant 0 : i32
      %ne3A_595 = arith.cmpi ne, %rem3A_593, %ne3A_594 : i32
      %and3A_596 = arith.andi %ne3A_592, %ne3A_595 : i1
      %sub3A_597 = arith.constant 1 : i32
      %sub3A_598 = arith.subi %div3A_577, %sub3A_597 : i32
      %select_n3A_599 = arith.select %and3A_596, %sub3A_598, %div3A_577 : i32
      %jit3A_600 = arith.constant 8 : i32
      %eq3A_601 = arith.constant 0 : i32
      %eq3A_602 = arith.cmpi eq, %jit3A_600, %eq3A_601 : i32
      %jit3A_603 = arith.constant 1 : i32
      %select_n3A_604 = arith.select %eq3A_602, %jit3A_603, %jit3A_600 : i32
      %rem3A_605 = arith.remsi %add3A_575, %select_n3A_604 : i32
      %ne3A_606 = arith.constant 0 : i32
      %ne3A_607 = arith.cmpi ne, %rem3A_605, %ne3A_606 : i32
      %lt3A_608 = arith.constant 0 : i32
      %lt3A_609 = arith.cmpi slt, %rem3A_605, %lt3A_608 : i32
      %lt3A_610 = arith.constant 0 : i32
      %lt3A_611 = arith.cmpi slt, %select_n3A_604, %lt3A_610 : i32
      %ne3A_612 = arith.xori %lt3A_609, %lt3A_611 : i1
      %and3A_613 = arith.andi %ne3A_612, %ne3A_607 : i1
      %add3A_614 = arith.addi %rem3A_605, %select_n3A_604 : i32
      %select_n3A_615 = arith.select %and3A_613, %add3A_614, %rem3A_605 : i32
      %mul3A_616 = arith.constant 16 : i32
      %mul3A_617 = arith.muli %select_n3A_615, %mul3A_616 : i32
      %get3A_618 = arith.index_cast %select_n3A_599 : i32 to index
      %get3A_619 = arith.index_cast %mul3A_617 : i32 to index
      %get3A_620 = tpu.vector_load %arg9[%get3A_618, %get3A_619] {strides = array<i32>} : memref<79x128xi32, #tpu.memory_space<vmem>>, vector<16xi32>,
      %jit3A_621 = arith.constant 8 : i32
      %div3A_622 = arith.divsi %add3A_575, %jit3A_621 : i32
      %sign3A_623 = arith.constant 0 : i32
      %sign3A_624 = arith.cmpi sgt, %add3A_575, %sign3A_623 : i32
      %sign3A_625 = arith.extui %sign3A_624 : i1 to i32
      %sign3A_626 = arith.constant 0 : i32
      %sign3A_627 = arith.cmpi slt, %add3A_575, %sign3A_626 : i32
      %sign3A_628 = arith.extui %sign3A_627 : i1 to i32
      %sign3A_629 = arith.subi %sign3A_625, %sign3A_628 : i32
      %sign3A_630 = arith.constant 0 : i32
      %sign3A_631 = arith.cmpi sgt, %jit3A_621, %sign3A_630 : i32
      %sign3A_632 = arith.extui %sign3A_631 : i1 to i32
      %sign3A_633 = arith.constant 0 : i32
      %sign3A_634 = arith.cmpi slt, %jit3A_621, %sign3A_633 : i32
      %sign3A_635 = arith.extui %sign3A_634 : i1 to i32
      %sign3A_636 = arith.subi %sign3A_632, %sign3A_635 : i32
      %ne3A_637 = arith.cmpi ne, %sign3A_629, %sign3A_636 : i32
      %rem3A_638 = arith.remsi %add3A_575, %jit3A_621 : i32
      %ne3A_639 = arith.constant 0 : i32
      %ne3A_640 = arith.cmpi ne, %rem3A_638, %ne3A_639 : i32
      %and3A_641 = arith.andi %ne3A_637, %ne3A_640 : i1
      %sub3A_642 = arith.constant 1 : i32
      %sub3A_643 = arith.subi %div3A_622, %sub3A_642 : i32
      %select_n3A_644 = arith.select %and3A_641, %sub3A_643, %div3A_622 : i32
      %jit3A_645 = arith.constant 8 : i32
      %eq3A_646 = arith.constant 0 : i32
      %eq3A_647 = arith.cmpi eq, %jit3A_645, %eq3A_646 : i32
      %jit3A_648 = arith.constant 1 : i32
      %select_n3A_649 = arith.select %eq3A_647, %jit3A_648, %jit3A_645 : i32
      %rem3A_650 = arith.remsi %add3A_575, %select_n3A_649 : i32
      %ne3A_651 = arith.constant 0 : i32
      %ne3A_652 = arith.cmpi ne, %rem3A_650, %ne3A_651 : i32
      %lt3A_653 = arith.constant 0 : i32
      %lt3A_654 = arith.cmpi slt, %rem3A_650, %lt3A_653 : i32
      %lt3A_655 = arith.constant 0 : i32
      %lt3A_656 = arith.cmpi slt, %select_n3A_649, %lt3A_655 : i32
      %ne3A_657 = arith.xori %lt3A_654, %lt3A_656 : i1
      %and3A_658 = arith.andi %ne3A_657, %ne3A_652 : i1
      %add3A_659 = arith.addi %rem3A_650, %select_n3A_649 : i32
      %select_n3A_660 = arith.select %and3A_658, %add3A_659, %rem3A_650 : i32
      %mul3A_661 = arith.constant 16 : i32
      %mul3A_662 = arith.muli %select_n3A_660, %mul3A_661 : i32
      %get3A_663 = arith.index_cast %select_n3A_644 : i32 to index
      %get3A_664 = arith.index_cast %mul3A_662 : i32 to index
      %get3A_665 = tpu.vector_load %arg8[%get3A_663, %get3A_664] {strides = array<i32>} : memref<79x128xi32, #tpu.memory_space<vmem>>, vector<16xi32>,
      %jit3A_666 = arith.constant 8 : i32
      %div3A_667 = arith.divsi %add3A_575, %jit3A_666 : i32
      %sign3A_668 = arith.constant 0 : i32
      %sign3A_669 = arith.cmpi sgt, %add3A_575, %sign3A_668 : i32
      %sign3A_670 = arith.extui %sign3A_669 : i1 to i32
      %sign3A_671 = arith.constant 0 : i32
      %sign3A_672 = arith.cmpi slt, %add3A_575, %sign3A_671 : i32
      %sign3A_673 = arith.extui %sign3A_672 : i1 to i32
      %sign3A_674 = arith.subi %sign3A_670, %sign3A_673 : i32
      %sign3A_675 = arith.constant 0 : i32
      %sign3A_676 = arith.cmpi sgt, %jit3A_666, %sign3A_675 : i32
      %sign3A_677 = arith.extui %sign3A_676 : i1 to i32
      %sign3A_678 = arith.constant 0 : i32
      %sign3A_679 = arith.cmpi slt, %jit3A_666, %sign3A_678 : i32
      %sign3A_680 = arith.extui %sign3A_679 : i1 to i32
      %sign3A_681 = arith.subi %sign3A_677, %sign3A_680 : i32
      %ne3A_682 = arith.cmpi ne, %sign3A_674, %sign3A_681 : i32
      %rem3A_683 = arith.remsi %add3A_575, %jit3A_666 : i32
      %ne3A_684 = arith.constant 0 : i32
      %ne3A_685 = arith.cmpi ne, %rem3A_683, %ne3A_684 : i32
      %and3A_686 = arith.andi %ne3A_682, %ne3A_685 : i1
      %sub3A_687 = arith.constant 1 : i32
      %sub3A_688 = arith.subi %div3A_667, %sub3A_687 : i32
      %select_n3A_689 = arith.select %and3A_686, %sub3A_688, %div3A_667 : i32
      %jit3A_690 = arith.constant 8 : i32
      %eq3A_691 = arith.constant 0 : i32
      %eq3A_692 = arith.cmpi eq, %jit3A_690, %eq3A_691 : i32
      %jit3A_693 = arith.constant 1 : i32
      %select_n3A_694 = arith.select %eq3A_692, %jit3A_693, %jit3A_690 : i32
      %rem3A_695 = arith.remsi %add3A_575, %select_n3A_694 : i32
      %ne3A_696 = arith.constant 0 : i32
      %ne3A_697 = arith.cmpi ne, %rem3A_695, %ne3A_696 : i32
      %lt3A_698 = arith.constant 0 : i32
      %lt3A_699 = arith.cmpi slt, %rem3A_695, %lt3A_698 : i32
      %lt3A_700 = arith.constant 0 : i32
      %lt3A_701 = arith.cmpi slt, %select_n3A_694, %lt3A_700 : i32
      %ne3A_702 = arith.xori %lt3A_699, %lt3A_701 : i1
      %and3A_703 = arith.andi %ne3A_702, %ne3A_697 : i1
      %add3A_704 = arith.addi %rem3A_695, %select_n3A_694 : i32
      %select_n3A_705 = arith.select %and3A_703, %add3A_704, %rem3A_695 : i32
      %mul3A_706 = arith.constant 16 : i32
      %mul3A_707 = arith.muli %select_n3A_705, %mul3A_706 : i32
      %get3A_708 = arith.index_cast %select_n3A_689 : i32 to index
      %get3A_709 = arith.index_cast %mul3A_707 : i32 to index
      %get3A_710 = tpu.vector_load %arg7[%get3A_708, %get3A_709] {strides = array<i32>} : memref<79x128xi32, #tpu.memory_space<vmem>>, vector<16xi32>,
      %ge3A_711 = arith.constant 5000 : i32
      %ge3A_712 = vector.broadcast %ge3A_711 : i32 to vector<16xi32>
      %ge3A_713 = arith.cmpi sge, %get3A_620, %ge3A_712 : vector<16xi32>
      %lt3A_714 = arith.constant 10000 : i32
      %lt3A_715 = vector.broadcast %lt3A_714 : i32 to vector<16xi32>
      %lt3A_716 = arith.cmpi slt, %get3A_620, %lt3A_715 : vector<16xi32>
      %and3A_717 = arith.andi %ge3A_713, %lt3A_716 : vector<16xi1>
      %mul3A_718 = arith.constant 10000 : i32
      %mul3A_719 = vector.broadcast %mul3A_718 : i32 to vector<16xi32>
      %mul3A_720 = arith.muli %get3A_665, %mul3A_719 : vector<16xi32>
      %add3A_721 = arith.addi %mul3A_720, %get3A_710 : vector<16xi32>
      %mul3A_722 = arith.constant 8192 : i32
      %mul3A_723 = vector.broadcast %mul3A_722 : i32 to vector<16xi32>
      %mul3A_724 = arith.muli %add3A_721, %mul3A_723 : vector<16xi32>
      %sub3A_725 = arith.constant 5000 : i32
      %sub3A_726 = vector.broadcast %sub3A_725 : i32 to vector<16xi32>
      %sub3A_727 = arith.subi %get3A_620, %sub3A_726 : vector<16xi32>
      %add3A_728 = arith.addi %mul3A_724, %sub3A_727 : vector<16xi32>
      %swap3A_729 = arith.index_cast %add3A_571 : i32 to index
      %swap3A_730 = tpu.vector_load %arg10[%swap3A_729] masked %and3A_717 {strides = array<i32>} : memref<10240xi32, #tpu.memory_space<vmem>>, vector<16xi32>, vector<16xi1>
      tpu.vector_store %arg10[%swap3A_729], %add3A_728 masked %and3A_717 {strides = array<i32>} : memref<10240xi32, #tpu.memory_space<vmem>>, vector<16xi32>, vector<16xi1>
      %all_reduce_population_count3A_731 = tpu.all_reduce %and3A_717 {dim = 0 : i64, kind = #tpu.reduction_kind<sum>} : vector<16xi1> -> vector<16xi32>
      %slice3A_732 = vector.extract_strided_slice %all_reduce_population_count3A_731 {offsets = [0], sizes = [1], strides = [1]} : vector<16xi32> to vector<1xi32>
      %squeeze3A_733 = vector.extract %slice3A_732[0] : i32 from vector<1xi32>
      %add3A_734 = arith.addi %add3A_571, %squeeze3A_733 : i32
      %mul3A_735 = arith.constant 4 : i32
      %mul3A_736 = arith.muli %mul3A_735, %scan3A_411 : i32
      %add3A_737 = arith.constant 2 : i32
      %add3A_738 = arith.addi %mul3A_736, %add3A_737 : i32
      %jit3A_739 = arith.constant 8 : i32
      %div3A_740 = arith.divsi %add3A_738, %jit3A_739 : i32
      %sign3A_741 = arith.constant 0 : i32
      %sign3A_742 = arith.cmpi sgt, %add3A_738, %sign3A_741 : i32
      %sign3A_743 = arith.extui %sign3A_742 : i1 to i32
      %sign3A_744 = arith.constant 0 : i32
      %sign3A_745 = arith.cmpi slt, %add3A_738, %sign3A_744 : i32
      %sign3A_746 = arith.extui %sign3A_745 : i1 to i32
      %sign3A_747 = arith.subi %sign3A_743, %sign3A_746 : i32
      %sign3A_748 = arith.constant 0 : i32
      %sign3A_749 = arith.cmpi sgt, %jit3A_739, %sign3A_748 : i32
      %sign3A_750 = arith.extui %sign3A_749 : i1 to i32
      %sign3A_751 = arith.constant 0 : i32
      %sign3A_752 = arith.cmpi slt, %jit3A_739, %sign3A_751 : i32
      %sign3A_753 = arith.extui %sign3A_752 : i1 to i32
      %sign3A_754 = arith.subi %sign3A_750, %sign3A_753 : i32
      %ne3A_755 = arith.cmpi ne, %sign3A_747, %sign3A_754 : i32
      %rem3A_756 = arith.remsi %add3A_738, %jit3A_739 : i32
      %ne3A_757 = arith.constant 0 : i32
      %ne3A_758 = arith.cmpi ne, %rem3A_756, %ne3A_757 : i32
      %and3A_759 = arith.andi %ne3A_755, %ne3A_758 : i1
      %sub3A_760 = arith.constant 1 : i32
      %sub3A_761 = arith.subi %div3A_740, %sub3A_760 : i32
      %select_n3A_762 = arith.select %and3A_759, %sub3A_761, %div3A_740 : i32
      %jit3A_763 = arith.constant 8 : i32
      %eq3A_764 = arith.constant 0 : i32
      %eq3A_765 = arith.cmpi eq, %jit3A_763, %eq3A_764 : i32
      %jit3A_766 = arith.constant 1 : i32
      %select_n3A_767 = arith.select %eq3A_765, %jit3A_766, %jit3A_763 : i32
      %rem3A_768 = arith.remsi %add3A_738, %select_n3A_767 : i32
      %ne3A_769 = arith.constant 0 : i32
      %ne3A_770 = arith.cmpi ne, %rem3A_768, %ne3A_769 : i32
      %lt3A_771 = arith.constant 0 : i32
      %lt3A_772 = arith.cmpi slt, %rem3A_768, %lt3A_771 : i32
      %lt3A_773 = arith.constant 0 : i32
      %lt3A_774 = arith.cmpi slt, %select_n3A_767, %lt3A_773 : i32
      %ne3A_775 = arith.xori %lt3A_772, %lt3A_774 : i1
      %and3A_776 = arith.andi %ne3A_775, %ne3A_770 : i1
      %add3A_777 = arith.addi %rem3A_768, %select_n3A_767 : i32
      %select_n3A_778 = arith.select %and3A_776, %add3A_777, %rem3A_768 : i32
      %mul3A_779 = arith.constant 16 : i32
      %mul3A_780 = arith.muli %select_n3A_778, %mul3A_779 : i32
      %get3A_781 = arith.index_cast %select_n3A_762 : i32 to index
      %get3A_782 = arith.index_cast %mul3A_780 : i32 to index
      %get3A_783 = tpu.vector_load %arg9[%get3A_781, %get3A_782] {strides = array<i32>} : memref<79x128xi32, #tpu.memory_space<vmem>>, vector<16xi32>,
      %jit3A_784 = arith.constant 8 : i32
      %div3A_785 = arith.divsi %add3A_738, %jit3A_784 : i32
      %sign3A_786 = arith.constant 0 : i32
      %sign3A_787 = arith.cmpi sgt, %add3A_738, %sign3A_786 : i32
      %sign3A_788 = arith.extui %sign3A_787 : i1 to i32
      %sign3A_789 = arith.constant 0 : i32
      %sign3A_790 = arith.cmpi slt, %add3A_738, %sign3A_789 : i32
      %sign3A_791 = arith.extui %sign3A_790 : i1 to i32
      %sign3A_792 = arith.subi %sign3A_788, %sign3A_791 : i32
      %sign3A_793 = arith.constant 0 : i32
      %sign3A_794 = arith.cmpi sgt, %jit3A_784, %sign3A_793 : i32
      %sign3A_795 = arith.extui %sign3A_794 : i1 to i32
      %sign3A_796 = arith.constant 0 : i32
      %sign3A_797 = arith.cmpi slt, %jit3A_784, %sign3A_796 : i32
      %sign3A_798 = arith.extui %sign3A_797 : i1 to i32
      %sign3A_799 = arith.subi %sign3A_795, %sign3A_798 : i32
      %ne3A_800 = arith.cmpi ne, %sign3A_792, %sign3A_799 : i32
      %rem3A_801 = arith.remsi %add3A_738, %jit3A_784 : i32
      %ne3A_802 = arith.constant 0 : i32
      %ne3A_803 = arith.cmpi ne, %rem3A_801, %ne3A_802 : i32
      %and3A_804 = arith.andi %ne3A_800, %ne3A_803 : i1
      %sub3A_805 = arith.constant 1 : i32
      %sub3A_806 = arith.subi %div3A_785, %sub3A_805 : i32
      %select_n3A_807 = arith.select %and3A_804, %sub3A_806, %div3A_785 : i32
      %jit3A_808 = arith.constant 8 : i32
      %eq3A_809 = arith.constant 0 : i32
      %eq3A_810 = arith.cmpi eq, %jit3A_808, %eq3A_809 : i32
      %jit3A_811 = arith.constant 1 : i32
      %select_n3A_812 = arith.select %eq3A_810, %jit3A_811, %jit3A_808 : i32
      %rem3A_813 = arith.remsi %add3A_738, %select_n3A_812 : i32
      %ne3A_814 = arith.constant 0 : i32
      %ne3A_815 = arith.cmpi ne, %rem3A_813, %ne3A_814 : i32
      %lt3A_816 = arith.constant 0 : i32
      %lt3A_817 = arith.cmpi slt, %rem3A_813, %lt3A_816 : i32
      %lt3A_818 = arith.constant 0 : i32
      %lt3A_819 = arith.cmpi slt, %select_n3A_812, %lt3A_818 : i32
      %ne3A_820 = arith.xori %lt3A_817, %lt3A_819 : i1
      %and3A_821 = arith.andi %ne3A_820, %ne3A_815 : i1
      %add3A_822 = arith.addi %rem3A_813, %select_n3A_812 : i32
      %select_n3A_823 = arith.select %and3A_821, %add3A_822, %rem3A_813 : i32
      %mul3A_824 = arith.constant 16 : i32
      %mul3A_825 = arith.muli %select_n3A_823, %mul3A_824 : i32
      %get3A_826 = arith.index_cast %select_n3A_807 : i32 to index
      %get3A_827 = arith.index_cast %mul3A_825 : i32 to index
      %get3A_828 = tpu.vector_load %arg8[%get3A_826, %get3A_827] {strides = array<i32>} : memref<79x128xi32, #tpu.memory_space<vmem>>, vector<16xi32>,
      %jit3A_829 = arith.constant 8 : i32
      %div3A_830 = arith.divsi %add3A_738, %jit3A_829 : i32
      %sign3A_831 = arith.constant 0 : i32
      %sign3A_832 = arith.cmpi sgt, %add3A_738, %sign3A_831 : i32
      %sign3A_833 = arith.extui %sign3A_832 : i1 to i32
      %sign3A_834 = arith.constant 0 : i32
      %sign3A_835 = arith.cmpi slt, %add3A_738, %sign3A_834 : i32
      %sign3A_836 = arith.extui %sign3A_835 : i1 to i32
      %sign3A_837 = arith.subi %sign3A_833, %sign3A_836 : i32
      %sign3A_838 = arith.constant 0 : i32
      %sign3A_839 = arith.cmpi sgt, %jit3A_829, %sign3A_838 : i32
      %sign3A_840 = arith.extui %sign3A_839 : i1 to i32
      %sign3A_841 = arith.constant 0 : i32
      %sign3A_842 = arith.cmpi slt, %jit3A_829, %sign3A_841 : i32
      %sign3A_843 = arith.extui %sign3A_842 : i1 to i32
      %sign3A_844 = arith.subi %sign3A_840, %sign3A_843 : i32
      %ne3A_845 = arith.cmpi ne, %sign3A_837, %sign3A_844 : i32
      %rem3A_846 = arith.remsi %add3A_738, %jit3A_829 : i32
      %ne3A_847 = arith.constant 0 : i32
      %ne3A_848 = arith.cmpi ne, %rem3A_846, %ne3A_847 : i32
      %and3A_849 = arith.andi %ne3A_845, %ne3A_848 : i1
      %sub3A_850 = arith.constant 1 : i32
      %sub3A_851 = arith.subi %div3A_830, %sub3A_850 : i32
      %select_n3A_852 = arith.select %and3A_849, %sub3A_851, %div3A_830 : i32
      %jit3A_853 = arith.constant 8 : i32
      %eq3A_854 = arith.constant 0 : i32
      %eq3A_855 = arith.cmpi eq, %jit3A_853, %eq3A_854 : i32
      %jit3A_856 = arith.constant 1 : i32
      %select_n3A_857 = arith.select %eq3A_855, %jit3A_856, %jit3A_853 : i32
      %rem3A_858 = arith.remsi %add3A_738, %select_n3A_857 : i32
      %ne3A_859 = arith.constant 0 : i32
      %ne3A_860 = arith.cmpi ne, %rem3A_858, %ne3A_859 : i32
      %lt3A_861 = arith.constant 0 : i32
      %lt3A_862 = arith.cmpi slt, %rem3A_858, %lt3A_861 : i32
      %lt3A_863 = arith.constant 0 : i32
      %lt3A_864 = arith.cmpi slt, %select_n3A_857, %lt3A_863 : i32
      %ne3A_865 = arith.xori %lt3A_862, %lt3A_864 : i1
      %and3A_866 = arith.andi %ne3A_865, %ne3A_860 : i1
      %add3A_867 = arith.addi %rem3A_858, %select_n3A_857 : i32
      %select_n3A_868 = arith.select %and3A_866, %add3A_867, %rem3A_858 : i32
      %mul3A_869 = arith.constant 16 : i32
      %mul3A_870 = arith.muli %select_n3A_868, %mul3A_869 : i32
      %get3A_871 = arith.index_cast %select_n3A_852 : i32 to index
      %get3A_872 = arith.index_cast %mul3A_870 : i32 to index
      %get3A_873 = tpu.vector_load %arg7[%get3A_871, %get3A_872] {strides = array<i32>} : memref<79x128xi32, #tpu.memory_space<vmem>>, vector<16xi32>,
      %ge3A_874 = arith.constant 5000 : i32
      %ge3A_875 = vector.broadcast %ge3A_874 : i32 to vector<16xi32>
      %ge3A_876 = arith.cmpi sge, %get3A_783, %ge3A_875 : vector<16xi32>
      %lt3A_877 = arith.constant 10000 : i32
      %lt3A_878 = vector.broadcast %lt3A_877 : i32 to vector<16xi32>
      %lt3A_879 = arith.cmpi slt, %get3A_783, %lt3A_878 : vector<16xi32>
      %and3A_880 = arith.andi %ge3A_876, %lt3A_879 : vector<16xi1>
      %mul3A_881 = arith.constant 10000 : i32
      %mul3A_882 = vector.broadcast %mul3A_881 : i32 to vector<16xi32>
      %mul3A_883 = arith.muli %get3A_828, %mul3A_882 : vector<16xi32>
      %add3A_884 = arith.addi %mul3A_883, %get3A_873 : vector<16xi32>
      %mul3A_885 = arith.constant 8192 : i32
      %mul3A_886 = vector.broadcast %mul3A_885 : i32 to vector<16xi32>
      %mul3A_887 = arith.muli %add3A_884, %mul3A_886 : vector<16xi32>
      %sub3A_888 = arith.constant 5000 : i32
      %sub3A_889 = vector.broadcast %sub3A_888 : i32 to vector<16xi32>
      %sub3A_890 = arith.subi %get3A_783, %sub3A_889 : vector<16xi32>
      %add3A_891 = arith.addi %mul3A_887, %sub3A_890 : vector<16xi32>
      %swap3A_892 = arith.index_cast %add3A_734 : i32 to index
      %swap3A_893 = tpu.vector_load %arg10[%swap3A_892] masked %and3A_880 {strides = array<i32>} : memref<10240xi32, #tpu.memory_space<vmem>>, vector<16xi32>, vector<16xi1>
      tpu.vector_store %arg10[%swap3A_892], %add3A_891 masked %and3A_880 {strides = array<i32>} : memref<10240xi32, #tpu.memory_space<vmem>>, vector<16xi32>, vector<16xi1>
      %all_reduce_population_count3A_894 = tpu.all_reduce %and3A_880 {dim = 0 : i64, kind = #tpu.reduction_kind<sum>} : vector<16xi1> -> vector<16xi32>
      %slice3A_895 = vector.extract_strided_slice %all_reduce_population_count3A_894 {offsets = [0], sizes = [1], strides = [1]} : vector<16xi32> to vector<1xi32>
      %squeeze3A_896 = vector.extract %slice3A_895[0] : i32 from vector<1xi32>
      %add3A_897 = arith.addi %add3A_734, %squeeze3A_896 : i32
      %mul3A_898 = arith.constant 4 : i32
      %mul3A_899 = arith.muli %mul3A_898, %scan3A_411 : i32
      %add3A_900 = arith.constant 3 : i32
      %add3A_901 = arith.addi %mul3A_899, %add3A_900 : i32
      %jit3A_902 = arith.constant 8 : i32
      %div3A_903 = arith.divsi %add3A_901, %jit3A_902 : i32
      %sign3A_904 = arith.constant 0 : i32
      %sign3A_905 = arith.cmpi sgt, %add3A_901, %sign3A_904 : i32
      %sign3A_906 = arith.extui %sign3A_905 : i1 to i32
      %sign3A_907 = arith.constant 0 : i32
      %sign3A_908 = arith.cmpi slt, %add3A_901, %sign3A_907 : i32
      %sign3A_909 = arith.extui %sign3A_908 : i1 to i32
      %sign3A_910 = arith.subi %sign3A_906, %sign3A_909 : i32
      %sign3A_911 = arith.constant 0 : i32
      %sign3A_912 = arith.cmpi sgt, %jit3A_902, %sign3A_911 : i32
      %sign3A_913 = arith.extui %sign3A_912 : i1 to i32
      %sign3A_914 = arith.constant 0 : i32
      %sign3A_915 = arith.cmpi slt, %jit3A_902, %sign3A_914 : i32
      %sign3A_916 = arith.extui %sign3A_915 : i1 to i32
      %sign3A_917 = arith.subi %sign3A_913, %sign3A_916 : i32
      %ne3A_918 = arith.cmpi ne, %sign3A_910, %sign3A_917 : i32
      %rem3A_919 = arith.remsi %add3A_901, %jit3A_902 : i32
      %ne3A_920 = arith.constant 0 : i32
      %ne3A_921 = arith.cmpi ne, %rem3A_919, %ne3A_920 : i32
      %and3A_922 = arith.andi %ne3A_918, %ne3A_921 : i1
      %sub3A_923 = arith.constant 1 : i32
      %sub3A_924 = arith.subi %div3A_903, %sub3A_923 : i32
      %select_n3A_925 = arith.select %and3A_922, %sub3A_924, %div3A_903 : i32
      %jit3A_926 = arith.constant 8 : i32
      %eq3A_927 = arith.constant 0 : i32
      %eq3A_928 = arith.cmpi eq, %jit3A_926, %eq3A_927 : i32
      %jit3A_929 = arith.constant 1 : i32
      %select_n3A_930 = arith.select %eq3A_928, %jit3A_929, %jit3A_926 : i32
      %rem3A_931 = arith.remsi %add3A_901, %select_n3A_930 : i32
      %ne3A_932 = arith.constant 0 : i32
      %ne3A_933 = arith.cmpi ne, %rem3A_931, %ne3A_932 : i32
      %lt3A_934 = arith.constant 0 : i32
      %lt3A_935 = arith.cmpi slt, %rem3A_931, %lt3A_934 : i32
      %lt3A_936 = arith.constant 0 : i32
      %lt3A_937 = arith.cmpi slt, %select_n3A_930, %lt3A_936 : i32
      %ne3A_938 = arith.xori %lt3A_935, %lt3A_937 : i1
      %and3A_939 = arith.andi %ne3A_938, %ne3A_933 : i1
      %add3A_940 = arith.addi %rem3A_931, %select_n3A_930 : i32
      %select_n3A_941 = arith.select %and3A_939, %add3A_940, %rem3A_931 : i32
      %mul3A_942 = arith.constant 16 : i32
      %mul3A_943 = arith.muli %select_n3A_941, %mul3A_942 : i32
      %get3A_944 = arith.index_cast %select_n3A_925 : i32 to index
      %get3A_945 = arith.index_cast %mul3A_943 : i32 to index
      %get3A_946 = tpu.vector_load %arg9[%get3A_944, %get3A_945] {strides = array<i32>} : memref<79x128xi32, #tpu.memory_space<vmem>>, vector<16xi32>,
      %jit3A_947 = arith.constant 8 : i32
      %div3A_948 = arith.divsi %add3A_901, %jit3A_947 : i32
      %sign3A_949 = arith.constant 0 : i32
      %sign3A_950 = arith.cmpi sgt, %add3A_901, %sign3A_949 : i32
      %sign3A_951 = arith.extui %sign3A_950 : i1 to i32
      %sign3A_952 = arith.constant 0 : i32
      %sign3A_953 = arith.cmpi slt, %add3A_901, %sign3A_952 : i32
      %sign3A_954 = arith.extui %sign3A_953 : i1 to i32
      %sign3A_955 = arith.subi %sign3A_951, %sign3A_954 : i32
      %sign3A_956 = arith.constant 0 : i32
      %sign3A_957 = arith.cmpi sgt, %jit3A_947, %sign3A_956 : i32
      %sign3A_958 = arith.extui %sign3A_957 : i1 to i32
      %sign3A_959 = arith.constant 0 : i32
      %sign3A_960 = arith.cmpi slt, %jit3A_947, %sign3A_959 : i32
      %sign3A_961 = arith.extui %sign3A_960 : i1 to i32
      %sign3A_962 = arith.subi %sign3A_958, %sign3A_961 : i32
      %ne3A_963 = arith.cmpi ne, %sign3A_955, %sign3A_962 : i32
      %rem3A_964 = arith.remsi %add3A_901, %jit3A_947 : i32
      %ne3A_965 = arith.constant 0 : i32
      %ne3A_966 = arith.cmpi ne, %rem3A_964, %ne3A_965 : i32
      %and3A_967 = arith.andi %ne3A_963, %ne3A_966 : i1
      %sub3A_968 = arith.constant 1 : i32
      %sub3A_969 = arith.subi %div3A_948, %sub3A_968 : i32
      %select_n3A_970 = arith.select %and3A_967, %sub3A_969, %div3A_948 : i32
      %jit3A_971 = arith.constant 8 : i32
      %eq3A_972 = arith.constant 0 : i32
      %eq3A_973 = arith.cmpi eq, %jit3A_971, %eq3A_972 : i32
      %jit3A_974 = arith.constant 1 : i32
      %select_n3A_975 = arith.select %eq3A_973, %jit3A_974, %jit3A_971 : i32
      %rem3A_976 = arith.remsi %add3A_901, %select_n3A_975 : i32
      %ne3A_977 = arith.constant 0 : i32
      %ne3A_978 = arith.cmpi ne, %rem3A_976, %ne3A_977 : i32
      %lt3A_979 = arith.constant 0 : i32
      %lt3A_980 = arith.cmpi slt, %rem3A_976, %lt3A_979 : i32
      %lt3A_981 = arith.constant 0 : i32
      %lt3A_982 = arith.cmpi slt, %select_n3A_975, %lt3A_981 : i32
      %ne3A_983 = arith.xori %lt3A_980, %lt3A_982 : i1
      %and3A_984 = arith.andi %ne3A_983, %ne3A_978 : i1
      %add3A_985 = arith.addi %rem3A_976, %select_n3A_975 : i32
      %select_n3A_986 = arith.select %and3A_984, %add3A_985, %rem3A_976 : i32
      %mul3A_987 = arith.constant 16 : i32
      %mul3A_988 = arith.muli %select_n3A_986, %mul3A_987 : i32
      %get3A_989 = arith.index_cast %select_n3A_970 : i32 to index
      %get3A_990 = arith.index_cast %mul3A_988 : i32 to index
      %get3A_991 = tpu.vector_load %arg8[%get3A_989, %get3A_990] {strides = array<i32>} : memref<79x128xi32, #tpu.memory_space<vmem>>, vector<16xi32>,
      %jit3A_992 = arith.constant 8 : i32
      %div3A_993 = arith.divsi %add3A_901, %jit3A_992 : i32
      %sign3A_994 = arith.constant 0 : i32
      %sign3A_995 = arith.cmpi sgt, %add3A_901, %sign3A_994 : i32
      %sign3A_996 = arith.extui %sign3A_995 : i1 to i32
      %sign3A_997 = arith.constant 0 : i32
      %sign3A_998 = arith.cmpi slt, %add3A_901, %sign3A_997 : i32
      %sign3A_999 = arith.extui %sign3A_998 : i1 to i32
      %sign3A_1000 = arith.subi %sign3A_996, %sign3A_999 : i32
      %sign3A_1001 = arith.constant 0 : i32
      %sign3A_1002 = arith.cmpi sgt, %jit3A_992, %sign3A_1001 : i32
      %sign3A_1003 = arith.extui %sign3A_1002 : i1 to i32
      %sign3A_1004 = arith.constant 0 : i32
      %sign3A_1005 = arith.cmpi slt, %jit3A_992, %sign3A_1004 : i32
      %sign3A_1006 = arith.extui %sign3A_1005 : i1 to i32
      %sign3A_1007 = arith.subi %sign3A_1003, %sign3A_1006 : i32
      %ne3A_1008 = arith.cmpi ne, %sign3A_1000, %sign3A_1007 : i32
      %rem3A_1009 = arith.remsi %add3A_901, %jit3A_992 : i32
      %ne3A_1010 = arith.constant 0 : i32
      %ne3A_1011 = arith.cmpi ne, %rem3A_1009, %ne3A_1010 : i32
      %and3A_1012 = arith.andi %ne3A_1008, %ne3A_1011 : i1
      %sub3A_1013 = arith.constant 1 : i32
      %sub3A_1014 = arith.subi %div3A_993, %sub3A_1013 : i32
      %select_n3A_1015 = arith.select %and3A_1012, %sub3A_1014, %div3A_993 : i32
      %jit3A_1016 = arith.constant 8 : i32
      %eq3A_1017 = arith.constant 0 : i32
      %eq3A_1018 = arith.cmpi eq, %jit3A_1016, %eq3A_1017 : i32
      %jit3A_1019 = arith.constant 1 : i32
      %select_n3A_1020 = arith.select %eq3A_1018, %jit3A_1019, %jit3A_1016 : i32
      %rem3A_1021 = arith.remsi %add3A_901, %select_n3A_1020 : i32
      %ne3A_1022 = arith.constant 0 : i32
      %ne3A_1023 = arith.cmpi ne, %rem3A_1021, %ne3A_1022 : i32
      %lt3A_1024 = arith.constant 0 : i32
      %lt3A_1025 = arith.cmpi slt, %rem3A_1021, %lt3A_1024 : i32
      %lt3A_1026 = arith.constant 0 : i32
      %lt3A_1027 = arith.cmpi slt, %select_n3A_1020, %lt3A_1026 : i32
      %ne3A_1028 = arith.xori %lt3A_1025, %lt3A_1027 : i1
      %and3A_1029 = arith.andi %ne3A_1028, %ne3A_1023 : i1
      %add3A_1030 = arith.addi %rem3A_1021, %select_n3A_1020 : i32
      %select_n3A_1031 = arith.select %and3A_1029, %add3A_1030, %rem3A_1021 : i32
      %mul3A_1032 = arith.constant 16 : i32
      %mul3A_1033 = arith.muli %select_n3A_1031, %mul3A_1032 : i32
      %get3A_1034 = arith.index_cast %select_n3A_1015 : i32 to index
      %get3A_1035 = arith.index_cast %mul3A_1033 : i32 to index
      %get3A_1036 = tpu.vector_load %arg7[%get3A_1034, %get3A_1035] {strides = array<i32>} : memref<79x128xi32, #tpu.memory_space<vmem>>, vector<16xi32>,
      %ge3A_1037 = arith.constant 5000 : i32
      %ge3A_1038 = vector.broadcast %ge3A_1037 : i32 to vector<16xi32>
      %ge3A_1039 = arith.cmpi sge, %get3A_946, %ge3A_1038 : vector<16xi32>
      %lt3A_1040 = arith.constant 10000 : i32
      %lt3A_1041 = vector.broadcast %lt3A_1040 : i32 to vector<16xi32>
      %lt3A_1042 = arith.cmpi slt, %get3A_946, %lt3A_1041 : vector<16xi32>
      %and3A_1043 = arith.andi %ge3A_1039, %lt3A_1042 : vector<16xi1>
      %mul3A_1044 = arith.constant 10000 : i32
      %mul3A_1045 = vector.broadcast %mul3A_1044 : i32 to vector<16xi32>
      %mul3A_1046 = arith.muli %get3A_991, %mul3A_1045 : vector<16xi32>
      %add3A_1047 = arith.addi %mul3A_1046, %get3A_1036 : vector<16xi32>
      %mul3A_1048 = arith.constant 8192 : i32
      %mul3A_1049 = vector.broadcast %mul3A_1048 : i32 to vector<16xi32>
      %mul3A_1050 = arith.muli %add3A_1047, %mul3A_1049 : vector<16xi32>
      %sub3A_1051 = arith.constant 5000 : i32
      %sub3A_1052 = vector.broadcast %sub3A_1051 : i32 to vector<16xi32>
      %sub3A_1053 = arith.subi %get3A_946, %sub3A_1052 : vector<16xi32>
      %add3A_1054 = arith.addi %mul3A_1050, %sub3A_1053 : vector<16xi32>
      %swap3A_1055 = arith.index_cast %add3A_897 : i32 to index
      %swap3A_1056 = tpu.vector_load %arg10[%swap3A_1055] masked %and3A_1043 {strides = array<i32>} : memref<10240xi32, #tpu.memory_space<vmem>>, vector<16xi32>, vector<16xi1>
      tpu.vector_store %arg10[%swap3A_1055], %add3A_1054 masked %and3A_1043 {strides = array<i32>} : memref<10240xi32, #tpu.memory_space<vmem>>, vector<16xi32>, vector<16xi1>
      %all_reduce_population_count3A_1057 = tpu.all_reduce %and3A_1043 {dim = 0 : i64, kind = #tpu.reduction_kind<sum>} : vector<16xi1> -> vector<16xi32>
      %slice3A_1058 = vector.extract_strided_slice %all_reduce_population_count3A_1057 {offsets = [0], sizes = [1], strides = [1]} : vector<16xi32> to vector<1xi32>
      %squeeze3A_1059 = vector.extract %slice3A_1058[0] : i32 from vector<1xi32>
      %add3A_1060 = arith.addi %add3A_897, %squeeze3A_1059 : i32
      scf.yield %add3A_1060 : i32
    }
    %scan3A_209 = arith.constant 158 : i32
    %add3A_210 = arith.constant 128 : i32
    %add3A_211 = arith.addi %scan3A_208, %add3A_210 : i32
    %sub3A_212 = arith.constant 1 : i32
    %sub3A_213 = arith.subi %add3A_211, %sub3A_212 : i32
    %jit3A_214 = arith.constant 128 : i32
    %div3A_215 = arith.divsi %sub3A_213, %jit3A_214 : i32
    %sign3A_216 = arith.constant 0 : i32
    %sign3A_217 = arith.cmpi sgt, %sub3A_213, %sign3A_216 : i32
    %sign3A_218 = arith.extui %sign3A_217 : i1 to i32
    %sign3A_219 = arith.constant 0 : i32
    %sign3A_220 = arith.cmpi slt, %sub3A_213, %sign3A_219 : i32
    %sign3A_221 = arith.extui %sign3A_220 : i1 to i32
    %sign3A_222 = arith.subi %sign3A_218, %sign3A_221 : i32
    %sign3A_223 = arith.constant 0 : i32
    %sign3A_224 = arith.cmpi sgt, %jit3A_214, %sign3A_223 : i32
    %sign3A_225 = arith.extui %sign3A_224 : i1 to i32
    %sign3A_226 = arith.constant 0 : i32
    %sign3A_227 = arith.cmpi slt, %jit3A_214, %sign3A_226 : i32
    %sign3A_228 = arith.extui %sign3A_227 : i1 to i32
    %sign3A_229 = arith.subi %sign3A_225, %sign3A_228 : i32
    %ne3A_230 = arith.cmpi ne, %sign3A_222, %sign3A_229 : i32
    %rem3A_231 = arith.remsi %sub3A_213, %jit3A_214 : i32
    %ne3A_232 = arith.constant 0 : i32
    %ne3A_233 = arith.cmpi ne, %rem3A_231, %ne3A_232 : i32
    %and3A_234 = arith.andi %ne3A_230, %ne3A_233 : i1
    %sub3A_235 = arith.constant 1 : i32
    %sub3A_236 = arith.subi %div3A_215, %sub3A_235 : i32
    %select_n3A_237 = arith.select %and3A_234, %sub3A_236, %div3A_215 : i32
    %jit3A_238 = arith.constant 16 : i32
    %div3A_239 = arith.divsi %scan3A_208, %jit3A_238 : i32
    %sign3A_240 = arith.constant 0 : i32
    %sign3A_241 = arith.cmpi sgt, %scan3A_208, %sign3A_240 : i32
    %sign3A_242 = arith.extui %sign3A_241 : i1 to i32
    %sign3A_243 = arith.constant 0 : i32
    %sign3A_244 = arith.cmpi slt, %scan3A_208, %sign3A_243 : i32
    %sign3A_245 = arith.extui %sign3A_244 : i1 to i32
    %sign3A_246 = arith.subi %sign3A_242, %sign3A_245 : i32
    %sign3A_247 = arith.constant 0 : i32
    %sign3A_248 = arith.cmpi sgt, %jit3A_238, %sign3A_247 : i32
    %sign3A_249 = arith.extui %sign3A_248 : i1 to i32
    %sign3A_250 = arith.constant 0 : i32
    %sign3A_251 = arith.cmpi slt, %jit3A_238, %sign3A_250 : i32
    %sign3A_252 = arith.extui %sign3A_251 : i1 to i32
    %sign3A_253 = arith.subi %sign3A_249, %sign3A_252 : i32
    %ne3A_254 = arith.cmpi ne, %sign3A_246, %sign3A_253 : i32
    %rem3A_255 = arith.remsi %scan3A_208, %jit3A_238 : i32
    %ne3A_256 = arith.constant 0 : i32
    %ne3A_257 = arith.cmpi ne, %rem3A_255, %ne3A_256 : i32
    %and3A_258 = arith.andi %ne3A_254, %ne3A_257 : i1
    %sub3A_259 = arith.constant 1 : i32
    %sub3A_260 = arith.subi %div3A_239, %sub3A_259 : i32
    %select_n3A_261 = arith.select %and3A_258, %sub3A_260, %div3A_239 : i32
    %mul3A_262 = arith.constant 16 : i32
    %mul3A_263 = arith.muli %select_n3A_261, %mul3A_262 : i32
    %add3A_264 = vector.broadcast %mul3A_263 : i32 to vector<16xi32>
    %add3A_265 = arith.addi %add3A_264, %iota3A : vector<16xi32>
    %lt3A_266 = vector.broadcast %scan3A_208 : i32 to vector<16xi32>
    %lt3A_267 = arith.cmpi slt, %add3A_265, %lt3A_266 : vector<16xi32>
    %get3A_268 = arith.index_cast %mul3A_263 : i32 to index
    %get3A_269 = tpu.vector_load %arg10[%get3A_268] {strides = array<i32>} : memref<10240xi32, #tpu.memory_space<vmem>>, vector<16xi32>,
    %select_n3A_270 = arith.select %lt3A_267, %get3A_269, %broadcast_in_dim3A_202 : vector<16xi1>, vector<16xi32>
    %swap3A_271 = arith.index_cast %mul3A_263 : i32 to index
    %swap3A_272 = tpu.vector_load %arg10[%swap3A_271] {strides = array<i32>} : memref<10240xi32, #tpu.memory_space<vmem>>, vector<16xi32>,
    tpu.vector_store %arg10[%swap3A_271], %select_n3A_270 {strides = array<i32>} : memref<10240xi32, #tpu.memory_space<vmem>>, vector<16xi32>,
    %add3A_273 = arith.constant 1 : i32
    %add3A_274 = arith.addi %select_n3A_261, %add3A_273 : i32
    %mul3A_275 = arith.constant 8 : i32
    %mul3A_276 = arith.muli %select_n3A_237, %mul3A_275 : i32
    %while3A_277 = arith.constant 0 : i32
    %while3A_278 = arith.subi %mul3A_276, %add3A_274 : i32
    %while3A_279 = arith.addi %add3A_274, %while3A_278 : i32
    %while3A_280 = arith.constant 1 : i32
    %while3A_281 = arith.divsi %while3A_278, %while3A_280 : i32
    %while3A_282 = arith.muli %while3A_281, %while3A_280 : i32
    %while3A_283 = arith.addi %add3A_274, %while3A_282 : i32
    %while3A_284 = arith.constant 1 : i32
    scf.for %while3A_411 = %add3A_274 to %while3A_283 step %while3A_284  : i32 {
      %mul3A_412 = arith.constant 16 : i32
      %mul3A_413 = arith.muli %while3A_411, %mul3A_412 : i32
      %swap3A_414 = arith.index_cast %mul3A_413 : i32 to index
      %swap3A_415 = tpu.vector_load %arg10[%swap3A_414] {strides = array<i32>} : memref<10240xi32, #tpu.memory_space<vmem>>, vector<16xi32>,
      tpu.vector_store %arg10[%swap3A_414], %broadcast_in_dim3A_202 {strides = array<i32>} : memref<10240xi32, #tpu.memory_space<vmem>>, vector<16xi32>,
    }
    %while3A_285 = arith.constant 1 : i32
    scf.for %while3A_411 = %while3A_283 to %while3A_279 step %while3A_285  : i32 {
      %mul3A_412 = arith.constant 16 : i32
      %mul3A_413 = arith.muli %while3A_411, %mul3A_412 : i32
      %swap3A_414 = arith.index_cast %mul3A_413 : i32 to index
      %swap3A_415 = tpu.vector_load %arg10[%swap3A_414] {strides = array<i32>} : memref<10240xi32, #tpu.memory_space<vmem>>, vector<16xi32>,
      tpu.vector_store %arg10[%swap3A_414], %broadcast_in_dim3A_202 {strides = array<i32>} : memref<10240xi32, #tpu.memory_space<vmem>>, vector<16xi32>,
    }
    %mul3A_286 = arith.constant 8 : i32
    %mul3A_287 = arith.muli %select_n3A_237, %mul3A_286 : i32
    %while3A_288 = arith.constant 0 : i32
    %while3A_289 = arith.constant 0 : i32
    %while3A_290 = arith.subi %mul3A_287, %while3A_289 : i32
    %while3A_291 = arith.addi %while3A_289, %while3A_290 : i32
    %while3A_292 = arith.constant 1 : i32
    %while3A_293 = arith.divsi %while3A_290, %while3A_292 : i32
    %while3A_294 = arith.muli %while3A_293, %while3A_292 : i32
    %while3A_295 = arith.addi %while3A_289, %while3A_294 : i32
    %while3A_296 = arith.constant 1 : i32
    scf.for %while3A_411 = %while3A_289 to %while3A_295 step %while3A_296  : i32 {
      %mul3A_412 = arith.constant 16 : i32
      %mul3A_413 = arith.muli %while3A_411, %mul3A_412 : i32
      %get3A_414 = arith.index_cast %mul3A_413 : i32 to index
      %get3A_415 = tpu.vector_load %arg10[%get3A_414] {strides = array<i32>} : memref<10240xi32, #tpu.memory_space<vmem>>, vector<16xi32>,
      %jit3A_416 = arith.constant 8192 : i32
      %eq3A_417 = arith.constant 0 : i32
      %eq3A_418 = arith.cmpi eq, %jit3A_416, %eq3A_417 : i32
      %jit3A_419 = arith.constant 1 : i32
      %select_n3A_420 = arith.select %eq3A_418, %jit3A_419, %jit3A_416 : i32
      %rem3A_421 = vector.broadcast %select_n3A_420 : i32 to vector<16xi32>
      %rem3A_422 = arith.remsi %get3A_415, %rem3A_421 : vector<16xi32>
      %ne3A_423 = arith.constant 0 : i32
      %ne3A_424 = vector.broadcast %ne3A_423 : i32 to vector<16xi32>
      %ne3A_425 = arith.cmpi ne, %rem3A_422, %ne3A_424 : vector<16xi32>
      %lt3A_426 = arith.constant 0 : i32
      %lt3A_427 = vector.broadcast %lt3A_426 : i32 to vector<16xi32>
      %lt3A_428 = arith.cmpi slt, %rem3A_422, %lt3A_427 : vector<16xi32>
      %lt3A_429 = arith.constant 0 : i32
      %lt3A_430 = arith.cmpi slt, %select_n3A_420, %lt3A_429 : i32
      %ne3A_431 = vector.broadcast %lt3A_430 : i1 to vector<16xi1>
      %ne3A_432 = vector.broadcast %ne3A_431 : vector<16xi1> to vector<16xi1>
      %ne3A_433 = arith.xori %lt3A_428, %ne3A_432 : vector<16xi1>
      %and3A_434 = arith.andi %ne3A_433, %ne3A_425 : vector<16xi1>
      %add3A_435 = vector.broadcast %select_n3A_420 : i32 to vector<16xi32>
      %add3A_436 = arith.addi %rem3A_422, %add3A_435 : vector<16xi32>
      %select_n3A_437 = arith.select %and3A_434, %add3A_436, %rem3A_422 : vector<16xi1>, vector<16xi32>
      %jit3A_438 = arith.constant 8 : i32
      %div3A_439 = arith.divsi %while3A_411, %jit3A_438 : i32
      %sign3A_440 = arith.constant 0 : i32
      %sign3A_441 = arith.cmpi sgt, %while3A_411, %sign3A_440 : i32
      %sign3A_442 = arith.extui %sign3A_441 : i1 to i32
      %sign3A_443 = arith.constant 0 : i32
      %sign3A_444 = arith.cmpi slt, %while3A_411, %sign3A_443 : i32
      %sign3A_445 = arith.extui %sign3A_444 : i1 to i32
      %sign3A_446 = arith.subi %sign3A_442, %sign3A_445 : i32
      %sign3A_447 = arith.constant 0 : i32
      %sign3A_448 = arith.cmpi sgt, %jit3A_438, %sign3A_447 : i32
      %sign3A_449 = arith.extui %sign3A_448 : i1 to i32
      %sign3A_450 = arith.constant 0 : i32
      %sign3A_451 = arith.cmpi slt, %jit3A_438, %sign3A_450 : i32
      %sign3A_452 = arith.extui %sign3A_451 : i1 to i32
      %sign3A_453 = arith.subi %sign3A_449, %sign3A_452 : i32
      %ne3A_454 = arith.cmpi ne, %sign3A_446, %sign3A_453 : i32
      %rem3A_455 = arith.remsi %while3A_411, %jit3A_438 : i32
      %ne3A_456 = arith.constant 0 : i32
      %ne3A_457 = arith.cmpi ne, %rem3A_455, %ne3A_456 : i32
      %and3A_458 = arith.andi %ne3A_454, %ne3A_457 : i1
      %sub3A_459 = arith.constant 1 : i32
      %sub3A_460 = arith.subi %div3A_439, %sub3A_459 : i32
      %select_n3A_461 = arith.select %and3A_458, %sub3A_460, %div3A_439 : i32
      %jit3A_462 = arith.constant 8 : i32
      %eq3A_463 = arith.constant 0 : i32
      %eq3A_464 = arith.cmpi eq, %jit3A_462, %eq3A_463 : i32
      %jit3A_465 = arith.constant 1 : i32
      %select_n3A_466 = arith.select %eq3A_464, %jit3A_465, %jit3A_462 : i32
      %rem3A_467 = arith.remsi %while3A_411, %select_n3A_466 : i32
      %ne3A_468 = arith.constant 0 : i32
      %ne3A_469 = arith.cmpi ne, %rem3A_467, %ne3A_468 : i32
      %lt3A_470 = arith.constant 0 : i32
      %lt3A_471 = arith.cmpi slt, %rem3A_467, %lt3A_470 : i32
      %lt3A_472 = arith.constant 0 : i32
      %lt3A_473 = arith.cmpi slt, %select_n3A_466, %lt3A_472 : i32
      %ne3A_474 = arith.xori %lt3A_471, %lt3A_473 : i1
      %and3A_475 = arith.andi %ne3A_474, %ne3A_469 : i1
      %add3A_476 = arith.addi %rem3A_467, %select_n3A_466 : i32
      %select_n3A_477 = arith.select %and3A_475, %add3A_476, %rem3A_467 : i32
      %mul3A_478 = arith.constant 16 : i32
      %mul3A_479 = arith.muli %select_n3A_477, %mul3A_478 : i32
      %swap3A_480 = arith.index_cast %select_n3A_461 : i32 to index
      %swap3A_481 = arith.index_cast %mul3A_479 : i32 to index
      %swap3A_482 = tpu.vector_load %arg11[%swap3A_480, %swap3A_481] {strides = array<i32>} : memref<80x128xi32, #tpu.memory_space<vmem>>, vector<16xi32>,
      tpu.vector_store %arg11[%swap3A_480, %swap3A_481], %select_n3A_437 {strides = array<i32>} : memref<80x128xi32, #tpu.memory_space<vmem>>, vector<16xi32>,
      %jit3A_483 = arith.constant 8192 : i32
      %div3A_484 = vector.broadcast %jit3A_483 : i32 to vector<16xi32>
      %div3A_485 = arith.divsi %get3A_415, %div3A_484 : vector<16xi32>
      %sign3A_486 = arith.constant 0 : i32
      %sign3A_487 = vector.broadcast %sign3A_486 : i32 to vector<16xi32>
      %sign3A_488 = arith.cmpi sgt, %get3A_415, %sign3A_487 : vector<16xi32>
      %sign3A_489 = arith.extui %sign3A_488 : vector<16xi1> to vector<16xi32>
      %sign3A_490 = arith.constant 0 : i32
      %sign3A_491 = vector.broadcast %sign3A_490 : i32 to vector<16xi32>
      %sign3A_492 = arith.cmpi slt, %get3A_415, %sign3A_491 : vector<16xi32>
      %sign3A_493 = arith.extui %sign3A_492 : vector<16xi1> to vector<16xi32>
      %sign3A_494 = arith.subi %sign3A_489, %sign3A_493 : vector<16xi32>
      %sign3A_495 = arith.constant 0 : i32
      %sign3A_496 = arith.cmpi sgt, %jit3A_483, %sign3A_495 : i32
      %sign3A_497 = arith.extui %sign3A_496 : i1 to i32
      %sign3A_498 = arith.constant 0 : i32
      %sign3A_499 = arith.cmpi slt, %jit3A_483, %sign3A_498 : i32
      %sign3A_500 = arith.extui %sign3A_499 : i1 to i32
      %sign3A_501 = arith.subi %sign3A_497, %sign3A_500 : i32
      %ne3A_502 = vector.broadcast %sign3A_501 : i32 to vector<16xi32>
      %ne3A_503 = arith.cmpi ne, %sign3A_494, %ne3A_502 : vector<16xi32>
      %rem3A_504 = vector.broadcast %jit3A_483 : i32 to vector<16xi32>
      %rem3A_505 = arith.remsi %get3A_415, %rem3A_504 : vector<16xi32>
      %ne3A_506 = arith.constant 0 : i32
      %ne3A_507 = vector.broadcast %ne3A_506 : i32 to vector<16xi32>
      %ne3A_508 = arith.cmpi ne, %rem3A_505, %ne3A_507 : vector<16xi32>
      %and3A_509 = arith.andi %ne3A_503, %ne3A_508 : vector<16xi1>
      %sub3A_510 = arith.constant 1 : i32
      %sub3A_511 = vector.broadcast %sub3A_510 : i32 to vector<16xi32>
      %sub3A_512 = arith.subi %div3A_485, %sub3A_511 : vector<16xi32>
      %select_n3A_513 = arith.select %and3A_509, %sub3A_512, %div3A_485 : vector<16xi1>, vector<16xi32>
      %mul3A_514 = arith.constant 16 : i32
      %mul3A_515 = arith.muli %while3A_411, %mul3A_514 : i32
      %swap3A_516 = arith.index_cast %mul3A_515 : i32 to index
      %swap3A_517 = tpu.vector_load %arg10[%swap3A_516] {strides = array<i32>} : memref<10240xi32, #tpu.memory_space<vmem>>, vector<16xi32>,
      tpu.vector_store %arg10[%swap3A_516], %select_n3A_513 {strides = array<i32>} : memref<10240xi32, #tpu.memory_space<vmem>>, vector<16xi32>,
    }
    %while3A_297 = arith.constant 1 : i32
    scf.for %while3A_411 = %while3A_295 to %while3A_291 step %while3A_297  : i32 {
      %mul3A_412 = arith.constant 16 : i32
      %mul3A_413 = arith.muli %while3A_411, %mul3A_412 : i32
      %get3A_414 = arith.index_cast %mul3A_413 : i32 to index
      %get3A_415 = tpu.vector_load %arg10[%get3A_414] {strides = array<i32>} : memref<10240xi32, #tpu.memory_space<vmem>>, vector<16xi32>,
      %jit3A_416 = arith.constant 8192 : i32
      %eq3A_417 = arith.constant 0 : i32
      %eq3A_418 = arith.cmpi eq, %jit3A_416, %eq3A_417 : i32
      %jit3A_419 = arith.constant 1 : i32
      %select_n3A_420 = arith.select %eq3A_418, %jit3A_419, %jit3A_416 : i32
      %rem3A_421 = vector.broadcast %select_n3A_420 : i32 to vector<16xi32>
      %rem3A_422 = arith.remsi %get3A_415, %rem3A_421 : vector<16xi32>
      %ne3A_423 = arith.constant 0 : i32
      %ne3A_424 = vector.broadcast %ne3A_423 : i32 to vector<16xi32>
      %ne3A_425 = arith.cmpi ne, %rem3A_422, %ne3A_424 : vector<16xi32>
      %lt3A_426 = arith.constant 0 : i32
      %lt3A_427 = vector.broadcast %lt3A_426 : i32 to vector<16xi32>
      %lt3A_428 = arith.cmpi slt, %rem3A_422, %lt3A_427 : vector<16xi32>
      %lt3A_429 = arith.constant 0 : i32
      %lt3A_430 = arith.cmpi slt, %select_n3A_420, %lt3A_429 : i32
      %ne3A_431 = vector.broadcast %lt3A_430 : i1 to vector<16xi1>
      %ne3A_432 = vector.broadcast %ne3A_431 : vector<16xi1> to vector<16xi1>
      %ne3A_433 = arith.xori %lt3A_428, %ne3A_432 : vector<16xi1>
      %and3A_434 = arith.andi %ne3A_433, %ne3A_425 : vector<16xi1>
      %add3A_435 = vector.broadcast %select_n3A_420 : i32 to vector<16xi32>
      %add3A_436 = arith.addi %rem3A_422, %add3A_435 : vector<16xi32>
      %select_n3A_437 = arith.select %and3A_434, %add3A_436, %rem3A_422 : vector<16xi1>, vector<16xi32>
      %jit3A_438 = arith.constant 8 : i32
      %div3A_439 = arith.divsi %while3A_411, %jit3A_438 : i32
      %sign3A_440 = arith.constant 0 : i32
      %sign3A_441 = arith.cmpi sgt, %while3A_411, %sign3A_440 : i32
      %sign3A_442 = arith.extui %sign3A_441 : i1 to i32
      %sign3A_443 = arith.constant 0 : i32
      %sign3A_444 = arith.cmpi slt, %while3A_411, %sign3A_443 : i32
      %sign3A_445 = arith.extui %sign3A_444 : i1 to i32
      %sign3A_446 = arith.subi %sign3A_442, %sign3A_445 : i32
      %sign3A_447 = arith.constant 0 : i32
      %sign3A_448 = arith.cmpi sgt, %jit3A_438, %sign3A_447 : i32
      %sign3A_449 = arith.extui %sign3A_448 : i1 to i32
      %sign3A_450 = arith.constant 0 : i32
      %sign3A_451 = arith.cmpi slt, %jit3A_438, %sign3A_450 : i32
      %sign3A_452 = arith.extui %sign3A_451 : i1 to i32
      %sign3A_453 = arith.subi %sign3A_449, %sign3A_452 : i32
      %ne3A_454 = arith.cmpi ne, %sign3A_446, %sign3A_453 : i32
      %rem3A_455 = arith.remsi %while3A_411, %jit3A_438 : i32
      %ne3A_456 = arith.constant 0 : i32
      %ne3A_457 = arith.cmpi ne, %rem3A_455, %ne3A_456 : i32
      %and3A_458 = arith.andi %ne3A_454, %ne3A_457 : i1
      %sub3A_459 = arith.constant 1 : i32
      %sub3A_460 = arith.subi %div3A_439, %sub3A_459 : i32
      %select_n3A_461 = arith.select %and3A_458, %sub3A_460, %div3A_439 : i32
      %jit3A_462 = arith.constant 8 : i32
      %eq3A_463 = arith.constant 0 : i32
      %eq3A_464 = arith.cmpi eq, %jit3A_462, %eq3A_463 : i32
      %jit3A_465 = arith.constant 1 : i32
      %select_n3A_466 = arith.select %eq3A_464, %jit3A_465, %jit3A_462 : i32
      %rem3A_467 = arith.remsi %while3A_411, %select_n3A_466 : i32
      %ne3A_468 = arith.constant 0 : i32
      %ne3A_469 = arith.cmpi ne, %rem3A_467, %ne3A_468 : i32
      %lt3A_470 = arith.constant 0 : i32
      %lt3A_471 = arith.cmpi slt, %rem3A_467, %lt3A_470 : i32
      %lt3A_472 = arith.constant 0 : i32
      %lt3A_473 = arith.cmpi slt, %select_n3A_466, %lt3A_472 : i32
      %ne3A_474 = arith.xori %lt3A_471, %lt3A_473 : i1
      %and3A_475 = arith.andi %ne3A_474, %ne3A_469 : i1
      %add3A_476 = arith.addi %rem3A_467, %select_n3A_466 : i32
      %select_n3A_477 = arith.select %and3A_475, %add3A_476, %rem3A_467 : i32
      %mul3A_478 = arith.constant 16 : i32
      %mul3A_479 = arith.muli %select_n3A_477, %mul3A_478 : i32
      %swap3A_480 = arith.index_cast %select_n3A_461 : i32 to index
      %swap3A_481 = arith.index_cast %mul3A_479 : i32 to index
      %swap3A_482 = tpu.vector_load %arg11[%swap3A_480, %swap3A_481] {strides = array<i32>} : memref<80x128xi32, #tpu.memory_space<vmem>>, vector<16xi32>,
      tpu.vector_store %arg11[%swap3A_480, %swap3A_481], %select_n3A_437 {strides = array<i32>} : memref<80x128xi32, #tpu.memory_space<vmem>>, vector<16xi32>,
      %jit3A_483 = arith.constant 8192 : i32
      %div3A_484 = vector.broadcast %jit3A_483 : i32 to vector<16xi32>
      %div3A_485 = arith.divsi %get3A_415, %div3A_484 : vector<16xi32>
      %sign3A_486 = arith.constant 0 : i32
      %sign3A_487 = vector.broadcast %sign3A_486 : i32 to vector<16xi32>
      %sign3A_488 = arith.cmpi sgt, %get3A_415, %sign3A_487 : vector<16xi32>
      %sign3A_489 = arith.extui %sign3A_488 : vector<16xi1> to vector<16xi32>
      %sign3A_490 = arith.constant 0 : i32
      %sign3A_491 = vector.broadcast %sign3A_490 : i32 to vector<16xi32>
      %sign3A_492 = arith.cmpi slt, %get3A_415, %sign3A_491 : vector<16xi32>
      %sign3A_493 = arith.extui %sign3A_492 : vector<16xi1> to vector<16xi32>
      %sign3A_494 = arith.subi %sign3A_489, %sign3A_493 : vector<16xi32>
      %sign3A_495 = arith.constant 0 : i32
      %sign3A_496 = arith.cmpi sgt, %jit3A_483, %sign3A_495 : i32
      %sign3A_497 = arith.extui %sign3A_496 : i1 to i32
      %sign3A_498 = arith.constant 0 : i32
      %sign3A_499 = arith.cmpi slt, %jit3A_483, %sign3A_498 : i32
      %sign3A_500 = arith.extui %sign3A_499 : i1 to i32
      %sign3A_501 = arith.subi %sign3A_497, %sign3A_500 : i32
      %ne3A_502 = vector.broadcast %sign3A_501 : i32 to vector<16xi32>
      %ne3A_503 = arith.cmpi ne, %sign3A_494, %ne3A_502 : vector<16xi32>
      %rem3A_504 = vector.broadcast %jit3A_483 : i32 to vector<16xi32>
      %rem3A_505 = arith.remsi %get3A_415, %rem3A_504 : vector<16xi32>
      %ne3A_506 = arith.constant 0 : i32
      %ne3A_507 = vector.broadcast %ne3A_506 : i32 to vector<16xi32>
      %ne3A_508 = arith.cmpi ne, %rem3A_505, %ne3A_507 : vector<16xi32>
      %and3A_509 = arith.andi %ne3A_503, %ne3A_508 : vector<16xi1>
      %sub3A_510 = arith.constant 1 : i32
      %sub3A_511 = vector.broadcast %sub3A_510 : i32 to vector<16xi32>
      %sub3A_512 = arith.subi %div3A_485, %sub3A_511 : vector<16xi32>
      %select_n3A_513 = arith.select %and3A_509, %sub3A_512, %div3A_485 : vector<16xi1>, vector<16xi32>
      %mul3A_514 = arith.constant 16 : i32
      %mul3A_515 = arith.muli %while3A_411, %mul3A_514 : i32
      %swap3A_516 = arith.index_cast %mul3A_515 : i32 to index
      %swap3A_517 = tpu.vector_load %arg10[%swap3A_516] {strides = array<i32>} : memref<10240xi32, #tpu.memory_space<vmem>>, vector<16xi32>,
      tpu.vector_store %arg10[%swap3A_516], %select_n3A_513 {strides = array<i32>} : memref<10240xi32, #tpu.memory_space<vmem>>, vector<16xi32>,
    }
    %mul3A_298 = arith.constant 320 : i32
    %mul3A_299 = arith.muli %arg1, %mul3A_298 : i32
    %add3A_300 = arith.constant 0 : i32
    %add3A_301 = arith.addi %mul3A_299, %add3A_300 : i32
    "tpu.region"() ({
      %run_scoped3A = tpu.sem_alloc : memref<!tpu.dma_semaphore, #tpu.memory_space<semaphore_mem>>
      %dma_start3A = arith.constant 0 : i32
      %dma_start3A_411 = tpu.memref_slice %arg15[%add3A_301, %dma_start3A] : memref<5120x128xf32, #tpu.memory_space<vmem_shared>> -> memref<16x128xf32, #tpu.memory_space<vmem_shared>>
      %dma_start3A_412 = arith.constant 0 : i32
      %dma_start3A_413 = tpu.memref_slice %arg15[%add3A_301, %dma_start3A_412] : memref<5120x128xf32, #tpu.memory_space<vmem_shared>> -> memref<16x128xf32, #tpu.memory_space<vmem_shared>>
      tpu.enqueue_dma source(%arg14 : memref<16x128xf32, #tpu.memory_space<vmem>>) target(%dma_start3A_413 : memref<16x128xf32, #tpu.memory_space<vmem_shared>>) target_semaphore(%run_scoped3A : memref<!tpu.dma_semaphore, #tpu.memory_space<semaphore_mem>>)
      %dma_wait3A = arith.constant 0 : i32
      %dma_wait3A_414 = tpu.memref_slice %arg15[%add3A_301, %dma_wait3A] : memref<5120x128xf32, #tpu.memory_space<vmem_shared>> -> memref<16x128xf32, #tpu.memory_space<vmem_shared>>
      %dma_wait3A_415 = arith.constant 0 : i32
      %dma_wait3A_416 = tpu.memref_slice %arg15[%add3A_301, %dma_wait3A_415] : memref<5120x128xf32, #tpu.memory_space<vmem_shared>> -> memref<16x128xf32, #tpu.memory_space<vmem_shared>>
      tpu.wait_dma2 semaphore(%run_scoped3A : memref<!tpu.dma_semaphore, #tpu.memory_space<semaphore_mem>>) src(%arg14 : memref<16x128xf32, #tpu.memory_space<vmem>>) dst(%dma_wait3A_416 : memref<16x128xf32, #tpu.memory_space<vmem_shared>>)
      tpu.yield
    }) : () -> ()
    %add3A_302 = arith.constant 16 : i32
    %add3A_303 = arith.addi %mul3A_299, %add3A_302 : i32
    "tpu.region"() ({
      %run_scoped3A = tpu.sem_alloc : memref<!tpu.dma_semaphore, #tpu.memory_space<semaphore_mem>>
      %dma_start3A = arith.constant 0 : i32
      %dma_start3A_411 = tpu.memref_slice %arg15[%add3A_303, %dma_start3A] : memref<5120x128xf32, #tpu.memory_space<vmem_shared>> -> memref<16x128xf32, #tpu.memory_space<vmem_shared>>
      %dma_start3A_412 = arith.constant 0 : i32
      %dma_start3A_413 = tpu.memref_slice %arg15[%add3A_303, %dma_start3A_412] : memref<5120x128xf32, #tpu.memory_space<vmem_shared>> -> memref<16x128xf32, #tpu.memory_space<vmem_shared>>
      tpu.enqueue_dma source(%arg14 : memref<16x128xf32, #tpu.memory_space<vmem>>) target(%dma_start3A_413 : memref<16x128xf32, #tpu.memory_space<vmem_shared>>) target_semaphore(%run_scoped3A : memref<!tpu.dma_semaphore, #tpu.memory_space<semaphore_mem>>)
      %dma_wait3A = arith.constant 0 : i32
      %dma_wait3A_414 = tpu.memref_slice %arg15[%add3A_303, %dma_wait3A] : memref<5120x128xf32, #tpu.memory_space<vmem_shared>> -> memref<16x128xf32, #tpu.memory_space<vmem_shared>>
      %dma_wait3A_415 = arith.constant 0 : i32
      %dma_wait3A_416 = tpu.memref_slice %arg15[%add3A_303, %dma_wait3A_415] : memref<5120x128xf32, #tpu.memory_space<vmem_shared>> -> memref<16x128xf32, #tpu.memory_space<vmem_shared>>
      tpu.wait_dma2 semaphore(%run_scoped3A : memref<!tpu.dma_semaphore, #tpu.memory_space<semaphore_mem>>) src(%arg14 : memref<16x128xf32, #tpu.memory_space<vmem>>) dst(%dma_wait3A_416 : memref<16x128xf32, #tpu.memory_space<vmem_shared>>)
      tpu.yield
    }) : () -> ()
    %add3A_304 = arith.constant 32 : i32
    %add3A_305 = arith.addi %mul3A_299, %add3A_304 : i32
    "tpu.region"() ({
      %run_scoped3A = tpu.sem_alloc : memref<!tpu.dma_semaphore, #tpu.memory_space<semaphore_mem>>
      %dma_start3A = arith.constant 0 : i32
      %dma_start3A_411 = tpu.memref_slice %arg15[%add3A_305, %dma_start3A] : memref<5120x128xf32, #tpu.memory_space<vmem_shared>> -> memref<16x128xf32, #tpu.memory_space<vmem_shared>>
      %dma_start3A_412 = arith.constant 0 : i32
      %dma_start3A_413 = tpu.memref_slice %arg15[%add3A_305, %dma_start3A_412] : memref<5120x128xf32, #tpu.memory_space<vmem_shared>> -> memref<16x128xf32, #tpu.memory_space<vmem_shared>>
      tpu.enqueue_dma source(%arg14 : memref<16x128xf32, #tpu.memory_space<vmem>>) target(%dma_start3A_413 : memref<16x128xf32, #tpu.memory_space<vmem_shared>>) target_semaphore(%run_scoped3A : memref<!tpu.dma_semaphore, #tpu.memory_space<semaphore_mem>>)
      %dma_wait3A = arith.constant 0 : i32
      %dma_wait3A_414 = tpu.memref_slice %arg15[%add3A_305, %dma_wait3A] : memref<5120x128xf32, #tpu.memory_space<vmem_shared>> -> memref<16x128xf32, #tpu.memory_space<vmem_shared>>
      %dma_wait3A_415 = arith.constant 0 : i32
      %dma_wait3A_416 = tpu.memref_slice %arg15[%add3A_305, %dma_wait3A_415] : memref<5120x128xf32, #tpu.memory_space<vmem_shared>> -> memref<16x128xf32, #tpu.memory_space<vmem_shared>>
      tpu.wait_dma2 semaphore(%run_scoped3A : memref<!tpu.dma_semaphore, #tpu.memory_space<semaphore_mem>>) src(%arg14 : memref<16x128xf32, #tpu.memory_space<vmem>>) dst(%dma_wait3A_416 : memref<16x128xf32, #tpu.memory_space<vmem_shared>>)
      tpu.yield
    }) : () -> ()
    %add3A_306 = arith.constant 48 : i32
    %add3A_307 = arith.addi %mul3A_299, %add3A_306 : i32
    "tpu.region"() ({
      %run_scoped3A = tpu.sem_alloc : memref<!tpu.dma_semaphore, #tpu.memory_space<semaphore_mem>>
      %dma_start3A = arith.constant 0 : i32
      %dma_start3A_411 = tpu.memref_slice %arg15[%add3A_307, %dma_start3A] : memref<5120x128xf32, #tpu.memory_space<vmem_shared>> -> memref<16x128xf32, #tpu.memory_space<vmem_shared>>
      %dma_start3A_412 = arith.constant 0 : i32
      %dma_start3A_413 = tpu.memref_slice %arg15[%add3A_307, %dma_start3A_412] : memref<5120x128xf32, #tpu.memory_space<vmem_shared>> -> memref<16x128xf32, #tpu.memory_space<vmem_shared>>
      tpu.enqueue_dma source(%arg14 : memref<16x128xf32, #tpu.memory_space<vmem>>) target(%dma_start3A_413 : memref<16x128xf32, #tpu.memory_space<vmem_shared>>) target_semaphore(%run_scoped3A : memref<!tpu.dma_semaphore, #tpu.memory_space<semaphore_mem>>)
      %dma_wait3A = arith.constant 0 : i32
      %dma_wait3A_414 = tpu.memref_slice %arg15[%add3A_307, %dma_wait3A] : memref<5120x128xf32, #tpu.memory_space<vmem_shared>> -> memref<16x128xf32, #tpu.memory_space<vmem_shared>>
      %dma_wait3A_415 = arith.constant 0 : i32
      %dma_wait3A_416 = tpu.memref_slice %arg15[%add3A_307, %dma_wait3A_415] : memref<5120x128xf32, #tpu.memory_space<vmem_shared>> -> memref<16x128xf32, #tpu.memory_space<vmem_shared>>
      tpu.wait_dma2 semaphore(%run_scoped3A : memref<!tpu.dma_semaphore, #tpu.memory_space<semaphore_mem>>) src(%arg14 : memref<16x128xf32, #tpu.memory_space<vmem>>) dst(%dma_wait3A_416 : memref<16x128xf32, #tpu.memory_space<vmem_shared>>)
      tpu.yield
    }) : () -> ()
    %add3A_308 = arith.constant 64 : i32
    %add3A_309 = arith.addi %mul3A_299, %add3A_308 : i32
    "tpu.region"() ({
      %run_scoped3A = tpu.sem_alloc : memref<!tpu.dma_semaphore, #tpu.memory_space<semaphore_mem>>
      %dma_start3A = arith.constant 0 : i32
      %dma_start3A_411 = tpu.memref_slice %arg15[%add3A_309, %dma_start3A] : memref<5120x128xf32, #tpu.memory_space<vmem_shared>> -> memref<16x128xf32, #tpu.memory_space<vmem_shared>>
      %dma_start3A_412 = arith.constant 0 : i32
      %dma_start3A_413 = tpu.memref_slice %arg15[%add3A_309, %dma_start3A_412] : memref<5120x128xf32, #tpu.memory_space<vmem_shared>> -> memref<16x128xf32, #tpu.memory_space<vmem_shared>>
      tpu.enqueue_dma source(%arg14 : memref<16x128xf32, #tpu.memory_space<vmem>>) target(%dma_start3A_413 : memref<16x128xf32, #tpu.memory_space<vmem_shared>>) target_semaphore(%run_scoped3A : memref<!tpu.dma_semaphore, #tpu.memory_space<semaphore_mem>>)
      %dma_wait3A = arith.constant 0 : i32
      %dma_wait3A_414 = tpu.memref_slice %arg15[%add3A_309, %dma_wait3A] : memref<5120x128xf32, #tpu.memory_space<vmem_shared>> -> memref<16x128xf32, #tpu.memory_space<vmem_shared>>
      %dma_wait3A_415 = arith.constant 0 : i32
      %dma_wait3A_416 = tpu.memref_slice %arg15[%add3A_309, %dma_wait3A_415] : memref<5120x128xf32, #tpu.memory_space<vmem_shared>> -> memref<16x128xf32, #tpu.memory_space<vmem_shared>>
      tpu.wait_dma2 semaphore(%run_scoped3A : memref<!tpu.dma_semaphore, #tpu.memory_space<semaphore_mem>>) src(%arg14 : memref<16x128xf32, #tpu.memory_space<vmem>>) dst(%dma_wait3A_416 : memref<16x128xf32, #tpu.memory_space<vmem_shared>>)
      tpu.yield
    }) : () -> ()
    %add3A_310 = arith.constant 80 : i32
    %add3A_311 = arith.addi %mul3A_299, %add3A_310 : i32
    "tpu.region"() ({
      %run_scoped3A = tpu.sem_alloc : memref<!tpu.dma_semaphore, #tpu.memory_space<semaphore_mem>>
      %dma_start3A = arith.constant 0 : i32
      %dma_start3A_411 = tpu.memref_slice %arg15[%add3A_311, %dma_start3A] : memref<5120x128xf32, #tpu.memory_space<vmem_shared>> -> memref<16x128xf32, #tpu.memory_space<vmem_shared>>
      %dma_start3A_412 = arith.constant 0 : i32
      %dma_start3A_413 = tpu.memref_slice %arg15[%add3A_311, %dma_start3A_412] : memref<5120x128xf32, #tpu.memory_space<vmem_shared>> -> memref<16x128xf32, #tpu.memory_space<vmem_shared>>
      tpu.enqueue_dma source(%arg14 : memref<16x128xf32, #tpu.memory_space<vmem>>) target(%dma_start3A_413 : memref<16x128xf32, #tpu.memory_space<vmem_shared>>) target_semaphore(%run_scoped3A : memref<!tpu.dma_semaphore, #tpu.memory_space<semaphore_mem>>)
      %dma_wait3A = arith.constant 0 : i32
      %dma_wait3A_414 = tpu.memref_slice %arg15[%add3A_311, %dma_wait3A] : memref<5120x128xf32, #tpu.memory_space<vmem_shared>> -> memref<16x128xf32, #tpu.memory_space<vmem_shared>>
      %dma_wait3A_415 = arith.constant 0 : i32
      %dma_wait3A_416 = tpu.memref_slice %arg15[%add3A_311, %dma_wait3A_415] : memref<5120x128xf32, #tpu.memory_space<vmem_shared>> -> memref<16x128xf32, #tpu.memory_space<vmem_shared>>
      tpu.wait_dma2 semaphore(%run_scoped3A : memref<!tpu.dma_semaphore, #tpu.memory_space<semaphore_mem>>) src(%arg14 : memref<16x128xf32, #tpu.memory_space<vmem>>) dst(%dma_wait3A_416 : memref<16x128xf32, #tpu.memory_space<vmem_shared>>)
      tpu.yield
    }) : () -> ()
    %add3A_312 = arith.constant 96 : i32
    %add3A_313 = arith.addi %mul3A_299, %add3A_312 : i32
    "tpu.region"() ({
      %run_scoped3A = tpu.sem_alloc : memref<!tpu.dma_semaphore, #tpu.memory_space<semaphore_mem>>
      %dma_start3A = arith.constant 0 : i32
      %dma_start3A_411 = tpu.memref_slice %arg15[%add3A_313, %dma_start3A] : memref<5120x128xf32, #tpu.memory_space<vmem_shared>> -> memref<16x128xf32, #tpu.memory_space<vmem_shared>>
      %dma_start3A_412 = arith.constant 0 : i32
      %dma_start3A_413 = tpu.memref_slice %arg15[%add3A_313, %dma_start3A_412] : memref<5120x128xf32, #tpu.memory_space<vmem_shared>> -> memref<16x128xf32, #tpu.memory_space<vmem_shared>>
      tpu.enqueue_dma source(%arg14 : memref<16x128xf32, #tpu.memory_space<vmem>>) target(%dma_start3A_413 : memref<16x128xf32, #tpu.memory_space<vmem_shared>>) target_semaphore(%run_scoped3A : memref<!tpu.dma_semaphore, #tpu.memory_space<semaphore_mem>>)
      %dma_wait3A = arith.constant 0 : i32
      %dma_wait3A_414 = tpu.memref_slice %arg15[%add3A_313, %dma_wait3A] : memref<5120x128xf32, #tpu.memory_space<vmem_shared>> -> memref<16x128xf32, #tpu.memory_space<vmem_shared>>
      %dma_wait3A_415 = arith.constant 0 : i32
      %dma_wait3A_416 = tpu.memref_slice %arg15[%add3A_313, %dma_wait3A_415] : memref<5120x128xf32, #tpu.memory_space<vmem_shared>> -> memref<16x128xf32, #tpu.memory_space<vmem_shared>>
      tpu.wait_dma2 semaphore(%run_scoped3A : memref<!tpu.dma_semaphore, #tpu.memory_space<semaphore_mem>>) src(%arg14 : memref<16x128xf32, #tpu.memory_space<vmem>>) dst(%dma_wait3A_416 : memref<16x128xf32, #tpu.memory_space<vmem_shared>>)
      tpu.yield
    }) : () -> ()
    %add3A_314 = arith.constant 112 : i32
    %add3A_315 = arith.addi %mul3A_299, %add3A_314 : i32
    "tpu.region"() ({
      %run_scoped3A = tpu.sem_alloc : memref<!tpu.dma_semaphore, #tpu.memory_space<semaphore_mem>>
      %dma_start3A = arith.constant 0 : i32
      %dma_start3A_411 = tpu.memref_slice %arg15[%add3A_315, %dma_start3A] : memref<5120x128xf32, #tpu.memory_space<vmem_shared>> -> memref<16x128xf32, #tpu.memory_space<vmem_shared>>
      %dma_start3A_412 = arith.constant 0 : i32
      %dma_start3A_413 = tpu.memref_slice %arg15[%add3A_315, %dma_start3A_412] : memref<5120x128xf32, #tpu.memory_space<vmem_shared>> -> memref<16x128xf32, #tpu.memory_space<vmem_shared>>
      tpu.enqueue_dma source(%arg14 : memref<16x128xf32, #tpu.memory_space<vmem>>) target(%dma_start3A_413 : memref<16x128xf32, #tpu.memory_space<vmem_shared>>) target_semaphore(%run_scoped3A : memref<!tpu.dma_semaphore, #tpu.memory_space<semaphore_mem>>)
      %dma_wait3A = arith.constant 0 : i32
      %dma_wait3A_414 = tpu.memref_slice %arg15[%add3A_315, %dma_wait3A] : memref<5120x128xf32, #tpu.memory_space<vmem_shared>> -> memref<16x128xf32, #tpu.memory_space<vmem_shared>>
      %dma_wait3A_415 = arith.constant 0 : i32
      %dma_wait3A_416 = tpu.memref_slice %arg15[%add3A_315, %dma_wait3A_415] : memref<5120x128xf32, #tpu.memory_space<vmem_shared>> -> memref<16x128xf32, #tpu.memory_space<vmem_shared>>
      tpu.wait_dma2 semaphore(%run_scoped3A : memref<!tpu.dma_semaphore, #tpu.memory_space<semaphore_mem>>) src(%arg14 : memref<16x128xf32, #tpu.memory_space<vmem>>) dst(%dma_wait3A_416 : memref<16x128xf32, #tpu.memory_space<vmem_shared>>)
      tpu.yield
    }) : () -> ()
    %add3A_316 = arith.constant 128 : i32
    %add3A_317 = arith.addi %mul3A_299, %add3A_316 : i32
    "tpu.region"() ({
      %run_scoped3A = tpu.sem_alloc : memref<!tpu.dma_semaphore, #tpu.memory_space<semaphore_mem>>
      %dma_start3A = arith.constant 0 : i32
      %dma_start3A_411 = tpu.memref_slice %arg15[%add3A_317, %dma_start3A] : memref<5120x128xf32, #tpu.memory_space<vmem_shared>> -> memref<16x128xf32, #tpu.memory_space<vmem_shared>>
      %dma_start3A_412 = arith.constant 0 : i32
      %dma_start3A_413 = tpu.memref_slice %arg15[%add3A_317, %dma_start3A_412] : memref<5120x128xf32, #tpu.memory_space<vmem_shared>> -> memref<16x128xf32, #tpu.memory_space<vmem_shared>>
      tpu.enqueue_dma source(%arg14 : memref<16x128xf32, #tpu.memory_space<vmem>>) target(%dma_start3A_413 : memref<16x128xf32, #tpu.memory_space<vmem_shared>>) target_semaphore(%run_scoped3A : memref<!tpu.dma_semaphore, #tpu.memory_space<semaphore_mem>>)
      %dma_wait3A = arith.constant 0 : i32
      %dma_wait3A_414 = tpu.memref_slice %arg15[%add3A_317, %dma_wait3A] : memref<5120x128xf32, #tpu.memory_space<vmem_shared>> -> memref<16x128xf32, #tpu.memory_space<vmem_shared>>
      %dma_wait3A_415 = arith.constant 0 : i32
      %dma_wait3A_416 = tpu.memref_slice %arg15[%add3A_317, %dma_wait3A_415] : memref<5120x128xf32, #tpu.memory_space<vmem_shared>> -> memref<16x128xf32, #tpu.memory_space<vmem_shared>>
      tpu.wait_dma2 semaphore(%run_scoped3A : memref<!tpu.dma_semaphore, #tpu.memory_space<semaphore_mem>>) src(%arg14 : memref<16x128xf32, #tpu.memory_space<vmem>>) dst(%dma_wait3A_416 : memref<16x128xf32, #tpu.memory_space<vmem_shared>>)
      tpu.yield
    }) : () -> ()
    %add3A_318 = arith.constant 144 : i32
    %add3A_319 = arith.addi %mul3A_299, %add3A_318 : i32
    "tpu.region"() ({
      %run_scoped3A = tpu.sem_alloc : memref<!tpu.dma_semaphore, #tpu.memory_space<semaphore_mem>>
      %dma_start3A = arith.constant 0 : i32
      %dma_start3A_411 = tpu.memref_slice %arg15[%add3A_319, %dma_start3A] : memref<5120x128xf32, #tpu.memory_space<vmem_shared>> -> memref<16x128xf32, #tpu.memory_space<vmem_shared>>
      %dma_start3A_412 = arith.constant 0 : i32
      %dma_start3A_413 = tpu.memref_slice %arg15[%add3A_319, %dma_start3A_412] : memref<5120x128xf32, #tpu.memory_space<vmem_shared>> -> memref<16x128xf32, #tpu.memory_space<vmem_shared>>
      tpu.enqueue_dma source(%arg14 : memref<16x128xf32, #tpu.memory_space<vmem>>) target(%dma_start3A_413 : memref<16x128xf32, #tpu.memory_space<vmem_shared>>) target_semaphore(%run_scoped3A : memref<!tpu.dma_semaphore, #tpu.memory_space<semaphore_mem>>)
      %dma_wait3A = arith.constant 0 : i32
      %dma_wait3A_414 = tpu.memref_slice %arg15[%add3A_319, %dma_wait3A] : memref<5120x128xf32, #tpu.memory_space<vmem_shared>> -> memref<16x128xf32, #tpu.memory_space<vmem_shared>>
      %dma_wait3A_415 = arith.constant 0 : i32
      %dma_wait3A_416 = tpu.memref_slice %arg15[%add3A_319, %dma_wait3A_415] : memref<5120x128xf32, #tpu.memory_space<vmem_shared>> -> memref<16x128xf32, #tpu.memory_space<vmem_shared>>
      tpu.wait_dma2 semaphore(%run_scoped3A : memref<!tpu.dma_semaphore, #tpu.memory_space<semaphore_mem>>) src(%arg14 : memref<16x128xf32, #tpu.memory_space<vmem>>) dst(%dma_wait3A_416 : memref<16x128xf32, #tpu.memory_space<vmem_shared>>)
      tpu.yield
    }) : () -> ()
    %add3A_320 = arith.constant 160 : i32
    %add3A_321 = arith.addi %mul3A_299, %add3A_320 : i32
    "tpu.region"() ({
      %run_scoped3A = tpu.sem_alloc : memref<!tpu.dma_semaphore, #tpu.memory_space<semaphore_mem>>
      %dma_start3A = arith.constant 0 : i32
      %dma_start3A_411 = tpu.memref_slice %arg15[%add3A_321, %dma_start3A] : memref<5120x128xf32, #tpu.memory_space<vmem_shared>> -> memref<16x128xf32, #tpu.memory_space<vmem_shared>>
      %dma_start3A_412 = arith.constant 0 : i32
      %dma_start3A_413 = tpu.memref_slice %arg15[%add3A_321, %dma_start3A_412] : memref<5120x128xf32, #tpu.memory_space<vmem_shared>> -> memref<16x128xf32, #tpu.memory_space<vmem_shared>>
      tpu.enqueue_dma source(%arg14 : memref<16x128xf32, #tpu.memory_space<vmem>>) target(%dma_start3A_413 : memref<16x128xf32, #tpu.memory_space<vmem_shared>>) target_semaphore(%run_scoped3A : memref<!tpu.dma_semaphore, #tpu.memory_space<semaphore_mem>>)
      %dma_wait3A = arith.constant 0 : i32
      %dma_wait3A_414 = tpu.memref_slice %arg15[%add3A_321, %dma_wait3A] : memref<5120x128xf32, #tpu.memory_space<vmem_shared>> -> memref<16x128xf32, #tpu.memory_space<vmem_shared>>
      %dma_wait3A_415 = arith.constant 0 : i32
      %dma_wait3A_416 = tpu.memref_slice %arg15[%add3A_321, %dma_wait3A_415] : memref<5120x128xf32, #tpu.memory_space<vmem_shared>> -> memref<16x128xf32, #tpu.memory_space<vmem_shared>>
      tpu.wait_dma2 semaphore(%run_scoped3A : memref<!tpu.dma_semaphore, #tpu.memory_space<semaphore_mem>>) src(%arg14 : memref<16x128xf32, #tpu.memory_space<vmem>>) dst(%dma_wait3A_416 : memref<16x128xf32, #tpu.memory_space<vmem_shared>>)
      tpu.yield
    }) : () -> ()
    %add3A_322 = arith.constant 176 : i32
    %add3A_323 = arith.addi %mul3A_299, %add3A_322 : i32
    "tpu.region"() ({
      %run_scoped3A = tpu.sem_alloc : memref<!tpu.dma_semaphore, #tpu.memory_space<semaphore_mem>>
      %dma_start3A = arith.constant 0 : i32
      %dma_start3A_411 = tpu.memref_slice %arg15[%add3A_323, %dma_start3A] : memref<5120x128xf32, #tpu.memory_space<vmem_shared>> -> memref<16x128xf32, #tpu.memory_space<vmem_shared>>
      %dma_start3A_412 = arith.constant 0 : i32
      %dma_start3A_413 = tpu.memref_slice %arg15[%add3A_323, %dma_start3A_412] : memref<5120x128xf32, #tpu.memory_space<vmem_shared>> -> memref<16x128xf32, #tpu.memory_space<vmem_shared>>
      tpu.enqueue_dma source(%arg14 : memref<16x128xf32, #tpu.memory_space<vmem>>) target(%dma_start3A_413 : memref<16x128xf32, #tpu.memory_space<vmem_shared>>) target_semaphore(%run_scoped3A : memref<!tpu.dma_semaphore, #tpu.memory_space<semaphore_mem>>)
      %dma_wait3A = arith.constant 0 : i32
      %dma_wait3A_414 = tpu.memref_slice %arg15[%add3A_323, %dma_wait3A] : memref<5120x128xf32, #tpu.memory_space<vmem_shared>> -> memref<16x128xf32, #tpu.memory_space<vmem_shared>>
      %dma_wait3A_415 = arith.constant 0 : i32
      %dma_wait3A_416 = tpu.memref_slice %arg15[%add3A_323, %dma_wait3A_415] : memref<5120x128xf32, #tpu.memory_space<vmem_shared>> -> memref<16x128xf32, #tpu.memory_space<vmem_shared>>
      tpu.wait_dma2 semaphore(%run_scoped3A : memref<!tpu.dma_semaphore, #tpu.memory_space<semaphore_mem>>) src(%arg14 : memref<16x128xf32, #tpu.memory_space<vmem>>) dst(%dma_wait3A_416 : memref<16x128xf32, #tpu.memory_space<vmem_shared>>)
      tpu.yield
    }) : () -> ()
    %add3A_324 = arith.constant 192 : i32
    %add3A_325 = arith.addi %mul3A_299, %add3A_324 : i32
    "tpu.region"() ({
      %run_scoped3A = tpu.sem_alloc : memref<!tpu.dma_semaphore, #tpu.memory_space<semaphore_mem>>
      %dma_start3A = arith.constant 0 : i32
      %dma_start3A_411 = tpu.memref_slice %arg15[%add3A_325, %dma_start3A] : memref<5120x128xf32, #tpu.memory_space<vmem_shared>> -> memref<16x128xf32, #tpu.memory_space<vmem_shared>>
      %dma_start3A_412 = arith.constant 0 : i32
      %dma_start3A_413 = tpu.memref_slice %arg15[%add3A_325, %dma_start3A_412] : memref<5120x128xf32, #tpu.memory_space<vmem_shared>> -> memref<16x128xf32, #tpu.memory_space<vmem_shared>>
      tpu.enqueue_dma source(%arg14 : memref<16x128xf32, #tpu.memory_space<vmem>>) target(%dma_start3A_413 : memref<16x128xf32, #tpu.memory_space<vmem_shared>>) target_semaphore(%run_scoped3A : memref<!tpu.dma_semaphore, #tpu.memory_space<semaphore_mem>>)
      %dma_wait3A = arith.constant 0 : i32
      %dma_wait3A_414 = tpu.memref_slice %arg15[%add3A_325, %dma_wait3A] : memref<5120x128xf32, #tpu.memory_space<vmem_shared>> -> memref<16x128xf32, #tpu.memory_space<vmem_shared>>
      %dma_wait3A_415 = arith.constant 0 : i32
      %dma_wait3A_416 = tpu.memref_slice %arg15[%add3A_325, %dma_wait3A_415] : memref<5120x128xf32, #tpu.memory_space<vmem_shared>> -> memref<16x128xf32, #tpu.memory_space<vmem_shared>>
      tpu.wait_dma2 semaphore(%run_scoped3A : memref<!tpu.dma_semaphore, #tpu.memory_space<semaphore_mem>>) src(%arg14 : memref<16x128xf32, #tpu.memory_space<vmem>>) dst(%dma_wait3A_416 : memref<16x128xf32, #tpu.memory_space<vmem_shared>>)
      tpu.yield
    }) : () -> ()
    %add3A_326 = arith.constant 208 : i32
    %add3A_327 = arith.addi %mul3A_299, %add3A_326 : i32
    "tpu.region"() ({
      %run_scoped3A = tpu.sem_alloc : memref<!tpu.dma_semaphore, #tpu.memory_space<semaphore_mem>>
      %dma_start3A = arith.constant 0 : i32
      %dma_start3A_411 = tpu.memref_slice %arg15[%add3A_327, %dma_start3A] : memref<5120x128xf32, #tpu.memory_space<vmem_shared>> -> memref<16x128xf32, #tpu.memory_space<vmem_shared>>
      %dma_start3A_412 = arith.constant 0 : i32
      %dma_start3A_413 = tpu.memref_slice %arg15[%add3A_327, %dma_start3A_412] : memref<5120x128xf32, #tpu.memory_space<vmem_shared>> -> memref<16x128xf32, #tpu.memory_space<vmem_shared>>
      tpu.enqueue_dma source(%arg14 : memref<16x128xf32, #tpu.memory_space<vmem>>) target(%dma_start3A_413 : memref<16x128xf32, #tpu.memory_space<vmem_shared>>) target_semaphore(%run_scoped3A : memref<!tpu.dma_semaphore, #tpu.memory_space<semaphore_mem>>)
      %dma_wait3A = arith.constant 0 : i32
      %dma_wait3A_414 = tpu.memref_slice %arg15[%add3A_327, %dma_wait3A] : memref<5120x128xf32, #tpu.memory_space<vmem_shared>> -> memref<16x128xf32, #tpu.memory_space<vmem_shared>>
      %dma_wait3A_415 = arith.constant 0 : i32
      %dma_wait3A_416 = tpu.memref_slice %arg15[%add3A_327, %dma_wait3A_415] : memref<5120x128xf32, #tpu.memory_space<vmem_shared>> -> memref<16x128xf32, #tpu.memory_space<vmem_shared>>
      tpu.wait_dma2 semaphore(%run_scoped3A : memref<!tpu.dma_semaphore, #tpu.memory_space<semaphore_mem>>) src(%arg14 : memref<16x128xf32, #tpu.memory_space<vmem>>) dst(%dma_wait3A_416 : memref<16x128xf32, #tpu.memory_space<vmem_shared>>)
      tpu.yield
    }) : () -> ()
    %add3A_328 = arith.constant 224 : i32
    %add3A_329 = arith.addi %mul3A_299, %add3A_328 : i32
    "tpu.region"() ({
      %run_scoped3A = tpu.sem_alloc : memref<!tpu.dma_semaphore, #tpu.memory_space<semaphore_mem>>
      %dma_start3A = arith.constant 0 : i32
      %dma_start3A_411 = tpu.memref_slice %arg15[%add3A_329, %dma_start3A] : memref<5120x128xf32, #tpu.memory_space<vmem_shared>> -> memref<16x128xf32, #tpu.memory_space<vmem_shared>>
      %dma_start3A_412 = arith.constant 0 : i32
      %dma_start3A_413 = tpu.memref_slice %arg15[%add3A_329, %dma_start3A_412] : memref<5120x128xf32, #tpu.memory_space<vmem_shared>> -> memref<16x128xf32, #tpu.memory_space<vmem_shared>>
      tpu.enqueue_dma source(%arg14 : memref<16x128xf32, #tpu.memory_space<vmem>>) target(%dma_start3A_413 : memref<16x128xf32, #tpu.memory_space<vmem_shared>>) target_semaphore(%run_scoped3A : memref<!tpu.dma_semaphore, #tpu.memory_space<semaphore_mem>>)
      %dma_wait3A = arith.constant 0 : i32
      %dma_wait3A_414 = tpu.memref_slice %arg15[%add3A_329, %dma_wait3A] : memref<5120x128xf32, #tpu.memory_space<vmem_shared>> -> memref<16x128xf32, #tpu.memory_space<vmem_shared>>
      %dma_wait3A_415 = arith.constant 0 : i32
      %dma_wait3A_416 = tpu.memref_slice %arg15[%add3A_329, %dma_wait3A_415] : memref<5120x128xf32, #tpu.memory_space<vmem_shared>> -> memref<16x128xf32, #tpu.memory_space<vmem_shared>>
      tpu.wait_dma2 semaphore(%run_scoped3A : memref<!tpu.dma_semaphore, #tpu.memory_space<semaphore_mem>>) src(%arg14 : memref<16x128xf32, #tpu.memory_space<vmem>>) dst(%dma_wait3A_416 : memref<16x128xf32, #tpu.memory_space<vmem_shared>>)
      tpu.yield
    }) : () -> ()
    %add3A_330 = arith.constant 240 : i32
    %add3A_331 = arith.addi %mul3A_299, %add3A_330 : i32
    "tpu.region"() ({
      %run_scoped3A = tpu.sem_alloc : memref<!tpu.dma_semaphore, #tpu.memory_space<semaphore_mem>>
      %dma_start3A = arith.constant 0 : i32
      %dma_start3A_411 = tpu.memref_slice %arg15[%add3A_331, %dma_start3A] : memref<5120x128xf32, #tpu.memory_space<vmem_shared>> -> memref<16x128xf32, #tpu.memory_space<vmem_shared>>
      %dma_start3A_412 = arith.constant 0 : i32
      %dma_start3A_413 = tpu.memref_slice %arg15[%add3A_331, %dma_start3A_412] : memref<5120x128xf32, #tpu.memory_space<vmem_shared>> -> memref<16x128xf32, #tpu.memory_space<vmem_shared>>
      tpu.enqueue_dma source(%arg14 : memref<16x128xf32, #tpu.memory_space<vmem>>) target(%dma_start3A_413 : memref<16x128xf32, #tpu.memory_space<vmem_shared>>) target_semaphore(%run_scoped3A : memref<!tpu.dma_semaphore, #tpu.memory_space<semaphore_mem>>)
      %dma_wait3A = arith.constant 0 : i32
      %dma_wait3A_414 = tpu.memref_slice %arg15[%add3A_331, %dma_wait3A] : memref<5120x128xf32, #tpu.memory_space<vmem_shared>> -> memref<16x128xf32, #tpu.memory_space<vmem_shared>>
      %dma_wait3A_415 = arith.constant 0 : i32
      %dma_wait3A_416 = tpu.memref_slice %arg15[%add3A_331, %dma_wait3A_415] : memref<5120x128xf32, #tpu.memory_space<vmem_shared>> -> memref<16x128xf32, #tpu.memory_space<vmem_shared>>
      tpu.wait_dma2 semaphore(%run_scoped3A : memref<!tpu.dma_semaphore, #tpu.memory_space<semaphore_mem>>) src(%arg14 : memref<16x128xf32, #tpu.memory_space<vmem>>) dst(%dma_wait3A_416 : memref<16x128xf32, #tpu.memory_space<vmem_shared>>)
      tpu.yield
    }) : () -> ()
    %add3A_332 = arith.constant 256 : i32
    %add3A_333 = arith.addi %mul3A_299, %add3A_332 : i32
    "tpu.region"() ({
      %run_scoped3A = tpu.sem_alloc : memref<!tpu.dma_semaphore, #tpu.memory_space<semaphore_mem>>
      %dma_start3A = arith.constant 0 : i32
      %dma_start3A_411 = tpu.memref_slice %arg15[%add3A_333, %dma_start3A] : memref<5120x128xf32, #tpu.memory_space<vmem_shared>> -> memref<16x128xf32, #tpu.memory_space<vmem_shared>>
      %dma_start3A_412 = arith.constant 0 : i32
      %dma_start3A_413 = tpu.memref_slice %arg15[%add3A_333, %dma_start3A_412] : memref<5120x128xf32, #tpu.memory_space<vmem_shared>> -> memref<16x128xf32, #tpu.memory_space<vmem_shared>>
      tpu.enqueue_dma source(%arg14 : memref<16x128xf32, #tpu.memory_space<vmem>>) target(%dma_start3A_413 : memref<16x128xf32, #tpu.memory_space<vmem_shared>>) target_semaphore(%run_scoped3A : memref<!tpu.dma_semaphore, #tpu.memory_space<semaphore_mem>>)
      %dma_wait3A = arith.constant 0 : i32
      %dma_wait3A_414 = tpu.memref_slice %arg15[%add3A_333, %dma_wait3A] : memref<5120x128xf32, #tpu.memory_space<vmem_shared>> -> memref<16x128xf32, #tpu.memory_space<vmem_shared>>
      %dma_wait3A_415 = arith.constant 0 : i32
      %dma_wait3A_416 = tpu.memref_slice %arg15[%add3A_333, %dma_wait3A_415] : memref<5120x128xf32, #tpu.memory_space<vmem_shared>> -> memref<16x128xf32, #tpu.memory_space<vmem_shared>>
      tpu.wait_dma2 semaphore(%run_scoped3A : memref<!tpu.dma_semaphore, #tpu.memory_space<semaphore_mem>>) src(%arg14 : memref<16x128xf32, #tpu.memory_space<vmem>>) dst(%dma_wait3A_416 : memref<16x128xf32, #tpu.memory_space<vmem_shared>>)
      tpu.yield
    }) : () -> ()
    %add3A_334 = arith.constant 272 : i32
    %add3A_335 = arith.addi %mul3A_299, %add3A_334 : i32
    "tpu.region"() ({
      %run_scoped3A = tpu.sem_alloc : memref<!tpu.dma_semaphore, #tpu.memory_space<semaphore_mem>>
      %dma_start3A = arith.constant 0 : i32
      %dma_start3A_411 = tpu.memref_slice %arg15[%add3A_335, %dma_start3A] : memref<5120x128xf32, #tpu.memory_space<vmem_shared>> -> memref<16x128xf32, #tpu.memory_space<vmem_shared>>
      %dma_start3A_412 = arith.constant 0 : i32
      %dma_start3A_413 = tpu.memref_slice %arg15[%add3A_335, %dma_start3A_412] : memref<5120x128xf32, #tpu.memory_space<vmem_shared>> -> memref<16x128xf32, #tpu.memory_space<vmem_shared>>
      tpu.enqueue_dma source(%arg14 : memref<16x128xf32, #tpu.memory_space<vmem>>) target(%dma_start3A_413 : memref<16x128xf32, #tpu.memory_space<vmem_shared>>) target_semaphore(%run_scoped3A : memref<!tpu.dma_semaphore, #tpu.memory_space<semaphore_mem>>)
      %dma_wait3A = arith.constant 0 : i32
      %dma_wait3A_414 = tpu.memref_slice %arg15[%add3A_335, %dma_wait3A] : memref<5120x128xf32, #tpu.memory_space<vmem_shared>> -> memref<16x128xf32, #tpu.memory_space<vmem_shared>>
      %dma_wait3A_415 = arith.constant 0 : i32
      %dma_wait3A_416 = tpu.memref_slice %arg15[%add3A_335, %dma_wait3A_415] : memref<5120x128xf32, #tpu.memory_space<vmem_shared>> -> memref<16x128xf32, #tpu.memory_space<vmem_shared>>
      tpu.wait_dma2 semaphore(%run_scoped3A : memref<!tpu.dma_semaphore, #tpu.memory_space<semaphore_mem>>) src(%arg14 : memref<16x128xf32, #tpu.memory_space<vmem>>) dst(%dma_wait3A_416 : memref<16x128xf32, #tpu.memory_space<vmem_shared>>)
      tpu.yield
    }) : () -> ()
    %add3A_336 = arith.constant 288 : i32
    %add3A_337 = arith.addi %mul3A_299, %add3A_336 : i32
    "tpu.region"() ({
      %run_scoped3A = tpu.sem_alloc : memref<!tpu.dma_semaphore, #tpu.memory_space<semaphore_mem>>
      %dma_start3A = arith.constant 0 : i32
      %dma_start3A_411 = tpu.memref_slice %arg15[%add3A_337, %dma_start3A] : memref<5120x128xf32, #tpu.memory_space<vmem_shared>> -> memref<16x128xf32, #tpu.memory_space<vmem_shared>>
      %dma_start3A_412 = arith.constant 0 : i32
      %dma_start3A_413 = tpu.memref_slice %arg15[%add3A_337, %dma_start3A_412] : memref<5120x128xf32, #tpu.memory_space<vmem_shared>> -> memref<16x128xf32, #tpu.memory_space<vmem_shared>>
      tpu.enqueue_dma source(%arg14 : memref<16x128xf32, #tpu.memory_space<vmem>>) target(%dma_start3A_413 : memref<16x128xf32, #tpu.memory_space<vmem_shared>>) target_semaphore(%run_scoped3A : memref<!tpu.dma_semaphore, #tpu.memory_space<semaphore_mem>>)
      %dma_wait3A = arith.constant 0 : i32
      %dma_wait3A_414 = tpu.memref_slice %arg15[%add3A_337, %dma_wait3A] : memref<5120x128xf32, #tpu.memory_space<vmem_shared>> -> memref<16x128xf32, #tpu.memory_space<vmem_shared>>
      %dma_wait3A_415 = arith.constant 0 : i32
      %dma_wait3A_416 = tpu.memref_slice %arg15[%add3A_337, %dma_wait3A_415] : memref<5120x128xf32, #tpu.memory_space<vmem_shared>> -> memref<16x128xf32, #tpu.memory_space<vmem_shared>>
      tpu.wait_dma2 semaphore(%run_scoped3A : memref<!tpu.dma_semaphore, #tpu.memory_space<semaphore_mem>>) src(%arg14 : memref<16x128xf32, #tpu.memory_space<vmem>>) dst(%dma_wait3A_416 : memref<16x128xf32, #tpu.memory_space<vmem_shared>>)
      tpu.yield
    }) : () -> ()
    %add3A_338 = arith.constant 304 : i32
    %add3A_339 = arith.addi %mul3A_299, %add3A_338 : i32
    "tpu.region"() ({
      %run_scoped3A = tpu.sem_alloc : memref<!tpu.dma_semaphore, #tpu.memory_space<semaphore_mem>>
      %dma_start3A = arith.constant 0 : i32
      %dma_start3A_411 = tpu.memref_slice %arg15[%add3A_339, %dma_start3A] : memref<5120x128xf32, #tpu.memory_space<vmem_shared>> -> memref<16x128xf32, #tpu.memory_space<vmem_shared>>
      %dma_start3A_412 = arith.constant 0 : i32
      %dma_start3A_413 = tpu.memref_slice %arg15[%add3A_339, %dma_start3A_412] : memref<5120x128xf32, #tpu.memory_space<vmem_shared>> -> memref<16x128xf32, #tpu.memory_space<vmem_shared>>
      tpu.enqueue_dma source(%arg14 : memref<16x128xf32, #tpu.memory_space<vmem>>) target(%dma_start3A_413 : memref<16x128xf32, #tpu.memory_space<vmem_shared>>) target_semaphore(%run_scoped3A : memref<!tpu.dma_semaphore, #tpu.memory_space<semaphore_mem>>)
      %dma_wait3A = arith.constant 0 : i32
      %dma_wait3A_414 = tpu.memref_slice %arg15[%add3A_339, %dma_wait3A] : memref<5120x128xf32, #tpu.memory_space<vmem_shared>> -> memref<16x128xf32, #tpu.memory_space<vmem_shared>>
      %dma_wait3A_415 = arith.constant 0 : i32
      %dma_wait3A_416 = tpu.memref_slice %arg15[%add3A_339, %dma_wait3A_415] : memref<5120x128xf32, #tpu.memory_space<vmem_shared>> -> memref<16x128xf32, #tpu.memory_space<vmem_shared>>
      tpu.wait_dma2 semaphore(%run_scoped3A : memref<!tpu.dma_semaphore, #tpu.memory_space<semaphore_mem>>) src(%arg14 : memref<16x128xf32, #tpu.memory_space<vmem>>) dst(%dma_wait3A_416 : memref<16x128xf32, #tpu.memory_space<vmem_shared>>)
      tpu.yield
    }) : () -> ()
    %barrier3A_340 = arith.constant 0 : index
    tpu.barrier barrier_id(%barrier3A_340)
    %gt3A_341 = arith.constant 0 : i32
    %gt3A_342 = arith.cmpi sgt, %select_n3A_237, %gt3A_341 : i32
    %convert_element_type3A_343 = arith.extui %gt3A_342 : i1 to i32
    %cond3A_344 = arith.constant 0 : i32
    %cond3A_345 = arith.cmpi ne, %convert_element_type3A_343, %cond3A_344 : i32
    scf.if %cond3A_345 {
      %dma_start3A = arith.constant 0 : i32
      %dma_start3A_411 = tpu.memref_slice %arg10[%dma_start3A] : memref<10240xi32, #tpu.memory_space<vmem>> -> memref<128xi32, #tpu.memory_space<vmem>>
      %dma_start3A_412 = arith.constant 0 : i32
      %dma_start3A_413 = arith.constant 0 : i32
      %dma_start3A_414 = tpu.memref_slice %arg2[%dma_start3A_412, %dma_start3A_413] : memref<80000x128xf32, #tpu.memory_space<hbm>> -> memref<80000x128xf32, #tpu.memory_space<hbm>>
      tpu.enqueue_indirect_dma source(%dma_start3A_414 : memref<80000x128xf32, #tpu.memory_space<hbm>>) target(%arg12 : memref<128x128xf32, #tpu.memory_space<vmem>>) offsets(%dma_start3A_411 : memref<128xi32, #tpu.memory_space<vmem>>) semaphore(%arg16 : memref<!tpu.dma_semaphore, #tpu.memory_space<semaphore_mem>>)
    } else {
    }
    %while3A_346 = arith.constant 0 : i32
    %while3A_347 = arith.constant 0 : i32
    %while3A_348 = arith.subi %select_n3A_237, %while3A_347 : i32
    %while3A_349 = arith.addi %while3A_347, %while3A_348 : i32
    %while3A_350 = arith.constant 1 : i32
    %while3A_351 = arith.divsi %while3A_348, %while3A_350 : i32
    %while3A_352 = arith.muli %while3A_351, %while3A_350 : i32
    %while3A_353 = arith.addi %while3A_347, %while3A_352 : i32
    %while3A_354 = arith.constant 1 : i32
    scf.for %while3A_411 = %while3A_347 to %while3A_353 step %while3A_354  : i32 {
      %jit3A_412 = arith.constant 2 : i32
      %eq3A_413 = arith.constant 0 : i32
      %eq3A_414 = arith.cmpi eq, %jit3A_412, %eq3A_413 : i32
      %jit3A_415 = arith.constant 1 : i32
      %select_n3A_416 = arith.select %eq3A_414, %jit3A_415, %jit3A_412 : i32
      %rem3A_417 = arith.remsi %while3A_411, %select_n3A_416 : i32
      %ne3A_418 = arith.constant 0 : i32
      %ne3A_419 = arith.cmpi ne, %rem3A_417, %ne3A_418 : i32
      %lt3A_420 = arith.constant 0 : i32
      %lt3A_421 = arith.cmpi slt, %rem3A_417, %lt3A_420 : i32
      %lt3A_422 = arith.constant 0 : i32
      %lt3A_423 = arith.cmpi slt, %select_n3A_416, %lt3A_422 : i32
      %ne3A_424 = arith.xori %lt3A_421, %lt3A_423 : i1
      %and3A_425 = arith.andi %ne3A_424, %ne3A_419 : i1
      %add3A_426 = arith.addi %rem3A_417, %select_n3A_416 : i32
      %select_n3A_427 = arith.select %and3A_425, %add3A_426, %rem3A_417 : i32
      %eq3A_428 = arith.constant 0 : i32
      %eq3A_429 = arith.cmpi eq, %select_n3A_427, %eq3A_428 : i32
      %convert_element_type3A_430 = arith.extui %eq3A_429 : i1 to i32
      %cond3A_431 = arith.constant 0 : i32
      %cond3A_432 = arith.cmpi ne, %convert_element_type3A_430, %cond3A_431 : i32
      scf.if %cond3A_432 {
        %mul3A_454 = arith.constant 128 : i32
        %mul3A_455 = arith.muli %while3A_411, %mul3A_454 : i32
        %dma_wait3A = tpu.memref_slice %arg10[%mul3A_455] : memref<10240xi32, #tpu.memory_space<vmem>> -> memref<128xi32, #tpu.memory_space<vmem>>
        %dma_wait3A_456 = arith.constant 0 : i32
        %dma_wait3A_457 = arith.constant 0 : i32
        %dma_wait3A_458 = tpu.memref_slice %arg2[%dma_wait3A_456, %dma_wait3A_457] : memref<80000x128xf32, #tpu.memory_space<hbm>> -> memref<80000x128xf32, #tpu.memory_space<hbm>>
        tpu.wait_indirect_dma semaphore(%arg16 : memref<!tpu.dma_semaphore, #tpu.memory_space<semaphore_mem>>) src(%dma_wait3A_458 : memref<80000x128xf32, #tpu.memory_space<hbm>>) dst(%arg12 : memref<128x128xf32, #tpu.memory_space<vmem>>)
        %ge3A = arith.constant 1 : i32
        %ge3A_459 = arith.cmpi sge, %while3A_411, %ge3A : i32
        %convert_element_type3A_460 = arith.extui %ge3A_459 : i1 to i32
        %cond3A_461 = arith.constant 0 : i32
        %cond3A_462 = arith.cmpi ne, %convert_element_type3A_460, %cond3A_461 : i32
        scf.if %cond3A_462 {
          %dma_wait3A_474 = arith.constant 0 : i32
          %dma_wait3A_475 = tpu.memref_slice %arg11[%while3A_411, %dma_wait3A_474] : memref<80x128xi32, #tpu.memory_space<vmem>> -> memref<1x128xi32, #tpu.memory_space<vmem>>
          %dma_wait3A_476 = tpu.memref_squeeze %dma_wait3A_475 : memref<1x128xi32, #tpu.memory_space<vmem>> -> memref<128xi32, #tpu.memory_space<vmem>>
          %dma_wait3A_477 = arith.constant 0 : i32
          %dma_wait3A_478 = arith.constant 0 : i32
          %dma_wait3A_479 = tpu.memref_slice %arg15[%dma_wait3A_477, %dma_wait3A_478] : memref<5120x128xf32, #tpu.memory_space<vmem_shared>> -> memref<5120x128xf32, #tpu.memory_space<vmem_shared>>
          tpu.wait_indirect_dma semaphore(%arg19 : memref<!tpu.dma_semaphore, #tpu.memory_space<semaphore_mem>>) src(%arg13 : memref<128x128xf32, #tpu.memory_space<vmem>>) dst(%dma_wait3A_479 : memref<5120x128xf32, #tpu.memory_space<vmem_shared>>)
        } else {
        }
        %add3A_463 = arith.constant 1 : i32
        %add3A_464 = arith.addi %while3A_411, %add3A_463 : i32
        %lt3A_465 = arith.cmpi slt, %add3A_464, %select_n3A_237 : i32
        %convert_element_type3A_466 = arith.extui %lt3A_465 : i1 to i32
        %cond3A_467 = arith.constant 0 : i32
        %cond3A_468 = arith.cmpi ne, %convert_element_type3A_466, %cond3A_467 : i32
        scf.if %cond3A_468 {
          %add3A_474 = arith.constant 1 : i32
          %add3A_475 = arith.addi %while3A_411, %add3A_474 : i32
          %mul3A_476 = arith.constant 128 : i32
          %mul3A_477 = arith.muli %add3A_475, %mul3A_476 : i32
          %dma_start3A_478 = tpu.memref_slice %arg10[%mul3A_477] : memref<10240xi32, #tpu.memory_space<vmem>> -> memref<128xi32, #tpu.memory_space<vmem>>
          %dma_start3A_479 = arith.constant 0 : i32
          %dma_start3A_480 = arith.constant 0 : i32
          %dma_start3A_481 = tpu.memref_slice %arg2[%dma_start3A_479, %dma_start3A_480] : memref<80000x128xf32, #tpu.memory_space<hbm>> -> memref<80000x128xf32, #tpu.memory_space<hbm>>
          tpu.enqueue_indirect_dma source(%dma_start3A_481 : memref<80000x128xf32, #tpu.memory_space<hbm>>) target(%arg13 : memref<128x128xf32, #tpu.memory_space<vmem>>) offsets(%dma_start3A_478 : memref<128xi32, #tpu.memory_space<vmem>>) semaphore(%arg17 : memref<!tpu.dma_semaphore, #tpu.memory_space<semaphore_mem>>)
        } else {
        }
        %dma_start3A = arith.constant 0 : i32
        %dma_start3A_469 = tpu.memref_slice %arg11[%while3A_411, %dma_start3A] : memref<80x128xi32, #tpu.memory_space<vmem>> -> memref<1x128xi32, #tpu.memory_space<vmem>>
        %dma_start3A_470 = tpu.memref_squeeze %dma_start3A_469 : memref<1x128xi32, #tpu.memory_space<vmem>> -> memref<128xi32, #tpu.memory_space<vmem>>
        %dma_start3A_471 = arith.constant 0 : i32
        %dma_start3A_472 = arith.constant 0 : i32
        %dma_start3A_473 = tpu.memref_slice %arg15[%dma_start3A_471, %dma_start3A_472] : memref<5120x128xf32, #tpu.memory_space<vmem_shared>> -> memref<5120x128xf32, #tpu.memory_space<vmem_shared>>
        tpu.enqueue_indirect_dma source(%arg12 : memref<128x128xf32, #tpu.memory_space<vmem>>) target(%dma_start3A_473 : memref<5120x128xf32, #tpu.memory_space<vmem_shared>>) offsets(%dma_start3A_470 : memref<128xi32, #tpu.memory_space<vmem>>) semaphore(%arg18 : memref<!tpu.dma_semaphore, #tpu.memory_space<semaphore_mem>>) {add = true}
      } else {
      }
      %jit3A_433 = arith.constant 2 : i32
      %eq3A_434 = arith.constant 0 : i32
      %eq3A_435 = arith.cmpi eq, %jit3A_433, %eq3A_434 : i32
      %jit3A_436 = arith.constant 1 : i32
      %select_n3A_437 = arith.select %eq3A_435, %jit3A_436, %jit3A_433 : i32
      %rem3A_438 = arith.remsi %while3A_411, %select_n3A_437 : i32
      %ne3A_439 = arith.constant 0 : i32
      %ne3A_440 = arith.cmpi ne, %rem3A_438, %ne3A_439 : i32
      %lt3A_441 = arith.constant 0 : i32
      %lt3A_442 = arith.cmpi slt, %rem3A_438, %lt3A_441 : i32
      %lt3A_443 = arith.constant 0 : i32
      %lt3A_444 = arith.cmpi slt, %select_n3A_437, %lt3A_443 : i32
      %ne3A_445 = arith.xori %lt3A_442, %lt3A_444 : i1
      %and3A_446 = arith.andi %ne3A_445, %ne3A_440 : i1
      %add3A_447 = arith.addi %rem3A_438, %select_n3A_437 : i32
      %select_n3A_448 = arith.select %and3A_446, %add3A_447, %rem3A_438 : i32
      %eq3A_449 = arith.constant 1 : i32
      %eq3A_450 = arith.cmpi eq, %select_n3A_448, %eq3A_449 : i32
      %convert_element_type3A_451 = arith.extui %eq3A_450 : i1 to i32
      %cond3A_452 = arith.constant 0 : i32
      %cond3A_453 = arith.cmpi ne, %convert_element_type3A_451, %cond3A_452 : i32
      scf.if %cond3A_453 {
        %mul3A_454 = arith.constant 128 : i32
        %mul3A_455 = arith.muli %while3A_411, %mul3A_454 : i32
        %dma_wait3A = tpu.memref_slice %arg10[%mul3A_455] : memref<10240xi32, #tpu.memory_space<vmem>> -> memref<128xi32, #tpu.memory_space<vmem>>
        %dma_wait3A_456 = arith.constant 0 : i32
        %dma_wait3A_457 = arith.constant 0 : i32
        %dma_wait3A_458 = tpu.memref_slice %arg2[%dma_wait3A_456, %dma_wait3A_457] : memref<80000x128xf32, #tpu.memory_space<hbm>> -> memref<80000x128xf32, #tpu.memory_space<hbm>>
        tpu.wait_indirect_dma semaphore(%arg17 : memref<!tpu.dma_semaphore, #tpu.memory_space<semaphore_mem>>) src(%dma_wait3A_458 : memref<80000x128xf32, #tpu.memory_space<hbm>>) dst(%arg13 : memref<128x128xf32, #tpu.memory_space<vmem>>)
        %dma_wait3A_459 = arith.constant 0 : i32
        %dma_wait3A_460 = tpu.memref_slice %arg11[%while3A_411, %dma_wait3A_459] : memref<80x128xi32, #tpu.memory_space<vmem>> -> memref<1x128xi32, #tpu.memory_space<vmem>>
        %dma_wait3A_461 = tpu.memref_squeeze %dma_wait3A_460 : memref<1x128xi32, #tpu.memory_space<vmem>> -> memref<128xi32, #tpu.memory_space<vmem>>
        %dma_wait3A_462 = arith.constant 0 : i32
        %dma_wait3A_463 = arith.constant 0 : i32
        %dma_wait3A_464 = tpu.memref_slice %arg15[%dma_wait3A_462, %dma_wait3A_463] : memref<5120x128xf32, #tpu.memory_space<vmem_shared>> -> memref<5120x128xf32, #tpu.memory_space<vmem_shared>>
        tpu.wait_indirect_dma semaphore(%arg18 : memref<!tpu.dma_semaphore, #tpu.memory_space<semaphore_mem>>) src(%arg12 : memref<128x128xf32, #tpu.memory_space<vmem>>) dst(%dma_wait3A_464 : memref<5120x128xf32, #tpu.memory_space<vmem_shared>>)
        %add3A_465 = arith.constant 1 : i32
        %add3A_466 = arith.addi %while3A_411, %add3A_465 : i32
        %lt3A_467 = arith.cmpi slt, %add3A_466, %select_n3A_237 : i32
        %convert_element_type3A_468 = arith.extui %lt3A_467 : i1 to i32
        %cond3A_469 = arith.constant 0 : i32
        %cond3A_470 = arith.cmpi ne, %convert_element_type3A_468, %cond3A_469 : i32
        scf.if %cond3A_470 {
          %add3A_476 = arith.constant 1 : i32
          %add3A_477 = arith.addi %while3A_411, %add3A_476 : i32
          %mul3A_478 = arith.constant 128 : i32
          %mul3A_479 = arith.muli %add3A_477, %mul3A_478 : i32
          %dma_start3A_480 = tpu.memref_slice %arg10[%mul3A_479] : memref<10240xi32, #tpu.memory_space<vmem>> -> memref<128xi32, #tpu.memory_space<vmem>>
          %dma_start3A_481 = arith.constant 0 : i32
          %dma_start3A_482 = arith.constant 0 : i32
          %dma_start3A_483 = tpu.memref_slice %arg2[%dma_start3A_481, %dma_start3A_482] : memref<80000x128xf32, #tpu.memory_space<hbm>> -> memref<80000x128xf32, #tpu.memory_space<hbm>>
          tpu.enqueue_indirect_dma source(%dma_start3A_483 : memref<80000x128xf32, #tpu.memory_space<hbm>>) target(%arg12 : memref<128x128xf32, #tpu.memory_space<vmem>>) offsets(%dma_start3A_480 : memref<128xi32, #tpu.memory_space<vmem>>) semaphore(%arg16 : memref<!tpu.dma_semaphore, #tpu.memory_space<semaphore_mem>>)
        } else {
        }
        %dma_start3A = arith.constant 0 : i32
        %dma_start3A_471 = tpu.memref_slice %arg11[%while3A_411, %dma_start3A] : memref<80x128xi32, #tpu.memory_space<vmem>> -> memref<1x128xi32, #tpu.memory_space<vmem>>
        %dma_start3A_472 = tpu.memref_squeeze %dma_start3A_471 : memref<1x128xi32, #tpu.memory_space<vmem>> -> memref<128xi32, #tpu.memory_space<vmem>>
        %dma_start3A_473 = arith.constant 0 : i32
        %dma_start3A_474 = arith.constant 0 : i32
        %dma_start3A_475 = tpu.memref_slice %arg15[%dma_start3A_473, %dma_start3A_474] : memref<5120x128xf32, #tpu.memory_space<vmem_shared>> -> memref<5120x128xf32, #tpu.memory_space<vmem_shared>>
        tpu.enqueue_indirect_dma source(%arg13 : memref<128x128xf32, #tpu.memory_space<vmem>>) target(%dma_start3A_475 : memref<5120x128xf32, #tpu.memory_space<vmem_shared>>) offsets(%dma_start3A_472 : memref<128xi32, #tpu.memory_space<vmem>>) semaphore(%arg19 : memref<!tpu.dma_semaphore, #tpu.memory_space<semaphore_mem>>) {add = true}
      } else {
      }
    }
    %while3A_355 = arith.constant 1 : i32
    scf.for %while3A_411 = %while3A_353 to %while3A_349 step %while3A_355  : i32 {
      %jit3A_412 = arith.constant 2 : i32
      %eq3A_413 = arith.constant 0 : i32
      %eq3A_414 = arith.cmpi eq, %jit3A_412, %eq3A_413 : i32
      %jit3A_415 = arith.constant 1 : i32
      %select_n3A_416 = arith.select %eq3A_414, %jit3A_415, %jit3A_412 : i32
      %rem3A_417 = arith.remsi %while3A_411, %select_n3A_416 : i32
      %ne3A_418 = arith.constant 0 : i32
      %ne3A_419 = arith.cmpi ne, %rem3A_417, %ne3A_418 : i32
      %lt3A_420 = arith.constant 0 : i32
      %lt3A_421 = arith.cmpi slt, %rem3A_417, %lt3A_420 : i32
      %lt3A_422 = arith.constant 0 : i32
      %lt3A_423 = arith.cmpi slt, %select_n3A_416, %lt3A_422 : i32
      %ne3A_424 = arith.xori %lt3A_421, %lt3A_423 : i1
      %and3A_425 = arith.andi %ne3A_424, %ne3A_419 : i1
      %add3A_426 = arith.addi %rem3A_417, %select_n3A_416 : i32
      %select_n3A_427 = arith.select %and3A_425, %add3A_426, %rem3A_417 : i32
      %eq3A_428 = arith.constant 0 : i32
      %eq3A_429 = arith.cmpi eq, %select_n3A_427, %eq3A_428 : i32
      %convert_element_type3A_430 = arith.extui %eq3A_429 : i1 to i32
      %cond3A_431 = arith.constant 0 : i32
      %cond3A_432 = arith.cmpi ne, %convert_element_type3A_430, %cond3A_431 : i32
      scf.if %cond3A_432 {
        %mul3A_454 = arith.constant 128 : i32
        %mul3A_455 = arith.muli %while3A_411, %mul3A_454 : i32
        %dma_wait3A = tpu.memref_slice %arg10[%mul3A_455] : memref<10240xi32, #tpu.memory_space<vmem>> -> memref<128xi32, #tpu.memory_space<vmem>>
        %dma_wait3A_456 = arith.constant 0 : i32
        %dma_wait3A_457 = arith.constant 0 : i32
        %dma_wait3A_458 = tpu.memref_slice %arg2[%dma_wait3A_456, %dma_wait3A_457] : memref<80000x128xf32, #tpu.memory_space<hbm>> -> memref<80000x128xf32, #tpu.memory_space<hbm>>
        tpu.wait_indirect_dma semaphore(%arg16 : memref<!tpu.dma_semaphore, #tpu.memory_space<semaphore_mem>>) src(%dma_wait3A_458 : memref<80000x128xf32, #tpu.memory_space<hbm>>) dst(%arg12 : memref<128x128xf32, #tpu.memory_space<vmem>>)
        %ge3A = arith.constant 1 : i32
        %ge3A_459 = arith.cmpi sge, %while3A_411, %ge3A : i32
        %convert_element_type3A_460 = arith.extui %ge3A_459 : i1 to i32
        %cond3A_461 = arith.constant 0 : i32
        %cond3A_462 = arith.cmpi ne, %convert_element_type3A_460, %cond3A_461 : i32
        scf.if %cond3A_462 {
          %dma_wait3A_474 = arith.constant 0 : i32
          %dma_wait3A_475 = tpu.memref_slice %arg11[%while3A_411, %dma_wait3A_474] : memref<80x128xi32, #tpu.memory_space<vmem>> -> memref<1x128xi32, #tpu.memory_space<vmem>>
          %dma_wait3A_476 = tpu.memref_squeeze %dma_wait3A_475 : memref<1x128xi32, #tpu.memory_space<vmem>> -> memref<128xi32, #tpu.memory_space<vmem>>
          %dma_wait3A_477 = arith.constant 0 : i32
          %dma_wait3A_478 = arith.constant 0 : i32
          %dma_wait3A_479 = tpu.memref_slice %arg15[%dma_wait3A_477, %dma_wait3A_478] : memref<5120x128xf32, #tpu.memory_space<vmem_shared>> -> memref<5120x128xf32, #tpu.memory_space<vmem_shared>>
          tpu.wait_indirect_dma semaphore(%arg19 : memref<!tpu.dma_semaphore, #tpu.memory_space<semaphore_mem>>) src(%arg13 : memref<128x128xf32, #tpu.memory_space<vmem>>) dst(%dma_wait3A_479 : memref<5120x128xf32, #tpu.memory_space<vmem_shared>>)
        } else {
        }
        %add3A_463 = arith.constant 1 : i32
        %add3A_464 = arith.addi %while3A_411, %add3A_463 : i32
        %lt3A_465 = arith.cmpi slt, %add3A_464, %select_n3A_237 : i32
        %convert_element_type3A_466 = arith.extui %lt3A_465 : i1 to i32
        %cond3A_467 = arith.constant 0 : i32
        %cond3A_468 = arith.cmpi ne, %convert_element_type3A_466, %cond3A_467 : i32
        scf.if %cond3A_468 {
          %add3A_474 = arith.constant 1 : i32
          %add3A_475 = arith.addi %while3A_411, %add3A_474 : i32
          %mul3A_476 = arith.constant 128 : i32
          %mul3A_477 = arith.muli %add3A_475, %mul3A_476 : i32
          %dma_start3A_478 = tpu.memref_slice %arg10[%mul3A_477] : memref<10240xi32, #tpu.memory_space<vmem>> -> memref<128xi32, #tpu.memory_space<vmem>>
          %dma_start3A_479 = arith.constant 0 : i32
          %dma_start3A_480 = arith.constant 0 : i32
          %dma_start3A_481 = tpu.memref_slice %arg2[%dma_start3A_479, %dma_start3A_480] : memref<80000x128xf32, #tpu.memory_space<hbm>> -> memref<80000x128xf32, #tpu.memory_space<hbm>>
          tpu.enqueue_indirect_dma source(%dma_start3A_481 : memref<80000x128xf32, #tpu.memory_space<hbm>>) target(%arg13 : memref<128x128xf32, #tpu.memory_space<vmem>>) offsets(%dma_start3A_478 : memref<128xi32, #tpu.memory_space<vmem>>) semaphore(%arg17 : memref<!tpu.dma_semaphore, #tpu.memory_space<semaphore_mem>>)
        } else {
        }
        %dma_start3A = arith.constant 0 : i32
        %dma_start3A_469 = tpu.memref_slice %arg11[%while3A_411, %dma_start3A] : memref<80x128xi32, #tpu.memory_space<vmem>> -> memref<1x128xi32, #tpu.memory_space<vmem>>
        %dma_start3A_470 = tpu.memref_squeeze %dma_start3A_469 : memref<1x128xi32, #tpu.memory_space<vmem>> -> memref<128xi32, #tpu.memory_space<vmem>>
        %dma_start3A_471 = arith.constant 0 : i32
        %dma_start3A_472 = arith.constant 0 : i32
        %dma_start3A_473 = tpu.memref_slice %arg15[%dma_start3A_471, %dma_start3A_472] : memref<5120x128xf32, #tpu.memory_space<vmem_shared>> -> memref<5120x128xf32, #tpu.memory_space<vmem_shared>>
        tpu.enqueue_indirect_dma source(%arg12 : memref<128x128xf32, #tpu.memory_space<vmem>>) target(%dma_start3A_473 : memref<5120x128xf32, #tpu.memory_space<vmem_shared>>) offsets(%dma_start3A_470 : memref<128xi32, #tpu.memory_space<vmem>>) semaphore(%arg18 : memref<!tpu.dma_semaphore, #tpu.memory_space<semaphore_mem>>) {add = true}
      } else {
      }
      %jit3A_433 = arith.constant 2 : i32
      %eq3A_434 = arith.constant 0 : i32
      %eq3A_435 = arith.cmpi eq, %jit3A_433, %eq3A_434 : i32
      %jit3A_436 = arith.constant 1 : i32
      %select_n3A_437 = arith.select %eq3A_435, %jit3A_436, %jit3A_433 : i32
      %rem3A_438 = arith.remsi %while3A_411, %select_n3A_437 : i32
      %ne3A_439 = arith.constant 0 : i32
      %ne3A_440 = arith.cmpi ne, %rem3A_438, %ne3A_439 : i32
      %lt3A_441 = arith.constant 0 : i32
      %lt3A_442 = arith.cmpi slt, %rem3A_438, %lt3A_441 : i32
      %lt3A_443 = arith.constant 0 : i32
      %lt3A_444 = arith.cmpi slt, %select_n3A_437, %lt3A_443 : i32
      %ne3A_445 = arith.xori %lt3A_442, %lt3A_444 : i1
      %and3A_446 = arith.andi %ne3A_445, %ne3A_440 : i1
      %add3A_447 = arith.addi %rem3A_438, %select_n3A_437 : i32
      %select_n3A_448 = arith.select %and3A_446, %add3A_447, %rem3A_438 : i32
      %eq3A_449 = arith.constant 1 : i32
      %eq3A_450 = arith.cmpi eq, %select_n3A_448, %eq3A_449 : i32
      %convert_element_type3A_451 = arith.extui %eq3A_450 : i1 to i32
      %cond3A_452 = arith.constant 0 : i32
      %cond3A_453 = arith.cmpi ne, %convert_element_type3A_451, %cond3A_452 : i32
      scf.if %cond3A_453 {
        %mul3A_454 = arith.constant 128 : i32
        %mul3A_455 = arith.muli %while3A_411, %mul3A_454 : i32
        %dma_wait3A = tpu.memref_slice %arg10[%mul3A_455] : memref<10240xi32, #tpu.memory_space<vmem>> -> memref<128xi32, #tpu.memory_space<vmem>>
        %dma_wait3A_456 = arith.constant 0 : i32
        %dma_wait3A_457 = arith.constant 0 : i32
        %dma_wait3A_458 = tpu.memref_slice %arg2[%dma_wait3A_456, %dma_wait3A_457] : memref<80000x128xf32, #tpu.memory_space<hbm>> -> memref<80000x128xf32, #tpu.memory_space<hbm>>
        tpu.wait_indirect_dma semaphore(%arg17 : memref<!tpu.dma_semaphore, #tpu.memory_space<semaphore_mem>>) src(%dma_wait3A_458 : memref<80000x128xf32, #tpu.memory_space<hbm>>) dst(%arg13 : memref<128x128xf32, #tpu.memory_space<vmem>>)
        %dma_wait3A_459 = arith.constant 0 : i32
        %dma_wait3A_460 = tpu.memref_slice %arg11[%while3A_411, %dma_wait3A_459] : memref<80x128xi32, #tpu.memory_space<vmem>> -> memref<1x128xi32, #tpu.memory_space<vmem>>
        %dma_wait3A_461 = tpu.memref_squeeze %dma_wait3A_460 : memref<1x128xi32, #tpu.memory_space<vmem>> -> memref<128xi32, #tpu.memory_space<vmem>>
        %dma_wait3A_462 = arith.constant 0 : i32
        %dma_wait3A_463 = arith.constant 0 : i32
        %dma_wait3A_464 = tpu.memref_slice %arg15[%dma_wait3A_462, %dma_wait3A_463] : memref<5120x128xf32, #tpu.memory_space<vmem_shared>> -> memref<5120x128xf32, #tpu.memory_space<vmem_shared>>
        tpu.wait_indirect_dma semaphore(%arg18 : memref<!tpu.dma_semaphore, #tpu.memory_space<semaphore_mem>>) src(%arg12 : memref<128x128xf32, #tpu.memory_space<vmem>>) dst(%dma_wait3A_464 : memref<5120x128xf32, #tpu.memory_space<vmem_shared>>)
        %add3A_465 = arith.constant 1 : i32
        %add3A_466 = arith.addi %while3A_411, %add3A_465 : i32
        %lt3A_467 = arith.cmpi slt, %add3A_466, %select_n3A_237 : i32
        %convert_element_type3A_468 = arith.extui %lt3A_467 : i1 to i32
        %cond3A_469 = arith.constant 0 : i32
        %cond3A_470 = arith.cmpi ne, %convert_element_type3A_468, %cond3A_469 : i32
        scf.if %cond3A_470 {
          %add3A_476 = arith.constant 1 : i32
          %add3A_477 = arith.addi %while3A_411, %add3A_476 : i32
          %mul3A_478 = arith.constant 128 : i32
          %mul3A_479 = arith.muli %add3A_477, %mul3A_478 : i32
          %dma_start3A_480 = tpu.memref_slice %arg10[%mul3A_479] : memref<10240xi32, #tpu.memory_space<vmem>> -> memref<128xi32, #tpu.memory_space<vmem>>
          %dma_start3A_481 = arith.constant 0 : i32
          %dma_start3A_482 = arith.constant 0 : i32
          %dma_start3A_483 = tpu.memref_slice %arg2[%dma_start3A_481, %dma_start3A_482] : memref<80000x128xf32, #tpu.memory_space<hbm>> -> memref<80000x128xf32, #tpu.memory_space<hbm>>
          tpu.enqueue_indirect_dma source(%dma_start3A_483 : memref<80000x128xf32, #tpu.memory_space<hbm>>) target(%arg12 : memref<128x128xf32, #tpu.memory_space<vmem>>) offsets(%dma_start3A_480 : memref<128xi32, #tpu.memory_space<vmem>>) semaphore(%arg16 : memref<!tpu.dma_semaphore, #tpu.memory_space<semaphore_mem>>)
        } else {
        }
        %dma_start3A = arith.constant 0 : i32
        %dma_start3A_471 = tpu.memref_slice %arg11[%while3A_411, %dma_start3A] : memref<80x128xi32, #tpu.memory_space<vmem>> -> memref<1x128xi32, #tpu.memory_space<vmem>>
        %dma_start3A_472 = tpu.memref_squeeze %dma_start3A_471 : memref<1x128xi32, #tpu.memory_space<vmem>> -> memref<128xi32, #tpu.memory_space<vmem>>
        %dma_start3A_473 = arith.constant 0 : i32
        %dma_start3A_474 = arith.constant 0 : i32
        %dma_start3A_475 = tpu.memref_slice %arg15[%dma_start3A_473, %dma_start3A_474] : memref<5120x128xf32, #tpu.memory_space<vmem_shared>> -> memref<5120x128xf32, #tpu.memory_space<vmem_shared>>
        tpu.enqueue_indirect_dma source(%arg13 : memref<128x128xf32, #tpu.memory_space<vmem>>) target(%dma_start3A_475 : memref<5120x128xf32, #tpu.memory_space<vmem_shared>>) offsets(%dma_start3A_472 : memref<128xi32, #tpu.memory_space<vmem>>) semaphore(%arg19 : memref<!tpu.dma_semaphore, #tpu.memory_space<semaphore_mem>>) {add = true}
      } else {
      }
    }
    %gt3A_356 = arith.constant 0 : i32
    %gt3A_357 = arith.cmpi sgt, %select_n3A_237, %gt3A_356 : i32
    %jit3A_358 = arith.constant 2 : i32
    %eq3A_359 = arith.constant 0 : i32
    %eq3A_360 = arith.cmpi eq, %jit3A_358, %eq3A_359 : i32
    %jit3A_361 = arith.constant 1 : i32
    %select_n3A_362 = arith.select %eq3A_360, %jit3A_361, %jit3A_358 : i32
    %rem3A_363 = arith.remsi %select_n3A_237, %select_n3A_362 : i32
    %ne3A_364 = arith.constant 0 : i32
    %ne3A_365 = arith.cmpi ne, %rem3A_363, %ne3A_364 : i32
    %lt3A_366 = arith.constant 0 : i32
    %lt3A_367 = arith.cmpi slt, %rem3A_363, %lt3A_366 : i32
    %lt3A_368 = arith.constant 0 : i32
    %lt3A_369 = arith.cmpi slt, %select_n3A_362, %lt3A_368 : i32
    %ne3A_370 = arith.xori %lt3A_367, %lt3A_369 : i1
    %and3A_371 = arith.andi %ne3A_370, %ne3A_365 : i1
    %add3A_372 = arith.addi %rem3A_363, %select_n3A_362 : i32
    %select_n3A_373 = arith.select %and3A_371, %add3A_372, %rem3A_363 : i32
    %eq3A_374 = arith.constant 1 : i32
    %eq3A_375 = arith.cmpi eq, %select_n3A_373, %eq3A_374 : i32
    %and3A_376 = arith.andi %gt3A_357, %eq3A_375 : i1
    %convert_element_type3A_377 = arith.extui %and3A_376 : i1 to i32
    %cond3A_378 = arith.constant 0 : i32
    %cond3A_379 = arith.cmpi ne, %convert_element_type3A_377, %cond3A_378 : i32
    scf.if %cond3A_379 {
      %dma_wait3A = arith.constant 0 : i32
      %dma_wait3A_411 = arith.constant 0 : i32
      %dma_wait3A_412 = tpu.memref_slice %arg11[%dma_wait3A, %dma_wait3A_411] : memref<80x128xi32, #tpu.memory_space<vmem>> -> memref<1x128xi32, #tpu.memory_space<vmem>>
      %dma_wait3A_413 = tpu.memref_squeeze %dma_wait3A_412 : memref<1x128xi32, #tpu.memory_space<vmem>> -> memref<128xi32, #tpu.memory_space<vmem>>
      %dma_wait3A_414 = arith.constant 0 : i32
      %dma_wait3A_415 = arith.constant 0 : i32
      %dma_wait3A_416 = tpu.memref_slice %arg15[%dma_wait3A_414, %dma_wait3A_415] : memref<5120x128xf32, #tpu.memory_space<vmem_shared>> -> memref<5120x128xf32, #tpu.memory_space<vmem_shared>>
      tpu.wait_indirect_dma semaphore(%arg18 : memref<!tpu.dma_semaphore, #tpu.memory_space<semaphore_mem>>) src(%arg12 : memref<128x128xf32, #tpu.memory_space<vmem>>) dst(%dma_wait3A_416 : memref<5120x128xf32, #tpu.memory_space<vmem_shared>>)
    } else {
    }
    %jit3A_380 = arith.constant 2 : i32
    %eq3A_381 = arith.constant 0 : i32
    %eq3A_382 = arith.cmpi eq, %jit3A_380, %eq3A_381 : i32
    %jit3A_383 = arith.constant 1 : i32
    %select_n3A_384 = arith.select %eq3A_382, %jit3A_383, %jit3A_380 : i32
    %rem3A_385 = arith.remsi %select_n3A_237, %select_n3A_384 : i32
    %ne3A_386 = arith.constant 0 : i32
    %ne3A_387 = arith.cmpi ne, %rem3A_385, %ne3A_386 : i32
    %lt3A_388 = arith.constant 0 : i32
    %lt3A_389 = arith.cmpi slt, %rem3A_385, %lt3A_388 : i32
    %lt3A_390 = arith.constant 0 : i32
    %lt3A_391 = arith.cmpi slt, %select_n3A_384, %lt3A_390 : i32
    %ne3A_392 = arith.xori %lt3A_389, %lt3A_391 : i1
    %and3A_393 = arith.andi %ne3A_392, %ne3A_387 : i1
    %add3A_394 = arith.addi %rem3A_385, %select_n3A_384 : i32
    %select_n3A_395 = arith.select %and3A_393, %add3A_394, %rem3A_385 : i32
    %eq3A_396 = arith.constant 0 : i32
    %eq3A_397 = arith.cmpi eq, %select_n3A_395, %eq3A_396 : i32
    %convert_element_type3A_398 = arith.extui %eq3A_397 : i1 to i32
    %cond3A_399 = arith.constant 0 : i32
    %cond3A_400 = arith.cmpi ne, %convert_element_type3A_398, %cond3A_399 : i32
    scf.if %cond3A_400 {
      %gt3A_411 = arith.constant 0 : i32
      %gt3A_412 = arith.cmpi sgt, %select_n3A_237, %gt3A_411 : i32
      %convert_element_type3A_413 = arith.extui %gt3A_412 : i1 to i32
      %cond3A_414 = arith.constant 0 : i32
      %cond3A_415 = arith.cmpi ne, %convert_element_type3A_413, %cond3A_414 : i32
      scf.if %cond3A_415 {
        %dma_wait3A = arith.constant 0 : i32
        %dma_wait3A_416 = arith.constant 0 : i32
        %dma_wait3A_417 = tpu.memref_slice %arg11[%dma_wait3A, %dma_wait3A_416] : memref<80x128xi32, #tpu.memory_space<vmem>> -> memref<1x128xi32, #tpu.memory_space<vmem>>
        %dma_wait3A_418 = tpu.memref_squeeze %dma_wait3A_417 : memref<1x128xi32, #tpu.memory_space<vmem>> -> memref<128xi32, #tpu.memory_space<vmem>>
        %dma_wait3A_419 = arith.constant 0 : i32
        %dma_wait3A_420 = arith.constant 0 : i32
        %dma_wait3A_421 = tpu.memref_slice %arg15[%dma_wait3A_419, %dma_wait3A_420] : memref<5120x128xf32, #tpu.memory_space<vmem_shared>> -> memref<5120x128xf32, #tpu.memory_space<vmem_shared>>
        tpu.wait_indirect_dma semaphore(%arg19 : memref<!tpu.dma_semaphore, #tpu.memory_space<semaphore_mem>>) src(%arg13 : memref<128x128xf32, #tpu.memory_space<vmem>>) dst(%dma_wait3A_421 : memref<5120x128xf32, #tpu.memory_space<vmem_shared>>)
      } else {
      }
    } else {
    }
    %barrier3A_401 = arith.constant 0 : index
    tpu.barrier barrier_id(%barrier3A_401)
    %mul3A_402 = arith.constant 312 : i32
    %mul3A_403 = arith.muli %arg1, %mul3A_402 : i32
    %add3A_404 = arith.constant 5000 : i32
    %add3A_405 = arith.addi %add3A_404, %mul3A_403 : i32
    "tpu.region"() ({
      %run_scoped3A = tpu.sem_alloc : memref<!tpu.dma_semaphore, #tpu.memory_space<semaphore_mem>>
      %dma_start3A = arith.constant 0 : i32
      %dma_start3A_411 = tpu.memref_slice %arg6[%arg0, %add3A_405, %dma_start3A] : memref<2x10000x128xf32, #tpu.memory_space<hbm>> -> memref<1x312x128xf32, #tpu.memory_space<hbm>>
      %dma_start3A_412 = tpu.memref_squeeze %dma_start3A_411 : memref<1x312x128xf32, #tpu.memory_space<hbm>> -> memref<312x128xf32, #tpu.memory_space<hbm>>
      %dma_start3A_413 = arith.constant 0 : i32
      %dma_start3A_414 = tpu.memref_slice %arg15[%mul3A_403, %dma_start3A_413] : memref<5120x128xf32, #tpu.memory_space<vmem_shared>> -> memref<312x128xf32, #tpu.memory_space<vmem_shared>>
      tpu.enqueue_dma source(%dma_start3A_414 : memref<312x128xf32, #tpu.memory_space<vmem_shared>>) target(%dma_start3A_412 : memref<312x128xf32, #tpu.memory_space<hbm>>) target_semaphore(%run_scoped3A : memref<!tpu.dma_semaphore, #tpu.memory_space<semaphore_mem>>)
      %dma_wait3A = arith.constant 0 : i32
      %dma_wait3A_415 = tpu.memref_slice %arg6[%arg0, %add3A_405, %dma_wait3A] : memref<2x10000x128xf32, #tpu.memory_space<hbm>> -> memref<1x312x128xf32, #tpu.memory_space<hbm>>
      %dma_wait3A_416 = tpu.memref_squeeze %dma_wait3A_415 : memref<1x312x128xf32, #tpu.memory_space<hbm>> -> memref<312x128xf32, #tpu.memory_space<hbm>>
      %dma_wait3A_417 = arith.constant 0 : i32
      %dma_wait3A_418 = tpu.memref_slice %arg15[%mul3A_403, %dma_wait3A_417] : memref<5120x128xf32, #tpu.memory_space<vmem_shared>> -> memref<312x128xf32, #tpu.memory_space<vmem_shared>>
      tpu.wait_dma2 semaphore(%run_scoped3A : memref<!tpu.dma_semaphore, #tpu.memory_space<semaphore_mem>>) src(%dma_wait3A_418 : memref<312x128xf32, #tpu.memory_space<vmem_shared>>) dst(%dma_wait3A_416 : memref<312x128xf32, #tpu.memory_space<hbm>>)
      tpu.yield
    }) : () -> ()
    %eq3A_406 = arith.constant 15 : i32
    %eq3A_407 = arith.cmpi eq, %arg1, %eq3A_406 : i32
    %convert_element_type3A_408 = arith.extui %eq3A_407 : i1 to i32
    %cond3A_409 = arith.constant 0 : i32
    %cond3A_410 = arith.cmpi ne, %convert_element_type3A_408, %cond3A_409 : i32
    scf.if %cond3A_410 {
      "tpu.region"() ({
        %run_scoped3A = tpu.sem_alloc : memref<!tpu.dma_semaphore, #tpu.memory_space<semaphore_mem>>
        %dma_start3A = arith.constant 9992 : i32
        %dma_start3A_411 = arith.constant 0 : i32
        %dma_start3A_412 = tpu.memref_slice %arg6[%arg0, %dma_start3A, %dma_start3A_411] : memref<2x10000x128xf32, #tpu.memory_space<hbm>> -> memref<1x8x128xf32, #tpu.memory_space<hbm>>
        %dma_start3A_413 = tpu.memref_squeeze %dma_start3A_412 : memref<1x8x128xf32, #tpu.memory_space<hbm>> -> memref<8x128xf32, #tpu.memory_space<hbm>>
        %dma_start3A_414 = arith.constant 4992 : i32
        %dma_start3A_415 = arith.constant 0 : i32
        %dma_start3A_416 = tpu.memref_slice %arg15[%dma_start3A_414, %dma_start3A_415] : memref<5120x128xf32, #tpu.memory_space<vmem_shared>> -> memref<8x128xf32, #tpu.memory_space<vmem_shared>>
        tpu.enqueue_dma source(%dma_start3A_416 : memref<8x128xf32, #tpu.memory_space<vmem_shared>>) target(%dma_start3A_413 : memref<8x128xf32, #tpu.memory_space<hbm>>) target_semaphore(%run_scoped3A : memref<!tpu.dma_semaphore, #tpu.memory_space<semaphore_mem>>)
        %dma_wait3A = arith.constant 9992 : i32
        %dma_wait3A_417 = arith.constant 0 : i32
        %dma_wait3A_418 = tpu.memref_slice %arg6[%arg0, %dma_wait3A, %dma_wait3A_417] : memref<2x10000x128xf32, #tpu.memory_space<hbm>> -> memref<1x8x128xf32, #tpu.memory_space<hbm>>
        %dma_wait3A_419 = tpu.memref_squeeze %dma_wait3A_418 : memref<1x8x128xf32, #tpu.memory_space<hbm>> -> memref<8x128xf32, #tpu.memory_space<hbm>>
        %dma_wait3A_420 = arith.constant 4992 : i32
        %dma_wait3A_421 = arith.constant 0 : i32
        %dma_wait3A_422 = tpu.memref_slice %arg15[%dma_wait3A_420, %dma_wait3A_421] : memref<5120x128xf32, #tpu.memory_space<vmem_shared>> -> memref<8x128xf32, #tpu.memory_space<vmem_shared>>
        tpu.wait_dma2 semaphore(%run_scoped3A : memref<!tpu.dma_semaphore, #tpu.memory_space<semaphore_mem>>) src(%dma_wait3A_422 : memref<8x128xf32, #tpu.memory_space<vmem_shared>>) dst(%dma_wait3A_419 : memref<8x128xf32, #tpu.memory_space<hbm>>)
        tpu.yield
      }) : () -> ()
    } else {
    }
    return
  }
}

module attributes {stable_mosaic.version = 14 : i64} {
  func.func @_xw_body(%arg0: i32, %arg1: memref<8x4xf32, #tpu.memory_space<vmem>>, %arg2: memref<4x128x128xf32, #tpu.memory_space<vmem>>, %arg3: memref<2000x128xf32, #tpu.memory_space<vmem>>, %arg4: memref<8x2000x128xf32, #tpu.memory_space<vmem>>) attributes {dimension_semantics = [#tpu.dimension_semantics<arbitrary>], iteration_bounds = array<i64: 5>, scalar_prefetch = 0 : i64, scratch_operands = 0 : i64, tpu.core_type = #tpu.core_type<tc>, window_params = [{pipeline_mode = #tpu.pipeline_mode<synchronous>, transform_indices = @transform_0, window_bounds = array<i64: 8, 4>}, {pipeline_mode = #tpu.pipeline_mode<synchronous>, transform_indices = @transform_1, window_bounds = array<i64: 4, 128, 128>}, {transform_indices = @transform_2, window_bounds = array<i64: 2000, 128>}, {transform_indices = @transform_3, window_bounds = array<i64: 8, 2000, 128>}]} {
    %get3A = arith.constant 0 : index
    %get3A_0 = arith.constant 0 : index
    %get3A_1 = vector.load %arg3[%get3A, %get3A_0] : memref<2000x128xf32, #tpu.memory_space<vmem>>, vector<2000x128xf32>
    %get3A_2 = arith.constant 0 : index
    %get3A_3 = arith.constant 0 : index
    %get3A_4 = vector.load %arg1[%get3A_2, %get3A_3] : memref<8x4xf32, #tpu.memory_space<vmem>>, vector<1x1xf32>
    %get3A_5 = vector.extract %get3A_4[0, 0] : f32 from vector<1x1xf32>
    %get3A_6 = arith.constant 0 : index
    %get3A_7 = arith.constant 0 : index
    %get3A_8 = arith.constant 0 : index
    %get3A_9 = vector.load %arg2[%get3A_6, %get3A_7, %get3A_8] : memref<4x128x128xf32, #tpu.memory_space<vmem>>, vector<1x128x128xf32>
    %get3A_10 = vector.shape_cast %get3A_9 : vector<1x128x128xf32> to vector<128x128xf32>
    %mul3A = vector.broadcast %get3A_5 : f32 to vector<128x128xf32>
    %mul3A_11 = arith.mulf %mul3A, %get3A_10 : vector<128x128xf32>
    %get3A_12 = arith.constant 0 : index
    %get3A_13 = arith.constant 1 : index
    %get3A_14 = vector.load %arg1[%get3A_12, %get3A_13] : memref<8x4xf32, #tpu.memory_space<vmem>>, vector<1x1xf32>
    %get3A_15 = vector.extract %get3A_14[0, 0] : f32 from vector<1x1xf32>
    %get3A_16 = arith.constant 1 : index
    %get3A_17 = arith.constant 0 : index
    %get3A_18 = arith.constant 0 : index
    %get3A_19 = vector.load %arg2[%get3A_16, %get3A_17, %get3A_18] : memref<4x128x128xf32, #tpu.memory_space<vmem>>, vector<1x128x128xf32>
    %get3A_20 = vector.shape_cast %get3A_19 : vector<1x128x128xf32> to vector<128x128xf32>
    %mul3A_21 = vector.broadcast %get3A_15 : f32 to vector<128x128xf32>
    %mul3A_22 = arith.mulf %mul3A_21, %get3A_20 : vector<128x128xf32>
    %add3A = arith.addf %mul3A_11, %mul3A_22 : vector<128x128xf32>
    %get3A_23 = arith.constant 0 : index
    %get3A_24 = arith.constant 2 : index
    %get3A_25 = vector.load %arg1[%get3A_23, %get3A_24] : memref<8x4xf32, #tpu.memory_space<vmem>>, vector<1x1xf32>
    %get3A_26 = vector.extract %get3A_25[0, 0] : f32 from vector<1x1xf32>
    %get3A_27 = arith.constant 2 : index
    %get3A_28 = arith.constant 0 : index
    %get3A_29 = arith.constant 0 : index
    %get3A_30 = vector.load %arg2[%get3A_27, %get3A_28, %get3A_29] : memref<4x128x128xf32, #tpu.memory_space<vmem>>, vector<1x128x128xf32>
    %get3A_31 = vector.shape_cast %get3A_30 : vector<1x128x128xf32> to vector<128x128xf32>
    %mul3A_32 = vector.broadcast %get3A_26 : f32 to vector<128x128xf32>
    %mul3A_33 = arith.mulf %mul3A_32, %get3A_31 : vector<128x128xf32>
    %add3A_34 = arith.addf %add3A, %mul3A_33 : vector<128x128xf32>
    %get3A_35 = arith.constant 0 : index
    %get3A_36 = arith.constant 3 : index
    %get3A_37 = vector.load %arg1[%get3A_35, %get3A_36] : memref<8x4xf32, #tpu.memory_space<vmem>>, vector<1x1xf32>
    %get3A_38 = vector.extract %get3A_37[0, 0] : f32 from vector<1x1xf32>
    %get3A_39 = arith.constant 3 : index
    %get3A_40 = arith.constant 0 : index
    %get3A_41 = arith.constant 0 : index
    %get3A_42 = vector.load %arg2[%get3A_39, %get3A_40, %get3A_41] : memref<4x128x128xf32, #tpu.memory_space<vmem>>, vector<1x128x128xf32>
    %get3A_43 = vector.shape_cast %get3A_42 : vector<1x128x128xf32> to vector<128x128xf32>
    %mul3A_44 = vector.broadcast %get3A_38 : f32 to vector<128x128xf32>
    %mul3A_45 = arith.mulf %mul3A_44, %get3A_43 : vector<128x128xf32>
    %add3A_46 = arith.addf %add3A_34, %mul3A_45 : vector<128x128xf32>
    %dot_general3A = arith.constant dense<0.000000e+00> : vector<2000x128xf32>
    %dot_general3A_47 = tpu.matmul %get3A_1, %add3A_46, %dot_general3A {dimension_numbers = #tpu.dot_dimension_numbers<[1], [0], [0], [1], [0, 0, 1, 1], [], []>, transpose_lhs_hint = false} : vector<2000x128xf32>, vector<128x128xf32>, vector<2000x128xf32> -> vector<2000x128xf32>
    %swap3A = arith.constant 0 : index
    %swap3A_48 = arith.constant 0 : index
    %swap3A_49 = arith.constant 0 : index
    %swap3A_50 = vector.load %arg4[%swap3A, %swap3A_48, %swap3A_49] : memref<8x2000x128xf32, #tpu.memory_space<vmem>>, vector<1x2000x128xf32>
    %swap3A_51 = vector.shape_cast %swap3A_50 : vector<1x2000x128xf32> to vector<2000x128xf32>
    %swap3A_52 = vector.shape_cast %dot_general3A_47 : vector<2000x128xf32> to vector<1x2000x128xf32>
    tpu.vector_store %arg4[%swap3A, %swap3A_48, %swap3A_49], %swap3A_52 {strides = array<i32>} : memref<8x2000x128xf32, #tpu.memory_space<vmem>>, vector<1x2000x128xf32>,
    %get3A_53 = arith.constant 1 : index
    %get3A_54 = arith.constant 0 : index
    %get3A_55 = vector.load %arg1[%get3A_53, %get3A_54] : memref<8x4xf32, #tpu.memory_space<vmem>>, vector<1x1xf32>
    %get3A_56 = vector.extract %get3A_55[0, 0] : f32 from vector<1x1xf32>
    %get3A_57 = arith.constant 0 : index
    %get3A_58 = arith.constant 0 : index
    %get3A_59 = arith.constant 0 : index
    %get3A_60 = vector.load %arg2[%get3A_57, %get3A_58, %get3A_59] : memref<4x128x128xf32, #tpu.memory_space<vmem>>, vector<1x128x128xf32>
    %get3A_61 = vector.shape_cast %get3A_60 : vector<1x128x128xf32> to vector<128x128xf32>
    %mul3A_62 = vector.broadcast %get3A_56 : f32 to vector<128x128xf32>
    %mul3A_63 = arith.mulf %mul3A_62, %get3A_61 : vector<128x128xf32>
    %get3A_64 = arith.constant 1 : index
    %get3A_65 = arith.constant 1 : index
    %get3A_66 = vector.load %arg1[%get3A_64, %get3A_65] : memref<8x4xf32, #tpu.memory_space<vmem>>, vector<1x1xf32>
    %get3A_67 = vector.extract %get3A_66[0, 0] : f32 from vector<1x1xf32>
    %get3A_68 = arith.constant 1 : index
    %get3A_69 = arith.constant 0 : index
    %get3A_70 = arith.constant 0 : index
    %get3A_71 = vector.load %arg2[%get3A_68, %get3A_69, %get3A_70] : memref<4x128x128xf32, #tpu.memory_space<vmem>>, vector<1x128x128xf32>
    %get3A_72 = vector.shape_cast %get3A_71 : vector<1x128x128xf32> to vector<128x128xf32>
    %mul3A_73 = vector.broadcast %get3A_67 : f32 to vector<128x128xf32>
    %mul3A_74 = arith.mulf %mul3A_73, %get3A_72 : vector<128x128xf32>
    %add3A_75 = arith.addf %mul3A_63, %mul3A_74 : vector<128x128xf32>
    %get3A_76 = arith.constant 1 : index
    %get3A_77 = arith.constant 2 : index
    %get3A_78 = vector.load %arg1[%get3A_76, %get3A_77] : memref<8x4xf32, #tpu.memory_space<vmem>>, vector<1x1xf32>
    %get3A_79 = vector.extract %get3A_78[0, 0] : f32 from vector<1x1xf32>
    %get3A_80 = arith.constant 2 : index
    %get3A_81 = arith.constant 0 : index
    %get3A_82 = arith.constant 0 : index
    %get3A_83 = vector.load %arg2[%get3A_80, %get3A_81, %get3A_82] : memref<4x128x128xf32, #tpu.memory_space<vmem>>, vector<1x128x128xf32>
    %get3A_84 = vector.shape_cast %get3A_83 : vector<1x128x128xf32> to vector<128x128xf32>
    %mul3A_85 = vector.broadcast %get3A_79 : f32 to vector<128x128xf32>
    %mul3A_86 = arith.mulf %mul3A_85, %get3A_84 : vector<128x128xf32>
    %add3A_87 = arith.addf %add3A_75, %mul3A_86 : vector<128x128xf32>
    %get3A_88 = arith.constant 1 : index
    %get3A_89 = arith.constant 3 : index
    %get3A_90 = vector.load %arg1[%get3A_88, %get3A_89] : memref<8x4xf32, #tpu.memory_space<vmem>>, vector<1x1xf32>
    %get3A_91 = vector.extract %get3A_90[0, 0] : f32 from vector<1x1xf32>
    %get3A_92 = arith.constant 3 : index
    %get3A_93 = arith.constant 0 : index
    %get3A_94 = arith.constant 0 : index
    %get3A_95 = vector.load %arg2[%get3A_92, %get3A_93, %get3A_94] : memref<4x128x128xf32, #tpu.memory_space<vmem>>, vector<1x128x128xf32>
    %get3A_96 = vector.shape_cast %get3A_95 : vector<1x128x128xf32> to vector<128x128xf32>
    %mul3A_97 = vector.broadcast %get3A_91 : f32 to vector<128x128xf32>
    %mul3A_98 = arith.mulf %mul3A_97, %get3A_96 : vector<128x128xf32>
    %add3A_99 = arith.addf %add3A_87, %mul3A_98 : vector<128x128xf32>
    %dot_general3A_100 = arith.constant dense<0.000000e+00> : vector<2000x128xf32>
    %dot_general3A_101 = tpu.matmul %get3A_1, %add3A_99, %dot_general3A_100 {dimension_numbers = #tpu.dot_dimension_numbers<[1], [0], [0], [1], [0, 0, 1, 1], [], []>, transpose_lhs_hint = false} : vector<2000x128xf32>, vector<128x128xf32>, vector<2000x128xf32> -> vector<2000x128xf32>
    %swap3A_102 = arith.constant 1 : index
    %swap3A_103 = arith.constant 0 : index
    %swap3A_104 = arith.constant 0 : index
    %swap3A_105 = vector.load %arg4[%swap3A_102, %swap3A_103, %swap3A_104] : memref<8x2000x128xf32, #tpu.memory_space<vmem>>, vector<1x2000x128xf32>
    %swap3A_106 = vector.shape_cast %swap3A_105 : vector<1x2000x128xf32> to vector<2000x128xf32>
    %swap3A_107 = vector.shape_cast %dot_general3A_101 : vector<2000x128xf32> to vector<1x2000x128xf32>
    tpu.vector_store %arg4[%swap3A_102, %swap3A_103, %swap3A_104], %swap3A_107 {strides = array<i32>} : memref<8x2000x128xf32, #tpu.memory_space<vmem>>, vector<1x2000x128xf32>,
    %get3A_108 = arith.constant 2 : index
    %get3A_109 = arith.constant 0 : index
    %get3A_110 = vector.load %arg1[%get3A_108, %get3A_109] : memref<8x4xf32, #tpu.memory_space<vmem>>, vector<1x1xf32>
    %get3A_111 = vector.extract %get3A_110[0, 0] : f32 from vector<1x1xf32>
    %get3A_112 = arith.constant 0 : index
    %get3A_113 = arith.constant 0 : index
    %get3A_114 = arith.constant 0 : index
    %get3A_115 = vector.load %arg2[%get3A_112, %get3A_113, %get3A_114] : memref<4x128x128xf32, #tpu.memory_space<vmem>>, vector<1x128x128xf32>
    %get3A_116 = vector.shape_cast %get3A_115 : vector<1x128x128xf32> to vector<128x128xf32>
    %mul3A_117 = vector.broadcast %get3A_111 : f32 to vector<128x128xf32>
    %mul3A_118 = arith.mulf %mul3A_117, %get3A_116 : vector<128x128xf32>
    %get3A_119 = arith.constant 2 : index
    %get3A_120 = arith.constant 1 : index
    %get3A_121 = vector.load %arg1[%get3A_119, %get3A_120] : memref<8x4xf32, #tpu.memory_space<vmem>>, vector<1x1xf32>
    %get3A_122 = vector.extract %get3A_121[0, 0] : f32 from vector<1x1xf32>
    %get3A_123 = arith.constant 1 : index
    %get3A_124 = arith.constant 0 : index
    %get3A_125 = arith.constant 0 : index
    %get3A_126 = vector.load %arg2[%get3A_123, %get3A_124, %get3A_125] : memref<4x128x128xf32, #tpu.memory_space<vmem>>, vector<1x128x128xf32>
    %get3A_127 = vector.shape_cast %get3A_126 : vector<1x128x128xf32> to vector<128x128xf32>
    %mul3A_128 = vector.broadcast %get3A_122 : f32 to vector<128x128xf32>
    %mul3A_129 = arith.mulf %mul3A_128, %get3A_127 : vector<128x128xf32>
    %add3A_130 = arith.addf %mul3A_118, %mul3A_129 : vector<128x128xf32>
    %get3A_131 = arith.constant 2 : index
    %get3A_132 = arith.constant 2 : index
    %get3A_133 = vector.load %arg1[%get3A_131, %get3A_132] : memref<8x4xf32, #tpu.memory_space<vmem>>, vector<1x1xf32>
    %get3A_134 = vector.extract %get3A_133[0, 0] : f32 from vector<1x1xf32>
    %get3A_135 = arith.constant 2 : index
    %get3A_136 = arith.constant 0 : index
    %get3A_137 = arith.constant 0 : index
    %get3A_138 = vector.load %arg2[%get3A_135, %get3A_136, %get3A_137] : memref<4x128x128xf32, #tpu.memory_space<vmem>>, vector<1x128x128xf32>
    %get3A_139 = vector.shape_cast %get3A_138 : vector<1x128x128xf32> to vector<128x128xf32>
    %mul3A_140 = vector.broadcast %get3A_134 : f32 to vector<128x128xf32>
    %mul3A_141 = arith.mulf %mul3A_140, %get3A_139 : vector<128x128xf32>
    %add3A_142 = arith.addf %add3A_130, %mul3A_141 : vector<128x128xf32>
    %get3A_143 = arith.constant 2 : index
    %get3A_144 = arith.constant 3 : index
    %get3A_145 = vector.load %arg1[%get3A_143, %get3A_144] : memref<8x4xf32, #tpu.memory_space<vmem>>, vector<1x1xf32>
    %get3A_146 = vector.extract %get3A_145[0, 0] : f32 from vector<1x1xf32>
    %get3A_147 = arith.constant 3 : index
    %get3A_148 = arith.constant 0 : index
    %get3A_149 = arith.constant 0 : index
    %get3A_150 = vector.load %arg2[%get3A_147, %get3A_148, %get3A_149] : memref<4x128x128xf32, #tpu.memory_space<vmem>>, vector<1x128x128xf32>
    %get3A_151 = vector.shape_cast %get3A_150 : vector<1x128x128xf32> to vector<128x128xf32>
    %mul3A_152 = vector.broadcast %get3A_146 : f32 to vector<128x128xf32>
    %mul3A_153 = arith.mulf %mul3A_152, %get3A_151 : vector<128x128xf32>
    %add3A_154 = arith.addf %add3A_142, %mul3A_153 : vector<128x128xf32>
    %dot_general3A_155 = arith.constant dense<0.000000e+00> : vector<2000x128xf32>
    %dot_general3A_156 = tpu.matmul %get3A_1, %add3A_154, %dot_general3A_155 {dimension_numbers = #tpu.dot_dimension_numbers<[1], [0], [0], [1], [0, 0, 1, 1], [], []>, transpose_lhs_hint = false} : vector<2000x128xf32>, vector<128x128xf32>, vector<2000x128xf32> -> vector<2000x128xf32>
    %swap3A_157 = arith.constant 2 : index
    %swap3A_158 = arith.constant 0 : index
    %swap3A_159 = arith.constant 0 : index
    %swap3A_160 = vector.load %arg4[%swap3A_157, %swap3A_158, %swap3A_159] : memref<8x2000x128xf32, #tpu.memory_space<vmem>>, vector<1x2000x128xf32>
    %swap3A_161 = vector.shape_cast %swap3A_160 : vector<1x2000x128xf32> to vector<2000x128xf32>
    %swap3A_162 = vector.shape_cast %dot_general3A_156 : vector<2000x128xf32> to vector<1x2000x128xf32>
    tpu.vector_store %arg4[%swap3A_157, %swap3A_158, %swap3A_159], %swap3A_162 {strides = array<i32>} : memref<8x2000x128xf32, #tpu.memory_space<vmem>>, vector<1x2000x128xf32>,
    %get3A_163 = arith.constant 3 : index
    %get3A_164 = arith.constant 0 : index
    %get3A_165 = vector.load %arg1[%get3A_163, %get3A_164] : memref<8x4xf32, #tpu.memory_space<vmem>>, vector<1x1xf32>
    %get3A_166 = vector.extract %get3A_165[0, 0] : f32 from vector<1x1xf32>
    %get3A_167 = arith.constant 0 : index
    %get3A_168 = arith.constant 0 : index
    %get3A_169 = arith.constant 0 : index
    %get3A_170 = vector.load %arg2[%get3A_167, %get3A_168, %get3A_169] : memref<4x128x128xf32, #tpu.memory_space<vmem>>, vector<1x128x128xf32>
    %get3A_171 = vector.shape_cast %get3A_170 : vector<1x128x128xf32> to vector<128x128xf32>
    %mul3A_172 = vector.broadcast %get3A_166 : f32 to vector<128x128xf32>
    %mul3A_173 = arith.mulf %mul3A_172, %get3A_171 : vector<128x128xf32>
    %get3A_174 = arith.constant 3 : index
    %get3A_175 = arith.constant 1 : index
    %get3A_176 = vector.load %arg1[%get3A_174, %get3A_175] : memref<8x4xf32, #tpu.memory_space<vmem>>, vector<1x1xf32>
    %get3A_177 = vector.extract %get3A_176[0, 0] : f32 from vector<1x1xf32>
    %get3A_178 = arith.constant 1 : index
    %get3A_179 = arith.constant 0 : index
    %get3A_180 = arith.constant 0 : index
    %get3A_181 = vector.load %arg2[%get3A_178, %get3A_179, %get3A_180] : memref<4x128x128xf32, #tpu.memory_space<vmem>>, vector<1x128x128xf32>
    %get3A_182 = vector.shape_cast %get3A_181 : vector<1x128x128xf32> to vector<128x128xf32>
    %mul3A_183 = vector.broadcast %get3A_177 : f32 to vector<128x128xf32>
    %mul3A_184 = arith.mulf %mul3A_183, %get3A_182 : vector<128x128xf32>
    %add3A_185 = arith.addf %mul3A_173, %mul3A_184 : vector<128x128xf32>
    %get3A_186 = arith.constant 3 : index
    %get3A_187 = arith.constant 2 : index
    %get3A_188 = vector.load %arg1[%get3A_186, %get3A_187] : memref<8x4xf32, #tpu.memory_space<vmem>>, vector<1x1xf32>
    %get3A_189 = vector.extract %get3A_188[0, 0] : f32 from vector<1x1xf32>
    %get3A_190 = arith.constant 2 : index
    %get3A_191 = arith.constant 0 : index
    %get3A_192 = arith.constant 0 : index
    %get3A_193 = vector.load %arg2[%get3A_190, %get3A_191, %get3A_192] : memref<4x128x128xf32, #tpu.memory_space<vmem>>, vector<1x128x128xf32>
    %get3A_194 = vector.shape_cast %get3A_193 : vector<1x128x128xf32> to vector<128x128xf32>
    %mul3A_195 = vector.broadcast %get3A_189 : f32 to vector<128x128xf32>
    %mul3A_196 = arith.mulf %mul3A_195, %get3A_194 : vector<128x128xf32>
    %add3A_197 = arith.addf %add3A_185, %mul3A_196 : vector<128x128xf32>
    %get3A_198 = arith.constant 3 : index
    %get3A_199 = arith.constant 3 : index
    %get3A_200 = vector.load %arg1[%get3A_198, %get3A_199] : memref<8x4xf32, #tpu.memory_space<vmem>>, vector<1x1xf32>
    %get3A_201 = vector.extract %get3A_200[0, 0] : f32 from vector<1x1xf32>
    %get3A_202 = arith.constant 3 : index
    %get3A_203 = arith.constant 0 : index
    %get3A_204 = arith.constant 0 : index
    %get3A_205 = vector.load %arg2[%get3A_202, %get3A_203, %get3A_204] : memref<4x128x128xf32, #tpu.memory_space<vmem>>, vector<1x128x128xf32>
    %get3A_206 = vector.shape_cast %get3A_205 : vector<1x128x128xf32> to vector<128x128xf32>
    %mul3A_207 = vector.broadcast %get3A_201 : f32 to vector<128x128xf32>
    %mul3A_208 = arith.mulf %mul3A_207, %get3A_206 : vector<128x128xf32>
    %add3A_209 = arith.addf %add3A_197, %mul3A_208 : vector<128x128xf32>
    %dot_general3A_210 = arith.constant dense<0.000000e+00> : vector<2000x128xf32>
    %dot_general3A_211 = tpu.matmul %get3A_1, %add3A_209, %dot_general3A_210 {dimension_numbers = #tpu.dot_dimension_numbers<[1], [0], [0], [1], [0, 0, 1, 1], [], []>, transpose_lhs_hint = false} : vector<2000x128xf32>, vector<128x128xf32>, vector<2000x128xf32> -> vector<2000x128xf32>
    %swap3A_212 = arith.constant 3 : index
    %swap3A_213 = arith.constant 0 : index
    %swap3A_214 = arith.constant 0 : index
    %swap3A_215 = vector.load %arg4[%swap3A_212, %swap3A_213, %swap3A_214] : memref<8x2000x128xf32, #tpu.memory_space<vmem>>, vector<1x2000x128xf32>
    %swap3A_216 = vector.shape_cast %swap3A_215 : vector<1x2000x128xf32> to vector<2000x128xf32>
    %swap3A_217 = vector.shape_cast %dot_general3A_211 : vector<2000x128xf32> to vector<1x2000x128xf32>
    tpu.vector_store %arg4[%swap3A_212, %swap3A_213, %swap3A_214], %swap3A_217 {strides = array<i32>} : memref<8x2000x128xf32, #tpu.memory_space<vmem>>, vector<1x2000x128xf32>,
    %get3A_218 = arith.constant 4 : index
    %get3A_219 = arith.constant 0 : index
    %get3A_220 = vector.load %arg1[%get3A_218, %get3A_219] : memref<8x4xf32, #tpu.memory_space<vmem>>, vector<1x1xf32>
    %get3A_221 = vector.extract %get3A_220[0, 0] : f32 from vector<1x1xf32>
    %get3A_222 = arith.constant 0 : index
    %get3A_223 = arith.constant 0 : index
    %get3A_224 = arith.constant 0 : index
    %get3A_225 = vector.load %arg2[%get3A_222, %get3A_223, %get3A_224] : memref<4x128x128xf32, #tpu.memory_space<vmem>>, vector<1x128x128xf32>
    %get3A_226 = vector.shape_cast %get3A_225 : vector<1x128x128xf32> to vector<128x128xf32>
    %mul3A_227 = vector.broadcast %get3A_221 : f32 to vector<128x128xf32>
    %mul3A_228 = arith.mulf %mul3A_227, %get3A_226 : vector<128x128xf32>
    %get3A_229 = arith.constant 4 : index
    %get3A_230 = arith.constant 1 : index
    %get3A_231 = vector.load %arg1[%get3A_229, %get3A_230] : memref<8x4xf32, #tpu.memory_space<vmem>>, vector<1x1xf32>
    %get3A_232 = vector.extract %get3A_231[0, 0] : f32 from vector<1x1xf32>
    %get3A_233 = arith.constant 1 : index
    %get3A_234 = arith.constant 0 : index
    %get3A_235 = arith.constant 0 : index
    %get3A_236 = vector.load %arg2[%get3A_233, %get3A_234, %get3A_235] : memref<4x128x128xf32, #tpu.memory_space<vmem>>, vector<1x128x128xf32>
    %get3A_237 = vector.shape_cast %get3A_236 : vector<1x128x128xf32> to vector<128x128xf32>
    %mul3A_238 = vector.broadcast %get3A_232 : f32 to vector<128x128xf32>
    %mul3A_239 = arith.mulf %mul3A_238, %get3A_237 : vector<128x128xf32>
    %add3A_240 = arith.addf %mul3A_228, %mul3A_239 : vector<128x128xf32>
    %get3A_241 = arith.constant 4 : index
    %get3A_242 = arith.constant 2 : index
    %get3A_243 = vector.load %arg1[%get3A_241, %get3A_242] : memref<8x4xf32, #tpu.memory_space<vmem>>, vector<1x1xf32>
    %get3A_244 = vector.extract %get3A_243[0, 0] : f32 from vector<1x1xf32>
    %get3A_245 = arith.constant 2 : index
    %get3A_246 = arith.constant 0 : index
    %get3A_247 = arith.constant 0 : index
    %get3A_248 = vector.load %arg2[%get3A_245, %get3A_246, %get3A_247] : memref<4x128x128xf32, #tpu.memory_space<vmem>>, vector<1x128x128xf32>
    %get3A_249 = vector.shape_cast %get3A_248 : vector<1x128x128xf32> to vector<128x128xf32>
    %mul3A_250 = vector.broadcast %get3A_244 : f32 to vector<128x128xf32>
    %mul3A_251 = arith.mulf %mul3A_250, %get3A_249 : vector<128x128xf32>
    %add3A_252 = arith.addf %add3A_240, %mul3A_251 : vector<128x128xf32>
    %get3A_253 = arith.constant 4 : index
    %get3A_254 = arith.constant 3 : index
    %get3A_255 = vector.load %arg1[%get3A_253, %get3A_254] : memref<8x4xf32, #tpu.memory_space<vmem>>, vector<1x1xf32>
    %get3A_256 = vector.extract %get3A_255[0, 0] : f32 from vector<1x1xf32>
    %get3A_257 = arith.constant 3 : index
    %get3A_258 = arith.constant 0 : index
    %get3A_259 = arith.constant 0 : index
    %get3A_260 = vector.load %arg2[%get3A_257, %get3A_258, %get3A_259] : memref<4x128x128xf32, #tpu.memory_space<vmem>>, vector<1x128x128xf32>
    %get3A_261 = vector.shape_cast %get3A_260 : vector<1x128x128xf32> to vector<128x128xf32>
    %mul3A_262 = vector.broadcast %get3A_256 : f32 to vector<128x128xf32>
    %mul3A_263 = arith.mulf %mul3A_262, %get3A_261 : vector<128x128xf32>
    %add3A_264 = arith.addf %add3A_252, %mul3A_263 : vector<128x128xf32>
    %dot_general3A_265 = arith.constant dense<0.000000e+00> : vector<2000x128xf32>
    %dot_general3A_266 = tpu.matmul %get3A_1, %add3A_264, %dot_general3A_265 {dimension_numbers = #tpu.dot_dimension_numbers<[1], [0], [0], [1], [0, 0, 1, 1], [], []>, transpose_lhs_hint = false} : vector<2000x128xf32>, vector<128x128xf32>, vector<2000x128xf32> -> vector<2000x128xf32>
    %swap3A_267 = arith.constant 4 : index
    %swap3A_268 = arith.constant 0 : index
    %swap3A_269 = arith.constant 0 : index
    %swap3A_270 = vector.load %arg4[%swap3A_267, %swap3A_268, %swap3A_269] : memref<8x2000x128xf32, #tpu.memory_space<vmem>>, vector<1x2000x128xf32>
    %swap3A_271 = vector.shape_cast %swap3A_270 : vector<1x2000x128xf32> to vector<2000x128xf32>
    %swap3A_272 = vector.shape_cast %dot_general3A_266 : vector<2000x128xf32> to vector<1x2000x128xf32>
    tpu.vector_store %arg4[%swap3A_267, %swap3A_268, %swap3A_269], %swap3A_272 {strides = array<i32>} : memref<8x2000x128xf32, #tpu.memory_space<vmem>>, vector<1x2000x128xf32>,
    %get3A_273 = arith.constant 5 : index
    %get3A_274 = arith.constant 0 : index
    %get3A_275 = vector.load %arg1[%get3A_273, %get3A_274] : memref<8x4xf32, #tpu.memory_space<vmem>>, vector<1x1xf32>
    %get3A_276 = vector.extract %get3A_275[0, 0] : f32 from vector<1x1xf32>
    %get3A_277 = arith.constant 0 : index
    %get3A_278 = arith.constant 0 : index
    %get3A_279 = arith.constant 0 : index
    %get3A_280 = vector.load %arg2[%get3A_277, %get3A_278, %get3A_279] : memref<4x128x128xf32, #tpu.memory_space<vmem>>, vector<1x128x128xf32>
    %get3A_281 = vector.shape_cast %get3A_280 : vector<1x128x128xf32> to vector<128x128xf32>
    %mul3A_282 = vector.broadcast %get3A_276 : f32 to vector<128x128xf32>
    %mul3A_283 = arith.mulf %mul3A_282, %get3A_281 : vector<128x128xf32>
    %get3A_284 = arith.constant 5 : index
    %get3A_285 = arith.constant 1 : index
    %get3A_286 = vector.load %arg1[%get3A_284, %get3A_285] : memref<8x4xf32, #tpu.memory_space<vmem>>, vector<1x1xf32>
    %get3A_287 = vector.extract %get3A_286[0, 0] : f32 from vector<1x1xf32>
    %get3A_288 = arith.constant 1 : index
    %get3A_289 = arith.constant 0 : index
    %get3A_290 = arith.constant 0 : index
    %get3A_291 = vector.load %arg2[%get3A_288, %get3A_289, %get3A_290] : memref<4x128x128xf32, #tpu.memory_space<vmem>>, vector<1x128x128xf32>
    %get3A_292 = vector.shape_cast %get3A_291 : vector<1x128x128xf32> to vector<128x128xf32>
    %mul3A_293 = vector.broadcast %get3A_287 : f32 to vector<128x128xf32>
    %mul3A_294 = arith.mulf %mul3A_293, %get3A_292 : vector<128x128xf32>
    %add3A_295 = arith.addf %mul3A_283, %mul3A_294 : vector<128x128xf32>
    %get3A_296 = arith.constant 5 : index
    %get3A_297 = arith.constant 2 : index
    %get3A_298 = vector.load %arg1[%get3A_296, %get3A_297] : memref<8x4xf32, #tpu.memory_space<vmem>>, vector<1x1xf32>
    %get3A_299 = vector.extract %get3A_298[0, 0] : f32 from vector<1x1xf32>
    %get3A_300 = arith.constant 2 : index
    %get3A_301 = arith.constant 0 : index
    %get3A_302 = arith.constant 0 : index
    %get3A_303 = vector.load %arg2[%get3A_300, %get3A_301, %get3A_302] : memref<4x128x128xf32, #tpu.memory_space<vmem>>, vector<1x128x128xf32>
    %get3A_304 = vector.shape_cast %get3A_303 : vector<1x128x128xf32> to vector<128x128xf32>
    %mul3A_305 = vector.broadcast %get3A_299 : f32 to vector<128x128xf32>
    %mul3A_306 = arith.mulf %mul3A_305, %get3A_304 : vector<128x128xf32>
    %add3A_307 = arith.addf %add3A_295, %mul3A_306 : vector<128x128xf32>
    %get3A_308 = arith.constant 5 : index
    %get3A_309 = arith.constant 3 : index
    %get3A_310 = vector.load %arg1[%get3A_308, %get3A_309] : memref<8x4xf32, #tpu.memory_space<vmem>>, vector<1x1xf32>
    %get3A_311 = vector.extract %get3A_310[0, 0] : f32 from vector<1x1xf32>
    %get3A_312 = arith.constant 3 : index
    %get3A_313 = arith.constant 0 : index
    %get3A_314 = arith.constant 0 : index
    %get3A_315 = vector.load %arg2[%get3A_312, %get3A_313, %get3A_314] : memref<4x128x128xf32, #tpu.memory_space<vmem>>, vector<1x128x128xf32>
    %get3A_316 = vector.shape_cast %get3A_315 : vector<1x128x128xf32> to vector<128x128xf32>
    %mul3A_317 = vector.broadcast %get3A_311 : f32 to vector<128x128xf32>
    %mul3A_318 = arith.mulf %mul3A_317, %get3A_316 : vector<128x128xf32>
    %add3A_319 = arith.addf %add3A_307, %mul3A_318 : vector<128x128xf32>
    %dot_general3A_320 = arith.constant dense<0.000000e+00> : vector<2000x128xf32>
    %dot_general3A_321 = tpu.matmul %get3A_1, %add3A_319, %dot_general3A_320 {dimension_numbers = #tpu.dot_dimension_numbers<[1], [0], [0], [1], [0, 0, 1, 1], [], []>, transpose_lhs_hint = false} : vector<2000x128xf32>, vector<128x128xf32>, vector<2000x128xf32> -> vector<2000x128xf32>
    %swap3A_322 = arith.constant 5 : index
    %swap3A_323 = arith.constant 0 : index
    %swap3A_324 = arith.constant 0 : index
    %swap3A_325 = vector.load %arg4[%swap3A_322, %swap3A_323, %swap3A_324] : memref<8x2000x128xf32, #tpu.memory_space<vmem>>, vector<1x2000x128xf32>
    %swap3A_326 = vector.shape_cast %swap3A_325 : vector<1x2000x128xf32> to vector<2000x128xf32>
    %swap3A_327 = vector.shape_cast %dot_general3A_321 : vector<2000x128xf32> to vector<1x2000x128xf32>
    tpu.vector_store %arg4[%swap3A_322, %swap3A_323, %swap3A_324], %swap3A_327 {strides = array<i32>} : memref<8x2000x128xf32, #tpu.memory_space<vmem>>, vector<1x2000x128xf32>,
    %get3A_328 = arith.constant 6 : index
    %get3A_329 = arith.constant 0 : index
    %get3A_330 = vector.load %arg1[%get3A_328, %get3A_329] : memref<8x4xf32, #tpu.memory_space<vmem>>, vector<1x1xf32>
    %get3A_331 = vector.extract %get3A_330[0, 0] : f32 from vector<1x1xf32>
    %get3A_332 = arith.constant 0 : index
    %get3A_333 = arith.constant 0 : index
    %get3A_334 = arith.constant 0 : index
    %get3A_335 = vector.load %arg2[%get3A_332, %get3A_333, %get3A_334] : memref<4x128x128xf32, #tpu.memory_space<vmem>>, vector<1x128x128xf32>
    %get3A_336 = vector.shape_cast %get3A_335 : vector<1x128x128xf32> to vector<128x128xf32>
    %mul3A_337 = vector.broadcast %get3A_331 : f32 to vector<128x128xf32>
    %mul3A_338 = arith.mulf %mul3A_337, %get3A_336 : vector<128x128xf32>
    %get3A_339 = arith.constant 6 : index
    %get3A_340 = arith.constant 1 : index
    %get3A_341 = vector.load %arg1[%get3A_339, %get3A_340] : memref<8x4xf32, #tpu.memory_space<vmem>>, vector<1x1xf32>
    %get3A_342 = vector.extract %get3A_341[0, 0] : f32 from vector<1x1xf32>
    %get3A_343 = arith.constant 1 : index
    %get3A_344 = arith.constant 0 : index
    %get3A_345 = arith.constant 0 : index
    %get3A_346 = vector.load %arg2[%get3A_343, %get3A_344, %get3A_345] : memref<4x128x128xf32, #tpu.memory_space<vmem>>, vector<1x128x128xf32>
    %get3A_347 = vector.shape_cast %get3A_346 : vector<1x128x128xf32> to vector<128x128xf32>
    %mul3A_348 = vector.broadcast %get3A_342 : f32 to vector<128x128xf32>
    %mul3A_349 = arith.mulf %mul3A_348, %get3A_347 : vector<128x128xf32>
    %add3A_350 = arith.addf %mul3A_338, %mul3A_349 : vector<128x128xf32>
    %get3A_351 = arith.constant 6 : index
    %get3A_352 = arith.constant 2 : index
    %get3A_353 = vector.load %arg1[%get3A_351, %get3A_352] : memref<8x4xf32, #tpu.memory_space<vmem>>, vector<1x1xf32>
    %get3A_354 = vector.extract %get3A_353[0, 0] : f32 from vector<1x1xf32>
    %get3A_355 = arith.constant 2 : index
    %get3A_356 = arith.constant 0 : index
    %get3A_357 = arith.constant 0 : index
    %get3A_358 = vector.load %arg2[%get3A_355, %get3A_356, %get3A_357] : memref<4x128x128xf32, #tpu.memory_space<vmem>>, vector<1x128x128xf32>
    %get3A_359 = vector.shape_cast %get3A_358 : vector<1x128x128xf32> to vector<128x128xf32>
    %mul3A_360 = vector.broadcast %get3A_354 : f32 to vector<128x128xf32>
    %mul3A_361 = arith.mulf %mul3A_360, %get3A_359 : vector<128x128xf32>
    %add3A_362 = arith.addf %add3A_350, %mul3A_361 : vector<128x128xf32>
    %get3A_363 = arith.constant 6 : index
    %get3A_364 = arith.constant 3 : index
    %get3A_365 = vector.load %arg1[%get3A_363, %get3A_364] : memref<8x4xf32, #tpu.memory_space<vmem>>, vector<1x1xf32>
    %get3A_366 = vector.extract %get3A_365[0, 0] : f32 from vector<1x1xf32>
    %get3A_367 = arith.constant 3 : index
    %get3A_368 = arith.constant 0 : index
    %get3A_369 = arith.constant 0 : index
    %get3A_370 = vector.load %arg2[%get3A_367, %get3A_368, %get3A_369] : memref<4x128x128xf32, #tpu.memory_space<vmem>>, vector<1x128x128xf32>
    %get3A_371 = vector.shape_cast %get3A_370 : vector<1x128x128xf32> to vector<128x128xf32>
    %mul3A_372 = vector.broadcast %get3A_366 : f32 to vector<128x128xf32>
    %mul3A_373 = arith.mulf %mul3A_372, %get3A_371 : vector<128x128xf32>
    %add3A_374 = arith.addf %add3A_362, %mul3A_373 : vector<128x128xf32>
    %dot_general3A_375 = arith.constant dense<0.000000e+00> : vector<2000x128xf32>
    %dot_general3A_376 = tpu.matmul %get3A_1, %add3A_374, %dot_general3A_375 {dimension_numbers = #tpu.dot_dimension_numbers<[1], [0], [0], [1], [0, 0, 1, 1], [], []>, transpose_lhs_hint = false} : vector<2000x128xf32>, vector<128x128xf32>, vector<2000x128xf32> -> vector<2000x128xf32>
    %swap3A_377 = arith.constant 6 : index
    %swap3A_378 = arith.constant 0 : index
    %swap3A_379 = arith.constant 0 : index
    %swap3A_380 = vector.load %arg4[%swap3A_377, %swap3A_378, %swap3A_379] : memref<8x2000x128xf32, #tpu.memory_space<vmem>>, vector<1x2000x128xf32>
    %swap3A_381 = vector.shape_cast %swap3A_380 : vector<1x2000x128xf32> to vector<2000x128xf32>
    %swap3A_382 = vector.shape_cast %dot_general3A_376 : vector<2000x128xf32> to vector<1x2000x128xf32>
    tpu.vector_store %arg4[%swap3A_377, %swap3A_378, %swap3A_379], %swap3A_382 {strides = array<i32>} : memref<8x2000x128xf32, #tpu.memory_space<vmem>>, vector<1x2000x128xf32>,
    %get3A_383 = arith.constant 7 : index
    %get3A_384 = arith.constant 0 : index
    %get3A_385 = vector.load %arg1[%get3A_383, %get3A_384] : memref<8x4xf32, #tpu.memory_space<vmem>>, vector<1x1xf32>
    %get3A_386 = vector.extract %get3A_385[0, 0] : f32 from vector<1x1xf32>
    %get3A_387 = arith.constant 0 : index
    %get3A_388 = arith.constant 0 : index
    %get3A_389 = arith.constant 0 : index
    %get3A_390 = vector.load %arg2[%get3A_387, %get3A_388, %get3A_389] : memref<4x128x128xf32, #tpu.memory_space<vmem>>, vector<1x128x128xf32>
    %get3A_391 = vector.shape_cast %get3A_390 : vector<1x128x128xf32> to vector<128x128xf32>
    %mul3A_392 = vector.broadcast %get3A_386 : f32 to vector<128x128xf32>
    %mul3A_393 = arith.mulf %mul3A_392, %get3A_391 : vector<128x128xf32>
    %get3A_394 = arith.constant 7 : index
    %get3A_395 = arith.constant 1 : index
    %get3A_396 = vector.load %arg1[%get3A_394, %get3A_395] : memref<8x4xf32, #tpu.memory_space<vmem>>, vector<1x1xf32>
    %get3A_397 = vector.extract %get3A_396[0, 0] : f32 from vector<1x1xf32>
    %get3A_398 = arith.constant 1 : index
    %get3A_399 = arith.constant 0 : index
    %get3A_400 = arith.constant 0 : index
    %get3A_401 = vector.load %arg2[%get3A_398, %get3A_399, %get3A_400] : memref<4x128x128xf32, #tpu.memory_space<vmem>>, vector<1x128x128xf32>
    %get3A_402 = vector.shape_cast %get3A_401 : vector<1x128x128xf32> to vector<128x128xf32>
    %mul3A_403 = vector.broadcast %get3A_397 : f32 to vector<128x128xf32>
    %mul3A_404 = arith.mulf %mul3A_403, %get3A_402 : vector<128x128xf32>
    %add3A_405 = arith.addf %mul3A_393, %mul3A_404 : vector<128x128xf32>
    %get3A_406 = arith.constant 7 : index
    %get3A_407 = arith.constant 2 : index
    %get3A_408 = vector.load %arg1[%get3A_406, %get3A_407] : memref<8x4xf32, #tpu.memory_space<vmem>>, vector<1x1xf32>
    %get3A_409 = vector.extract %get3A_408[0, 0] : f32 from vector<1x1xf32>
    %get3A_410 = arith.constant 2 : index
    %get3A_411 = arith.constant 0 : index
    %get3A_412 = arith.constant 0 : index
    %get3A_413 = vector.load %arg2[%get3A_410, %get3A_411, %get3A_412] : memref<4x128x128xf32, #tpu.memory_space<vmem>>, vector<1x128x128xf32>
    %get3A_414 = vector.shape_cast %get3A_413 : vector<1x128x128xf32> to vector<128x128xf32>
    %mul3A_415 = vector.broadcast %get3A_409 : f32 to vector<128x128xf32>
    %mul3A_416 = arith.mulf %mul3A_415, %get3A_414 : vector<128x128xf32>
    %add3A_417 = arith.addf %add3A_405, %mul3A_416 : vector<128x128xf32>
    %get3A_418 = arith.constant 7 : index
    %get3A_419 = arith.constant 3 : index
    %get3A_420 = vector.load %arg1[%get3A_418, %get3A_419] : memref<8x4xf32, #tpu.memory_space<vmem>>, vector<1x1xf32>
    %get3A_421 = vector.extract %get3A_420[0, 0] : f32 from vector<1x1xf32>
    %get3A_422 = arith.constant 3 : index
    %get3A_423 = arith.constant 0 : index
    %get3A_424 = arith.constant 0 : index
    %get3A_425 = vector.load %arg2[%get3A_422, %get3A_423, %get3A_424] : memref<4x128x128xf32, #tpu.memory_space<vmem>>, vector<1x128x128xf32>
    %get3A_426 = vector.shape_cast %get3A_425 : vector<1x128x128xf32> to vector<128x128xf32>
    %mul3A_427 = vector.broadcast %get3A_421 : f32 to vector<128x128xf32>
    %mul3A_428 = arith.mulf %mul3A_427, %get3A_426 : vector<128x128xf32>
    %add3A_429 = arith.addf %add3A_417, %mul3A_428 : vector<128x128xf32>
    %dot_general3A_430 = arith.constant dense<0.000000e+00> : vector<2000x128xf32>
    %dot_general3A_431 = tpu.matmul %get3A_1, %add3A_429, %dot_general3A_430 {dimension_numbers = #tpu.dot_dimension_numbers<[1], [0], [0], [1], [0, 0, 1, 1], [], []>, transpose_lhs_hint = false} : vector<2000x128xf32>, vector<128x128xf32>, vector<2000x128xf32> -> vector<2000x128xf32>
    %swap3A_432 = arith.constant 7 : index
    %swap3A_433 = arith.constant 0 : index
    %swap3A_434 = arith.constant 0 : index
    %swap3A_435 = vector.load %arg4[%swap3A_432, %swap3A_433, %swap3A_434] : memref<8x2000x128xf32, #tpu.memory_space<vmem>>, vector<1x2000x128xf32>
    %swap3A_436 = vector.shape_cast %swap3A_435 : vector<1x2000x128xf32> to vector<2000x128xf32>
    %swap3A_437 = vector.shape_cast %dot_general3A_431 : vector<2000x128xf32> to vector<1x2000x128xf32>
    tpu.vector_store %arg4[%swap3A_432, %swap3A_433, %swap3A_434], %swap3A_437 {strides = array<i32>} : memref<8x2000x128xf32, #tpu.memory_space<vmem>>, vector<1x2000x128xf32>,
    return
  }
  func.func @transform_0(%arg0: i32) -> (i32, i32) {
    %c0_i32 = arith.constant 0 : i32
    %c0_i32_0 = arith.constant 0 : i32
    %c0_i32_1 = arith.constant 0 : i32
    return %c0_i32, %c0_i32_0 : i32, i32
  }
  func.func @transform_1(%arg0: i32) -> (i32, i32, i32) {
    %c0_i32 = arith.constant 0 : i32
    %c0_i32_0 = arith.constant 0 : i32
    %c0_i32_1 = arith.constant 0 : i32
    %c0_i32_2 = arith.constant 0 : i32
    return %c0_i32, %c0_i32_0, %c0_i32_1 : i32, i32, i32
  }
  func.func @transform_2(%arg0: i32) -> (i32, i32) {
    %c0_i32 = arith.constant 0 : i32
    %c0_i32_0 = arith.constant 0 : i32
    return %arg0, %c0_i32 : i32, i32
  }
  func.func @transform_3(%arg0: i32) -> (i32, i32, i32) {
    %c0_i32 = arith.constant 0 : i32
    %c0_i32_0 = arith.constant 0 : i32
    %c0_i32_1 = arith.constant 0 : i32
    return %c0_i32, %arg0, %c0_i32_0 : i32, i32, i32
  }
}

module attributes {stable_mosaic.version = 14 : i64} {
  func.func @_final_body(%arg0: i32, %arg1: memref<2x2000x128xf32, #tpu.memory_space<vmem>>, %arg2: memref<2000x128xf32, #tpu.memory_space<vmem>>, %arg3: memref<128x128xf32, #tpu.memory_space<vmem>>, %arg4: memref<1x128xf32, #tpu.memory_space<vmem>>, %arg5: memref<2000x128xf32, #tpu.memory_space<vmem>>) attributes {dimension_semantics = [#tpu.dimension_semantics<arbitrary>], iteration_bounds = array<i64: 5>, scalar_prefetch = 0 : i64, scratch_operands = 0 : i64, tpu.core_type = #tpu.core_type<tc>, window_params = [{transform_indices = @transform_0, window_bounds = array<i64: 2, 2000, 128>}, {transform_indices = @transform_1, window_bounds = array<i64: 2000, 128>}, {pipeline_mode = #tpu.pipeline_mode<synchronous>, transform_indices = @transform_2, window_bounds = array<i64: 128, 128>}, {pipeline_mode = #tpu.pipeline_mode<synchronous>, transform_indices = @transform_3, window_bounds = array<i64: 1, 128>}, {transform_indices = @transform_4, window_bounds = array<i64: 2000, 128>}]} {
    %get3A = arith.constant 0 : index
    %get3A_0 = arith.constant 0 : index
    %get3A_1 = arith.constant 0 : index
    %get3A_2 = vector.load %arg1[%get3A, %get3A_0, %get3A_1] : memref<2x2000x128xf32, #tpu.memory_space<vmem>>, vector<1x2000x128xf32>
    %get3A_3 = vector.shape_cast %get3A_2 : vector<1x2000x128xf32> to vector<2000x128xf32>
    %get3A_4 = arith.constant 1 : index
    %get3A_5 = arith.constant 0 : index
    %get3A_6 = arith.constant 0 : index
    %get3A_7 = vector.load %arg1[%get3A_4, %get3A_5, %get3A_6] : memref<2x2000x128xf32, #tpu.memory_space<vmem>>, vector<1x2000x128xf32>
    %get3A_8 = vector.shape_cast %get3A_7 : vector<1x2000x128xf32> to vector<2000x128xf32>
    %add3A = arith.addf %get3A_3, %get3A_8 : vector<2000x128xf32>
    %get3A_9 = arith.constant 0 : index
    %get3A_10 = arith.constant 0 : index
    %get3A_11 = vector.load %arg2[%get3A_9, %get3A_10] : memref<2000x128xf32, #tpu.memory_space<vmem>>, vector<2000x128xf32>
    %get3A_12 = arith.constant 0 : index
    %get3A_13 = arith.constant 0 : index
    %get3A_14 = vector.load %arg3[%get3A_12, %get3A_13] : memref<128x128xf32, #tpu.memory_space<vmem>>, vector<128x128xf32>
    %dot_general3A = arith.constant dense<0.000000e+00> : vector<2000x128xf32>
    %dot_general3A_15 = tpu.matmul %get3A_11, %get3A_14, %dot_general3A {dimension_numbers = #tpu.dot_dimension_numbers<[1], [0], [0], [1], [0, 0, 1, 1], [], []>, transpose_lhs_hint = false} : vector<2000x128xf32>, vector<128x128xf32>, vector<2000x128xf32> -> vector<2000x128xf32>
    %add3A_16 = arith.addf %add3A, %dot_general3A_15 : vector<2000x128xf32>
    %get3A_17 = arith.constant 0 : index
    %get3A_18 = arith.constant 0 : index
    %get3A_19 = vector.load %arg4[%get3A_17, %get3A_18] : memref<1x128xf32, #tpu.memory_space<vmem>>, vector<1x128xf32>
    %add3A_20 = vector.broadcast %get3A_19 : vector<1x128xf32> to vector<2000x128xf32>
    %add3A_21 = arith.addf %add3A_16, %add3A_20 : vector<2000x128xf32>
    %swap3A = arith.constant 0 : index
    %swap3A_22 = arith.constant 0 : index
    %swap3A_23 = vector.load %arg5[%swap3A, %swap3A_22] : memref<2000x128xf32, #tpu.memory_space<vmem>>, vector<2000x128xf32>
    tpu.vector_store %arg5[%swap3A, %swap3A_22], %add3A_21 {strides = array<i32>} : memref<2000x128xf32, #tpu.memory_space<vmem>>, vector<2000x128xf32>,
    return
  }
  func.func @transform_0(%arg0: i32) -> (i32, i32, i32) {
    %c0_i32 = arith.constant 0 : i32
    %c0_i32_0 = arith.constant 0 : i32
    %c0_i32_1 = arith.constant 0 : i32
    return %c0_i32, %arg0, %c0_i32_0 : i32, i32, i32
  }
  func.func @transform_1(%arg0: i32) -> (i32, i32) {
    %c0_i32 = arith.constant 0 : i32
    %c0_i32_0 = arith.constant 0 : i32
    return %arg0, %c0_i32 : i32, i32
  }
  func.func @transform_2(%arg0: i32) -> (i32, i32) {
    %c0_i32 = arith.constant 0 : i32
    %c0_i32_0 = arith.constant 0 : i32
    %c0_i32_1 = arith.constant 0 : i32
    return %c0_i32, %c0_i32_0 : i32, i32
  }
  func.func @transform_3(%arg0: i32) -> (i32, i32) {
    %c0_i32 = arith.constant 0 : i32
    %c0_i32_0 = arith.constant 0 : i32
    %c0_i32_1 = arith.constant 0 : i32
    return %c0_i32, %c0_i32_0 : i32, i32
  }
  func.func @transform_4(%arg0: i32) -> (i32, i32) {
    %c0_i32 = arith.constant 0 : i32
    %c0_i32_0 = arith.constant 0 : i32
    return %arg0, %c0_i32 : i32, i32
  }
}

</mosaic_0001>

<sc_bundles>
// kernel: kernel.5.cloned.1.call-start
scs
__scs_entry_jumppad:
0x0: {  	(pc) =	sbr.rel $0x88, $3  }
0x1: {  	(tag) =	ssettag $0x0;
	lr =	simm.s32 $0x1  }
0x2: {  	[smem:$0x3F9A] =	sst lr;
	_ =	strace $0xD0000000  }
0x3: {  	_ = 	snop  }
0x4: {  	_ = 	snop  }
0x5: {  	_ = 	snop  }
0x6: {  	_ = 	snop  }
0x7: {  	_ = 	snop  }
__scs_overlays_trampoline_lowered:
0x8: {  	[smem:$0x3FA9] =	sst s0  }
0x9: {  	[smem:$0x3FAA] =	sst s1  }
0xa: {  	[smem:$0x3FAB] =	sst s2  }
0xb: {  	[smem:$0x3FAC] =	sst s3  }
0xc: {  	[smem:$0x3FAD] =	sst s4  }
0xd: {  	[smem:$0x3FAE] =	sst s5  }
0xe: {  	[smem:$0x3FAF] =	sst s6  }
0xf: {  	[smem:$0x3FB0] =	sst s7  }
0x10: {  	[smem:$0x3FB1] =	sst s8  }
0x11: {  	[smem:$0x3FB2] =	sst s9;
	s0 =	simm.s32 @!p0 $0x0  }
0x12: {  	s1 =	sld [smem:$0x3F98];
	s0 =	simm.s32 @p0 $0x1  }
0x13: {  	[smem:$0x3FB3] =	sst s0;
	s0 =	simm.s32 @!p1 $0x0  }
0x14: {  	s2 =	sld [smem:$0x3F97];
	s0 =	simm.s32 @p1 $0x1  }
0x15: {  	[smem:$0x3FB4] =	sst s0;
	s0 =	simm.s32 @!p2 $0x0  }
0x16: {  	s3 =	sld [smem:$0x3FDB];
	s0 =	simm.s32 @p2 $0x1  }
0x17: {  	s4 =	simm.s32 $0x1BF5;
	[smem:$0x3FB6] =	sst s0  }
0x18: {  	s0 =	sld [smem:$0x3F99];
	_ =	swait.ge [sflag:s4], $0x0  }
0x19: {  	s7 =	sld [smem:$0x3F9A]  }
0x1a: {  	s8 =	sadd.s32 $0xFFFFE003, lr  }
0x1b: {  	s9 =	sadd.s32 $0xFFFFFEF7, lr;
	s5 =	simm.s32 $0xFFFFFFFF;
	p2 =	slt.u32 s8, $0xFFFFF086  }
0x1c: {  	p1 =	slt.u32 s9, $0xF7A;
	s5 =	simm.s32 @!p2 $0x0  }
0x1d: {  	s5 =	simm.s32 @p1 $0x1;
	p0 =	seq.s32 s7, s2  }
0x1e: {  	s7 =	smul.u32 @!p0 $0xF7A, s2;
	p2 =	seq.s32 @!p0 s5, $0x0  }
0x1f: {  	s9 =	smul.u32 $0xF7A, s1;
	s8 =	simm.s32 @!p0 $0x1BF5;
	p2 =	por !p2, p0  }
0x20: {  	[sflag:s8] =	ssyncset.s32 @!p0 $0xFFFFF086;
	s6 =	sadd.s32 @!p0 s3, s7;
	s7 =	simm.s32 @!p0 $0x108  }
0x21: {  	s3 =	sadd.s32 s3, s9;
	s6 =	sadd.s32 @!p0 $0x88, s6;
	s7 =	simm.s32 @p2 $0x1082  }
0x22: {  	[simem:s7], [sflag:s8] =	dma.local @!p0 [hbm:s6], $0xF7A  }
0x23: {  	s9 =	sor.u32 $0xD0000000, s2;
	s6 =	simm.s32 $0x108;
	_ =	swait.ge @!p0 [sflag:s8], $0x0  }
0x24: {  	s3 =	sadd.s32 $0x88, s3;
	s6 =	simm.s32 @!p1 $0x1082;
	[sflag:s4] =	ssyncset.s32 $0xFFFFF086  }
0x25: {  	[simem:s6], [sflag:s4] =	dma.local [hbm:s3], $0xF7A  }
0x26: {  	[smem:$0x3F9A] =	sst s1;
	(tag) =	ssettag s2;
	_ =	strace s9  }
0x27: {  	s1 =	sld [smem:$0x3FAA]  }
0x28: {  	s2 =	sld [smem:$0x3FAB]  }
0x29: {  	s4 =	sld [smem:$0x3FAD]  }
0x2a: {  	p0 =	seq.s32 s5, $0x0;
	s5 =	sld [smem:$0x3FAE]  }
0x2b: {  	s6 =	sld [smem:$0x3FAF]  }
0x2c: {  	s7 =	sld [smem:$0x3FB0]  }
0x2d: {  	s3 =	simm.s32 $0x108;
	s8 =	sld [smem:$0x3FB1]  }
0x2e: {  	s3 =	simm.s32 @!p0 $0x1082;
	s9 =	sld [smem:$0x3FB2]  }
0x2f: {  	lr =	sadd.s32 s0, s3;
	s0 =	sld [smem:$0x3FA9]  }
0x30: {  	s3 =	sld [smem:$0x3FAC]  }
0x31: {  	[smem:$0x3FB5] =	sst s10  }
0x32: {  	s10 =	sld [smem:$0x3FB3];
	_ =	sdelay $0x3  }
0x33: {  	p0 =	seq.s32 s10, $0x1;
	s10 =	sld [smem:$0x3FB5];
	_ =	sdelay $0x3  }
0x34: {  	[smem:$0x3FB5] =	sst s10  }
0x35: {  	s10 =	sld [smem:$0x3FB4];
	_ =	sdelay $0x3  }
0x36: {  	p1 =	seq.s32 s10, $0x1;
	s10 =	sld [smem:$0x3FB5];
	_ =	sdelay $0x3  }
0x37: {  	[smem:$0x3FB5] =	sst s10  }
0x38: {  	s10 =	sld [smem:$0x3FB6]  }
0x39: {  	_ = 	snop;
	(pc) =	sbr.ind lr, $3  }
0x3a: {  	_ = 	snop  }
0x3b: {  	_ = 	snop  }
0x3c: {  	p2 =	seq.s32 s10, $0x1;
	s10 =	sld [smem:$0x3FB5]  }
0x3d: {  	_ =	shalt  }
0x3e: {  	_ =	shalt  }
0x3f: {  	_ =	shalt  }
0x40: {  	_ =	shalt  }
0x41: {  	_ =	shalt  }
0x42: {  	_ =	shalt  }
0x43: {  	_ =	shalt  }
0x44: {  	_ =	shalt  }
0x45: {  	_ =	shalt  }
0x46: {  	_ =	shalt  }
0x47: {  	_ =	shalt  }
0x48: {  	_ =	shalt  }
0x49: {  	_ =	shalt  }
0x4a: {  	_ =	shalt  }
0x4b: {  	_ =	shalt  }
0x4c: {  	_ =	shalt  }
0x4d: {  	_ =	shalt  }
0x4e: {  	_ =	shalt  }
0x4f: {  	_ =	shalt  }
0x50: {  	_ =	shalt  }
0x51: {  	_ =	shalt  }
0x52: {  	_ =	shalt  }
0x53: {  	_ =	shalt  }
0x54: {  	_ =	shalt  }
0x55: {  	_ =	shalt  }
0x56: {  	_ =	shalt  }
0x57: {  	_ =	shalt  }
0x58: {  	_ =	shalt  }
0x59: {  	_ =	shalt  }
0x5a: {  	_ =	shalt  }
0x5b: {  	_ =	shalt  }
0x5c: {  	_ =	shalt  }
0x5d: {  	_ =	shalt  }
0x5e: {  	_ =	shalt  }
0x5f: {  	_ =	shalt  }
0x60: {  	_ =	shalt  }
0x61: {  	_ =	shalt  }
0x62: {  	_ =	shalt  }
0x63: {  	_ =	shalt  }
0x64: {  	_ =	shalt  }
0x65: {  	_ =	shalt  }
0x66: {  	_ =	shalt  }
0x67: {  	_ =	shalt  }
0x68: {  	_ =	shalt  }
0x69: {  	_ =	shalt  }
0x6a: {  	_ =	shalt  }
0x6b: {  	_ =	shalt  }
0x6c: {  	_ =	shalt  }
0x6d: {  	_ =	shalt  }
0x6e: {  	_ =	shalt  }
0x6f: {  	_ =	shalt  }
0x70: {  	_ =	shalt  }
0x71: {  	_ =	shalt  }
0x72: {  	_ =	shalt  }
0x73: {  	_ =	shalt  }
0x74: {  	_ =	shalt  }
0x75: {  	_ =	shalt  }
0x76: {  	_ =	shalt  }
0x77: {  	_ =	shalt  }
0x78: {  	_ =	shalt  }
0x79: {  	_ =	shalt  }
0x7a: {  	_ =	shalt  }
0x7b: {  	_ =	shalt  }
0x7c: {  	_ =	shalt  }
0x7d: {  	_ =	shalt  }
0x7e: {  	_ =	shalt  }
0x7f: {  	_ =	shalt  }
0x80: {  	_ =	shalt  }
0x81: {  	_ =	shalt  }
0x82: {  	_ =	shalt  }
0x83: {  	_ =	shalt  }
0x84: {  	_ =	shalt  }
0x85: {  	_ =	shalt  }
0x86: {  	_ =	shalt  }
0x87: {  	_ =	shalt  }
.Lfunc_end0:
.L_simem_size_0:
called_computation_lowered:
.L_overlay_start_0:
0x88: {  	s2 =	sld [smem:$0x3FD9]  }
0x89: {  	s3 =	sld [smem:$0x3FFE];
	_ =	sdelay $0x1  }
0x8a: {  	s1 =	srdreg.scid  }
0x8b: {  	s0 =	sand.u32 $0x1, s1  }
0x8c: {  	s17 =	sshll.u32 s0, $0xA;
	s2 =	sadd.s32 s3, s2  }
0x8d: {  	s2 =	sadd.s32 s2, s17  }
0x8e: {  	[smem:$0x3FC1] =	sst s2  }
0x8f: {  	_ = 	snop  }
0x90: {  	s2 =	sld [smem:$0x3FD0];
	(tm) =	ssettm $0x1  }
0x91: {  	s18 =	sld [smem:$0x3FFB];
	_ =	sdelay $0x3  }
0x92: {  	_ =	strace s18  }
0x93: {  	s3 =	sld [smem:$0x3FFC];
	_ =	sdelay $0x3  }
0x94: {  	_ =	strace s3  }
0x95: {  	s3 =	sld [smem:$0x3FFD];
	_ =	sdelay $0x3  }
0x96: {  	_ =	strace s3  }
0x97: {  	_ =	strace $0x8FFFFFFF  }
0x98: {  	s19 =	sld [smem:$0x3FDB];
	_ =	sdelay $0x1  }
0x99: {  	s4 =	simm.s32 $_scs_section_size  }
0x9a: {  	s5 =	simm.s32 $_size__tile_overlayer_lowered;
	s6 =	simm.s32 $_tile_overlayer_lowered  }
0x9b: {  	s22 =	simm.s32 $0x1BFF;
	s21 =	sshll.u32 s6, $0x1;
	s3 =	sadd.s32 s4, s19  }
0x9c: {  	s7 =	simm.s32 $0x0;
	s20 =	sshll.u32 s5, $0x1;
	s5 =	sadd.s32 s21, s3  }
0x9d: {  	[timem:s7], [sflag:s22] =	dma.local [hbm:s5], s20  }
0x9e: {  	_ =	swait.ge [sflag:s22], s20  }
0x9f: {  	s4 =	ssub.s32 $0x0, s20;
	[sflag:s22] =	ssyncset.done $0x0  }
0xa0: {  	[sflag:s22] =	ssyncadd.s32 s4;
	_ =	sdelay $0x1  }
0xa1: {  	s23 =	simm.s32 $0x1B8B  }
0xa2: {  	_ =	swait.ge [sflag:s23], $0x1  }
0xa3: {  	[sflag:s23] =	ssyncset.done $0x0  }
0xa4: {  	s25 =	simm.s32 $0x1B8E;
	s24 =	sld [smem:$0x3FFE];
	[sflag:s23] =	ssyncadd.s32 $0xFFFFFFFF  }
0xa5: {  	s26 =	simm.s32 $execute0_lowered;
	[smem:$0x3FD2] =	sst s25  }
0xa6: {  	s5 =	sshll.u32 s26, $0x1;
	_ =	strace $0x80000046;
	[dreg:$0x1] =	wrdreg $0xFFFFFFFF  }
0xa7: {  	s28 =	simm.s32 $_size_execute0_lowered;
	s3 =	sadd.s32 s3, s5;
	[dreg:$0x0] =	wrdreg $0x0  }
0xa8: {  	s5 =	sshll.u32 s28, $0x1;
	[dreg:$0x2] =	wrdreg s3  }
0xa9: {  	[dreg:$0x3] =	wrdreg s5  }
0xaa: {  	[dreg:$0x4] =	wrdreg $0xC0  }
0xab: {  	_ =	task [dreg:s7], $0x5FFFF  }
0xac: {  	[dreg:$0x1] =	wrdreg $0xFFFFFFFF  }
0xad: {  	[dreg:$0x0] =	wrdreg $0x60  }
0xae: {  	[dreg:$0x2] =	wrdreg s24  }
0xaf: {  	[dreg:$0x3] =	wrdreg s2  }
0xb0: {  	[dreg:$0x4] =	wrdreg $0x150000  }
0xb1: {  	[dreg:$0x5] =	wrdreg $0x9  }
0xb2: {  	_ =	task.clear_ibuf [dreg:s7], $0x6FFFF;
	_ =	strace $0x90000046  }
0xb3: {  	s29 =	simm.s32 $0x9;
	_ =	strace $0x80000048  }
0xb4: {  	_ =	swait.ge [sflag:s29], $0x1  }
0xb5: {  	[sflag:s29] =	ssyncadd.s32 $0xFFFFFFFF  }
0xb6: {  	_ =	strace $0x90000048  }
0xb7: {  	_ =	sfence  }
0xb8: {  	s30 =	sld [smem:$0x0];
	_ =	sdelay $0x2  }
0xb9: {  	s31 =	sshll.u32 s1, $0xD;
	s1 =	sshrl.u32 s1, $0x2  }
0xba: {  	s3 =	sand.u32 $0x4000, s31;
	s1 =	sadd.s32 s1, s30  }
0xbb: {  	s0 =	sor.u32 s3, s0;
	s1 =	sshll.u32 s1, $0x11  }
0xbc: {  	s0 =	sor.u32 s1, s0  }
0xbd: {  	s0 =	sadd.s32 $0x8F2B, s0  }
0xbe: {  	[sflag:s0] =	ssyncadd.remote.s32 $0x1  }
0xbf: {  	_ =	sfence.sel $0xFFFF  }
0xc0: {  	[dreg:$0x0] =	wrdreg $0xFFFFFFFF;
	(pc) =	sbr.abs _section_cstart, $3  }
0xc1: {  	[dreg:$0x1] =	wrdreg $0xFFFFFFFF  }
0xc2: {  	_ =	task.clear_ibuf [dreg:s7], $0x2FFFF;
	_ =	strace $0x9FFFFFFF  }
0xc3: {  	(tm) =	ssettm $0x7FFFFFFF  }
tec
execute0_lowered:
.L_overlay_start_1:
0x0: {  	(tag) =	ssettag $0x1  }
0x1: {  	s0 =	rddreg [dreg:$0x0]  }
0x2: {  	s1 =	rddreg [dreg:$0x1];
	s3 =	srdreg.scid  }
0x3: {  	s10 =	stileid.u32;
	s2 =	rddreg [dreg:$0x2]  }
0x4: {  	s5 =	simm.s32 $0x0;
	s3 =	sand.u32 $0x1, s3;
	s6 =	smul.u32 $0x28000, s10  }
0x5: {  	s4 =	sshll.u32 s10, $0x1;
	[smem:$0x7FF] =	sst s5;
	s23 =	smul.u32 $0x9C00, s10  }
0x6: {  	s25 =	smul.u32 $0x27000, s10;
	p0 =	sne.s32 s10, $0xF;
	s4 =	sor.u32 s3, s4  }
0x7: {  	_ =	strace $0x80000047;
	s8 =	ssub.s32 $0x2, s3;
	s22 =	smul.u32 $0x138800, s3  }
0x8: {  	s19 =	smul.u32 $0x500, s4;
	s4 =	sadd.s32 $0x14E00, s0;
	s9 =	sshrl.u32 s8, $0x1  }
0x9: {  	s6 =	sshrl.u32 s6, $0x2;
	s5 =	sshrl.u32 s25, $0x2;
	s25 =	sadd.s32 $0x9C000, s2  }
0xa: {  	s8 =	ssub.s32 s8, s9;
	s9 =	sadd.s32 s6, s2;
	s3 =	sadd.s32 s23, s22  }
0xb: {  	s5 =	sadd.s32 s5, s2;
	[dreg:$0x12] =	wrdreg s25;
	s25 =	simm.s32 $0x0  }
0xc: {  	s7 =	sadd.s32 s19, s0;
	s0 =	sadd.s32 $0x14D600, s0;
	s1 =	sadd.s32 s1, s19  }
0xd: {  	s17 =	sadd.s32 $0x800, s9;
	s18 =	sadd.s32 $0x1000, s9;
	s19 =	sadd.s32 $0x1800, s9  }
0xe: {  	s26 =	sadd.s32 $0x2800, s9;
	s28 =	sadd.s32 $0x3000, s9;
	s29 =	sadd.s32 $0x3800, s9  }
0xf: {  	s30 =	sadd.s32 $0x4000, s9;
	s31 =	sadd.s32 $0x4800, s9;
	s24 =	sadd.s32 $0x5000, s9  }
0x10: {  	s6 =	sadd.s32 $0x5800, s9;
	s11 =	sadd.s32 $0x6000, s9;
	[dreg:$0x8] =	wrdreg s5  }
0x11: {  	s3 =	sshrl.u32 s3, $0x3;
	s13 =	smax.u32 s8, $0x1;
	[dreg:$0x4] =	wrdreg s1  }
0x12: {  	s14 =	sadd.s32 $0x7000, s9;
	s15 =	sadd.s32 $0x7800, s9;
	[dreg:$0xb] =	wrdreg s13  }
0x13: {  	s16 =	sadd.s32 $0x8000, s9;
	s23 =	sadd.s32 $0x9000, s9;
	[dreg:$0xc] =	wrdreg s14  }
0x14: {  	s8 =	simm.s32 $0x5;
	s20 =	sadd.s32 $0xE00, s7;
	[dreg:$0xd] =	wrdreg s15  }
0x15: {  	s21 =	sadd.s32 $0xAE00, s7;
	s1 =	sshrl.u32 s22, $0x3;
	[dreg:$0xe] =	wrdreg s16  }
0x16: {  	s3 =	sadd.s32 s0, s3;
	s5 =	smov.u32 s11;
	[dreg:$0x10] =	wrdreg s23  }
0x17: {  	s22 =	sadd.s32 $0x6800, s9;
	s23 =	simm.s32 $0x14800;
	[dreg:$0x5] =	wrdreg s20  }
0x18: {  	s7 =	simm.s32 $0x2;
	[dreg:$0x6] =	wrdreg s21;
	s0 =	sadd.s32 s0, s1  }
0x19: {  	s1 =	smov.u32 s24;
	s21 =	sadd.s32 $0x8800, s9;
	[dreg:$0x7] =	wrdreg s3  }
.Ltmp0:
0x1a: {  	s24 =	sadd.s32 $0x9800, s9;
	[dreg:$0xf] =	wrdreg s21;
	(pc) =	sbr.rel .LBB2_1-.Ltmp0, $4  }
0x1b: {  	s20 =	sadd.s32 $0x2000, s9;
	s3 =	sadd.s32 $0x13880, s3;
	[dreg:$0x11] =	wrdreg s24  }
0x1c: {  	s12 =	sadd.s32 $0x13800, s0;
	s0 =	sadd.s32 $0x27080, s0;
	[dreg:$0x13] =	wrdreg s3  }
0x1d: {  	v0 =	vimm.f32 $0.0e+00;
	s24 =	simm.s32 $0x80;
	s21 =	simm.s32 $0x3;
	[dreg:$0x9] =	wrdreg s12  }
0x1e: {  	v1 =	vlaneseq.u32;
	v2 =	vimm.s32 $0x1388;
	v3 =	vimm.s32 $0x0;
	[dreg:$0xa] =	wrdreg s0;
	s0 =	smov.u32 s6;
	s6 =	smov.u32 s9  }
.LBB2_36:
0x1f: {  	s9 =	simm.s32 $0xA000  }
0x20: {  	[spmem:s2] =	stream.indirect.scatter.add.f32 [tilespmem:s11], [sflag:$0x3], $0x80, s9, s24, $0xb8;
	[tilespmem:$0x1F000] =	vst v63  }
.LBB2_41:
0x21: {  	s10 =	sand.u32 $0x1, s10  }
0x22: {  	p1 =	seq.s32 s10, $0x0  }
0x23: {  	s11 =	simm.s32 @!p1 $0x3  }
0x24: {  	_ =	swait.ge @!p1 [sflag:s11], $0x4000  }
0x25: {  	p2 =	sne.s32 s10, $0x0;
	[sflag:s11] =	ssyncset.done @!p1 $0x0  }
0x26: {  	s10 =	simm.s32 @!p2 $0x4;
	[sflag:s11] =	ssyncadd.s32 @!p1 $0xFFFFC000  }
0x27: {  	_ =	swait.ge @!p2 [sflag:s10], $0x4000  }
0x28: {  	[sflag:s10] =	ssyncset.done @!p2 $0x0  }
0x29: {  	[sflag:s10] =	ssyncadd.s32 @!p2 $0xFFFFC000  }
.LBB2_42:
0x2a: {  	[bflag:$0x0] =	sbarrier.arrive $0xFFFF  }
0x2b: {  	s9 =	rddreg [dreg:$0x13]  }
0x2c: {  	s10 =	rddreg [dreg:$0x14]  }
0x2d: {  	[hbm:s9], [sflag:s3] =	dma.local [spmem:s10], $0x1380  }
0x2e: {  	_ =	swait.ge [sflag:s8], $0x1380  }
0x2f: {  	[sflag:s8] =	ssyncset.done $0x0;
	s10 =	rddreg [dreg:$0xa]  }
0x30: {  	s9 =	rddreg [dreg:$0x15];
	[sflag:s8] =	ssyncadd.s32 $0xFFFFEC80  }
0x31: {  	[hbm:s10], [sflag:s3] =	dma.local @!p0 [spmem:s9], $0x80  }
0x32: {  	s3 =	simm.s32 @!p0 $0x5  }
0x33: {  	_ =	swait.ge @!p0 [sflag:s3], $0x80  }
0x34: {  	s25 =	sadd.s32 $0x1, s25;
	s16 =	rddreg [dreg:$0xb]  }
0x35: {  	p1 =	sne.s32 s25, s16  }
.Ltmp1:
0x36: {  	_ = 	snop;
	(pc) =	sbr.rel @!p1 .LBB2_43-.Ltmp1, $3  }
0x37: {  	_ =	sdelay $0x1  }
0x38: {  	[sflag:s3] =	ssyncset.done @!p0 $0x0  }
0x39: {  	[sflag:s3] =	ssyncadd.s32 @!p0 $0xFFFFFF80  }
.LBB2_1:
0x3a: {  	s3 =	simm.s32 $0x0;
	s9 =	rddreg [dreg:$0x4]  }
0x3b: {  	[tilespmem:s3], [sflag:$0x5] =	stream.linear.gather [hbm4b:s9+s3], $0x2780, $0x38;
	[tilespmem:$0x1F000] =	vst v63  }
0x3c: {  	_ =	swait.ge [sflag:s8], $0x2780  }
0x3d: {  	[sflag:s8] =	ssyncset.done $0x0  }
0x3e: {  	s10 =	simm.s32 $0x2800;
	s14 =	rddreg [dreg:$0x5];
	[sflag:s8] =	ssyncadd.s32 $0xFFFFD880  }
0x3f: {  	[tilespmem:s10], [sflag:$0x5] =	stream.linear.gather [hbm4b:s14+s3], $0x2780, $0x38;
	[tilespmem:$0x1F000] =	vst v63  }
0x40: {  	_ =	swait.ge [sflag:s8], $0x2780  }
0x41: {  	[sflag:s8] =	ssyncset.done $0x0  }
0x42: {  	s16 =	simm.s32 $0x5000;
	s15 =	rddreg [dreg:$0x6];
	[sflag:s8] =	ssyncadd.s32 $0xFFFFD880  }
0x43: {  	[tilespmem:s16], [sflag:$0x5] =	stream.linear.gather [hbm4b:s15+s3], $0x2780, $0x38;
	[tilespmem:$0x1F000] =	vst v63  }
0x44: {  	_ =	swait.ge [sflag:s8], $0x2780  }
0x45: {  	[sflag:s8] =	ssyncset.done $0x0  }
0x46: {  	s9 =	simm.s32 $0x0;
	s3 =	simm.s32 $0x0;
	[sflag:s8] =	ssyncadd.s32 $0xFFFFD880  }
.LBB2_2:
0x47: {  	p1 =	sne.s32 s9, $0x1FC0  }
.Ltmp2:
0x48: {  	_ = 	snop;
	(pc) =	sbr.rel @p1 .LBB2_2-.Ltmp2, $4  }
0x49: {  	s10 =	sand.u32 $0x1E00, s9  }
0x4a: {  	s11 =	sand.u32 $0x70, s3;
	s10 =	sshrl.u32 s10, $0x2  }
0x4b: {  	s10 =	sor.u32 s11, s10  }
0x4c: {  	s3 =	sadd.s32 $0x10, s3;
	s9 =	sadd.s32 $0x40, s9;
	[tilespmem:s10+$0x14800] =	vst v0  }
0x4d: {  	s3 =	simm.s32 $0x0  }
0x4e: {  	v4 =	vld [tilespmem:s3+$0x5000];
	_ =	sdelay $0x1  }
0x4f: {  	v5 =	vld [tilespmem:s3+$0x2800];
	_ =	sdelay $0x1  }
0x50: {  	v6 =	vld [tilespmem:s3+$0x0]  }
0x51: {  	vm0 =	vlt.u32 v4, $0x1388  }
0x52: {  	v7 =	vmpcnt.ones.xlane vm0  }
0x53: {  	v5 =	vmul.u32 $0x2710, v5  }
0x54: {  	(v2sf) =	vpush v7, $0x0  }
0x55: {  	v5 =	vadd.s32 v6, v5  }
0x56: {  	v5 =	vshll.u32 v5, $0xD  }
0x57: {  	s9 =	simm.s32 $0x0;
	v4 =	vadd.s32 v4, v5  }
0x58: {  	[tilespmem:s9+$0x7800] =	vst.msk vm0, v4  }
0x59: {  	v4 =	vld [tilespmem:s3+$0x5010];
	_ =	sdelay $0x1  }
0x5a: {  	v5 =	vld [tilespmem:s3+$0x2810];
	_ =	sdelay $0x1  }
0x5b: {  	v6 =	vld [tilespmem:s3+$0x10]  }
0x5c: {  	vm0 =	vlt.u32 v4, $0x1388  }
0x5d: {  	v7 =	vmpcnt.ones.xlane vm0  }
0x5e: {  	v5 =	vmul.u32 $0x2710, v5  }
0x5f: {  	(v2sf) =	vpush v7, $0x0  }
0x60: {  	v5 =	vadd.s32 v6, v5  }
0x61: {  	v5 =	vshll.u32 v5, $0xD;
	s15 =	spop (v2sf)  }
0x62: {  	v4 =	vadd.s32 v4, v5;
	s9 =	sadd.s32 $0x0, s15  }
0x63: {  	[tilespmem:s9+$0x7800] =	vst.msk vm0, v4  }
0x64: {  	v4 =	vld [tilespmem:s3+$0x5020];
	_ =	sdelay $0x1  }
0x65: {  	v5 =	vld [tilespmem:s3+$0x2820];
	_ =	sdelay $0x1  }
0x66: {  	v6 =	vld [tilespmem:s3+$0x20]  }
0x67: {  	vm0 =	vlt.u32 v4, $0x1388  }
0x68: {  	v7 =	vmpcnt.ones.xlane vm0  }
0x69: {  	v5 =	vmul.u32 $0x2710, v5  }
0x6a: {  	(v2sf) =	vpush v7, $0x0  }
0x6b: {  	v5 =	vadd.s32 v6, v5  }
0x6c: {  	v5 =	vshll.u32 v5, $0xD;
	s10 =	spop (v2sf)  }
0x6d: {  	s9 =	sadd.s32 s9, s10;
	v4 =	vadd.s32 v4, v5  }
0x6e: {  	[tilespmem:s9+$0x7800] =	vst.msk vm0, v4  }
0x6f: {  	v6 =	vld [tilespmem:s3+$0x5030];
	_ =	sdelay $0x1  }
0x70: {  	v4 =	vld [tilespmem:s3+$0x2830];
	_ =	sdelay $0x1  }
0x71: {  	v5 =	vld [tilespmem:s3+$0x30]  }
0x72: {  	vm0 =	vlt.u32 v6, $0x1388  }
0x73: {  	v7 =	vmpcnt.ones.xlane vm0  }
0x74: {  	v4 =	vmul.u32 $0x2710, v4  }
0x75: {  	(v2sf) =	vpush v7, $0x0  }
0x76: {  	v4 =	vadd.s32 v5, v4  }
0x77: {  	v4 =	vshll.u32 v4, $0xD;
	s16 =	spop (v2sf)  }
0x78: {  	v4 =	vadd.s32 v6, v4;
	s11 =	sadd.s32 s9, s16  }
0x79: {  	s3 =	simm.s32 $0x40;
	[tilespmem:s11+$0x7800] =	vst.msk vm0, v4  }
0x7a: {  	v4 =	vld [tilespmem:s3+$0x5000]  }
0x7b: {  	v5 =	vld [tilespmem:s3+$0x2800];
	_ =	sdelay $0x1  }
0x7c: {  	v6 =	vld [tilespmem:s3+$0x0];
	_ =	sdelay $0x1  }
0x7d: {  	vm0 =	vlt.u32 v4, $0x1388  }
0x7e: {  	v5 =	vmul.u32 $0x2710, v5;
	v8 =	vmpcnt.ones.xlane vm0;
	_ =	sdelay $0x1  }
0x7f: {  	s9 =	simm.s32 $0x200;
	v5 =	vadd.s32 v6, v5;
	(v2sf) =	vpush v8, $0x0  }
.LBB2_4:
0x80: {  	p1 =	sne.s32 s9, $0x9D00  }
0x81: {  	v5 =	vshll.u32 v5, $0xD;
	s12 =	spop (v2sf);
	s10 =	smov.u32 s9;
	s9 =	sadd.s32 $0x100, s9  }
0x82: {  	v4 =	vadd.s32 v4, v5;
	s11 =	sadd.s32 s11, s12  }
0x83: {  	[tilespmem:s11+$0x7800] =	vst.msk vm0, v4  }
0x84: {  	v4 =	vld [tilespmem:s3+$0x5010];
	_ =	sdelay $0x2  }
0x85: {  	v5 =	vld [tilespmem:s3+$0x2810];
	_ =	sdelay $0x1  }
0x86: {  	v6 =	vld [tilespmem:s3+$0x10];
	vm0 =	vlt.u32 v4, $0x1388  }
0x87: {  	v7 =	vmpcnt.ones.xlane vm0;
	_ =	sdelay $0x1  }
0x88: {  	v5 =	vmul.u32 $0x2710, v5;
	(v2sf) =	vpush v7, $0x0;
	_ =	sdelay $0x1  }
0x89: {  	v5 =	vadd.s32 v6, v5  }
0x8a: {  	v5 =	vshll.u32 v5, $0xD;
	s12 =	spop (v2sf)  }
0x8b: {  	s11 =	sadd.s32 s11, s12;
	v4 =	vadd.s32 v4, v5  }
0x8c: {  	[tilespmem:s11+$0x7800] =	vst.msk vm0, v4  }
0x8d: {  	v4 =	vld [tilespmem:s3+$0x5020]  }
0x8e: {  	v5 =	vld [tilespmem:s3+$0x2820];
	_ =	sdelay $0x1  }
0x8f: {  	v6 =	vld [tilespmem:s3+$0x20];
	_ =	sdelay $0x1  }
0x90: {  	vm0 =	vlt.u32 v4, $0x1388  }
0x91: {  	v5 =	vmul.u32 $0x2710, v5;
	v7 =	vmpcnt.ones.xlane vm0;
	_ =	sdelay $0x1  }
0x92: {  	v5 =	vadd.s32 v6, v5;
	(v2sf) =	vpush v7, $0x0  }
0x93: {  	v5 =	vshll.u32 v5, $0xD;
	s12 =	spop (v2sf)  }
0x94: {  	s11 =	sadd.s32 s11, s12;
	v4 =	vadd.s32 v4, v5  }
0x95: {  	[tilespmem:s11+$0x7800] =	vst.msk vm0, v4  }
0x96: {  	v4 =	vld [tilespmem:s3+$0x5030]  }
0x97: {  	v5 =	vld [tilespmem:s3+$0x2830]  }
0x98: {  	v6 =	vld [tilespmem:s3+$0x30];
	_ =	sdelay $0x2  }
0x99: {  	vm0 =	vlt.u32 v4, $0x1388  }
0x9a: {  	v5 =	vmul.u32 $0x2710, v5;
	v7 =	vmpcnt.ones.xlane vm0;
	_ =	sdelay $0x1  }
0x9b: {  	v5 =	vadd.s32 v6, v5;
	(v2sf) =	vpush v7, $0x0  }
0x9c: {  	v5 =	vshll.u32 v5, $0xD  }
0x9d: {  	v4 =	vadd.s32 v4, v5  }
0x9e: {  	s3 =	spop (v2sf)  }
0x9f: {  	s11 =	sadd.s32 s11, s3  }
0xa0: {  	s3 =	sshra.s32 s10, $0x2;
	[tilespmem:s11+$0x7800] =	vst.msk vm0, v4  }
0xa1: {  	v4 =	vld [tilespmem:s3+$0x5000]  }
0xa2: {  	v5 =	vld [tilespmem:s3+$0x2800];
	_ =	sdelay $0x1  }
0xa3: {  	v6 =	vld [tilespmem:s3+$0x0]  }
.Ltmp3:
0xa4: {  	(pc) =	sbr.rel @p1 .LBB2_4-.Ltmp3, $3  }
0xa5: {  	vm0 =	vlt.u32 v4, $0x1388  }
0xa6: {  	v5 =	vmul.u32 $0x2710, v5;
	v7 =	vmpcnt.ones.xlane vm0;
	_ =	sdelay $0x1  }
0xa7: {  	v5 =	vadd.s32 v6, v5;
	(v2sf) =	vpush v7, $0x0  }
0xa8: {  	v5 =	vshll.u32 v5, $0xD;
	s9 =	spop (v2sf)  }
0xa9: {  	v4 =	vadd.s32 v4, v5;
	s9 =	sadd.s32 s11, s9  }
0xaa: {  	[tilespmem:s9+$0x7800] =	vst.msk vm0, v4  }
0xab: {  	v4 =	vld [tilespmem:s3+$0x5010];
	_ =	sdelay $0x3  }
0xac: {  	v5 =	vld [tilespmem:s3+$0x2810]  }
0xad: {  	vm12 =	vlt.u32 v4, $0x1388  }
0xae: {  	v6 =	vld [tilespmem:s3+$0x10];
	v7 =	vmpcnt.ones.xlane vm12;
	_ =	sdelay $0x1  }
0xaf: {  	(v2sf) =	vpush v7, $0x0  }
0xb0: {  	v5 =	vmul.u32 $0x2710, v5;
	_ =	sdelay $0x1  }
0xb1: {  	v5 =	vadd.s32 v6, v5  }
0xb2: {  	v5 =	vshll.u32 v5, $0xD;
	s10 =	spop (v2sf)  }
0xb3: {  	v4 =	vadd.s32 v4, v5;
	s9 =	sadd.s32 s9, s10  }
0xb4: {  	[tilespmem:s9+$0x7800] =	vst.msk vm12, v4  }
0xb5: {  	v4 =	vld [tilespmem:s3+$0x2820];
	_ =	sdelay $0x1  }
0xb6: {  	v5 =	vld [tilespmem:s3+$0x20];
	_ =	sdelay $0x1  }
0xb7: {  	v61 =	vld [tilespmem:s3+$0x5020]  }
0xb8: {  	v4 =	vmul.u32 $0x2710, v4;
	_ =	sdelay $0x1  }
0xb9: {  	v4 =	vadd.s32 v5, v4  }
0xba: {  	v4 =	vshll.u32 v4, $0xD;
	s14 =	spop (v2sf)  }
0xbb: {  	vm13 =	vlt.u32 v61, $0x1388;
	v4 =	vadd.s32 v61, v4;
	s9 =	sadd.s32 s9, s14  }
0xbc: {  	[tilespmem:s9+$0x7800] =	vst.msk vm13, v4  }
0xbd: {  	v4 =	vld [tilespmem:s3+$0x5030];
	_ =	sdelay $0x4  }
0xbe: {  	v5 =	vmpcnt.ones.xlane vm13;
	vm14 =	vlt.u32 v4, $0x1388  }
0xbf: {  	v62 =	vmpcnt.ones.xlane vm14  }
0xc0: {  	(v2sf) =	vpush v5, $0x0  }
0xc1: {  	(v2sf) =	vpush v62, $0x0;
	_ =	sdelay $0xa  }
0xc2: {  	v5 =	vld [tilespmem:s3+$0x2830];
	_ =	sdelay $0x1  }
0xc3: {  	v63 =	vld [tilespmem:s3+$0x30]  }
0xc4: {  	s15 =	spop (v2sf)  }
0xc5: {  	s16 =	sadd.s32 s9, s15;
	s12 =	spop (v2sf)  }
0xc6: {  	s11 =	simm.s32 $0x1;
	v5 =	vmul.u32 $0x2710, v5;
	s10 =	sadd.s32 s16, s12  }
0xc7: {  	s9 =	sand.u32 $0xF, s10;
	s13 =	sshra.s32 s10, $0x1F;
	p1 =	slt.s32 s10, $0x1  }
0xc8: {  	v5 =	vadd.s32 v63, v5;
	s12 =	sadd.s32 $0x7F, s10;
	p2 =	sne.s32 s9, $0x0;
	s14 =	sshrl.u32 s13, $0x1C  }
0xc9: {  	v5 =	vshll.u32 v5, $0xD;
	s13 =	sshra.s32 s12, $0x1F;
	s15 =	sand.u32 $0x7F, s12;
	p5 =	slt.s32 s12, $0x1  }
0xca: {  	v4 =	vadd.s32 v4, v5;
	p1 =	por !p1, !p2;
	s9 =	sadd.s32 s14, s10;
	p6 =	sne.s32 s15, $0x0  }
0xcb: {  	[tilespmem:s16+$0x7800] =	vst.msk vm14, v4;
	s16 =	sshrl.u32 s13, $0x19;
	p1 =	por !p1, !p1;
	s9 =	sshra.s32 s9, $0x4  }
0xcc: {  	s3 =	sadd.s32 s16, s12;
	s11 =	simm.s32 @!p1 $0x0;
	p1 =	por !p5, !p6  }
0xcd: {  	s9 =	ssub.s32 s9, s11;
	p1 =	por !p1, !p1;
	s11 =	simm.s32 $0x1  }
0xce: {  	s3 =	sshra.s32 s3, $0x7;
	s14 =	sshll.u32 s9, $0x4;
	s11 =	simm.s32 @!p1 $0x0  }
0xcf: {  	s3 =	ssub.s32 s3, s11;
	v5 =	vor.u32 s14, v1  }
0xd0: {  	v4 =	vld [tilespmem:s14+$0x7800];
	s11 =	sadd.s32 $0x1, s9;
	vm15 =	vlt.s32 v5, s10;
	s10 =	sshll.u32 s3, $0x3  }
0xd1: {  	p1 =	sge.s32 s11, s10  }
.Ltmp4:
0xd2: {  	_ = 	snop;
	(pc) =	sbr.rel @p1 .LBB2_8-.Ltmp4, $3  }
0xd3: {  	_ =	sdelay $0x1  }
0xd4: {  	v4 =	vnsel vm15, $0x1388, v4  }
0xd5: {  	[tilespmem:s14+$0x7800] =	vst v4  }
0xd6: {  	s11 =	sadd.s32 $0x1, s11  }
0xd7: {  	p1 =	slt.s32 s11, s10  }
.Ltmp5:
0xd8: {  	_ = 	snop;
	(pc) =	sbr.rel @!p1 .LBB2_8-.Ltmp5, $4  }
0xd9: {  	s9 =	sshll.u32 s9, $0x6  }
0xda: {  	s9 =	sshra.s32 s9, $0x2  }
0xdb: {  	s9 =	sadd.s32 $0x7810, s9  }
0xdc: {  	[tilespmem:s9+$0x0] =	vst v2  }
.LBB2_7:
0xdd: {  	s11 =	sadd.s32 $0x1, s11  }
0xde: {  	p1 =	slt.s32 s11, s10  }
.Ltmp6:
0xdf: {  	_ = 	snop;
	(pc) =	sbr.rel @p1 .LBB2_7-.Ltmp6, $3  }
0xe0: {  	_ =	sdelay $0x1  }
0xe1: {  	s9 =	sadd.s32 $0x10, s9  }
0xe2: {  	[tilespmem:s9+$0x0] =	vst v2  }
.LBB2_8:
0xe3: {  	p1 =	sgt.s32 s3, $0x0  }
.Ltmp7:
0xe4: {  	_ = 	snop;
	(pc) =	sbr.rel @!p1 .LBB2_14-.Ltmp7, $2  }
0xe5: {  	_ =	sdelay $0x2  }
0xe6: {  	s9 =	simm.s32 $0x0  }
0xe7: {  	p2 =	sne.s32 s10, $0x1  }
.Ltmp8:
0xe8: {  	_ = 	snop;
	(pc) =	sbr.rel @!p2 .LBB2_13-.Ltmp8, $3  }
0xe9: {  	_ =	sdelay $0x1  }
0xea: {  	s13 =	sadd.s32 $0xFFFFFFFF, s10  }
0xeb: {  	p1 =	por $0x0, $0x0;
	s11 =	simm.s32 $0x0;
	s12 =	simm.s32 $0x0  }
0xec: {  	s10 =	sshra.s32 s9, $0x2  }
0xed: {  	v4 =	vld [tilespmem:s10+$0x7800];
	_ =	sdelay $0x4  }
0xee: {  	v5 =	vshra.s32 v4, $0x1F  }
0xef: {  	v5 =	vshrl.u32 v5, $0x13  }
0xf0: {  	v5 =	vadd.s32 v5, v4  }
0xf1: {  	p2 =	sne.s32 s13, $0x1;
	v5 =	vshra.s32 v5, $0xD  }
.Ltmp9:
0xf2: {  	v6 =	vshll.u32 v5, $0xD;
	(pc) =	sbr.rel @!p2 .LBB2_11-.Ltmp9, $4  }
0xf3: {  	s11 =	sand.u32 $0xFFFFFE00, s9;
	vm1 =	vlt.s32 v4, $0x1;
	vm0 =	vne.s32 v4, v6  }
0xf4: {  	s12 =	sand.u32 $0x70, s9;
	s11 =	sshra.s32 s11, $0x2;
	vm0 =	vmand vm1, vm0  }
0xf5: {  	s13 =	sadd.s32 $0xFFFFFFFF, s13;
	s11 =	sor.u32 s12, s11;
	v4 =	vand.u32 $0x1FFF, v4;
	v6 =	vsel vm0, $0xFFFFFFFF, v3  }
0xf6: {  	p1 =	por $0x1, $0x1;
	s12 =	simm.s32 $0x0;
	[tilespmem:s11+$0xA000] =	vst v4;
	s11 =	sadd.s32 $0x40, s9;
	v4 =	vadd.s32 v6, v5  }
.LBB2_12:
0xf7: {  	p2 =	sne.s32 s13, $0x1;
	[tilespmem:s10+$0x7800] =	vst v4;
	s10 =	sshra.s32 s11, $0x2;
	s12 =	sadd.s32 $0x10, s12  }
0xf8: {  	s13 =	sadd.s32 $0xFFFFFFFF, s13;
	v4 =	vld [tilespmem:s10+$0x7800];
	_ =	sdelay $0x2  }
0xf9: {  	s14 =	sand.u32 $0xFFFFFE00, s11  }
0xfa: {  	s15 =	sand.u32 $0x70, s12;
	s14 =	sshra.s32 s14, $0x2  }
0xfb: {  	s14 =	sor.u32 s15, s14;
	v5 =	vshra.s32 v4, $0x1F;
	v6 =	vand.u32 $0x1FFF, v4  }
0xfc: {  	v5 =	vshrl.u32 v5, $0x13;
	[tilespmem:s14+$0xA000] =	vst v6  }
0xfd: {  	v5 =	vadd.s32 v5, v4  }
0xfe: {  	v5 =	vshra.s32 v5, $0xD  }
.Ltmp10:
0xff: {  	v6 =	vshll.u32 v5, $0xD;
	(pc) =	sbr.rel @p2 .LBB2_12-.Ltmp10, $4  }
0x100: {  	vm1 =	vlt.s32 v4, $0x1;
	vm0 =	vne.s32 v4, v6  }
0x101: {  	vm0 =	vmand vm1, vm0  }
0x102: {  	v4 =	vsel vm0, $0xFFFFFFFF, v3  }
0x103: {  	s11 =	sadd.s32 $0x40, s11;
	v4 =	vadd.s32 v4, v5  }
.LBB2_13:
0x104: {  	s13 =	sshra.s32 s11, $0x2;
	[tilespmem:s10+$0x7800] =	vst @p1 v4  }
0x105: {  	v4 =	vld [tilespmem:s13+$0x7800];
	_ =	sdelay $0x4  }
0x106: {  	v5 =	vshra.s32 v4, $0x1F  }
0x107: {  	v5 =	vshrl.u32 v5, $0x13  }
0x108: {  	v5 =	vadd.s32 v5, v4  }
0x109: {  	v5 =	vshra.s32 v5, $0xD  }
0x10a: {  	s10 =	sadd.s32 @p1 $0x10, s12;
	v6 =	vshll.u32 v5, $0xD  }
0x10b: {  	s15 =	sand.u32 $0xFFFFFE00, s11;
	s9 =	smov.u32 @p1 s10;
	vm1 =	vlt.s32 v4, $0x1;
	vm0 =	vne.s32 v4, v6  }
0x10c: {  	s16 =	sshra.s32 s15, $0x2;
	s9 =	sand.u32 $0x70, s9;
	vm0 =	vmand vm1, vm0  }
0x10d: {  	s9 =	sor.u32 s9, s16;
	v4 =	vand.u32 $0x1FFF, v4;
	v63 =	vsel vm0, $0xFFFFFFFF, v3  }
0x10e: {  	[tilespmem:s9+$0xA000] =	vst v4;
	v4 =	vadd.s32 v63, v5  }
0x10f: {  	[tilespmem:s13+$0x7800] =	vst v4  }
.LBB2_14:
0x110: {  	[spmem:s6] =	stream.linear.scatter [tilespmem:s23], [sflag:$0x5], $0x800, $0x38;
	[tilespmem:$0x1F000] =	vst v63  }
0x111: {  	_ =	swait.ge [sflag:s8], $0x800  }
0x112: {  	[sflag:s8] =	ssyncset.done $0x0  }
0x113: {  	[sflag:s8] =	ssyncadd.s32 $0xFFFFF800  }
0x114: {  	[spmem:s17] =	stream.linear.scatter [tilespmem:s23], [sflag:$0x5], $0x800, $0x38;
	[tilespmem:$0x1F000] =	vst v63  }
0x115: {  	_ =	swait.ge [sflag:s8], $0x800  }
0x116: {  	[sflag:s8] =	ssyncset.done $0x0  }
0x117: {  	[sflag:s8] =	ssyncadd.s32 $0xFFFFF800  }
0x118: {  	[spmem:s18] =	stream.linear.scatter [tilespmem:s23], [sflag:$0x5], $0x800, $0x38;
	[tilespmem:$0x1F000] =	vst v63  }
0x119: {  	_ =	swait.ge [sflag:s8], $0x800  }
0x11a: {  	[sflag:s8] =	ssyncset.done $0x0  }
0x11b: {  	[sflag:s8] =	ssyncadd.s32 $0xFFFFF800  }
0x11c: {  	[spmem:s19] =	stream.linear.scatter [tilespmem:s23], [sflag:$0x5], $0x800, $0x38;
	[tilespmem:$0x1F000] =	vst v63  }
0x11d: {  	_ =	swait.ge [sflag:s8], $0x800  }
0x11e: {  	[sflag:s8] =	ssyncset.done $0x0  }
0x11f: {  	[sflag:s8] =	ssyncadd.s32 $0xFFFFF800  }
0x120: {  	[spmem:s20] =	stream.linear.scatter [tilespmem:s23], [sflag:$0x5], $0x800, $0x38;
	[tilespmem:$0x1F000] =	vst v63  }
0x121: {  	_ =	swait.ge [sflag:s8], $0x800  }
0x122: {  	[sflag:s8] =	ssyncset.done $0x0  }
0x123: {  	[sflag:s8] =	ssyncadd.s32 $0xFFFFF800  }
0x124: {  	[spmem:s26] =	stream.linear.scatter [tilespmem:s23], [sflag:$0x5], $0x800, $0x38;
	[tilespmem:$0x1F000] =	vst v63  }
0x125: {  	_ =	swait.ge [sflag:s8], $0x800  }
0x126: {  	[sflag:s8] =	ssyncset.done $0x0  }
0x127: {  	[sflag:s8] =	ssyncadd.s32 $0xFFFFF800  }
0x128: {  	[spmem:s28] =	stream.linear.scatter [tilespmem:s23], [sflag:$0x5], $0x800, $0x38;
	[tilespmem:$0x1F000] =	vst v63  }
0x129: {  	_ =	swait.ge [sflag:s8], $0x800  }
0x12a: {  	[sflag:s8] =	ssyncset.done $0x0  }
0x12b: {  	[sflag:s8] =	ssyncadd.s32 $0xFFFFF800  }
0x12c: {  	[spmem:s29] =	stream.linear.scatter [tilespmem:s23], [sflag:$0x5], $0x800, $0x38;
	[tilespmem:$0x1F000] =	vst v63  }
0x12d: {  	_ =	swait.ge [sflag:s8], $0x800  }
0x12e: {  	[sflag:s8] =	ssyncset.done $0x0  }
0x12f: {  	[sflag:s8] =	ssyncadd.s32 $0xFFFFF800  }
0x130: {  	[spmem:s30] =	stream.linear.scatter [tilespmem:s23], [sflag:$0x5], $0x800, $0x38;
	[tilespmem:$0x1F000] =	vst v63  }
0x131: {  	_ =	swait.ge [sflag:s8], $0x800  }
0x132: {  	[sflag:s8] =	ssyncset.done $0x0  }
0x133: {  	[sflag:s8] =	ssyncadd.s32 $0xFFFFF800  }
0x134: {  	[spmem:s31] =	stream.linear.scatter [tilespmem:s23], [sflag:$0x5], $0x800, $0x38;
	[tilespmem:$0x1F000] =	vst v63  }
0x135: {  	_ =	swait.ge [sflag:s8], $0x800  }
0x136: {  	[sflag:s8] =	ssyncset.done $0x0  }
0x137: {  	[sflag:s8] =	ssyncadd.s32 $0xFFFFF800  }
0x138: {  	[spmem:s1] =	stream.linear.scatter [tilespmem:s23], [sflag:$0x5], $0x800, $0x38;
	[tilespmem:$0x1F000] =	vst v63  }
0x139: {  	_ =	swait.ge [sflag:s8], $0x800  }
0x13a: {  	[sflag:s8] =	ssyncset.done $0x0  }
0x13b: {  	[sflag:s8] =	ssyncadd.s32 $0xFFFFF800  }
0x13c: {  	[spmem:s0] =	stream.linear.scatter [tilespmem:s23], [sflag:$0x5], $0x800, $0x38;
	[tilespmem:$0x1F000] =	vst v63  }
0x13d: {  	_ =	swait.ge [sflag:s8], $0x800  }
0x13e: {  	[sflag:s8] =	ssyncset.done $0x0  }
0x13f: {  	[sflag:s8] =	ssyncadd.s32 $0xFFFFF800  }
0x140: {  	[spmem:s5] =	stream.linear.scatter [tilespmem:s23], [sflag:$0x5], $0x800, $0x38;
	[tilespmem:$0x1F000] =	vst v63  }
0x141: {  	_ =	swait.ge [sflag:s8], $0x800  }
0x142: {  	[sflag:s8] =	ssyncset.done $0x0  }
0x143: {  	[sflag:s8] =	ssyncadd.s32 $0xFFFFF800  }
0x144: {  	[spmem:s22] =	stream.linear.scatter [tilespmem:s23], [sflag:$0x5], $0x800, $0x38;
	[tilespmem:$0x1F000] =	vst v63  }
0x145: {  	_ =	swait.ge [sflag:s8], $0x800  }
0x146: {  	[sflag:s8] =	ssyncset.done $0x0  }
0x147: {  	s9 =	rddreg [dreg:$0xc];
	[sflag:s8] =	ssyncadd.s32 $0xFFFFF800  }
0x148: {  	[spmem:s9] =	stream.linear.scatter [tilespmem:s23], [sflag:$0x5], $0x800, $0x38;
	[tilespmem:$0x1F000] =	vst v63  }
0x149: {  	_ =	swait.ge [sflag:s8], $0x800  }
0x14a: {  	[sflag:s8] =	ssyncset.done $0x0  }
0x14b: {  	s12 =	rddreg [dreg:$0xd];
	[sflag:s8] =	ssyncadd.s32 $0xFFFFF800  }
0x14c: {  	[spmem:s12] =	stream.linear.scatter [tilespmem:s23], [sflag:$0x5], $0x800, $0x38;
	[tilespmem:$0x1F000] =	vst v63  }
0x14d: {  	_ =	swait.ge [sflag:s8], $0x800  }
0x14e: {  	[sflag:s8] =	ssyncset.done $0x0  }
0x14f: {  	s13 =	rddreg [dreg:$0xe];
	[sflag:s8] =	ssyncadd.s32 $0xFFFFF800  }
0x150: {  	[spmem:s13] =	stream.linear.scatter [tilespmem:s23], [sflag:$0x5], $0x800, $0x38;
	[tilespmem:$0x1F000] =	vst v63  }
0x151: {  	_ =	swait.ge [sflag:s8], $0x800  }
0x152: {  	[sflag:s8] =	ssyncset.done $0x0  }
0x153: {  	s14 =	rddreg [dreg:$0xf];
	[sflag:s8] =	ssyncadd.s32 $0xFFFFF800  }
0x154: {  	[spmem:s14] =	stream.linear.scatter [tilespmem:s23], [sflag:$0x5], $0x800, $0x38;
	[tilespmem:$0x1F000] =	vst v63  }
0x155: {  	_ =	swait.ge [sflag:s8], $0x800  }
0x156: {  	[sflag:s8] =	ssyncset.done $0x0  }
0x157: {  	s15 =	rddreg [dreg:$0x10];
	[sflag:s8] =	ssyncadd.s32 $0xFFFFF800  }
0x158: {  	[spmem:s15] =	stream.linear.scatter [tilespmem:s23], [sflag:$0x5], $0x800, $0x38;
	[tilespmem:$0x1F000] =	vst v63  }
0x159: {  	_ =	swait.ge [sflag:s8], $0x800  }
0x15a: {  	[sflag:s8] =	ssyncset.done $0x0  }
0x15b: {  	p1 =	slt.s32 s3, $0x1;
	s16 =	rddreg [dreg:$0x11];
	[sflag:s8] =	ssyncadd.s32 $0xFFFFF800  }
0x15c: {  	[spmem:s16] =	stream.linear.scatter [tilespmem:s23], [sflag:$0x5], $0x800, $0x38;
	[tilespmem:$0x1F000] =	vst v63  }
.Ltmp11:
0x15d: {  	_ =	swait.ge [sflag:s8], $0x800;
	(pc) =	sbr.rel @p1 .LBB2_22-.Ltmp11, $3  }
0x15e: {  	[sflag:s8] =	ssyncset.done $0x0  }
0x15f: {  	[sflag:s8] =	ssyncadd.s32 $0xFFFFF800  }
0x160: {  	[bflag:$0x0] =	sbarrier.arrive $0xFFFF;
	_ =	sdelay $0x1  }
0x161: {  	s9 =	simm.s32 $0x7800;
	p1 =	sne.s32 s3, $0x1  }
.Ltmp12:
0x162: {  	s10 =	simm.s32 $0xC800;
	s16 =	simm.s32 $0x1;
	(pc) =	sbr.rel @p1 .LBB2_17-.Ltmp12, $4  }
0x163: {  	[tilespmem:s10], [sflag:$0x1] =	stream.indirect.gather [hbm4b:s4+s24], $0x80, s9, s24, $0xb8;
	[tilespmem:$0x1F000] =	vst v63  }
0x164: {  	_ =	swait.ge [sflag:s16], $0x4000  }
0x165: {  	[sflag:s16] =	ssyncset.done $0x0  }
0x166: {  	[sflag:s16] =	ssyncadd.s32 $0xFFFFC000  }
0x167: {  	s9 =	simm.s32 $0xA000  }
0x168: {  	[spmem:s2] =	stream.indirect.scatter.add.f32 [tilespmem:s10], [sflag:$0x3], $0x80, s9, s24, $0xb8;
	[tilespmem:$0x1F000] =	vst v63  }
.LBB2_21:
0x169: {  	s3 =	sand.u32 $0x1, s3  }
0x16a: {  	p1 =	seq.s32 s3, $0x0  }
0x16b: {  	s9 =	simm.s32 @!p1 $0x3  }
0x16c: {  	_ =	swait.ge @!p1 [sflag:s9], $0x4000  }
0x16d: {  	p2 =	sne.s32 s3, $0x0;
	[sflag:s9] =	ssyncset.done @!p1 $0x0  }
0x16e: {  	s3 =	simm.s32 @!p2 $0x4;
	[sflag:s9] =	ssyncadd.s32 @!p1 $0xFFFFC000  }
0x16f: {  	_ =	swait.ge @!p2 [sflag:s3], $0x4000  }
0x170: {  	[sflag:s3] =	ssyncset.done @!p2 $0x0  }
0x171: {  	[sflag:s3] =	ssyncadd.s32 @!p2 $0xFFFFC000  }
.LBB2_22:
0x172: {  	[bflag:$0x0] =	sbarrier.arrive $0xFFFF  }
0x173: {  	s3 =	stileid.u32;
	s9 =	rddreg [dreg:$0x8]  }
0x174: {  	s3 =	sshll.u32 s3, $0x6;
	s13 =	rddreg [dreg:$0x7];
	s10 =	sshrl.u32 s9, $0x3  }
0x175: {  	s3 =	sor.u32 $0x1C05, s3;
	[dreg:$0x14] =	wrdreg s10  }
0x176: {  	[hbm:s13], [sflag:s3] =	dma.local [spmem:s10], $0x1380  }
0x177: {  	_ =	swait.ge [sflag:s8], $0x1380  }
0x178: {  	s9 =	rddreg [dreg:$0x12]  }
0x179: {  	[sflag:s8] =	ssyncset.done $0x0;
	s10 =	rddreg [dreg:$0x9];
	s9 =	sshrl.u32 @!p0 s9, $0x3  }
0x17a: {  	[sflag:s8] =	ssyncadd.s32 $0xFFFFEC80;
	[dreg:$0x15] =	wrdreg s9  }
0x17b: {  	[hbm:s10], [sflag:s3] =	dma.local @!p0 [spmem:s9], $0x80  }
0x17c: {  	s10 =	simm.s32 @!p0 $0x5  }
0x17d: {  	_ =	swait.ge @!p0 [sflag:s10], $0x80  }
0x17e: {  	[sflag:s10] =	ssyncset.done @!p0 $0x0  }
0x17f: {  	[sflag:s10] =	ssyncadd.s32 @!p0 $0xFFFFFF80  }
0x180: {  	s14 =	simm.s32 $0x0;
	[bflag:$0x0] =	sbarrier.arrive $0xFFFF  }
0x181: {  	v4 =	vld [tilespmem:s14+$0x5000];
	_ =	sdelay $0x3  }
0x182: {  	v5 =	vld [tilespmem:s14+$0x2800]  }
0x183: {  	v4 =	vadd.s32 $0xFFFFEC78, v4  }
0x184: {  	v6 =	vld [tilespmem:s14+$0x0];
	vm0 =	vlt.u32 v4, $0x1388  }
0x185: {  	v7 =	vmpcnt.ones.xlane vm0;
	_ =	sdelay $0x1  }
0x186: {  	v5 =	vmul.u32 $0x2710, v5;
	(v2sf) =	vpush v7, $0x0;
	_ =	sdelay $0x1  }
0x187: {  	v5 =	vadd.s32 v6, v5  }
0x188: {  	v5 =	vshll.u32 v5, $0xD  }
0x189: {  	s11 =	simm.s32 $0x0;
	v4 =	vadd.s32 v4, v5  }
0x18a: {  	[tilespmem:s11+$0x7800] =	vst.msk vm0, v4  }
0x18b: {  	v4 =	vld [tilespmem:s14+$0x5010];
	_ =	sdelay $0x3  }
0x18c: {  	v5 =	vld [tilespmem:s14+$0x2810]  }
0x18d: {  	v4 =	vadd.s32 $0xFFFFEC78, v4  }
0x18e: {  	v6 =	vld [tilespmem:s14+$0x10];
	vm0 =	vlt.u32 v4, $0x1388  }
0x18f: {  	v7 =	vmpcnt.ones.xlane vm0;
	_ =	sdelay $0x1  }
0x190: {  	v5 =	vmul.u32 $0x2710, v5;
	s15 =	spop (v2sf);
	(v2sf) =	vpush v7, $0x0;
	_ =	sdelay $0x1  }
0x191: {  	v5 =	vadd.s32 v6, v5  }
0x192: {  	v5 =	vshll.u32 v5, $0xD  }
0x193: {  	v4 =	vadd.s32 v4, v5;
	s11 =	sadd.s32 $0x0, s15  }
0x194: {  	[tilespmem:s11+$0x7800] =	vst.msk vm0, v4  }
0x195: {  	v4 =	vld [tilespmem:s14+$0x5020]  }
0x196: {  	v5 =	vld [tilespmem:s14+$0x2820];
	_ =	sdelay $0x1  }
0x197: {  	v6 =	vld [tilespmem:s14+$0x20];
	_ =	sdelay $0x2  }
0x198: {  	v4 =	vadd.s32 $0xFFFFEC78, v4;
	v5 =	vmul.u32 $0x2710, v5  }
0x199: {  	vm0 =	vlt.u32 v4, $0x1388  }
0x19a: {  	v7 =	vmpcnt.ones.xlane vm0;
	v5 =	vadd.s32 v6, v5  }
0x19b: {  	v5 =	vshll.u32 v5, $0xD;
	s12 =	spop (v2sf)  }
0x19c: {  	(v2sf) =	vpush v7, $0x0;
	v4 =	vadd.s32 v4, v5;
	s11 =	sadd.s32 s11, s12  }
0x19d: {  	[tilespmem:s11+$0x7800] =	vst.msk vm0, v4  }
0x19e: {  	v4 =	vld [tilespmem:s14+$0x2830]  }
0x19f: {  	v5 =	vld [tilespmem:s14+$0x30]  }
0x1a0: {  	v6 =	vld [tilespmem:s14+$0x5030];
	_ =	sdelay $0x2  }
0x1a1: {  	v4 =	vmul.u32 $0x2710, v4;
	_ =	sdelay $0x1  }
0x1a2: {  	v4 =	vadd.s32 v5, v4;
	v5 =	vadd.s32 $0xFFFFEC78, v6  }
0x1a3: {  	vm0 =	vlt.u32 v5, $0x1388  }
0x1a4: {  	v7 =	vmpcnt.ones.xlane vm0;
	_ =	sdelay $0x1  }
0x1a5: {  	(v2sf) =	vpush v7, $0x0;
	_ =	sdelay $0x1  }
0x1a6: {  	v4 =	vshll.u32 v4, $0xD;
	s16 =	spop (v2sf)  }
0x1a7: {  	v4 =	vadd.s32 v5, v4;
	s13 =	sadd.s32 s11, s16  }
0x1a8: {  	s10 =	simm.s32 $0x40;
	[tilespmem:s13+$0x7800] =	vst.msk vm0, v4  }
0x1a9: {  	v4 =	vld [tilespmem:s10+$0x5000]  }
0x1aa: {  	v5 =	vld [tilespmem:s10+$0x2800];
	_ =	sdelay $0x1  }
0x1ab: {  	v6 =	vld [tilespmem:s10+$0x0];
	_ =	sdelay $0x2  }
0x1ac: {  	v4 =	vadd.s32 $0xFFFFEC78, v4;
	v8 =	vmul.u32 $0x2710, v5  }
0x1ad: {  	vm0 =	vlt.u32 v4, $0x1388  }
0x1ae: {  	s11 =	simm.s32 $0x200;
	v5 =	vmpcnt.ones.xlane vm0;
	v6 =	vadd.s32 v6, v8  }
.LBB2_23:
0x1af: {  	p1 =	sne.s32 s11, $0x9D00  }
0x1b0: {  	v6 =	vshll.u32 v6, $0xD;
	(v2sf) =	vpush v5, $0x0;
	s14 =	spop (v2sf);
	s12 =	smov.u32 s11;
	s11 =	sadd.s32 $0x100, s11  }
0x1b1: {  	v4 =	vadd.s32 v4, v6;
	s13 =	sadd.s32 s13, s14  }
0x1b2: {  	[tilespmem:s13+$0x7800] =	vst.msk vm0, v4  }
0x1b3: {  	v4 =	vld [tilespmem:s10+$0x5010];
	_ =	sdelay $0x3  }
0x1b4: {  	v5 =	vld [tilespmem:s10+$0x2810]  }
0x1b5: {  	v4 =	vadd.s32 $0xFFFFEC78, v4  }
0x1b6: {  	v6 =	vld [tilespmem:s10+$0x10];
	vm0 =	vlt.u32 v4, $0x1388  }
0x1b7: {  	v7 =	vmpcnt.ones.xlane vm0;
	_ =	sdelay $0x1  }
0x1b8: {  	v5 =	vmul.u32 $0x2710, v5;
	(v2sf) =	vpush v7, $0x0;
	_ =	sdelay $0x1  }
0x1b9: {  	v5 =	vadd.s32 v6, v5  }
0x1ba: {  	v5 =	vshll.u32 v5, $0xD;
	s14 =	spop (v2sf)  }
0x1bb: {  	s13 =	sadd.s32 s13, s14;
	v4 =	vadd.s32 v4, v5  }
0x1bc: {  	[tilespmem:s13+$0x7800] =	vst.msk vm0, v4  }
0x1bd: {  	v4 =	vld [tilespmem:s10+$0x5020]  }
0x1be: {  	v5 =	vld [tilespmem:s10+$0x2820];
	_ =	sdelay $0x1  }
0x1bf: {  	v6 =	vld [tilespmem:s10+$0x20];
	_ =	sdelay $0x1  }
0x1c0: {  	v4 =	vadd.s32 $0xFFFFEC78, v4  }
0x1c1: {  	vm0 =	vlt.u32 v4, $0x1388;
	v5 =	vmul.u32 $0x2710, v5  }
0x1c2: {  	v7 =	vmpcnt.ones.xlane vm0  }
0x1c3: {  	v5 =	vadd.s32 v6, v5  }
0x1c4: {  	v5 =	vshll.u32 v5, $0xD;
	s14 =	spop (v2sf);
	(v2sf) =	vpush v7, $0x0  }
0x1c5: {  	s13 =	sadd.s32 s13, s14;
	v4 =	vadd.s32 v4, v5  }
0x1c6: {  	[tilespmem:s13+$0x7800] =	vst.msk vm0, v4  }
0x1c7: {  	v4 =	vld [tilespmem:s10+$0x5030]  }
0x1c8: {  	v5 =	vld [tilespmem:s10+$0x2830]  }
0x1c9: {  	v6 =	vld [tilespmem:s10+$0x30];
	_ =	sdelay $0x2  }
0x1ca: {  	v4 =	vadd.s32 $0xFFFFEC78, v4  }
0x1cb: {  	vm0 =	vlt.u32 v4, $0x1388;
	v5 =	vmul.u32 $0x2710, v5  }
0x1cc: {  	v7 =	vmpcnt.ones.xlane vm0  }
0x1cd: {  	v5 =	vadd.s32 v6, v5  }
0x1ce: {  	v5 =	vshll.u32 v5, $0xD;
	(v2sf) =	vpush v7, $0x0  }
0x1cf: {  	v4 =	vadd.s32 v4, v5;
	_ =	sdelay $0x1  }
0x1d0: {  	s10 =	spop (v2sf)  }
0x1d1: {  	s13 =	sadd.s32 s13, s10  }
0x1d2: {  	s10 =	sshra.s32 s12, $0x2;
	[tilespmem:s13+$0x7800] =	vst.msk vm0, v4  }
0x1d3: {  	v4 =	vld [tilespmem:s10+$0x5000]  }
0x1d4: {  	v5 =	vld [tilespmem:s10+$0x2800];
	_ =	sdelay $0x1  }
0x1d5: {  	v6 =	vld [tilespmem:s10+$0x0]  }
.Ltmp13:
0x1d6: {  	(pc) =	sbr.rel @p1 .LBB2_23-.Ltmp13, $4  }
0x1d7: {  	v4 =	vadd.s32 $0xFFFFEC78, v4  }
0x1d8: {  	vm0 =	vlt.u32 v4, $0x1388;
	v7 =	vmul.u32 $0x2710, v5  }
0x1d9: {  	v5 =	vmpcnt.ones.xlane vm0  }
0x1da: {  	v6 =	vadd.s32 v6, v7  }
0x1db: {  	v6 =	vshll.u32 v6, $0xD;
	s11 =	spop (v2sf)  }
0x1dc: {  	(v2sf) =	vpush v5, $0x0;
	v4 =	vadd.s32 v4, v6;
	s11 =	sadd.s32 s13, s11  }
0x1dd: {  	[tilespmem:s11+$0x7800] =	vst.msk vm0, v4  }
0x1de: {  	v4 =	vld [tilespmem:s10+$0x5010];
	_ =	sdelay $0x4  }
0x1df: {  	v5 =	vld [tilespmem:s10+$0x2810];
	v4 =	vadd.s32 $0xFFFFEC78, v4  }
0x1e0: {  	vm12 =	vlt.u32 v4, $0x1388  }
0x1e1: {  	v60 =	vld [tilespmem:s10+$0x10];
	v7 =	vmpcnt.ones.xlane vm12;
	_ =	sdelay $0x1  }
0x1e2: {  	(v2sf) =	vpush v7, $0x0  }
0x1e3: {  	v5 =	vmul.u32 $0x2710, v5;
	_ =	sdelay $0x1  }
0x1e4: {  	v5 =	vadd.s32 v60, v5  }
0x1e5: {  	v5 =	vshll.u32 v5, $0xD;
	s12 =	spop (v2sf)  }
0x1e6: {  	v4 =	vadd.s32 v4, v5;
	s11 =	sadd.s32 s11, s12  }
0x1e7: {  	[tilespmem:s11+$0x7800] =	vst.msk vm12, v4  }
0x1e8: {  	v4 =	vld [tilespmem:s10+$0x2820];
	_ =	sdelay $0x1  }
0x1e9: {  	v5 =	vld [tilespmem:s10+$0x20]  }
0x1ea: {  	v61 =	vld [tilespmem:s10+$0x5020];
	_ =	sdelay $0x1  }
0x1eb: {  	v4 =	vmul.u32 $0x2710, v4;
	_ =	sdelay $0x1  }
0x1ec: {  	v4 =	vadd.s32 v5, v4  }
0x1ed: {  	v5 =	vadd.s32 $0xFFFFEC78, v61;
	v4 =	vshll.u32 v4, $0xD;
	s9 =	spop (v2sf)  }
0x1ee: {  	vm13 =	vlt.u32 v5, $0x1388;
	v4 =	vadd.s32 v5, v4;
	s11 =	sadd.s32 s11, s9  }
0x1ef: {  	[tilespmem:s11+$0x7800] =	vst.msk vm13, v4  }
0x1f0: {  	v4 =	vld [tilespmem:s10+$0x5030];
	_ =	sdelay $0x4  }
0x1f1: {  	v4 =	vadd.s32 $0xFFFFEC78, v4  }
0x1f2: {  	v5 =	vmpcnt.ones.xlane vm13;
	vm14 =	vlt.u32 v4, $0x1388  }
0x1f3: {  	v62 =	vmpcnt.ones.xlane vm14  }
0x1f4: {  	(v2sf) =	vpush v5, $0x0  }
0x1f5: {  	(v2sf) =	vpush v62, $0x0;
	_ =	sdelay $0xb  }
0x1f6: {  	v5 =	vld [tilespmem:s10+$0x2830];
	_ =	sdelay $0x1  }
0x1f7: {  	v63 =	vld [tilespmem:s10+$0x30];
	s13 =	spop (v2sf)  }
0x1f8: {  	s10 =	sadd.s32 s11, s13;
	s14 =	spop (v2sf)  }
0x1f9: {  	s13 =	simm.s32 $0x1;
	s12 =	sadd.s32 s10, s14  }
0x1fa: {  	v5 =	vmul.u32 $0x2710, v5;
	s11 =	sand.u32 $0xF, s12;
	s15 =	sshra.s32 s12, $0x1F;
	p1 =	slt.s32 s12, $0x1  }
0x1fb: {  	s14 =	sadd.s32 $0x7F, s12;
	p2 =	sne.s32 s11, $0x0;
	s16 =	sshrl.u32 s15, $0x1C  }
0x1fc: {  	v5 =	vadd.s32 v63, v5;
	s15 =	sshra.s32 s14, $0x1F;
	s9 =	sand.u32 $0x7F, s14;
	p5 =	slt.s32 s14, $0x1  }
0x1fd: {  	v5 =	vshll.u32 v5, $0xD;
	p1 =	por !p1, !p2;
	s11 =	sadd.s32 s16, s12;
	p6 =	sne.s32 s9, $0x0  }
0x1fe: {  	v4 =	vadd.s32 v4, v5;
	s15 =	sshrl.u32 s15, $0x19;
	p1 =	por !p1, !p1;
	s11 =	sshra.s32 s11, $0x4  }
0x1ff: {  	[tilespmem:s10+$0x7800] =	vst.msk vm14, v4;
	s10 =	sadd.s32 s15, s14;
	s13 =	simm.s32 @!p1 $0x0;
	p1 =	por !p5, !p6  }
0x200: {  	s11 =	ssub.s32 s11, s13;
	p1 =	por !p1, !p1;
	s13 =	simm.s32 $0x1  }
0x201: {  	s10 =	sshra.s32 s10, $0x7;
	s16 =	sshll.u32 s11, $0x4;
	s13 =	simm.s32 @!p1 $0x0  }
0x202: {  	s10 =	ssub.s32 s10, s13;
	v5 =	vor.u32 s16, v1  }
0x203: {  	v4 =	vld [tilespmem:s16+$0x7800];
	s13 =	sadd.s32 $0x1, s11;
	vm15 =	vlt.s32 v5, s12;
	s12 =	sshll.u32 s10, $0x3  }
0x204: {  	p1 =	sge.s32 s13, s12  }
.Ltmp14:
0x205: {  	_ = 	snop;
	(pc) =	sbr.rel @p1 .LBB2_27-.Ltmp14, $3  }
0x206: {  	_ =	sdelay $0x1  }
0x207: {  	v4 =	vnsel vm15, $0x1388, v4  }
0x208: {  	[tilespmem:s16+$0x7800] =	vst v4  }
0x209: {  	s13 =	sadd.s32 $0x1, s13  }
0x20a: {  	p1 =	slt.s32 s13, s12  }
.Ltmp15:
0x20b: {  	_ = 	snop;
	(pc) =	sbr.rel @!p1 .LBB2_27-.Ltmp15, $4  }
0x20c: {  	s11 =	sshll.u32 s11, $0x6  }
0x20d: {  	s11 =	sshra.s32 s11, $0x2  }
0x20e: {  	s11 =	sadd.s32 $0x7810, s11  }
0x20f: {  	[tilespmem:s11+$0x0] =	vst v2  }
.LBB2_26:
0x210: {  	s13 =	sadd.s32 $0x1, s13  }
0x211: {  	p1 =	slt.s32 s13, s12  }
.Ltmp16:
0x212: {  	_ = 	snop;
	(pc) =	sbr.rel @p1 .LBB2_26-.Ltmp16, $3  }
0x213: {  	_ =	sdelay $0x1  }
0x214: {  	s11 =	sadd.s32 $0x10, s11  }
0x215: {  	[tilespmem:s11+$0x0] =	vst v2  }
.LBB2_27:
0x216: {  	p1 =	sgt.s32 s10, $0x0  }
.Ltmp17:
0x217: {  	_ = 	snop;
	(pc) =	sbr.rel @!p1 .LBB2_34-.Ltmp17, $2  }
0x218: {  	_ =	sdelay $0x2  }
0x219: {  	s11 =	simm.s32 $0x0  }
0x21a: {  	p2 =	sne.s32 s12, $0x1  }
.Ltmp18:
0x21b: {  	_ = 	snop;
	(pc) =	sbr.rel @!p2 .LBB2_33-.Ltmp18, $3  }
0x21c: {  	_ =	sdelay $0x1  }
0x21d: {  	s15 =	sadd.s32 $0xFFFFFFFF, s12  }
0x21e: {  	p1 =	por $0x0, $0x0;
	s13 =	simm.s32 $0x0;
	s14 =	simm.s32 $0x0  }
0x21f: {  	s12 =	sshra.s32 s11, $0x2  }
0x220: {  	v4 =	vld [tilespmem:s12+$0x7800];
	_ =	sdelay $0x4  }
0x221: {  	v5 =	vshra.s32 v4, $0x1F  }
0x222: {  	s9 =	smov.u32 s22;
	s22 =	smov.u32 s5;
	v5 =	vshrl.u32 v5, $0x13  }
0x223: {  	s5 =	smov.u32 s6;
	s6 =	smov.u32 s0;
	s0 =	smov.u32 s1;
	v5 =	vadd.s32 v5, v4  }
0x224: {  	s1 =	smov.u32 s31;
	s31 =	smov.u32 s30;
	p2 =	sne.s32 s15, $0x1;
	v5 =	vshra.s32 v5, $0xD  }
.Ltmp19:
0x225: {  	s30 =	smov.u32 s29;
	s29 =	smov.u32 s28;
	v6 =	vshll.u32 v5, $0xD;
	(pc) =	sbr.rel @!p2 .LBB2_30-.Ltmp19, $4  }
0x226: {  	s28 =	smov.u32 s20;
	s20 =	smov.u32 s19;
	s13 =	sand.u32 $0xFFFFFE00, s11;
	vm1 =	vlt.s32 v4, $0x1;
	vm0 =	vne.s32 v4, v6  }
0x227: {  	s19 =	smov.u32 s18;
	s14 =	sand.u32 $0x70, s11;
	s13 =	sshra.s32 s13, $0x2;
	vm0 =	vmand vm1, vm0  }
0x228: {  	s18 =	smov.u32 s17;
	s15 =	sadd.s32 $0xFFFFFFFF, s15;
	s13 =	sor.u32 s14, s13;
	v4 =	vand.u32 $0x1FFF, v4;
	v6 =	vsel vm0, $0xFFFFFFFF, v3  }
0x229: {  	p1 =	por $0x1, $0x1;
	s14 =	simm.s32 $0x0;
	[tilespmem:s13+$0xA000] =	vst v4;
	s13 =	sadd.s32 $0x40, s11;
	v4 =	vadd.s32 v6, v5  }
.LBB2_31:
0x22a: {  	p2 =	sne.s32 s15, $0x1;
	[tilespmem:s12+$0x7800] =	vst v4;
	s12 =	sshra.s32 s13, $0x2;
	s14 =	sadd.s32 $0x10, s14  }
0x22b: {  	s15 =	sadd.s32 $0xFFFFFFFF, s15;
	v4 =	vld [tilespmem:s12+$0x7800];
	_ =	sdelay $0x2  }
0x22c: {  	s16 =	sand.u32 $0xFFFFFE00, s13  }
0x22d: {  	s17 =	sand.u32 $0x70, s14;
	s16 =	sshra.s32 s16, $0x2  }
0x22e: {  	s16 =	sor.u32 s17, s16;
	v5 =	vshra.s32 v4, $0x1F;
	v6 =	vand.u32 $0x1FFF, v4  }
0x22f: {  	v5 =	vshrl.u32 v5, $0x13;
	[tilespmem:s16+$0xA000] =	vst v6  }
0x230: {  	v5 =	vadd.s32 v5, v4  }
0x231: {  	v5 =	vshra.s32 v5, $0xD  }
.Ltmp20:
0x232: {  	v6 =	vshll.u32 v5, $0xD;
	(pc) =	sbr.rel @p2 .LBB2_31-.Ltmp20, $4  }
0x233: {  	vm1 =	vlt.s32 v4, $0x1;
	vm0 =	vne.s32 v4, v6  }
0x234: {  	vm0 =	vmand vm1, vm0  }
0x235: {  	v4 =	vsel vm0, $0xFFFFFFFF, v3  }
0x236: {  	s13 =	sadd.s32 $0x40, s13;
	v4 =	vadd.s32 v4, v5  }
0x237: {  	s17 =	smov.u32 s18  }
0x238: {  	s18 =	smov.u32 s19;
	s19 =	smov.u32 s20;
	s20 =	smov.u32 s28  }
0x239: {  	s28 =	smov.u32 s29;
	s29 =	smov.u32 s30;
	s30 =	smov.u32 s31  }
0x23a: {  	s31 =	smov.u32 s1;
	s1 =	smov.u32 s0;
	s0 =	smov.u32 s6  }
0x23b: {  	s6 =	smov.u32 s5;
	s5 =	smov.u32 s22;
	s22 =	smov.u32 s9  }
.LBB2_33:
0x23c: {  	s15 =	sshra.s32 s13, $0x2;
	[tilespmem:s12+$0x7800] =	vst @p1 v4  }
0x23d: {  	v4 =	vld [tilespmem:s15+$0x7800];
	_ =	sdelay $0x4  }
0x23e: {  	v5 =	vshra.s32 v4, $0x1F  }
0x23f: {  	v5 =	vshrl.u32 v5, $0x13  }
0x240: {  	v5 =	vadd.s32 v5, v4  }
0x241: {  	v5 =	vshra.s32 v5, $0xD  }
0x242: {  	s12 =	sadd.s32 @p1 $0x10, s14;
	v6 =	vshll.u32 v5, $0xD  }
0x243: {  	s14 =	sand.u32 $0xFFFFFE00, s13;
	s11 =	smov.u32 @p1 s12;
	vm1 =	vlt.s32 v4, $0x1;
	vm0 =	vne.s32 v4, v6  }
0x244: {  	s16 =	sshra.s32 s14, $0x2;
	s11 =	sand.u32 $0x70, s11;
	vm0 =	vmand vm1, vm0  }
0x245: {  	s11 =	sor.u32 s11, s16;
	v4 =	vand.u32 $0x1FFF, v4;
	v63 =	vsel vm0, $0xFFFFFFFF, v3  }
0x246: {  	[tilespmem:s11+$0xA000] =	vst v4;
	v4 =	vadd.s32 v63, v5  }
0x247: {  	[tilespmem:s15+$0x7800] =	vst v4  }
.LBB2_34:
0x248: {  	[spmem:s6] =	stream.linear.scatter [tilespmem:s23], [sflag:$0x5], $0x800, $0x38;
	[tilespmem:$0x1F000] =	vst v63  }
0x249: {  	_ =	swait.ge [sflag:s8], $0x800  }
0x24a: {  	[sflag:s8] =	ssyncset.done $0x0  }
0x24b: {  	[sflag:s8] =	ssyncadd.s32 $0xFFFFF800  }
0x24c: {  	[spmem:s17] =	stream.linear.scatter [tilespmem:s23], [sflag:$0x5], $0x800, $0x38;
	[tilespmem:$0x1F000] =	vst v63  }
0x24d: {  	_ =	swait.ge [sflag:s8], $0x800  }
0x24e: {  	[sflag:s8] =	ssyncset.done $0x0  }
0x24f: {  	[sflag:s8] =	ssyncadd.s32 $0xFFFFF800  }
0x250: {  	[spmem:s18] =	stream.linear.scatter [tilespmem:s23], [sflag:$0x5], $0x800, $0x38;
	[tilespmem:$0x1F000] =	vst v63  }
0x251: {  	_ =	swait.ge [sflag:s8], $0x800  }
0x252: {  	[sflag:s8] =	ssyncset.done $0x0  }
0x253: {  	[sflag:s8] =	ssyncadd.s32 $0xFFFFF800  }
0x254: {  	[spmem:s19] =	stream.linear.scatter [tilespmem:s23], [sflag:$0x5], $0x800, $0x38;
	[tilespmem:$0x1F000] =	vst v63  }
0x255: {  	_ =	swait.ge [sflag:s8], $0x800  }
0x256: {  	[sflag:s8] =	ssyncset.done $0x0  }
0x257: {  	[sflag:s8] =	ssyncadd.s32 $0xFFFFF800  }
0x258: {  	[spmem:s20] =	stream.linear.scatter [tilespmem:s23], [sflag:$0x5], $0x800, $0x38;
	[tilespmem:$0x1F000] =	vst v63  }
0x259: {  	_ =	swait.ge [sflag:s8], $0x800  }
0x25a: {  	[sflag:s8] =	ssyncset.done $0x0  }
0x25b: {  	[sflag:s8] =	ssyncadd.s32 $0xFFFFF800  }
0x25c: {  	[spmem:s26] =	stream.linear.scatter [tilespmem:s23], [sflag:$0x5], $0x800, $0x38;
	[tilespmem:$0x1F000] =	vst v63  }
0x25d: {  	_ =	swait.ge [sflag:s8], $0x800  }
0x25e: {  	[sflag:s8] =	ssyncset.done $0x0  }
0x25f: {  	[sflag:s8] =	ssyncadd.s32 $0xFFFFF800  }
0x260: {  	[spmem:s28] =	stream.linear.scatter [tilespmem:s23], [sflag:$0x5], $0x800, $0x38;
	[tilespmem:$0x1F000] =	vst v63  }
0x261: {  	_ =	swait.ge [sflag:s8], $0x800  }
0x262: {  	[sflag:s8] =	ssyncset.done $0x0  }
0x263: {  	[sflag:s8] =	ssyncadd.s32 $0xFFFFF800  }
0x264: {  	[spmem:s29] =	stream.linear.scatter [tilespmem:s23], [sflag:$0x5], $0x800, $0x38;
	[tilespmem:$0x1F000] =	vst v63  }
0x265: {  	_ =	swait.ge [sflag:s8], $0x800  }
0x266: {  	[sflag:s8] =	ssyncset.done $0x0  }
0x267: {  	[sflag:s8] =	ssyncadd.s32 $0xFFFFF800  }
0x268: {  	[spmem:s30] =	stream.linear.scatter [tilespmem:s23], [sflag:$0x5], $0x800, $0x38;
	[tilespmem:$0x1F000] =	vst v63  }
0x269: {  	_ =	swait.ge [sflag:s8], $0x800  }
0x26a: {  	[sflag:s8] =	ssyncset.done $0x0  }
0x26b: {  	[sflag:s8] =	ssyncadd.s32 $0xFFFFF800  }
0x26c: {  	[spmem:s31] =	stream.linear.scatter [tilespmem:s23], [sflag:$0x5], $0x800, $0x38;
	[tilespmem:$0x1F000] =	vst v63  }
0x26d: {  	_ =	swait.ge [sflag:s8], $0x800  }
0x26e: {  	[sflag:s8] =	ssyncset.done $0x0  }
0x26f: {  	[sflag:s8] =	ssyncadd.s32 $0xFFFFF800  }
0x270: {  	[spmem:s1] =	stream.linear.scatter [tilespmem:s23], [sflag:$0x5], $0x800, $0x38;
	[tilespmem:$0x1F000] =	vst v63  }
0x271: {  	_ =	swait.ge [sflag:s8], $0x800  }
0x272: {  	[sflag:s8] =	ssyncset.done $0x0  }
0x273: {  	[sflag:s8] =	ssyncadd.s32 $0xFFFFF800  }
0x274: {  	[spmem:s0] =	stream.linear.scatter [tilespmem:s23], [sflag:$0x5], $0x800, $0x38;
	[tilespmem:$0x1F000] =	vst v63  }
0x275: {  	_ =	swait.ge [sflag:s8], $0x800  }
0x276: {  	[sflag:s8] =	ssyncset.done $0x0  }
0x277: {  	[sflag:s8] =	ssyncadd.s32 $0xFFFFF800  }
0x278: {  	[spmem:s5] =	stream.linear.scatter [tilespmem:s23], [sflag:$0x5], $0x800, $0x38;
	[tilespmem:$0x1F000] =	vst v63  }
0x279: {  	_ =	swait.ge [sflag:s8], $0x800  }
0x27a: {  	[sflag:s8] =	ssyncset.done $0x0  }
0x27b: {  	[sflag:s8] =	ssyncadd.s32 $0xFFFFF800  }
0x27c: {  	[spmem:s22] =	stream.linear.scatter [tilespmem:s23], [sflag:$0x5], $0x800, $0x38;
	[tilespmem:$0x1F000] =	vst v63  }
0x27d: {  	_ =	swait.ge [sflag:s8], $0x800  }
0x27e: {  	[sflag:s8] =	ssyncset.done $0x0  }
0x27f: {  	s9 =	rddreg [dreg:$0xc];
	[sflag:s8] =	ssyncadd.s32 $0xFFFFF800  }
0x280: {  	[spmem:s9] =	stream.linear.scatter [tilespmem:s23], [sflag:$0x5], $0x800, $0x38;
	[tilespmem:$0x1F000] =	vst v63  }
0x281: {  	_ =	swait.ge [sflag:s8], $0x800  }
0x282: {  	[sflag:s8] =	ssyncset.done $0x0  }
0x283: {  	s12 =	rddreg [dreg:$0xd];
	[sflag:s8] =	ssyncadd.s32 $0xFFFFF800  }
0x284: {  	[spmem:s12] =	stream.linear.scatter [tilespmem:s23], [sflag:$0x5], $0x800, $0x38;
	[tilespmem:$0x1F000] =	vst v63  }
0x285: {  	_ =	swait.ge [sflag:s8], $0x800  }
0x286: {  	[sflag:s8] =	ssyncset.done $0x0  }
0x287: {  	s13 =	rddreg [dreg:$0xe];
	[sflag:s8] =	ssyncadd.s32 $0xFFFFF800  }
0x288: {  	[spmem:s13] =	stream.linear.scatter [tilespmem:s23], [sflag:$0x5], $0x800, $0x38;
	[tilespmem:$0x1F000] =	vst v63  }
0x289: {  	_ =	swait.ge [sflag:s8], $0x800  }
0x28a: {  	[sflag:s8] =	ssyncset.done $0x0  }
0x28b: {  	s14 =	rddreg [dreg:$0xf];
	[sflag:s8] =	ssyncadd.s32 $0xFFFFF800  }
0x28c: {  	[spmem:s14] =	stream.linear.scatter [tilespmem:s23], [sflag:$0x5], $0x800, $0x38;
	[tilespmem:$0x1F000] =	vst v63  }
0x28d: {  	_ =	swait.ge [sflag:s8], $0x800  }
0x28e: {  	[sflag:s8] =	ssyncset.done $0x0  }
0x28f: {  	s15 =	rddreg [dreg:$0x10];
	[sflag:s8] =	ssyncadd.s32 $0xFFFFF800  }
0x290: {  	[spmem:s15] =	stream.linear.scatter [tilespmem:s23], [sflag:$0x5], $0x800, $0x38;
	[tilespmem:$0x1F000] =	vst v63  }
0x291: {  	_ =	swait.ge [sflag:s8], $0x800  }
0x292: {  	[sflag:s8] =	ssyncset.done $0x0  }
0x293: {  	p1 =	slt.s32 s10, $0x1;
	s16 =	rddreg [dreg:$0x11];
	[sflag:s8] =	ssyncadd.s32 $0xFFFFF800  }
0x294: {  	[spmem:s16] =	stream.linear.scatter [tilespmem:s23], [sflag:$0x5], $0x800, $0x38;
	[tilespmem:$0x1F000] =	vst v63  }
.Ltmp21:
0x295: {  	_ =	swait.ge [sflag:s8], $0x800;
	(pc) =	sbr.rel @p1 .LBB2_42-.Ltmp21, $3  }
0x296: {  	[sflag:s8] =	ssyncset.done $0x0  }
0x297: {  	[sflag:s8] =	ssyncadd.s32 $0xFFFFF800  }
0x298: {  	[bflag:$0x0] =	sbarrier.arrive $0xFFFF;
	_ =	sdelay $0x1  }
0x299: {  	s9 =	simm.s32 $0x7800;
	p1 =	sne.s32 s10, $0x1  }
.Ltmp22:
0x29a: {  	s11 =	simm.s32 $0xC800;
	s16 =	simm.s32 $0x1;
	(pc) =	sbr.rel @!p1 .LBB2_36-.Ltmp22, $4  }
0x29b: {  	[tilespmem:s11], [sflag:$0x1] =	stream.indirect.gather [hbm4b:s4+s24], $0x80, s9, s24, $0xb8;
	[tilespmem:$0x1F000] =	vst v63  }
0x29c: {  	_ =	swait.ge [sflag:s16], $0x4000  }
0x29d: {  	[sflag:s16] =	ssyncset.done $0x0  }
0x29e: {  	[sflag:s16] =	ssyncadd.s32 $0xFFFFC000  }
.Ltmp23:
0x29f: {  	s9 =	simm.s32 $0x7880;
	s12 =	simm.s32 $0x10800;
	(pc) =	sbr.rel .LBB2_38-.Ltmp23, $4  }
0x2a0: {  	[tilespmem:s12], [sflag:$0x2] =	stream.indirect.gather [hbm4b:s4+s24], $0x80, s9, s24, $0xb8;
	[tilespmem:$0x1F000] =	vst v63  }
0x2a1: {  	s16 =	simm.s32 $0xA000  }
0x2a2: {  	[spmem:s2] =	stream.indirect.scatter.add.f32 [tilespmem:s11], [sflag:$0x3], $0x80, s16, s24, $0xb8;
	[tilespmem:$0x1F000] =	vst v63  }
0x2a3: {  	s11 =	simm.s32 $0x1  }
.LBB2_40:
0x2a4: {  	p1 =	sne.s32 s12, s10  }
.Ltmp24:
0x2a5: {  	_ = 	snop;
	(pc) =	sbr.rel @!p1 .LBB2_41-.Ltmp24, $2  }
0x2a6: {  	_ =	sdelay $0x2  }
0x2a7: {  	s11 =	smov.u32 s12  }
.LBB2_38:
0x2a8: {  	s13 =	sand.u32 $0x1, s11  }
0x2a9: {  	p1 =	seq.s32 s13, $0x1  }
0x2aa: {  	s14 =	simm.s32 @!p1 $0x1  }
0x2ab: {  	_ =	swait.ge @!p1 [sflag:s14], $0x4000  }
0x2ac: {  	s12 =	sor.u32 @!p1 $0x1, s11;
	[sflag:s14] =	ssyncset.done @!p1 $0x0  }
0x2ad: {  	p2 =	sge.s32 @!p1 s12, s10;
	[sflag:s14] =	ssyncadd.s32 @!p1 $0xFFFFC000;
	s14 =	simm.s32 @!p1 $0x4  }
0x2ae: {  	p2 =	por p2, p1;
	_ =	swait.ge @!p1 [sflag:s14], $0x4000  }
0x2af: {  	s15 =	sshll.u32 @!p2 s12, $0x9;
	[sflag:s14] =	ssyncset.done @!p1 $0x0  }
0x2b0: {  	[sflag:s14] =	ssyncadd.s32 @!p1 $0xFFFFC000;
	s14 =	sshra.s32 @!p2 s15, $0x2  }
0x2b1: {  	s16 =	simm.s32 @!p2 $0x10800;
	s15 =	simm.s32 @!p2 $0x80;
	s14 =	sadd.s32 @!p2 $0x7800, s14  }
0x2b2: {  	[tilespmem:s16], [sflag:$0x2] =	stream.indirect.gather @!p2 [hbm4b:s4+s15], $0x80, s14, s15, $0xb8;
	[tilespmem:$0x1F000] =	vst v63  }
0x2b3: {  	s14 =	sshll.u32 @!p1 s11, $0x9  }
0x2b4: {  	s15 =	simm.s32 @!p1 $0x80;
	s14 =	sshra.s32 @!p1 s14, $0x2  }
0x2b5: {  	s16 =	simm.s32 @!p1 $0xC800;
	p2 =	seq.s32 @!p1 s13, $0x0;
	s14 =	sadd.s32 @!p1 $0xA000, s14  }
0x2b6: {  	[spmem:s2] =	stream.indirect.scatter.add.f32 @!p1 [tilespmem:s16], [sflag:$0x3], $0x80, s14, s15, $0xb8;
	[tilespmem:$0x1F000] =	vst v63  }
0x2b7: {  	p1 =	por p1, !p2  }
.Ltmp25:
0x2b8: {  	_ = 	snop;
	(pc) =	sbr.rel @!p1 .LBB2_40-.Ltmp25, $1  }
0x2b9: {  	_ =	sdelay $0x3  }
0x2ba: {  	_ =	swait.ge [sflag:s7], $0x4000  }
0x2bb: {  	s12 =	sadd.s32 $0x1, s11;
	s16 =	sshll.u32 s11, $0x9;
	[sflag:s7] =	ssyncset.done $0x0  }
0x2bc: {  	p1 =	sge.s32 s12, s10;
	s11 =	sshra.s32 s16, $0x2;
	[sflag:s7] =	ssyncadd.s32 $0xFFFFC000  }
0x2bd: {  	s13 =	sshll.u32 @!p1 s12, $0x9;
	s14 =	simm.s32 @!p1 $0x80;
	_ =	swait.ge [sflag:s21], $0x4000  }
.Ltmp26:
0x2be: {  	s13 =	sshra.s32 @!p1 s13, $0x2;
	[sflag:s21] =	ssyncset.done $0x0;
	(pc) =	sbr.rel .LBB2_40-.Ltmp26, $4  }
0x2bf: {  	s15 =	simm.s32 @!p1 $0xC800;
	s13 =	sadd.s32 @!p1 $0x7800, s13;
	[sflag:s21] =	ssyncadd.s32 $0xFFFFC000  }
0x2c0: {  	[tilespmem:s15], [sflag:$0x1] =	stream.indirect.gather @!p1 [hbm4b:s4+s14], $0x80, s13, s14, $0xb8;
	[tilespmem:$0x1F000] =	vst v63  }
0x2c1: {  	s9 =	simm.s32 $0x10800;
	s11 =	sadd.s32 $0xA000, s11  }
0x2c2: {  	[spmem:s2] =	stream.indirect.scatter.add.f32 [tilespmem:s9], [sflag:$0x4], $0x80, s11, s24, $0xb8;
	[tilespmem:$0x1F000] =	vst v63  }
.LBB2_17:
.Ltmp27:
0x2c3: {  	(pc) =	sbr.rel .LBB2_18-.Ltmp27, $4  }
0x2c4: {  	s9 =	simm.s32 $0x7880;
	s11 =	simm.s32 $0x10800  }
0x2c5: {  	[tilespmem:s11], [sflag:$0x2] =	stream.indirect.gather [hbm4b:s4+s24], $0x80, s9, s24, $0xb8;
	[tilespmem:$0x1F000] =	vst v63  }
0x2c6: {  	s16 =	simm.s32 $0xA000;
	s9 =	simm.s32 $0x1  }
0x2c7: {  	[spmem:s2] =	stream.indirect.scatter.add.f32 [tilespmem:s10], [sflag:$0x3], $0x80, s16, s24, $0xb8;
	[tilespmem:$0x1F000] =	vst v63  }
.LBB2_20:
0x2c8: {  	p1 =	sne.s32 s10, s3  }
.Ltmp28:
0x2c9: {  	_ = 	snop;
	(pc) =	sbr.rel @!p1 .LBB2_21-.Ltmp28, $2  }
0x2ca: {  	_ =	sdelay $0x2  }
0x2cb: {  	s9 =	smov.u32 s10  }
.LBB2_18:
0x2cc: {  	s11 =	sand.u32 $0x1, s9  }
0x2cd: {  	p1 =	seq.s32 s11, $0x1  }
0x2ce: {  	s12 =	simm.s32 @!p1 $0x1  }
0x2cf: {  	_ =	swait.ge @!p1 [sflag:s12], $0x4000  }
0x2d0: {  	s10 =	sor.u32 @!p1 $0x1, s9;
	[sflag:s12] =	ssyncset.done @!p1 $0x0  }
0x2d1: {  	p2 =	sge.s32 @!p1 s10, s3;
	[sflag:s12] =	ssyncadd.s32 @!p1 $0xFFFFC000;
	s12 =	simm.s32 @!p1 $0x4  }
0x2d2: {  	p2 =	por p2, p1;
	_ =	swait.ge @!p1 [sflag:s12], $0x4000  }
0x2d3: {  	s13 =	sshll.u32 @!p2 s10, $0x9;
	[sflag:s12] =	ssyncset.done @!p1 $0x0  }
0x2d4: {  	[sflag:s12] =	ssyncadd.s32 @!p1 $0xFFFFC000;
	s12 =	sshra.s32 @!p2 s13, $0x2  }
0x2d5: {  	s14 =	simm.s32 @!p2 $0x10800;
	s13 =	simm.s32 @!p2 $0x80;
	s12 =	sadd.s32 @!p2 $0x7800, s12  }
0x2d6: {  	[tilespmem:s14], [sflag:$0x2] =	stream.indirect.gather @!p2 [hbm4b:s4+s13], $0x80, s12, s13, $0xb8;
	[tilespmem:$0x1F000] =	vst v63  }
0x2d7: {  	s12 =	sshll.u32 @!p1 s9, $0x9  }
0x2d8: {  	s13 =	simm.s32 @!p1 $0x80;
	s12 =	sshra.s32 @!p1 s12, $0x2  }
0x2d9: {  	s14 =	simm.s32 @!p1 $0xC800;
	p2 =	seq.s32 @!p1 s11, $0x0;
	s12 =	sadd.s32 @!p1 $0xA000, s12  }
0x2da: {  	[spmem:s2] =	stream.indirect.scatter.add.f32 @!p1 [tilespmem:s14], [sflag:$0x3], $0x80, s12, s13, $0xb8;
	[tilespmem:$0x1F000] =	vst v63  }
0x2db: {  	p1 =	por p1, !p2  }
.Ltmp29:
0x2dc: {  	_ = 	snop;
	(pc) =	sbr.rel @!p1 .LBB2_20-.Ltmp29, $1  }
0x2dd: {  	_ =	sdelay $0x3  }
0x2de: {  	_ =	swait.ge [sflag:s7], $0x4000  }
0x2df: {  	s10 =	sadd.s32 $0x1, s9;
	s15 =	sshll.u32 s9, $0x9;
	[sflag:s7] =	ssyncset.done $0x0  }
0x2e0: {  	p1 =	sge.s32 s10, s3;
	s9 =	sshra.s32 s15, $0x2;
	[sflag:s7] =	ssyncadd.s32 $0xFFFFC000  }
0x2e1: {  	s11 =	sshll.u32 @!p1 s10, $0x9;
	s12 =	simm.s32 @!p1 $0x80;
	_ =	swait.ge [sflag:s21], $0x4000  }
.Ltmp30:
0x2e2: {  	s11 =	sshra.s32 @!p1 s11, $0x2;
	[sflag:s21] =	ssyncset.done $0x0;
	(pc) =	sbr.rel .LBB2_20-.Ltmp30, $4  }
0x2e3: {  	s13 =	simm.s32 @!p1 $0xC800;
	s11 =	sadd.s32 @!p1 $0x7800, s11;
	[sflag:s21] =	ssyncadd.s32 $0xFFFFC000  }
0x2e4: {  	[tilespmem:s13], [sflag:$0x1] =	stream.indirect.gather @!p1 [hbm4b:s4+s12], $0x80, s11, s12, $0xb8;
	[tilespmem:$0x1F000] =	vst v63  }
0x2e5: {  	s16 =	simm.s32 $0x10800;
	s9 =	sadd.s32 $0xA000, s9  }
0x2e6: {  	[spmem:s2] =	stream.indirect.scatter.add.f32 [tilespmem:s16], [sflag:$0x4], $0x80, s9, s24, $0xb8;
	[tilespmem:$0x1F000] =	vst v63  }
.LBB2_11:
.Ltmp31:
0x2e7: {  	(pc) =	sbr.rel .LBB2_13-.Ltmp31, $2  }
0x2e8: {  	_ =	sdelay $0x2  }
0x2e9: {  	s12 =	simm.s32 $0x0  }
.LBB2_30:
.Ltmp32:
0x2ea: {  	s14 =	simm.s32 $0x0;
	s17 =	smov.u32 s18;
	(pc) =	sbr.rel .LBB2_33-.Ltmp32, $4  }
0x2eb: {  	s18 =	smov.u32 s19;
	s19 =	smov.u32 s20;
	s20 =	smov.u32 s28  }
0x2ec: {  	s28 =	smov.u32 s29;
	s29 =	smov.u32 s30;
	s30 =	smov.u32 s31  }
0x2ed: {  	s31 =	smov.u32 s1;
	s1 =	smov.u32 s0;
	s0 =	smov.u32 s6  }
0x2ee: {  	s6 =	smov.u32 s5;
	s5 =	smov.u32 s22;
	s22 =	smov.u32 s9  }
.LBB2_43:
0x2ef: {  	_ =	sfence.sel $0x180000  }
0x2f0: {  	[bflag:$0x0] =	sbarrier.arrive $0xFFFF  }
0x2f1: {  	_ =	strace $0x90000047  }
0x2f2: {  	s0 =	stileid.u32;
	[bflag:$0x2] =	sbarrier.arrive $0xFFFF  }
0x2f3: {  	p0 =	sne.s32 s0, $0x0;
	s0 =	rddreg [dreg:$0x3]  }
0x2f4: {  	s0 =	sadd.s32 @!p0 $0x100000, s0  }
0x2f5: {  	[sflag:s0] =	ssyncadd.tile.s32 @!p0 $0x1;
	_ =	shalt  }
.Lfunc_end2:
_tile_overlayer_lowered:
.L_overlay_start_2:
0x2f6: {  	(tag) =	ssettag $0x2  }
0x2f7: {  	s0 =	rddreg [dreg:$0x0];
	s2 =	stileid.u32  }
0x2f8: {  	s1 =	rddreg [dreg:$0x1];
	p0 =	sne.s32 s2, $0x0  }
0x2f9: {  	s3 =	rddreg [dreg:$0x2];
	[bflag:$0x3] =	sbarrier.arrive $0xFFFF;
	s2 =	simm.s32 @!p0 $0x1C05  }
0x2fa: {  	[timem:s3], [sflag:s2] =	dma.local @!p0 [hbm:s0], s1  }
0x2fb: {  	s0 =	simm.s32 @!p0 $0x5  }
0x2fc: {  	_ =	swait.ge @!p0 [sflag:s0], s1  }
0x2fd: {  	s1 =	ssub.s32 @!p0 $0x0, s1;
	[sflag:s0] =	ssyncset.done @!p0 $0x0  }
0x2fe: {  	[sflag:s0] =	ssyncadd.s32 @!p0 s1  }
0x2ff: {  	[bflag:$0x3] =	sbarrier.arrive $0xFFFF  }
0x300: {  	_ =	shalt  }

</sc_bundles>
